<compile_context>
chip_gen: v7x
topology: tpu7x:2x2x1
jax: 0.10.2.dev20260603
libtpu: 0.0.44.dev20260713+nightly
codegen_flags: <defaults>
</compile_context>

<pallas_src>
import functools

import jax
import jax.numpy as jnp
from jax import lax
from jax.experimental import pallas as pl
from jax.experimental.pallas import tpu as pltpu
from jax.experimental.pallas import tpu_sc as plsc

_N = 50000
_NP = 50048
_E = 800000
_NW = 32
_EPW = 25600
_EP = _NW * _EPW
_C = 640
_NCHUNK = _EPW // _C
_G = _C // 16
_SUB = 128
_NSUB = _C // _SUB

_BOX = 50.0
_HALF = 25.0


def _mi(d):
    return jnp.where(d > _HALF, d - _BOX, jnp.where(d < -_HALF, d + _BOX, d))



def _wca_r(r, sigma):
    rc = sigma * (2.0 ** (1.0 / 6.0))
    rs = jnp.maximum(r, 0.1 * sigma)
    sr = sigma / rs
    sr2 = sr * sr
    sr6 = sr2 * sr2 * sr2
    v = 8.0 * (sr6 * sr6 - sr6) + 2.0
    return jnp.where(r < rc, v, 0.0)


def _tc_body(pos_ref, quat_ref, seps_ref, btf_ref, feat_ref, ebond_ref):
    px = pos_ref[0:1, :]
    py = pos_ref[1:2, :]
    pz = pos_ref[2:3, :]
    qw = quat_ref[0:1, :]
    qx = quat_ref[1:2, :]
    qy = quat_ref[2:3, :]
    qz = quat_ref[3:4, :]
    nrm = jnp.sqrt(qw * qw + qx * qx + qy * qy + qz * qz)
    inv = 1.0 / (nrm + 1e-12)
    w = qw * inv
    x = qx * inv
    y = qy * inv
    z = qz * inv
    a1x = 1.0 - 2.0 * (y * y + z * z)
    a1y = 2.0 * (x * y + w * z)
    a1z = 2.0 * (x * z - w * y)
    a3x = 2.0 * (x * z + w * y)
    a3y = 2.0 * (y * z - w * x)
    a3z = 1.0 - 2.0 * (x * x + y * y)

    feat_ref[0:3, :] = pos_ref[...]
    feat_ref[3:4, :] = a1x
    feat_ref[4:5, :] = a1y
    feat_ref[5:6, :] = a1z
    feat_ref[6:7, :] = a3x
    feat_ref[7:8, :] = a3y
    feat_ref[8:9, :] = a3z
    feat_ref[9:10, :] = btf_ref[...]
    feat_ref[10:16, :] = jnp.zeros((6, _NP), jnp.float32)

    bkx = px - 0.4 * a1x
    bky = py - 0.4 * a1y
    bkz = pz - 0.4 * a1z
    bsx = px + 0.4 * a1x
    bsy = py + 0.4 * a1y
    bsz = pz + 0.4 * a1z
    stx = px + 0.34 * a1x
    sty = py + 0.34 * a1y
    stz = pz + 0.34 * a1z

    def sl(u):
        return u[:, : _NP - 1], u[:, 1:_NP]

    bkxi, bkxj = sl(bkx)
    bkyi, bkyj = sl(bky)
    bkzi, bkzj = sl(bkz)
    bsxi, bsxj = sl(bsx)
    bsyi, bsyj = sl(bsy)
    bszi, bszj = sl(bsz)
    stxi, stxj = sl(stx)
    styi, styj = sl(sty)
    stzi, stzj = sl(stz)
    a3xi, a3xj = sl(a3x)
    a3yi, a3yj = sl(a3y)
    a3zi, a3zj = sl(a3z)

    def norm3(dx, dy, dz):
        return jnp.sqrt(dx * dx + dy * dy + dz * dz + 1e-12)

    dx = _mi(bkxj - bkxi)
    dy = _mi(bkyj - bkyi)
    dz = _mi(bkzj - bkzi)
    r = norm3(dx, dy, dz)
    xf = jnp.clip(((r - 0.7525) ** 2) / 0.0625, 0.0, 0.99)
    e = -0.0625 * jnp.log(1.0 - xf)

    rbb = norm3(_mi(bsxj - bsxi), _mi(bsyj - bsyi), _mi(bszj - bszi))
    rq1 = norm3(_mi(bsxj - bkxi), _mi(bsyj - bkyi), _mi(bszj - bkzi))
    rq2 = norm3(_mi(bkxj - bsxi), _mi(bkyj - bsyi), _mi(bkzj - bszi))
    e += _wca_r(rbb, 0.33) + _wca_r(rq1, 0.515) + _wca_r(rq2, 0.515)

    dsx = _mi(stxj - stxi)
    dsy = _mi(styj - styi)
    dsz = _mi(stzj - stzi)
    rs = norm3(dsx, dsy, dsz)
    rhx = dsx / rs
    rhy = dsy / rs
    rhz = dsz / rs
    fr = jnp.exp(-(((rs - 0.4) / 0.3) ** 2))
    c4 = jnp.clip(a3xi * a3xj + a3yi * a3yj + a3zi * a3zj, 0.0, 1.0)
    c5 = jnp.clip(rhx * a3xi + rhy * a3yi + rhz * a3zi, 0.0, 1.0)
    c6 = jnp.clip(-(rhx * a3xj + rhy * a3yj + rhz * a3zj), 0.0, 1.0)
    e += -seps_ref[0:1, : _NP - 1] * fr * c4 * c4 * c5 * c6

    mask = lax.broadcasted_iota(jnp.int32, (1, _NP - 1), 1) < (_N - 1)
    ebond_ref[0, 0] = jnp.sum(jnp.where(mask, e, 0.0))



def _rsqrt(x):
    i = lax.bitcast_convert_type(x, jnp.int32)
    i = jnp.int32(0x5F3759DF) - (i >> 1)
    y = lax.bitcast_convert_type(i, jnp.float32)
    for _ in range(3):
        y = y * (1.5 - 0.5 * x * y * y)
    return y


def _wca_rr(rr, sigma):
    sig2 = sigma * sigma
    rs2 = jnp.maximum(rr, 0.01 * sig2)
    s2 = sig2 / rs2
    sr6 = s2 * s2 * s2
    v = 8.0 * (sr6 * sr6 - sr6) + 2.0
    return jnp.where(rr < sig2 * (2.0 ** (1.0 / 3.0)), v, 0.0)


def _sc_body(feat_hbm, ni_hbm, nj_hbm, heps_hbm, out_hbm,
             idx_i, idx_j, rows_i, rows_j, heps_v, acc_v, sem0, sem1):
    wid = lax.axis_index("s") * 2 + lax.axis_index("c")
    base = wid * _EPW
    pltpu.sync_copy(heps_hbm, heps_v)
    pltpu.sync_copy(ni_hbm.at[pl.ds(base, _EPW)], idx_i)
    pltpu.sync_copy(nj_hbm.at[pl.ds(base, _EPW)], idx_j)
    lane = lax.iota(jnp.int32, 16)
    sems = (sem0, sem1)

    def fire(k, b):
        for s in range(_NSUB):
            src = pl.ds(k * _C + s * _SUB, _SUB)
            dst = pl.ds(b * _C + s * _SUB, _SUB)
            pltpu.async_copy(feat_hbm.at[idx_i.at[src]], rows_i.at[dst], sems[b])
            pltpu.async_copy(feat_hbm.at[idx_j.at[src]], rows_j.at[dst], sems[b])

    def drain(b):
        dstsl = pl.ds(b * _C, _C)
        pltpu.make_async_copy(feat_hbm.at[pl.ds(0, _C)], rows_i.at[dstsl], sems[b]).wait()
        pltpu.make_async_copy(feat_hbm.at[pl.ds(0, _C)], rows_j.at[dstsl], sems[b]).wait()

    def edge_energy(rbase):
        def ldi(c):
            return plsc.load_gather(rows_i, [rbase, jnp.full((16,), c, jnp.int32)])

        def ldj(c):
            return plsc.load_gather(rows_j, [rbase, jnp.full((16,), c, jnp.int32)])

        pxi, pyi, pzi = ldi(0), ldi(1), ldi(2)
        a1xi, a1yi, a1zi = ldi(3), ldi(4), ldi(5)
        a3xi, a3yi, a3zi = ldi(6), ldi(7), ldi(8)
        btif = ldi(9)
        pxj, pyj, pzj = ldj(0), ldj(1), ldj(2)
        a1xj, a1yj, a1zj = ldj(3), ldj(4), ldj(5)
        a3xj, a3yj, a3zj = ldj(6), ldj(7), ldj(8)
        btjf = ldj(9)

        dpx = _mi(pxj - pxi)
        dpy = _mi(pyj - pyi)
        dpz = _mi(pzj - pzi)
        dax = a1xj - a1xi
        day = a1yj - a1yi
        daz = a1zj - a1zi
        sax = a1xj + a1xi
        say = a1yj + a1yi
        saz = a1zj + a1zi

        def rr3(ox, oy, oz, c):
            ux = dpx + c * ox
            uy = dpy + c * oy
            uz = dpz + c * oz
            return ux * ux + uy * uy + uz * uz + 1e-12

        rrBB = rr3(dax, day, daz, -0.4)
        rrb = rr3(dax, day, daz, 0.4)
        rrm1 = rr3(sax, say, saz, 0.4)
        rrm2 = rr3(sax, say, saz, -0.4)
        rrcs = rr3(dax, day, daz, 0.34)

        e = _wca_rr(rrBB, 0.70) + _wca_rr(rrb, 0.33)
        e += _wca_rr(rrm1, 0.515) + _wca_rr(rrm2, 0.515)

        rb = rrb * _rsqrt(rrb)

        bti = btif.astype(jnp.int32)
        btj = btjf.astype(jnp.int32)
        eps_hb = plsc.load_gather(heps_v, [bti * 4 + btj])
        compf = jnp.where(bti + btj == 3, 1.0, 0.0).astype(jnp.float32)
        c1 = jnp.minimum(jnp.maximum(
            -(a1xi * a1xj + a1yi * a1yj + a1zi * a1zj), 0.0), 1.0)
        uh = (rb - 0.4) * 4.0
        e += -eps_hb * compf * jnp.exp(-uh * uh) * c1

        cc = jnp.minimum(jnp.maximum(
            a3xi * a3xj + a3yi * a3yj + a3zi * a3zj, 0.0), 1.0)
        uc = (rb - 0.575) * 4.0
        e += -jnp.exp(-uc * uc) * cc

        rcs = rrcs * _rsqrt(rrcs)
        ux_ = (rcs - 0.4) * 4.0
        e += -1.3 * jnp.exp(-ux_ * ux_) * cc * cc
        return e

    def compute(b, acc_in):
        def group_body(g, acc2):
            rbase = b * _C + g * 32 + lane
            return acc2 + edge_energy(rbase) + edge_energy(rbase + 16)

        return lax.fori_loop(0, _G // 2, group_body, acc_in)

    fire(0, 0)

    def two_chunks(t, acc):
        k0 = 2 * t
        fire(k0 + 1, 1)
        drain(0)
        acc = compute(0, acc)

        @pl.when(t < _NCHUNK // 2 - 1)
        def _():
            fire(k0 + 2, 0)

        drain(1)
        acc = compute(1, acc)
        return acc

    acc = lax.fori_loop(0, _NCHUNK // 2, two_chunks,
                        jnp.zeros((16,), jnp.float32))
    acc_v[...] = acc
    pltpu.sync_copy(acc_v, out_hbm.at[wid])


@functools.cache
def _sc_call():
    return pl.kernel(
        _sc_body,
        out_type=jax.ShapeDtypeStruct((_NW, 16), jnp.float32),
        mesh=plsc.VectorSubcoreMesh(core_axis_name="c", subcore_axis_name="s",
                                    num_cores=2, num_subcores=16),
        compiler_params=pltpu.CompilerParams(needs_layout_passes=False,
                                             use_tc_tiling_on_sc=False),
        scratch_types=[
            pltpu.VMEM((_EPW,), jnp.int32),
            pltpu.VMEM((_EPW,), jnp.int32),
            pltpu.VMEM((2 * _C, 16), jnp.float32),
            pltpu.VMEM((2 * _C, 16), jnp.float32),
            pltpu.VMEM((16,), jnp.float32),
            pltpu.VMEM((16,), jnp.float32),
            pltpu.SemaphoreType.DMA,
            pltpu.SemaphoreType.DMA,
        ],
    )


def kernel(positions, quaternions, box, stacking_eps, hbond_eps, bonded_pairs, nonbonded_pairs, base_types):
    f32 = jnp.float32
    pos_t = jnp.zeros((3, _NP), f32).at[:, :_N].set(positions.T.astype(f32))
    pos_t = pos_t.at[:, _N + 1].set(jnp.full((3,), 25.0, f32))
    quat_t = jnp.zeros((4, _NP), f32).at[0, _N:].set(1.0)
    quat_t = quat_t.at[:, :_N].set(quaternions.T.astype(f32))
    seps = jnp.zeros((1, _NP), f32).at[0, : _N - 1].set(stacking_eps.astype(f32))
    btf = jnp.zeros((1, _NP), f32).at[0, :_N].set(base_types.astype(f32))

    feat16, ebond = pl.pallas_call(
        _tc_body,
        out_shape=(jax.ShapeDtypeStruct((16, _NP), f32),
                   jax.ShapeDtypeStruct((1, 1), f32)),
        out_specs=(pl.BlockSpec(memory_space=pltpu.VMEM),
                   pl.BlockSpec(memory_space=pltpu.SMEM)),
    )(pos_t, quat_t, seps, btf)

    feat = feat16.T

    ni = jnp.full((_EP,), _N, jnp.int32).at[:_E].set(nonbonded_pairs[0])
    nj = jnp.full((_EP,), _N + 1, jnp.int32).at[:_E].set(nonbonded_pairs[1])
    heps = hbond_eps.astype(f32).reshape(16)

    partials = _sc_call()(feat, ni, nj, heps)
    return ebond[0, 0] + jnp.sum(partials)

# --- scband reference (transcript-rebuilt; emitter-appended) ---
"""Pipeline reference for scband-ox-dnaenergy-32615981645830 (READ-ONLY COPY).

The authoritative reference and input builder live on the scoring server;
editing this copy changes nothing except your own understanding.
"""

import jax, jax.numpy as jnp
import numpy as np


def _quat_axes(q):
    q = q / (jnp.linalg.norm(q, axis=-1, keepdims=True) + 1e-12)
    w, x, y, z = q[:, 0], q[:, 1], q[:, 2], q[:, 3]
    a1 = jnp.stack([1.0 - 2.0 * (y * y + z * z), 2.0 * (x * y + w * z), 2.0 * (x * z - w * y)], axis=-1)
    a3 = jnp.stack([2.0 * (x * z + w * y), 2.0 * (y * z - w * x), 1.0 - 2.0 * (x * x + y * y)], axis=-1)
    return a1, a3


def _min_image(d, box):
    return d - box * jnp.round(d / box)


def _safe_norm(d):
    return jnp.sqrt(jnp.sum(d * d, axis=-1) + 1e-12)


def _wca(r, sigma, eps=2.0):
    rc = sigma * (2.0 ** (1.0 / 6.0))
    rs = jnp.maximum(r, 0.1 * sigma)
    sr6 = (sigma / rs) ** 6
    v = 4.0 * eps * (sr6 * sr6 - sr6) + eps
    return jnp.where(r < rc, v, 0.0)


def setup_inputs(seed: int = 0) -> dict:
    key = jax.random.key(seed)
    N = 50000
    E = 800000
    k1, k2, k3, k4, k5, k6 = jax.random.split(key, 6)
    box = jnp.full((3,), 50.0, dtype=jnp.float32)
    positions = jax.random.uniform(k1, (N, 3), dtype=jnp.float32) * 50.0
    quaternions = jax.random.normal(k2, (N, 4), dtype=jnp.float32)
    bonded_pairs = jnp.stack([jnp.arange(N - 1, dtype=jnp.int32), jnp.arange(1, N, dtype=jnp.int32)], axis=1)
    nonbonded_pairs = jax.random.randint(k3, (2, E), 0, N, dtype=jnp.int32)
    base_types = jax.random.randint(k4, (N,), 0, 4, dtype=jnp.int32)
    stacking_eps = (1.3448 + 2.6568 * 0.1 + 0.05 * jax.random.uniform(k5, (N - 1,), dtype=jnp.float32))
    hbond_eps = (1.077 + 0.05 * jax.random.uniform(k6, (4, 4), dtype=jnp.float32))
    return {
        'positions': positions,
        'quaternions': quaternions,
        'box': box,
        'stacking_eps': stacking_eps,
        'hbond_eps': hbond_eps,
        'bonded_pairs': bonded_pairs,
        'nonbonded_pairs': nonbonded_pairs,
        'base_types': base_types,
    }


def reference(positions, quaternions, box, stacking_eps, hbond_eps, bonded_pairs, nonbonded_pairs, base_types):
    a1, a3 = _quat_axes(quaternions)
    back = positions + (-0.4) * a1
    stack = positions + 0.34 * a1
    base = positions + 0.4 * a1
    bi = bonded_pairs[:, 0]
    bj = bonded_pairs[:, 1]
    ni = nonbonded_pairs[0]
    nj = nonbonded_pairs[1]

    # FENE (bonded backbone)
    d = _min_image(back[bj] - back[bi], box)
    r = _safe_norm(d)
    x = jnp.clip(((r - 0.7525) ** 2) / 0.0625, 0.0, 0.99)
    e_fene = jnp.sum(-0.5 * 2.0 * 0.0625 * jnp.log(1.0 - x))

    # bonded excluded volume (base-base, base-back, back-base)
    rbb = _safe_norm(_min_image(base[bj] - base[bi], box))
    rq1 = _safe_norm(_min_image(base[bj] - back[bi], box))
    rq2 = _safe_norm(_min_image(back[bj] - base[bi], box))
    e_bexc = jnp.sum(_wca(rbb, 0.33) + _wca(rq1, 0.515) + _wca(rq2, 0.515))

    # stacking (bonded), radial x angular modulation
    ds = _min_image(stack[bj] - stack[bi], box)
    rs = _safe_norm(ds)
    rhat = ds / rs[:, None]
    a3i = a3[bi]
    a3j = a3[bj]
    fr = jnp.exp(-((rs - 0.4) / 0.3) ** 2)
    c4 = jnp.clip(jnp.sum(a3i * a3j, axis=-1), 0.0, 1.0)
    c5 = jnp.clip(jnp.sum(rhat * a3i, axis=-1), 0.0, 1.0)
    c6 = jnp.clip(-jnp.sum(rhat * a3j, axis=-1), 0.0, 1.0)
    e_stack = jnp.sum(-stacking_eps * fr * c4 * c4 * c5 * c6)

    # nonbonded excluded volume (all four site pairs)
    rBB = _safe_norm(_min_image(back[nj] - back[ni], box))
    db = _min_image(base[nj] - base[ni], box)
    rb = _safe_norm(db)
    rm1 = _safe_norm(_min_image(base[nj] - back[ni], box))
    rm2 = _safe_norm(_min_image(back[nj] - base[ni], box))
    e_nexc = jnp.sum(_wca(rBB, 0.70) + _wca(rb, 0.33) + _wca(rm1, 0.515) + _wca(rm2, 0.515))

    # hydrogen bonding (sequence-dependent eps via table gather, complementary pairs only)
    eps_hb = hbond_eps[base_types[ni], base_types[nj]]
    comp = (base_types[ni] + base_types[nj] == 3).astype(positions.dtype)
    a1i = a1[ni]
    a1j = a1[nj]
    c1 = jnp.clip(-jnp.sum(a1i * a1j, axis=-1), 0.0, 1.0)
    frh = jnp.exp(-((rb - 0.4) / 0.25) ** 2)
    e_hb = jnp.sum(-eps_hb * comp * frh * c1)

    # cross stacking
    a3ni = a3[ni]
    a3nj = a3[nj]
    cc = jnp.clip(jnp.sum(a3ni * a3nj, axis=-1), 0.0, 1.0)
    frc = jnp.exp(-((rb - 0.575) / 0.25) ** 2)
    e_cross = jnp.sum(-1.0 * frc * cc)

    # coaxial stacking
    dcs = _min_image(stack[nj] - stack[ni], box)
    rcs = _safe_norm(dcs)
    frx = jnp.exp(-((rcs - 0.4) / 0.25) ** 2)
    e_coax = jnp.sum(-1.3 * frx * cc * cc)

    return e_fene + e_bexc + e_stack + e_nexc + e_hb + e_cross + e_coax

if __name__ == "__main__":
    import jax
    _d = setup_inputs()
    print(jax.jit(kernel)(*tuple(_d.values())))

</pallas_src>

<mosaic_0001>
#map = affine_map<(d0, d1) -> (0, 0)>
#map1 = affine_map<(d0, d1) -> (0)>
module attributes {stable_mosaic.version = 14 : i64} {
  func.func @_sc_body(%arg0: i32, %arg1: i32, %arg2: memref<50048x16xf32, #tpu.memory_space<hbm>>, %arg3: memref<819200xi32, #tpu.memory_space<hbm>>, %arg4: memref<819200xi32, #tpu.memory_space<hbm>>, %arg5: memref<16xf32, #tpu.memory_space<hbm>>, %arg6: memref<32x16xf32, #tpu.memory_space<hbm>>, %arg7: memref<25600xi32, #tpu.memory_space<vmem>>, %arg8: memref<25600xi32, #tpu.memory_space<vmem>>, %arg9: memref<1280x16xf32, #tpu.memory_space<vmem>>, %arg10: memref<1280x16xf32, #tpu.memory_space<vmem>>, %arg11: memref<16xf32, #tpu.memory_space<vmem>>, %arg12: memref<16xf32, #tpu.memory_space<vmem>>, %arg13: memref<!tpu.dma_semaphore, #tpu.memory_space<semaphore_mem>>, %arg14: memref<!tpu.dma_semaphore, #tpu.memory_space<semaphore_mem>>) attributes {dimension_semantics = [#tpu.dimension_semantics<core_parallel>, #tpu.dimension_semantics<subcore_parallel>], iteration_bounds = array<i64: 2, 16>, scalar_prefetch = 0 : i64, scratch_operands = 8 : i64, tpu.core_type = #tpu.core_type<sc_vector_subcore>, window_params = [{transform_indices = #map}, {transform_indices = #map1}, {transform_indices = #map1}, {transform_indices = #map1}, {transform_indices = #map}]} {
    %mul3A = arith.constant 2 : i32
    %mul3A_0 = arith.muli %arg1, %mul3A : i32
    %add3A = arith.addi %mul3A_0, %arg0 : i32
    %mul3A_1 = arith.constant 25600 : i32
    %mul3A_2 = arith.muli %add3A, %mul3A_1 : i32
    "tpu.region"() ({
      %run_scoped3A = tpu.sem_alloc : memref<!tpu.dma_semaphore, #tpu.memory_space<semaphore_mem>>
      tpu.enqueue_dma source(%arg5 : memref<16xf32, #tpu.memory_space<hbm>>) target(%arg11 : memref<16xf32, #tpu.memory_space<vmem>>) target_semaphore(%run_scoped3A : memref<!tpu.dma_semaphore, #tpu.memory_space<semaphore_mem>>)
      tpu.wait_dma2 semaphore(%run_scoped3A : memref<!tpu.dma_semaphore, #tpu.memory_space<semaphore_mem>>) src(%arg5 : memref<16xf32, #tpu.memory_space<hbm>>) dst(%arg11 : memref<16xf32, #tpu.memory_space<vmem>>)
      tpu.yield
    }) : () -> ()
    "tpu.region"() ({
      %run_scoped3A = tpu.sem_alloc : memref<!tpu.dma_semaphore, #tpu.memory_space<semaphore_mem>>
      %dma_start3A_89 = tpu.memref_slice %arg3[%mul3A_2] : memref<819200xi32, #tpu.memory_space<hbm>> -> memref<25600xi32, #tpu.memory_space<hbm>>
      %dma_start3A_90 = tpu.memref_slice %arg3[%mul3A_2] : memref<819200xi32, #tpu.memory_space<hbm>> -> memref<25600xi32, #tpu.memory_space<hbm>>
      tpu.enqueue_dma source(%dma_start3A_90 : memref<25600xi32, #tpu.memory_space<hbm>>) target(%arg7 : memref<25600xi32, #tpu.memory_space<vmem>>) target_semaphore(%run_scoped3A : memref<!tpu.dma_semaphore, #tpu.memory_space<semaphore_mem>>)
      %dma_wait3A = tpu.memref_slice %arg3[%mul3A_2] : memref<819200xi32, #tpu.memory_space<hbm>> -> memref<25600xi32, #tpu.memory_space<hbm>>
      %dma_wait3A_91 = tpu.memref_slice %arg3[%mul3A_2] : memref<819200xi32, #tpu.memory_space<hbm>> -> memref<25600xi32, #tpu.memory_space<hbm>>
      tpu.wait_dma2 semaphore(%run_scoped3A : memref<!tpu.dma_semaphore, #tpu.memory_space<semaphore_mem>>) src(%dma_wait3A_91 : memref<25600xi32, #tpu.memory_space<hbm>>) dst(%arg7 : memref<25600xi32, #tpu.memory_space<vmem>>)
      tpu.yield
    }) : () -> ()
    "tpu.region"() ({
      %run_scoped3A = tpu.sem_alloc : memref<!tpu.dma_semaphore, #tpu.memory_space<semaphore_mem>>
      %dma_start3A_89 = tpu.memref_slice %arg4[%mul3A_2] : memref<819200xi32, #tpu.memory_space<hbm>> -> memref<25600xi32, #tpu.memory_space<hbm>>
      %dma_start3A_90 = tpu.memref_slice %arg4[%mul3A_2] : memref<819200xi32, #tpu.memory_space<hbm>> -> memref<25600xi32, #tpu.memory_space<hbm>>
      tpu.enqueue_dma source(%dma_start3A_90 : memref<25600xi32, #tpu.memory_space<hbm>>) target(%arg8 : memref<25600xi32, #tpu.memory_space<vmem>>) target_semaphore(%run_scoped3A : memref<!tpu.dma_semaphore, #tpu.memory_space<semaphore_mem>>)
      %dma_wait3A = tpu.memref_slice %arg4[%mul3A_2] : memref<819200xi32, #tpu.memory_space<hbm>> -> memref<25600xi32, #tpu.memory_space<hbm>>
      %dma_wait3A_91 = tpu.memref_slice %arg4[%mul3A_2] : memref<819200xi32, #tpu.memory_space<hbm>> -> memref<25600xi32, #tpu.memory_space<hbm>>
      tpu.wait_dma2 semaphore(%run_scoped3A : memref<!tpu.dma_semaphore, #tpu.memory_space<semaphore_mem>>) src(%dma_wait3A_91 : memref<25600xi32, #tpu.memory_space<hbm>>) dst(%arg8 : memref<25600xi32, #tpu.memory_space<vmem>>)
      tpu.yield
    }) : () -> ()
    %iota3A = tpu.iota {dimensions = array<i32: 0>} : vector<16xi32>
    %dma_start3A = arith.constant 0 : i32
    %dma_start3A_3 = arith.constant 0 : i32
    %dma_start3A_4 = tpu.memref_slice %arg9[%dma_start3A, %dma_start3A_3] : memref<1280x16xf32, #tpu.memory_space<vmem>> -> memref<128x16xf32, #tpu.memory_space<vmem>>
    %dma_start3A_5 = arith.constant 0 : i32
    %dma_start3A_6 = tpu.memref_slice %arg7[%dma_start3A_5] : memref<25600xi32, #tpu.memory_space<vmem>> -> memref<128xi32, #tpu.memory_space<vmem>>
    %dma_start3A_7 = arith.constant 0 : i32
    %dma_start3A_8 = arith.constant 0 : i32
    %dma_start3A_9 = tpu.memref_slice %arg2[%dma_start3A_7, %dma_start3A_8] : memref<50048x16xf32, #tpu.memory_space<hbm>> -> memref<50048x16xf32, #tpu.memory_space<hbm>>
    tpu.enqueue_indirect_dma source(%dma_start3A_9 : memref<50048x16xf32, #tpu.memory_space<hbm>>) target(%dma_start3A_4 : memref<128x16xf32, #tpu.memory_space<vmem>>) offsets(%dma_start3A_6 : memref<128xi32, #tpu.memory_space<vmem>>) semaphore(%arg13 : memref<!tpu.dma_semaphore, #tpu.memory_space<semaphore_mem>>)
    %dma_start3A_10 = arith.constant 0 : i32
    %dma_start3A_11 = arith.constant 0 : i32
    %dma_start3A_12 = tpu.memref_slice %arg10[%dma_start3A_10, %dma_start3A_11] : memref<1280x16xf32, #tpu.memory_space<vmem>> -> memref<128x16xf32, #tpu.memory_space<vmem>>
    %dma_start3A_13 = arith.constant 0 : i32
    %dma_start3A_14 = tpu.memref_slice %arg8[%dma_start3A_13] : memref<25600xi32, #tpu.memory_space<vmem>> -> memref<128xi32, #tpu.memory_space<vmem>>
    %dma_start3A_15 = arith.constant 0 : i32
    %dma_start3A_16 = arith.constant 0 : i32
    %dma_start3A_17 = tpu.memref_slice %arg2[%dma_start3A_15, %dma_start3A_16] : memref<50048x16xf32, #tpu.memory_space<hbm>> -> memref<50048x16xf32, #tpu.memory_space<hbm>>
    tpu.enqueue_indirect_dma source(%dma_start3A_17 : memref<50048x16xf32, #tpu.memory_space<hbm>>) target(%dma_start3A_12 : memref<128x16xf32, #tpu.memory_space<vmem>>) offsets(%dma_start3A_14 : memref<128xi32, #tpu.memory_space<vmem>>) semaphore(%arg13 : memref<!tpu.dma_semaphore, #tpu.memory_space<semaphore_mem>>)
    %dma_start3A_18 = arith.constant 128 : i32
    %dma_start3A_19 = arith.constant 0 : i32
    %dma_start3A_20 = tpu.memref_slice %arg9[%dma_start3A_18, %dma_start3A_19] : memref<1280x16xf32, #tpu.memory_space<vmem>> -> memref<128x16xf32, #tpu.memory_space<vmem>>
    %dma_start3A_21 = arith.constant 128 : i32
    %dma_start3A_22 = tpu.memref_slice %arg7[%dma_start3A_21] : memref<25600xi32, #tpu.memory_space<vmem>> -> memref<128xi32, #tpu.memory_space<vmem>>
    %dma_start3A_23 = arith.constant 0 : i32
    %dma_start3A_24 = arith.constant 0 : i32
    %dma_start3A_25 = tpu.memref_slice %arg2[%dma_start3A_23, %dma_start3A_24] : memref<50048x16xf32, #tpu.memory_space<hbm>> -> memref<50048x16xf32, #tpu.memory_space<hbm>>
    tpu.enqueue_indirect_dma source(%dma_start3A_25 : memref<50048x16xf32, #tpu.memory_space<hbm>>) target(%dma_start3A_20 : memref<128x16xf32, #tpu.memory_space<vmem>>) offsets(%dma_start3A_22 : memref<128xi32, #tpu.memory_space<vmem>>) semaphore(%arg13 : memref<!tpu.dma_semaphore, #tpu.memory_space<semaphore_mem>>)
    %dma_start3A_26 = arith.constant 128 : i32
    %dma_start3A_27 = arith.constant 0 : i32
    %dma_start3A_28 = tpu.memref_slice %arg10[%dma_start3A_26, %dma_start3A_27] : memref<1280x16xf32, #tpu.memory_space<vmem>> -> memref<128x16xf32, #tpu.memory_space<vmem>>
    %dma_start3A_29 = arith.constant 128 : i32
    %dma_start3A_30 = tpu.memref_slice %arg8[%dma_start3A_29] : memref<25600xi32, #tpu.memory_space<vmem>> -> memref<128xi32, #tpu.memory_space<vmem>>
    %dma_start3A_31 = arith.constant 0 : i32
    %dma_start3A_32 = arith.constant 0 : i32
    %dma_start3A_33 = tpu.memref_slice %arg2[%dma_start3A_31, %dma_start3A_32] : memref<50048x16xf32, #tpu.memory_space<hbm>> -> memref<50048x16xf32, #tpu.memory_space<hbm>>
    tpu.enqueue_indirect_dma source(%dma_start3A_33 : memref<50048x16xf32, #tpu.memory_space<hbm>>) target(%dma_start3A_28 : memref<128x16xf32, #tpu.memory_space<vmem>>) offsets(%dma_start3A_30 : memref<128xi32, #tpu.memory_space<vmem>>) semaphore(%arg13 : memref<!tpu.dma_semaphore, #tpu.memory_space<semaphore_mem>>)
    %dma_start3A_34 = arith.constant 256 : i32
    %dma_start3A_35 = arith.constant 0 : i32
    %dma_start3A_36 = tpu.memref_slice %arg9[%dma_start3A_34, %dma_start3A_35] : memref<1280x16xf32, #tpu.memory_space<vmem>> -> memref<128x16xf32, #tpu.memory_space<vmem>>
    %dma_start3A_37 = arith.constant 256 : i32
    %dma_start3A_38 = tpu.memref_slice %arg7[%dma_start3A_37] : memref<25600xi32, #tpu.memory_space<vmem>> -> memref<128xi32, #tpu.memory_space<vmem>>
    %dma_start3A_39 = arith.constant 0 : i32
    %dma_start3A_40 = arith.constant 0 : i32
    %dma_start3A_41 = tpu.memref_slice %arg2[%dma_start3A_39, %dma_start3A_40] : memref<50048x16xf32, #tpu.memory_space<hbm>> -> memref<50048x16xf32, #tpu.memory_space<hbm>>
    tpu.enqueue_indirect_dma source(%dma_start3A_41 : memref<50048x16xf32, #tpu.memory_space<hbm>>) target(%dma_start3A_36 : memref<128x16xf32, #tpu.memory_space<vmem>>) offsets(%dma_start3A_38 : memref<128xi32, #tpu.memory_space<vmem>>) semaphore(%arg13 : memref<!tpu.dma_semaphore, #tpu.memory_space<semaphore_mem>>)
    %dma_start3A_42 = arith.constant 256 : i32
    %dma_start3A_43 = arith.constant 0 : i32
    %dma_start3A_44 = tpu.memref_slice %arg10[%dma_start3A_42, %dma_start3A_43] : memref<1280x16xf32, #tpu.memory_space<vmem>> -> memref<128x16xf32, #tpu.memory_space<vmem>>
    %dma_start3A_45 = arith.constant 256 : i32
    %dma_start3A_46 = tpu.memref_slice %arg8[%dma_start3A_45] : memref<25600xi32, #tpu.memory_space<vmem>> -> memref<128xi32, #tpu.memory_space<vmem>>
    %dma_start3A_47 = arith.constant 0 : i32
    %dma_start3A_48 = arith.constant 0 : i32
    %dma_start3A_49 = tpu.memref_slice %arg2[%dma_start3A_47, %dma_start3A_48] : memref<50048x16xf32, #tpu.memory_space<hbm>> -> memref<50048x16xf32, #tpu.memory_space<hbm>>
    tpu.enqueue_indirect_dma source(%dma_start3A_49 : memref<50048x16xf32, #tpu.memory_space<hbm>>) target(%dma_start3A_44 : memref<128x16xf32, #tpu.memory_space<vmem>>) offsets(%dma_start3A_46 : memref<128xi32, #tpu.memory_space<vmem>>) semaphore(%arg13 : memref<!tpu.dma_semaphore, #tpu.memory_space<semaphore_mem>>)
    %dma_start3A_50 = arith.constant 384 : i32
    %dma_start3A_51 = arith.constant 0 : i32
    %dma_start3A_52 = tpu.memref_slice %arg9[%dma_start3A_50, %dma_start3A_51] : memref<1280x16xf32, #tpu.memory_space<vmem>> -> memref<128x16xf32, #tpu.memory_space<vmem>>
    %dma_start3A_53 = arith.constant 384 : i32
    %dma_start3A_54 = tpu.memref_slice %arg7[%dma_start3A_53] : memref<25600xi32, #tpu.memory_space<vmem>> -> memref<128xi32, #tpu.memory_space<vmem>>
    %dma_start3A_55 = arith.constant 0 : i32
    %dma_start3A_56 = arith.constant 0 : i32
    %dma_start3A_57 = tpu.memref_slice %arg2[%dma_start3A_55, %dma_start3A_56] : memref<50048x16xf32, #tpu.memory_space<hbm>> -> memref<50048x16xf32, #tpu.memory_space<hbm>>
    tpu.enqueue_indirect_dma source(%dma_start3A_57 : memref<50048x16xf32, #tpu.memory_space<hbm>>) target(%dma_start3A_52 : memref<128x16xf32, #tpu.memory_space<vmem>>) offsets(%dma_start3A_54 : memref<128xi32, #tpu.memory_space<vmem>>) semaphore(%arg13 : memref<!tpu.dma_semaphore, #tpu.memory_space<semaphore_mem>>)
    %dma_start3A_58 = arith.constant 384 : i32
    %dma_start3A_59 = arith.constant 0 : i32
    %dma_start3A_60 = tpu.memref_slice %arg10[%dma_start3A_58, %dma_start3A_59] : memref<1280x16xf32, #tpu.memory_space<vmem>> -> memref<128x16xf32, #tpu.memory_space<vmem>>
    %dma_start3A_61 = arith.constant 384 : i32
    %dma_start3A_62 = tpu.memref_slice %arg8[%dma_start3A_61] : memref<25600xi32, #tpu.memory_space<vmem>> -> memref<128xi32, #tpu.memory_space<vmem>>
    %dma_start3A_63 = arith.constant 0 : i32
    %dma_start3A_64 = arith.constant 0 : i32
    %dma_start3A_65 = tpu.memref_slice %arg2[%dma_start3A_63, %dma_start3A_64] : memref<50048x16xf32, #tpu.memory_space<hbm>> -> memref<50048x16xf32, #tpu.memory_space<hbm>>
    tpu.enqueue_indirect_dma source(%dma_start3A_65 : memref<50048x16xf32, #tpu.memory_space<hbm>>) target(%dma_start3A_60 : memref<128x16xf32, #tpu.memory_space<vmem>>) offsets(%dma_start3A_62 : memref<128xi32, #tpu.memory_space<vmem>>) semaphore(%arg13 : memref<!tpu.dma_semaphore, #tpu.memory_space<semaphore_mem>>)
    %dma_start3A_66 = arith.constant 512 : i32
    %dma_start3A_67 = arith.constant 0 : i32
    %dma_start3A_68 = tpu.memref_slice %arg9[%dma_start3A_66, %dma_start3A_67] : memref<1280x16xf32, #tpu.memory_space<vmem>> -> memref<128x16xf32, #tpu.memory_space<vmem>>
    %dma_start3A_69 = arith.constant 512 : i32
    %dma_start3A_70 = tpu.memref_slice %arg7[%dma_start3A_69] : memref<25600xi32, #tpu.memory_space<vmem>> -> memref<128xi32, #tpu.memory_space<vmem>>
    %dma_start3A_71 = arith.constant 0 : i32
    %dma_start3A_72 = arith.constant 0 : i32
    %dma_start3A_73 = tpu.memref_slice %arg2[%dma_start3A_71, %dma_start3A_72] : memref<50048x16xf32, #tpu.memory_space<hbm>> -> memref<50048x16xf32, #tpu.memory_space<hbm>>
    tpu.enqueue_indirect_dma source(%dma_start3A_73 : memref<50048x16xf32, #tpu.memory_space<hbm>>) target(%dma_start3A_68 : memref<128x16xf32, #tpu.memory_space<vmem>>) offsets(%dma_start3A_70 : memref<128xi32, #tpu.memory_space<vmem>>) semaphore(%arg13 : memref<!tpu.dma_semaphore, #tpu.memory_space<semaphore_mem>>)
    %dma_start3A_74 = arith.constant 512 : i32
    %dma_start3A_75 = arith.constant 0 : i32
    %dma_start3A_76 = tpu.memref_slice %arg10[%dma_start3A_74, %dma_start3A_75] : memref<1280x16xf32, #tpu.memory_space<vmem>> -> memref<128x16xf32, #tpu.memory_space<vmem>>
    %dma_start3A_77 = arith.constant 512 : i32
    %dma_start3A_78 = tpu.memref_slice %arg8[%dma_start3A_77] : memref<25600xi32, #tpu.memory_space<vmem>> -> memref<128xi32, #tpu.memory_space<vmem>>
    %dma_start3A_79 = arith.constant 0 : i32
    %dma_start3A_80 = arith.constant 0 : i32
    %dma_start3A_81 = tpu.memref_slice %arg2[%dma_start3A_79, %dma_start3A_80] : memref<50048x16xf32, #tpu.memory_space<hbm>> -> memref<50048x16xf32, #tpu.memory_space<hbm>>
    tpu.enqueue_indirect_dma source(%dma_start3A_81 : memref<50048x16xf32, #tpu.memory_space<hbm>>) target(%dma_start3A_76 : memref<128x16xf32, #tpu.memory_space<vmem>>) offsets(%dma_start3A_78 : memref<128xi32, #tpu.memory_space<vmem>>) semaphore(%arg13 : memref<!tpu.dma_semaphore, #tpu.memory_space<semaphore_mem>>)
    %broadcast_in_dim3A = arith.constant 0.000000e+00 : f32
    %broadcast_in_dim3A_82 = vector.broadcast %broadcast_in_dim3A : f32 to vector<16xf32>
    %scan3A = arith.constant 0 : i32
    %scan3A_83 = arith.constant 20 : i32
    %scan3A_84 = arith.addi %scan3A, %scan3A_83 : i32
    %scan3A_85 = arith.constant 1 : i32
    %scan3A_86 = scf.for %scan3A_89 = %scan3A to %scan3A_84 step %scan3A_85 iter_args(%scan3A_90 = %broadcast_in_dim3A_82) -> (vector<16xf32>)  : i32 {
      %mul3A_91 = arith.constant 2 : i32
      %mul3A_92 = arith.muli %mul3A_91, %scan3A_89 : i32
      %add3A_93 = arith.constant 1 : i32
      %add3A_94 = arith.addi %mul3A_92, %add3A_93 : i32
      %mul3A_95 = arith.constant 640 : i32
      %mul3A_96 = arith.muli %add3A_94, %mul3A_95 : i32
      %add3A_97 = arith.constant 0 : i32
      %add3A_98 = arith.addi %mul3A_96, %add3A_97 : i32
      %dma_start3A_99 = arith.constant 640 : i32
      %dma_start3A_100 = arith.constant 0 : i32
      %dma_start3A_101 = tpu.memref_slice %arg9[%dma_start3A_99, %dma_start3A_100] : memref<1280x16xf32, #tpu.memory_space<vmem>> -> memref<128x16xf32, #tpu.memory_space<vmem>>
      %dma_start3A_102 = tpu.memref_slice %arg7[%add3A_98] : memref<25600xi32, #tpu.memory_space<vmem>> -> memref<128xi32, #tpu.memory_space<vmem>>
      %dma_start3A_103 = arith.constant 0 : i32
      %dma_start3A_104 = arith.constant 0 : i32
      %dma_start3A_105 = tpu.memref_slice %arg2[%dma_start3A_103, %dma_start3A_104] : memref<50048x16xf32, #tpu.memory_space<hbm>> -> memref<50048x16xf32, #tpu.memory_space<hbm>>
      tpu.enqueue_indirect_dma source(%dma_start3A_105 : memref<50048x16xf32, #tpu.memory_space<hbm>>) target(%dma_start3A_101 : memref<128x16xf32, #tpu.memory_space<vmem>>) offsets(%dma_start3A_102 : memref<128xi32, #tpu.memory_space<vmem>>) semaphore(%arg14 : memref<!tpu.dma_semaphore, #tpu.memory_space<semaphore_mem>>)
      %dma_start3A_106 = arith.constant 640 : i32
      %dma_start3A_107 = arith.constant 0 : i32
      %dma_start3A_108 = tpu.memref_slice %arg10[%dma_start3A_106, %dma_start3A_107] : memref<1280x16xf32, #tpu.memory_space<vmem>> -> memref<128x16xf32, #tpu.memory_space<vmem>>
      %dma_start3A_109 = tpu.memref_slice %arg8[%add3A_98] : memref<25600xi32, #tpu.memory_space<vmem>> -> memref<128xi32, #tpu.memory_space<vmem>>
      %dma_start3A_110 = arith.constant 0 : i32
      %dma_start3A_111 = arith.constant 0 : i32
      %dma_start3A_112 = tpu.memref_slice %arg2[%dma_start3A_110, %dma_start3A_111] : memref<50048x16xf32, #tpu.memory_space<hbm>> -> memref<50048x16xf32, #tpu.memory_space<hbm>>
      tpu.enqueue_indirect_dma source(%dma_start3A_112 : memref<50048x16xf32, #tpu.memory_space<hbm>>) target(%dma_start3A_108 : memref<128x16xf32, #tpu.memory_space<vmem>>) offsets(%dma_start3A_109 : memref<128xi32, #tpu.memory_space<vmem>>) semaphore(%arg14 : memref<!tpu.dma_semaphore, #tpu.memory_space<semaphore_mem>>)
      %mul3A_113 = arith.constant 640 : i32
      %mul3A_114 = arith.muli %add3A_94, %mul3A_113 : i32
      %add3A_115 = arith.constant 128 : i32
      %add3A_116 = arith.addi %mul3A_114, %add3A_115 : i32
      %dma_start3A_117 = arith.constant 768 : i32
      %dma_start3A_118 = arith.constant 0 : i32
      %dma_start3A_119 = tpu.memref_slice %arg9[%dma_start3A_117, %dma_start3A_118] : memref<1280x16xf32, #tpu.memory_space<vmem>> -> memref<128x16xf32, #tpu.memory_space<vmem>>
      %dma_start3A_120 = tpu.memref_slice %arg7[%add3A_116] : memref<25600xi32, #tpu.memory_space<vmem>> -> memref<128xi32, #tpu.memory_space<vmem>>
      %dma_start3A_121 = arith.constant 0 : i32
      %dma_start3A_122 = arith.constant 0 : i32
      %dma_start3A_123 = tpu.memref_slice %arg2[%dma_start3A_121, %dma_start3A_122] : memref<50048x16xf32, #tpu.memory_space<hbm>> -> memref<50048x16xf32, #tpu.memory_space<hbm>>
      tpu.enqueue_indirect_dma source(%dma_start3A_123 : memref<50048x16xf32, #tpu.memory_space<hbm>>) target(%dma_start3A_119 : memref<128x16xf32, #tpu.memory_space<vmem>>) offsets(%dma_start3A_120 : memref<128xi32, #tpu.memory_space<vmem>>) semaphore(%arg14 : memref<!tpu.dma_semaphore, #tpu.memory_space<semaphore_mem>>)
      %dma_start3A_124 = arith.constant 768 : i32
      %dma_start3A_125 = arith.constant 0 : i32
      %dma_start3A_126 = tpu.memref_slice %arg10[%dma_start3A_124, %dma_start3A_125] : memref<1280x16xf32, #tpu.memory_space<vmem>> -> memref<128x16xf32, #tpu.memory_space<vmem>>
      %dma_start3A_127 = tpu.memref_slice %arg8[%add3A_116] : memref<25600xi32, #tpu.memory_space<vmem>> -> memref<128xi32, #tpu.memory_space<vmem>>
      %dma_start3A_128 = arith.constant 0 : i32
      %dma_start3A_129 = arith.constant 0 : i32
      %dma_start3A_130 = tpu.memref_slice %arg2[%dma_start3A_128, %dma_start3A_129] : memref<50048x16xf32, #tpu.memory_space<hbm>> -> memref<50048x16xf32, #tpu.memory_space<hbm>>
      tpu.enqueue_indirect_dma source(%dma_start3A_130 : memref<50048x16xf32, #tpu.memory_space<hbm>>) target(%dma_start3A_126 : memref<128x16xf32, #tpu.memory_space<vmem>>) offsets(%dma_start3A_127 : memref<128xi32, #tpu.memory_space<vmem>>) semaphore(%arg14 : memref<!tpu.dma_semaphore, #tpu.memory_space<semaphore_mem>>)
      %mul3A_131 = arith.constant 640 : i32
      %mul3A_132 = arith.muli %add3A_94, %mul3A_131 : i32
      %add3A_133 = arith.constant 256 : i32
      %add3A_134 = arith.addi %mul3A_132, %add3A_133 : i32
      %dma_start3A_135 = arith.constant 896 : i32
      %dma_start3A_136 = arith.constant 0 : i32
      %dma_start3A_137 = tpu.memref_slice %arg9[%dma_start3A_135, %dma_start3A_136] : memref<1280x16xf32, #tpu.memory_space<vmem>> -> memref<128x16xf32, #tpu.memory_space<vmem>>
      %dma_start3A_138 = tpu.memref_slice %arg7[%add3A_134] : memref<25600xi32, #tpu.memory_space<vmem>> -> memref<128xi32, #tpu.memory_space<vmem>>
      %dma_start3A_139 = arith.constant 0 : i32
      %dma_start3A_140 = arith.constant 0 : i32
      %dma_start3A_141 = tpu.memref_slice %arg2[%dma_start3A_139, %dma_start3A_140] : memref<50048x16xf32, #tpu.memory_space<hbm>> -> memref<50048x16xf32, #tpu.memory_space<hbm>>
      tpu.enqueue_indirect_dma source(%dma_start3A_141 : memref<50048x16xf32, #tpu.memory_space<hbm>>) target(%dma_start3A_137 : memref<128x16xf32, #tpu.memory_space<vmem>>) offsets(%dma_start3A_138 : memref<128xi32, #tpu.memory_space<vmem>>) semaphore(%arg14 : memref<!tpu.dma_semaphore, #tpu.memory_space<semaphore_mem>>)
      %dma_start3A_142 = arith.constant 896 : i32
      %dma_start3A_143 = arith.constant 0 : i32
      %dma_start3A_144 = tpu.memref_slice %arg10[%dma_start3A_142, %dma_start3A_143] : memref<1280x16xf32, #tpu.memory_space<vmem>> -> memref<128x16xf32, #tpu.memory_space<vmem>>
      %dma_start3A_145 = tpu.memref_slice %arg8[%add3A_134] : memref<25600xi32, #tpu.memory_space<vmem>> -> memref<128xi32, #tpu.memory_space<vmem>>
      %dma_start3A_146 = arith.constant 0 : i32
      %dma_start3A_147 = arith.constant 0 : i32
      %dma_start3A_148 = tpu.memref_slice %arg2[%dma_start3A_146, %dma_start3A_147] : memref<50048x16xf32, #tpu.memory_space<hbm>> -> memref<50048x16xf32, #tpu.memory_space<hbm>>
      tpu.enqueue_indirect_dma source(%dma_start3A_148 : memref<50048x16xf32, #tpu.memory_space<hbm>>) target(%dma_start3A_144 : memref<128x16xf32, #tpu.memory_space<vmem>>) offsets(%dma_start3A_145 : memref<128xi32, #tpu.memory_space<vmem>>) semaphore(%arg14 : memref<!tpu.dma_semaphore, #tpu.memory_space<semaphore_mem>>)
      %mul3A_149 = arith.constant 640 : i32
      %mul3A_150 = arith.muli %add3A_94, %mul3A_149 : i32
      %add3A_151 = arith.constant 384 : i32
      %add3A_152 = arith.addi %mul3A_150, %add3A_151 : i32
      %dma_start3A_153 = arith.constant 1024 : i32
      %dma_start3A_154 = arith.constant 0 : i32
      %dma_start3A_155 = tpu.memref_slice %arg9[%dma_start3A_153, %dma_start3A_154] : memref<1280x16xf32, #tpu.memory_space<vmem>> -> memref<128x16xf32, #tpu.memory_space<vmem>>
      %dma_start3A_156 = tpu.memref_slice %arg7[%add3A_152] : memref<25600xi32, #tpu.memory_space<vmem>> -> memref<128xi32, #tpu.memory_space<vmem>>
      %dma_start3A_157 = arith.constant 0 : i32
      %dma_start3A_158 = arith.constant 0 : i32
      %dma_start3A_159 = tpu.memref_slice %arg2[%dma_start3A_157, %dma_start3A_158] : memref<50048x16xf32, #tpu.memory_space<hbm>> -> memref<50048x16xf32, #tpu.memory_space<hbm>>
      tpu.enqueue_indirect_dma source(%dma_start3A_159 : memref<50048x16xf32, #tpu.memory_space<hbm>>) target(%dma_start3A_155 : memref<128x16xf32, #tpu.memory_space<vmem>>) offsets(%dma_start3A_156 : memref<128xi32, #tpu.memory_space<vmem>>) semaphore(%arg14 : memref<!tpu.dma_semaphore, #tpu.memory_space<semaphore_mem>>)
      %dma_start3A_160 = arith.constant 1024 : i32
      %dma_start3A_161 = arith.constant 0 : i32
      %dma_start3A_162 = tpu.memref_slice %arg10[%dma_start3A_160, %dma_start3A_161] : memref<1280x16xf32, #tpu.memory_space<vmem>> -> memref<128x16xf32, #tpu.memory_space<vmem>>
      %dma_start3A_163 = tpu.memref_slice %arg8[%add3A_152] : memref<25600xi32, #tpu.memory_space<vmem>> -> memref<128xi32, #tpu.memory_space<vmem>>
      %dma_start3A_164 = arith.constant 0 : i32
      %dma_start3A_165 = arith.constant 0 : i32
      %dma_start3A_166 = tpu.memref_slice %arg2[%dma_start3A_164, %dma_start3A_165] : memref<50048x16xf32, #tpu.memory_space<hbm>> -> memref<50048x16xf32, #tpu.memory_space<hbm>>
      tpu.enqueue_indirect_dma source(%dma_start3A_166 : memref<50048x16xf32, #tpu.memory_space<hbm>>) target(%dma_start3A_162 : memref<128x16xf32, #tpu.memory_space<vmem>>) offsets(%dma_start3A_163 : memref<128xi32, #tpu.memory_space<vmem>>) semaphore(%arg14 : memref<!tpu.dma_semaphore, #tpu.memory_space<semaphore_mem>>)
      %mul3A_167 = arith.constant 640 : i32
      %mul3A_168 = arith.muli %add3A_94, %mul3A_167 : i32
      %add3A_169 = arith.constant 512 : i32
      %add3A_170 = arith.addi %mul3A_168, %add3A_169 : i32
      %dma_start3A_171 = arith.constant 1152 : i32
      %dma_start3A_172 = arith.constant 0 : i32
      %dma_start3A_173 = tpu.memref_slice %arg9[%dma_start3A_171, %dma_start3A_172] : memref<1280x16xf32, #tpu.memory_space<vmem>> -> memref<128x16xf32, #tpu.memory_space<vmem>>
      %dma_start3A_174 = tpu.memref_slice %arg7[%add3A_170] : memref<25600xi32, #tpu.memory_space<vmem>> -> memref<128xi32, #tpu.memory_space<vmem>>
      %dma_start3A_175 = arith.constant 0 : i32
      %dma_start3A_176 = arith.constant 0 : i32
      %dma_start3A_177 = tpu.memref_slice %arg2[%dma_start3A_175, %dma_start3A_176] : memref<50048x16xf32, #tpu.memory_space<hbm>> -> memref<50048x16xf32, #tpu.memory_space<hbm>>
      tpu.enqueue_indirect_dma source(%dma_start3A_177 : memref<50048x16xf32, #tpu.memory_space<hbm>>) target(%dma_start3A_173 : memref<128x16xf32, #tpu.memory_space<vmem>>) offsets(%dma_start3A_174 : memref<128xi32, #tpu.memory_space<vmem>>) semaphore(%arg14 : memref<!tpu.dma_semaphore, #tpu.memory_space<semaphore_mem>>)
      %dma_start3A_178 = arith.constant 1152 : i32
      %dma_start3A_179 = arith.constant 0 : i32
      %dma_start3A_180 = tpu.memref_slice %arg10[%dma_start3A_178, %dma_start3A_179] : memref<1280x16xf32, #tpu.memory_space<vmem>> -> memref<128x16xf32, #tpu.memory_space<vmem>>
      %dma_start3A_181 = tpu.memref_slice %arg8[%add3A_170] : memref<25600xi32, #tpu.memory_space<vmem>> -> memref<128xi32, #tpu.memory_space<vmem>>
      %dma_start3A_182 = arith.constant 0 : i32
      %dma_start3A_183 = arith.constant 0 : i32
      %dma_start3A_184 = tpu.memref_slice %arg2[%dma_start3A_182, %dma_start3A_183] : memref<50048x16xf32, #tpu.memory_space<hbm>> -> memref<50048x16xf32, #tpu.memory_space<hbm>>
      tpu.enqueue_indirect_dma source(%dma_start3A_184 : memref<50048x16xf32, #tpu.memory_space<hbm>>) target(%dma_start3A_180 : memref<128x16xf32, #tpu.memory_space<vmem>>) offsets(%dma_start3A_181 : memref<128xi32, #tpu.memory_space<vmem>>) semaphore(%arg14 : memref<!tpu.dma_semaphore, #tpu.memory_space<semaphore_mem>>)
      %dma_wait3A = arith.constant 0 : i32
      %dma_wait3A_185 = arith.constant 0 : i32
      %dma_wait3A_186 = tpu.memref_slice %arg9[%dma_wait3A, %dma_wait3A_185] : memref<1280x16xf32, #tpu.memory_space<vmem>> -> memref<640x16xf32, #tpu.memory_space<vmem>>
      %dma_wait3A_187 = arith.constant 0 : i32
      %dma_wait3A_188 = arith.constant 0 : i32
      %dma_wait3A_189 = tpu.memref_slice %arg2[%dma_wait3A_187, %dma_wait3A_188] : memref<50048x16xf32, #tpu.memory_space<hbm>> -> memref<640x16xf32, #tpu.memory_space<hbm>>
      %dma_wait3A_190 = arith.constant 0 : i32
      %dma_wait3A_191 = arith.constant 0 : i32
      %dma_wait3A_192 = tpu.memref_slice %arg9[%dma_wait3A_190, %dma_wait3A_191] : memref<1280x16xf32, #tpu.memory_space<vmem>> -> memref<640x16xf32, #tpu.memory_space<vmem>>
      %dma_wait3A_193 = arith.constant 0 : i32
      %dma_wait3A_194 = arith.constant 0 : i32
      %dma_wait3A_195 = tpu.memref_slice %arg2[%dma_wait3A_193, %dma_wait3A_194] : memref<50048x16xf32, #tpu.memory_space<hbm>> -> memref<640x16xf32, #tpu.memory_space<hbm>>
      tpu.wait_dma2 semaphore(%arg13 : memref<!tpu.dma_semaphore, #tpu.memory_space<semaphore_mem>>) src(%dma_wait3A_195 : memref<640x16xf32, #tpu.memory_space<hbm>>) dst(%dma_wait3A_192 : memref<640x16xf32, #tpu.memory_space<vmem>>)
      %dma_wait3A_196 = arith.constant 0 : i32
      %dma_wait3A_197 = arith.constant 0 : i32
      %dma_wait3A_198 = tpu.memref_slice %arg10[%dma_wait3A_196, %dma_wait3A_197] : memref<1280x16xf32, #tpu.memory_space<vmem>> -> memref<640x16xf32, #tpu.memory_space<vmem>>
      %dma_wait3A_199 = arith.constant 0 : i32
      %dma_wait3A_200 = arith.constant 0 : i32
      %dma_wait3A_201 = tpu.memref_slice %arg2[%dma_wait3A_199, %dma_wait3A_200] : memref<50048x16xf32, #tpu.memory_space<hbm>> -> memref<640x16xf32, #tpu.memory_space<hbm>>
      %dma_wait3A_202 = arith.constant 0 : i32
      %dma_wait3A_203 = arith.constant 0 : i32
      %dma_wait3A_204 = tpu.memref_slice %arg10[%dma_wait3A_202, %dma_wait3A_203] : memref<1280x16xf32, #tpu.memory_space<vmem>> -> memref<640x16xf32, #tpu.memory_space<vmem>>
      %dma_wait3A_205 = arith.constant 0 : i32
      %dma_wait3A_206 = arith.constant 0 : i32
      %dma_wait3A_207 = tpu.memref_slice %arg2[%dma_wait3A_205, %dma_wait3A_206] : memref<50048x16xf32, #tpu.memory_space<hbm>> -> memref<640x16xf32, #tpu.memory_space<hbm>>
      tpu.wait_dma2 semaphore(%arg13 : memref<!tpu.dma_semaphore, #tpu.memory_space<semaphore_mem>>) src(%dma_wait3A_207 : memref<640x16xf32, #tpu.memory_space<hbm>>) dst(%dma_wait3A_204 : memref<640x16xf32, #tpu.memory_space<vmem>>)
      %scan3A_208 = arith.constant 0 : i32
      %scan3A_209 = arith.constant 20 : i32
      %scan3A_210 = arith.addi %scan3A_208, %scan3A_209 : i32
      %scan3A_211 = arith.constant 1 : i32
      %scan3A_212 = scf.for %scan3A_246 = %scan3A_208 to %scan3A_210 step %scan3A_211 iter_args(%scan3A_247 = %scan3A_90) -> (vector<16xf32>)  : i32 {
        %mul3A_248 = arith.constant 32 : i32
        %mul3A_249 = arith.muli %scan3A_246, %mul3A_248 : i32
        %add3A_250 = arith.constant 0 : i32
        %add3A_251 = arith.addi %add3A_250, %mul3A_249 : i32
        %add3A_252 = vector.broadcast %add3A_251 : i32 to vector<16xi32>
        %add3A_253 = arith.addi %add3A_252, %iota3A : vector<16xi32>
        %broadcast_in_dim3A_254 = arith.constant 0 : i32
        %broadcast_in_dim3A_255 = vector.broadcast %broadcast_in_dim3A_254 : i32 to vector<16xi32>
        %gather3A = tpu.vector_load_idx %arg9[%add3A_253, %broadcast_in_dim3A_255] : memref<1280x16xf32, #tpu.memory_space<vmem>>[vector<16xi32>, vector<16xi32>], vector<16xf32>,
        %broadcast_in_dim3A_256 = arith.constant 1 : i32
        %broadcast_in_dim3A_257 = vector.broadcast %broadcast_in_dim3A_256 : i32 to vector<16xi32>
        %gather3A_258 = tpu.vector_load_idx %arg9[%add3A_253, %broadcast_in_dim3A_257] : memref<1280x16xf32, #tpu.memory_space<vmem>>[vector<16xi32>, vector<16xi32>], vector<16xf32>,
        %broadcast_in_dim3A_259 = arith.constant 2 : i32
        %broadcast_in_dim3A_260 = vector.broadcast %broadcast_in_dim3A_259 : i32 to vector<16xi32>
        %gather3A_261 = tpu.vector_load_idx %arg9[%add3A_253, %broadcast_in_dim3A_260] : memref<1280x16xf32, #tpu.memory_space<vmem>>[vector<16xi32>, vector<16xi32>], vector<16xf32>,
        %broadcast_in_dim3A_262 = arith.constant 3 : i32
        %broadcast_in_dim3A_263 = vector.broadcast %broadcast_in_dim3A_262 : i32 to vector<16xi32>
        %gather3A_264 = tpu.vector_load_idx %arg9[%add3A_253, %broadcast_in_dim3A_263] : memref<1280x16xf32, #tpu.memory_space<vmem>>[vector<16xi32>, vector<16xi32>], vector<16xf32>,
        %broadcast_in_dim3A_265 = arith.constant 4 : i32
        %broadcast_in_dim3A_266 = vector.broadcast %broadcast_in_dim3A_265 : i32 to vector<16xi32>
        %gather3A_267 = tpu.vector_load_idx %arg9[%add3A_253, %broadcast_in_dim3A_266] : memref<1280x16xf32, #tpu.memory_space<vmem>>[vector<16xi32>, vector<16xi32>], vector<16xf32>,
        %broadcast_in_dim3A_268 = arith.constant 5 : i32
        %broadcast_in_dim3A_269 = vector.broadcast %broadcast_in_dim3A_268 : i32 to vector<16xi32>
        %gather3A_270 = tpu.vector_load_idx %arg9[%add3A_253, %broadcast_in_dim3A_269] : memref<1280x16xf32, #tpu.memory_space<vmem>>[vector<16xi32>, vector<16xi32>], vector<16xf32>,
        %broadcast_in_dim3A_271 = arith.constant 6 : i32
        %broadcast_in_dim3A_272 = vector.broadcast %broadcast_in_dim3A_271 : i32 to vector<16xi32>
        %gather3A_273 = tpu.vector_load_idx %arg9[%add3A_253, %broadcast_in_dim3A_272] : memref<1280x16xf32, #tpu.memory_space<vmem>>[vector<16xi32>, vector<16xi32>], vector<16xf32>,
        %broadcast_in_dim3A_274 = arith.constant 7 : i32
        %broadcast_in_dim3A_275 = vector.broadcast %broadcast_in_dim3A_274 : i32 to vector<16xi32>
        %gather3A_276 = tpu.vector_load_idx %arg9[%add3A_253, %broadcast_in_dim3A_275] : memref<1280x16xf32, #tpu.memory_space<vmem>>[vector<16xi32>, vector<16xi32>], vector<16xf32>,
        %broadcast_in_dim3A_277 = arith.constant 8 : i32
        %broadcast_in_dim3A_278 = vector.broadcast %broadcast_in_dim3A_277 : i32 to vector<16xi32>
        %gather3A_279 = tpu.vector_load_idx %arg9[%add3A_253, %broadcast_in_dim3A_278] : memref<1280x16xf32, #tpu.memory_space<vmem>>[vector<16xi32>, vector<16xi32>], vector<16xf32>,
        %broadcast_in_dim3A_280 = arith.constant 9 : i32
        %broadcast_in_dim3A_281 = vector.broadcast %broadcast_in_dim3A_280 : i32 to vector<16xi32>
        %gather3A_282 = tpu.vector_load_idx %arg9[%add3A_253, %broadcast_in_dim3A_281] : memref<1280x16xf32, #tpu.memory_space<vmem>>[vector<16xi32>, vector<16xi32>], vector<16xf32>,
        %broadcast_in_dim3A_283 = arith.constant 0 : i32
        %broadcast_in_dim3A_284 = vector.broadcast %broadcast_in_dim3A_283 : i32 to vector<16xi32>
        %gather3A_285 = tpu.vector_load_idx %arg10[%add3A_253, %broadcast_in_dim3A_284] : memref<1280x16xf32, #tpu.memory_space<vmem>>[vector<16xi32>, vector<16xi32>], vector<16xf32>,
        %broadcast_in_dim3A_286 = arith.constant 1 : i32
        %broadcast_in_dim3A_287 = vector.broadcast %broadcast_in_dim3A_286 : i32 to vector<16xi32>
        %gather3A_288 = tpu.vector_load_idx %arg10[%add3A_253, %broadcast_in_dim3A_287] : memref<1280x16xf32, #tpu.memory_space<vmem>>[vector<16xi32>, vector<16xi32>], vector<16xf32>,
        %broadcast_in_dim3A_289 = arith.constant 2 : i32
        %broadcast_in_dim3A_290 = vector.broadcast %broadcast_in_dim3A_289 : i32 to vector<16xi32>
        %gather3A_291 = tpu.vector_load_idx %arg10[%add3A_253, %broadcast_in_dim3A_290] : memref<1280x16xf32, #tpu.memory_space<vmem>>[vector<16xi32>, vector<16xi32>], vector<16xf32>,
        %broadcast_in_dim3A_292 = arith.constant 3 : i32
        %broadcast_in_dim3A_293 = vector.broadcast %broadcast_in_dim3A_292 : i32 to vector<16xi32>
        %gather3A_294 = tpu.vector_load_idx %arg10[%add3A_253, %broadcast_in_dim3A_293] : memref<1280x16xf32, #tpu.memory_space<vmem>>[vector<16xi32>, vector<16xi32>], vector<16xf32>,
        %broadcast_in_dim3A_295 = arith.constant 4 : i32
        %broadcast_in_dim3A_296 = vector.broadcast %broadcast_in_dim3A_295 : i32 to vector<16xi32>
        %gather3A_297 = tpu.vector_load_idx %arg10[%add3A_253, %broadcast_in_dim3A_296] : memref<1280x16xf32, #tpu.memory_space<vmem>>[vector<16xi32>, vector<16xi32>], vector<16xf32>,
        %broadcast_in_dim3A_298 = arith.constant 5 : i32
        %broadcast_in_dim3A_299 = vector.broadcast %broadcast_in_dim3A_298 : i32 to vector<16xi32>
        %gather3A_300 = tpu.vector_load_idx %arg10[%add3A_253, %broadcast_in_dim3A_299] : memref<1280x16xf32, #tpu.memory_space<vmem>>[vector<16xi32>, vector<16xi32>], vector<16xf32>,
        %broadcast_in_dim3A_301 = arith.constant 6 : i32
        %broadcast_in_dim3A_302 = vector.broadcast %broadcast_in_dim3A_301 : i32 to vector<16xi32>
        %gather3A_303 = tpu.vector_load_idx %arg10[%add3A_253, %broadcast_in_dim3A_302] : memref<1280x16xf32, #tpu.memory_space<vmem>>[vector<16xi32>, vector<16xi32>], vector<16xf32>,
        %broadcast_in_dim3A_304 = arith.constant 7 : i32
        %broadcast_in_dim3A_305 = vector.broadcast %broadcast_in_dim3A_304 : i32 to vector<16xi32>
        %gather3A_306 = tpu.vector_load_idx %arg10[%add3A_253, %broadcast_in_dim3A_305] : memref<1280x16xf32, #tpu.memory_space<vmem>>[vector<16xi32>, vector<16xi32>], vector<16xf32>,
        %broadcast_in_dim3A_307 = arith.constant 8 : i32
        %broadcast_in_dim3A_308 = vector.broadcast %broadcast_in_dim3A_307 : i32 to vector<16xi32>
        %gather3A_309 = tpu.vector_load_idx %arg10[%add3A_253, %broadcast_in_dim3A_308] : memref<1280x16xf32, #tpu.memory_space<vmem>>[vector<16xi32>, vector<16xi32>], vector<16xf32>,
        %broadcast_in_dim3A_310 = arith.constant 9 : i32
        %broadcast_in_dim3A_311 = vector.broadcast %broadcast_in_dim3A_310 : i32 to vector<16xi32>
        %gather3A_312 = tpu.vector_load_idx %arg10[%add3A_253, %broadcast_in_dim3A_311] : memref<1280x16xf32, #tpu.memory_space<vmem>>[vector<16xi32>, vector<16xi32>], vector<16xf32>,
        %sub3A = arith.subf %gather3A_285, %gather3A : vector<16xf32>
        %gt3A = arith.constant 2.500000e+01 : f32
        %gt3A_313 = vector.broadcast %gt3A : f32 to vector<16xf32>
        %gt3A_314 = arith.cmpf ogt, %sub3A, %gt3A_313 : vector<16xf32>
        %sub3A_315 = arith.constant 5.000000e+01 : f32
        %sub3A_316 = vector.broadcast %sub3A_315 : f32 to vector<16xf32>
        %sub3A_317 = arith.subf %sub3A, %sub3A_316 : vector<16xf32>
        %lt3A_318 = arith.constant -2.500000e+01 : f32
        %lt3A_319 = vector.broadcast %lt3A_318 : f32 to vector<16xf32>
        %lt3A_320 = arith.cmpf olt, %sub3A, %lt3A_319 : vector<16xf32>
        %add3A_321 = arith.constant 5.000000e+01 : f32
        %add3A_322 = vector.broadcast %add3A_321 : f32 to vector<16xf32>
        %add3A_323 = arith.addf %sub3A, %add3A_322 : vector<16xf32>
        %select_n3A = arith.select %lt3A_320, %add3A_323, %sub3A : vector<16xi1>, vector<16xf32>
        %select_n3A_324 = arith.select %gt3A_314, %sub3A_317, %select_n3A : vector<16xi1>, vector<16xf32>
        %sub3A_325 = arith.subf %gather3A_288, %gather3A_258 : vector<16xf32>
        %gt3A_326 = arith.constant 2.500000e+01 : f32
        %gt3A_327 = vector.broadcast %gt3A_326 : f32 to vector<16xf32>
        %gt3A_328 = arith.cmpf ogt, %sub3A_325, %gt3A_327 : vector<16xf32>
        %sub3A_329 = arith.constant 5.000000e+01 : f32
        %sub3A_330 = vector.broadcast %sub3A_329 : f32 to vector<16xf32>
        %sub3A_331 = arith.subf %sub3A_325, %sub3A_330 : vector<16xf32>
        %lt3A_332 = arith.constant -2.500000e+01 : f32
        %lt3A_333 = vector.broadcast %lt3A_332 : f32 to vector<16xf32>
        %lt3A_334 = arith.cmpf olt, %sub3A_325, %lt3A_333 : vector<16xf32>
        %add3A_335 = arith.constant 5.000000e+01 : f32
        %add3A_336 = vector.broadcast %add3A_335 : f32 to vector<16xf32>
        %add3A_337 = arith.addf %sub3A_325, %add3A_336 : vector<16xf32>
        %select_n3A_338 = arith.select %lt3A_334, %add3A_337, %sub3A_325 : vector<16xi1>, vector<16xf32>
        %select_n3A_339 = arith.select %gt3A_328, %sub3A_331, %select_n3A_338 : vector<16xi1>, vector<16xf32>
        %sub3A_340 = arith.subf %gather3A_291, %gather3A_261 : vector<16xf32>
        %gt3A_341 = arith.constant 2.500000e+01 : f32
        %gt3A_342 = vector.broadcast %gt3A_341 : f32 to vector<16xf32>
        %gt3A_343 = arith.cmpf ogt, %sub3A_340, %gt3A_342 : vector<16xf32>
        %sub3A_344 = arith.constant 5.000000e+01 : f32
        %sub3A_345 = vector.broadcast %sub3A_344 : f32 to vector<16xf32>
        %sub3A_346 = arith.subf %sub3A_340, %sub3A_345 : vector<16xf32>
        %lt3A_347 = arith.constant -2.500000e+01 : f32
        %lt3A_348 = vector.broadcast %lt3A_347 : f32 to vector<16xf32>
        %lt3A_349 = arith.cmpf olt, %sub3A_340, %lt3A_348 : vector<16xf32>
        %add3A_350 = arith.constant 5.000000e+01 : f32
        %add3A_351 = vector.broadcast %add3A_350 : f32 to vector<16xf32>
        %add3A_352 = arith.addf %sub3A_340, %add3A_351 : vector<16xf32>
        %select_n3A_353 = arith.select %lt3A_349, %add3A_352, %sub3A_340 : vector<16xi1>, vector<16xf32>
        %select_n3A_354 = arith.select %gt3A_343, %sub3A_346, %select_n3A_353 : vector<16xi1>, vector<16xf32>
        %sub3A_355 = arith.subf %gather3A_294, %gather3A_264 : vector<16xf32>
        %sub3A_356 = arith.subf %gather3A_297, %gather3A_267 : vector<16xf32>
        %sub3A_357 = arith.subf %gather3A_300, %gather3A_270 : vector<16xf32>
        %add3A_358 = arith.addf %gather3A_294, %gather3A_264 : vector<16xf32>
        %add3A_359 = arith.addf %gather3A_297, %gather3A_267 : vector<16xf32>
        %add3A_360 = arith.addf %gather3A_300, %gather3A_270 : vector<16xf32>
        %mul3A_361 = arith.constant -4.000000e-01 : f32
        %mul3A_362 = vector.broadcast %mul3A_361 : f32 to vector<16xf32>
        %mul3A_363 = arith.mulf %mul3A_362, %sub3A_355 : vector<16xf32>
        %add3A_364 = arith.addf %select_n3A_324, %mul3A_363 : vector<16xf32>
        %mul3A_365 = arith.constant -4.000000e-01 : f32
        %mul3A_366 = vector.broadcast %mul3A_365 : f32 to vector<16xf32>
        %mul3A_367 = arith.mulf %mul3A_366, %sub3A_356 : vector<16xf32>
        %add3A_368 = arith.addf %select_n3A_339, %mul3A_367 : vector<16xf32>
        %mul3A_369 = arith.constant -4.000000e-01 : f32
        %mul3A_370 = vector.broadcast %mul3A_369 : f32 to vector<16xf32>
        %mul3A_371 = arith.mulf %mul3A_370, %sub3A_357 : vector<16xf32>
        %add3A_372 = arith.addf %select_n3A_354, %mul3A_371 : vector<16xf32>
        %mul3A_373 = arith.mulf %add3A_364, %add3A_364 : vector<16xf32>
        %mul3A_374 = arith.mulf %add3A_368, %add3A_368 : vector<16xf32>
        %add3A_375 = arith.addf %mul3A_373, %mul3A_374 : vector<16xf32>
        %mul3A_376 = arith.mulf %add3A_372, %add3A_372 : vector<16xf32>
        %add3A_377 = arith.addf %add3A_375, %mul3A_376 : vector<16xf32>
        %add3A_378 = arith.constant 9.99999996E-13 : f32
        %add3A_379 = vector.broadcast %add3A_378 : f32 to vector<16xf32>
        %add3A_380 = arith.addf %add3A_377, %add3A_379 : vector<16xf32>
        %mul3A_381 = arith.constant 4.000000e-01 : f32
        %mul3A_382 = vector.broadcast %mul3A_381 : f32 to vector<16xf32>
        %mul3A_383 = arith.mulf %mul3A_382, %sub3A_355 : vector<16xf32>
        %add3A_384 = arith.addf %select_n3A_324, %mul3A_383 : vector<16xf32>
        %mul3A_385 = arith.constant 4.000000e-01 : f32
        %mul3A_386 = vector.broadcast %mul3A_385 : f32 to vector<16xf32>
        %mul3A_387 = arith.mulf %mul3A_386, %sub3A_356 : vector<16xf32>
        %add3A_388 = arith.addf %select_n3A_339, %mul3A_387 : vector<16xf32>
        %mul3A_389 = arith.constant 4.000000e-01 : f32
        %mul3A_390 = vector.broadcast %mul3A_389 : f32 to vector<16xf32>
        %mul3A_391 = arith.mulf %mul3A_390, %sub3A_357 : vector<16xf32>
        %add3A_392 = arith.addf %select_n3A_354, %mul3A_391 : vector<16xf32>
        %mul3A_393 = arith.mulf %add3A_384, %add3A_384 : vector<16xf32>
        %mul3A_394 = arith.mulf %add3A_388, %add3A_388 : vector<16xf32>
        %add3A_395 = arith.addf %mul3A_393, %mul3A_394 : vector<16xf32>
        %mul3A_396 = arith.mulf %add3A_392, %add3A_392 : vector<16xf32>
        %add3A_397 = arith.addf %add3A_395, %mul3A_396 : vector<16xf32>
        %add3A_398 = arith.constant 9.99999996E-13 : f32
        %add3A_399 = vector.broadcast %add3A_398 : f32 to vector<16xf32>
        %add3A_400 = arith.addf %add3A_397, %add3A_399 : vector<16xf32>
        %mul3A_401 = arith.constant 4.000000e-01 : f32
        %mul3A_402 = vector.broadcast %mul3A_401 : f32 to vector<16xf32>
        %mul3A_403 = arith.mulf %mul3A_402, %add3A_358 : vector<16xf32>
        %add3A_404 = arith.addf %select_n3A_324, %mul3A_403 : vector<16xf32>
        %mul3A_405 = arith.constant 4.000000e-01 : f32
        %mul3A_406 = vector.broadcast %mul3A_405 : f32 to vector<16xf32>
        %mul3A_407 = arith.mulf %mul3A_406, %add3A_359 : vector<16xf32>
        %add3A_408 = arith.addf %select_n3A_339, %mul3A_407 : vector<16xf32>
        %mul3A_409 = arith.constant 4.000000e-01 : f32
        %mul3A_410 = vector.broadcast %mul3A_409 : f32 to vector<16xf32>
        %mul3A_411 = arith.mulf %mul3A_410, %add3A_360 : vector<16xf32>
        %add3A_412 = arith.addf %select_n3A_354, %mul3A_411 : vector<16xf32>
        %mul3A_413 = arith.mulf %add3A_404, %add3A_404 : vector<16xf32>
        %mul3A_414 = arith.mulf %add3A_408, %add3A_408 : vector<16xf32>
        %add3A_415 = arith.addf %mul3A_413, %mul3A_414 : vector<16xf32>
        %mul3A_416 = arith.mulf %add3A_412, %add3A_412 : vector<16xf32>
        %add3A_417 = arith.addf %add3A_415, %mul3A_416 : vector<16xf32>
        %add3A_418 = arith.constant 9.99999996E-13 : f32
        %add3A_419 = vector.broadcast %add3A_418 : f32 to vector<16xf32>
        %add3A_420 = arith.addf %add3A_417, %add3A_419 : vector<16xf32>
        %mul3A_421 = arith.constant -4.000000e-01 : f32
        %mul3A_422 = vector.broadcast %mul3A_421 : f32 to vector<16xf32>
        %mul3A_423 = arith.mulf %mul3A_422, %add3A_358 : vector<16xf32>
        %add3A_424 = arith.addf %select_n3A_324, %mul3A_423 : vector<16xf32>
        %mul3A_425 = arith.constant -4.000000e-01 : f32
        %mul3A_426 = vector.broadcast %mul3A_425 : f32 to vector<16xf32>
        %mul3A_427 = arith.mulf %mul3A_426, %add3A_359 : vector<16xf32>
        %add3A_428 = arith.addf %select_n3A_339, %mul3A_427 : vector<16xf32>
        %mul3A_429 = arith.constant -4.000000e-01 : f32
        %mul3A_430 = vector.broadcast %mul3A_429 : f32 to vector<16xf32>
        %mul3A_431 = arith.mulf %mul3A_430, %add3A_360 : vector<16xf32>
        %add3A_432 = arith.addf %select_n3A_354, %mul3A_431 : vector<16xf32>
        %mul3A_433 = arith.mulf %add3A_424, %add3A_424 : vector<16xf32>
        %mul3A_434 = arith.mulf %add3A_428, %add3A_428 : vector<16xf32>
        %add3A_435 = arith.addf %mul3A_433, %mul3A_434 : vector<16xf32>
        %mul3A_436 = arith.mulf %add3A_432, %add3A_432 : vector<16xf32>
        %add3A_437 = arith.addf %add3A_435, %mul3A_436 : vector<16xf32>
        %add3A_438 = arith.constant 9.99999996E-13 : f32
        %add3A_439 = vector.broadcast %add3A_438 : f32 to vector<16xf32>
        %add3A_440 = arith.addf %add3A_437, %add3A_439 : vector<16xf32>
        %mul3A_441 = arith.constant 3.400000e-01 : f32
        %mul3A_442 = vector.broadcast %mul3A_441 : f32 to vector<16xf32>
        %mul3A_443 = arith.mulf %mul3A_442, %sub3A_355 : vector<16xf32>
        %add3A_444 = arith.addf %select_n3A_324, %mul3A_443 : vector<16xf32>
        %mul3A_445 = arith.constant 3.400000e-01 : f32
        %mul3A_446 = vector.broadcast %mul3A_445 : f32 to vector<16xf32>
        %mul3A_447 = arith.mulf %mul3A_446, %sub3A_356 : vector<16xf32>
        %add3A_448 = arith.addf %select_n3A_339, %mul3A_447 : vector<16xf32>
        %mul3A_449 = arith.constant 3.400000e-01 : f32
        %mul3A_450 = vector.broadcast %mul3A_449 : f32 to vector<16xf32>
        %mul3A_451 = arith.mulf %mul3A_450, %sub3A_357 : vector<16xf32>
        %add3A_452 = arith.addf %select_n3A_354, %mul3A_451 : vector<16xf32>
        %mul3A_453 = arith.mulf %add3A_444, %add3A_444 : vector<16xf32>
        %mul3A_454 = arith.mulf %add3A_448, %add3A_448 : vector<16xf32>
        %add3A_455 = arith.addf %mul3A_453, %mul3A_454 : vector<16xf32>
        %mul3A_456 = arith.mulf %add3A_452, %add3A_452 : vector<16xf32>
        %add3A_457 = arith.addf %add3A_455, %mul3A_456 : vector<16xf32>
        %add3A_458 = arith.constant 9.99999996E-13 : f32
        %add3A_459 = vector.broadcast %add3A_458 : f32 to vector<16xf32>
        %add3A_460 = arith.addf %add3A_457, %add3A_459 : vector<16xf32>
        %max3A = arith.constant 4.900000e-03 : f32
        %max3A_461 = vector.broadcast %max3A : f32 to vector<16xf32>
        %max3A_462 = arith.maximumf %add3A_380, %max3A_461 : vector<16xf32>
        %div3A = arith.constant 4.900000e-01 : f32
        %div3A_463 = vector.broadcast %div3A : f32 to vector<16xf32>
        %div3A_464 = arith.divf %div3A_463, %max3A_462 : vector<16xf32>
        %mul3A_465 = arith.mulf %div3A_464, %div3A_464 : vector<16xf32>
        %mul3A_466 = arith.mulf %mul3A_465, %div3A_464 : vector<16xf32>
        %mul3A_467 = arith.mulf %mul3A_466, %mul3A_466 : vector<16xf32>
        %sub3A_468 = arith.subf %mul3A_467, %mul3A_466 : vector<16xf32>
        %mul3A_469 = arith.constant 8.000000e+00 : f32
        %mul3A_470 = vector.broadcast %mul3A_469 : f32 to vector<16xf32>
        %mul3A_471 = arith.mulf %mul3A_470, %sub3A_468 : vector<16xf32>
        %add3A_472 = arith.constant 2.000000e+00 : f32
        %add3A_473 = vector.broadcast %add3A_472 : f32 to vector<16xf32>
        %add3A_474 = arith.addf %mul3A_471, %add3A_473 : vector<16xf32>
        %lt3A_475 = arith.constant 0.617361307 : f32
        %lt3A_476 = vector.broadcast %lt3A_475 : f32 to vector<16xf32>
        %lt3A_477 = arith.cmpf olt, %add3A_380, %lt3A_476 : vector<16xf32>
        %jit3A = arith.constant 0.000000e+00 : f32
        %broadcast_in_dim3A_478 = vector.broadcast %jit3A : f32 to vector<16xf32>
        %select_n3A_479 = arith.select %lt3A_477, %add3A_474, %broadcast_in_dim3A_478 : vector<16xi1>, vector<16xf32>
        %max3A_480 = arith.constant 1.089000e-03 : f32
        %max3A_481 = vector.broadcast %max3A_480 : f32 to vector<16xf32>
        %max3A_482 = arith.maximumf %add3A_400, %max3A_481 : vector<16xf32>
        %div3A_483 = arith.constant 1.089000e-01 : f32
        %div3A_484 = vector.broadcast %div3A_483 : f32 to vector<16xf32>
        %div3A_485 = arith.divf %div3A_484, %max3A_482 : vector<16xf32>
        %mul3A_486 = arith.mulf %div3A_485, %div3A_485 : vector<16xf32>
        %mul3A_487 = arith.mulf %mul3A_486, %div3A_485 : vector<16xf32>
        %mul3A_488 = arith.mulf %mul3A_487, %mul3A_487 : vector<16xf32>
        %sub3A_489 = arith.subf %mul3A_488, %mul3A_487 : vector<16xf32>
        %mul3A_490 = arith.constant 8.000000e+00 : f32
        %mul3A_491 = vector.broadcast %mul3A_490 : f32 to vector<16xf32>
        %mul3A_492 = arith.mulf %mul3A_491, %sub3A_489 : vector<16xf32>
        %add3A_493 = arith.constant 2.000000e+00 : f32
        %add3A_494 = vector.broadcast %add3A_493 : f32 to vector<16xf32>
        %add3A_495 = arith.addf %mul3A_492, %add3A_494 : vector<16xf32>
        %lt3A_496 = arith.constant 0.137205407 : f32
        %lt3A_497 = vector.broadcast %lt3A_496 : f32 to vector<16xf32>
        %lt3A_498 = arith.cmpf olt, %add3A_400, %lt3A_497 : vector<16xf32>
        %jit3A_499 = arith.constant 0.000000e+00 : f32
        %broadcast_in_dim3A_500 = vector.broadcast %jit3A_499 : f32 to vector<16xf32>
        %select_n3A_501 = arith.select %lt3A_498, %add3A_495, %broadcast_in_dim3A_500 : vector<16xi1>, vector<16xf32>
        %add3A_502 = arith.addf %select_n3A_479, %select_n3A_501 : vector<16xf32>
        %max3A_503 = arith.constant 2.652250e-03 : f32
        %max3A_504 = vector.broadcast %max3A_503 : f32 to vector<16xf32>
        %max3A_505 = arith.maximumf %add3A_420, %max3A_504 : vector<16xf32>
        %div3A_506 = arith.constant 2.652250e-01 : f32
        %div3A_507 = vector.broadcast %div3A_506 : f32 to vector<16xf32>
        %div3A_508 = arith.divf %div3A_507, %max3A_505 : vector<16xf32>
        %mul3A_509 = arith.mulf %div3A_508, %div3A_508 : vector<16xf32>
        %mul3A_510 = arith.mulf %mul3A_509, %div3A_508 : vector<16xf32>
        %mul3A_511 = arith.mulf %mul3A_510, %mul3A_510 : vector<16xf32>
        %sub3A_512 = arith.subf %mul3A_511, %mul3A_510 : vector<16xf32>
        %mul3A_513 = arith.constant 8.000000e+00 : f32
        %mul3A_514 = vector.broadcast %mul3A_513 : f32 to vector<16xf32>
        %mul3A_515 = arith.mulf %mul3A_514, %sub3A_512 : vector<16xf32>
        %add3A_516 = arith.constant 2.000000e+00 : f32
        %add3A_517 = vector.broadcast %add3A_516 : f32 to vector<16xf32>
        %add3A_518 = arith.addf %mul3A_515, %add3A_517 : vector<16xf32>
        %lt3A_519 = arith.constant 0.334162563 : f32
        %lt3A_520 = vector.broadcast %lt3A_519 : f32 to vector<16xf32>
        %lt3A_521 = arith.cmpf olt, %add3A_420, %lt3A_520 : vector<16xf32>
        %jit3A_522 = arith.constant 0.000000e+00 : f32
        %broadcast_in_dim3A_523 = vector.broadcast %jit3A_522 : f32 to vector<16xf32>
        %select_n3A_524 = arith.select %lt3A_521, %add3A_518, %broadcast_in_dim3A_523 : vector<16xi1>, vector<16xf32>
        %max3A_525 = arith.constant 2.652250e-03 : f32
        %max3A_526 = vector.broadcast %max3A_525 : f32 to vector<16xf32>
        %max3A_527 = arith.maximumf %add3A_440, %max3A_526 : vector<16xf32>
        %div3A_528 = arith.constant 2.652250e-01 : f32
        %div3A_529 = vector.broadcast %div3A_528 : f32 to vector<16xf32>
        %div3A_530 = arith.divf %div3A_529, %max3A_527 : vector<16xf32>
        %mul3A_531 = arith.mulf %div3A_530, %div3A_530 : vector<16xf32>
        %mul3A_532 = arith.mulf %mul3A_531, %div3A_530 : vector<16xf32>
        %mul3A_533 = arith.mulf %mul3A_532, %mul3A_532 : vector<16xf32>
        %sub3A_534 = arith.subf %mul3A_533, %mul3A_532 : vector<16xf32>
        %mul3A_535 = arith.constant 8.000000e+00 : f32
        %mul3A_536 = vector.broadcast %mul3A_535 : f32 to vector<16xf32>
        %mul3A_537 = arith.mulf %mul3A_536, %sub3A_534 : vector<16xf32>
        %add3A_538 = arith.constant 2.000000e+00 : f32
        %add3A_539 = vector.broadcast %add3A_538 : f32 to vector<16xf32>
        %add3A_540 = arith.addf %mul3A_537, %add3A_539 : vector<16xf32>
        %lt3A_541 = arith.constant 0.334162563 : f32
        %lt3A_542 = vector.broadcast %lt3A_541 : f32 to vector<16xf32>
        %lt3A_543 = arith.cmpf olt, %add3A_440, %lt3A_542 : vector<16xf32>
        %jit3A_544 = arith.constant 0.000000e+00 : f32
        %broadcast_in_dim3A_545 = vector.broadcast %jit3A_544 : f32 to vector<16xf32>
        %select_n3A_546 = arith.select %lt3A_543, %add3A_540, %broadcast_in_dim3A_545 : vector<16xi1>, vector<16xf32>
        %add3A_547 = arith.addf %select_n3A_524, %select_n3A_546 : vector<16xf32>
        %add3A_548 = arith.addf %add3A_502, %add3A_547 : vector<16xf32>
        %bitcast_convert_type3A = tpu.bitcast %add3A_400 : vector<16xf32> -> vector<16xi32>
        %shift_right_arithmetic3A = arith.constant 1 : i32
        %shift_right_arithmetic3A_549 = vector.broadcast %shift_right_arithmetic3A : i32 to vector<16xi32>
        %shift_right_arithmetic3A_550 = arith.shrsi %bitcast_convert_type3A, %shift_right_arithmetic3A_549 : vector<16xi32>
        %sub3A_551 = arith.constant 1597463007 : i32
        %sub3A_552 = vector.broadcast %sub3A_551 : i32 to vector<16xi32>
        %sub3A_553 = arith.subi %sub3A_552, %shift_right_arithmetic3A_550 : vector<16xi32>
        %bitcast_convert_type3A_554 = tpu.bitcast %sub3A_553 : vector<16xi32> -> vector<16xf32>
        %mul3A_555 = arith.constant 5.000000e-01 : f32
        %mul3A_556 = vector.broadcast %mul3A_555 : f32 to vector<16xf32>
        %mul3A_557 = arith.mulf %mul3A_556, %add3A_400 : vector<16xf32>
        %mul3A_558 = arith.mulf %mul3A_557, %bitcast_convert_type3A_554 : vector<16xf32>
        %mul3A_559 = arith.mulf %mul3A_558, %bitcast_convert_type3A_554 : vector<16xf32>
        %sub3A_560 = arith.constant 1.500000e+00 : f32
        %sub3A_561 = vector.broadcast %sub3A_560 : f32 to vector<16xf32>
        %sub3A_562 = arith.subf %sub3A_561, %mul3A_559 : vector<16xf32>
        %mul3A_563 = arith.mulf %bitcast_convert_type3A_554, %sub3A_562 : vector<16xf32>
        %mul3A_564 = arith.constant 5.000000e-01 : f32
        %mul3A_565 = vector.broadcast %mul3A_564 : f32 to vector<16xf32>
        %mul3A_566 = arith.mulf %mul3A_565, %add3A_400 : vector<16xf32>
        %mul3A_567 = arith.mulf %mul3A_566, %mul3A_563 : vector<16xf32>
        %mul3A_568 = arith.mulf %mul3A_567, %mul3A_563 : vector<16xf32>
        %sub3A_569 = arith.constant 1.500000e+00 : f32
        %sub3A_570 = vector.broadcast %sub3A_569 : f32 to vector<16xf32>
        %sub3A_571 = arith.subf %sub3A_570, %mul3A_568 : vector<16xf32>
        %mul3A_572 = arith.mulf %mul3A_563, %sub3A_571 : vector<16xf32>
        %mul3A_573 = arith.constant 5.000000e-01 : f32
        %mul3A_574 = vector.broadcast %mul3A_573 : f32 to vector<16xf32>
        %mul3A_575 = arith.mulf %mul3A_574, %add3A_400 : vector<16xf32>
        %mul3A_576 = arith.mulf %mul3A_575, %mul3A_572 : vector<16xf32>
        %mul3A_577 = arith.mulf %mul3A_576, %mul3A_572 : vector<16xf32>
        %sub3A_578 = arith.constant 1.500000e+00 : f32
        %sub3A_579 = vector.broadcast %sub3A_578 : f32 to vector<16xf32>
        %sub3A_580 = arith.subf %sub3A_579, %mul3A_577 : vector<16xf32>
        %mul3A_581 = arith.mulf %mul3A_572, %sub3A_580 : vector<16xf32>
        %mul3A_582 = arith.mulf %add3A_400, %mul3A_581 : vector<16xf32>
        %convert_element_type3A_583 = arith.fptosi %gather3A_282 : vector<16xf32> to vector<16xi32>
        %convert_element_type3A_584 = arith.fptosi %gather3A_312 : vector<16xf32> to vector<16xi32>
        %mul3A_585 = arith.constant 4 : i32
        %mul3A_586 = vector.broadcast %mul3A_585 : i32 to vector<16xi32>
        %mul3A_587 = arith.muli %convert_element_type3A_583, %mul3A_586 : vector<16xi32>
        %add3A_588 = arith.addi %mul3A_587, %convert_element_type3A_584 : vector<16xi32>
        %gather3A_589 = tpu.vector_load_idx %arg11[%add3A_588] : memref<16xf32, #tpu.memory_space<vmem>>[vector<16xi32>], vector<16xf32>,
        %add3A_590 = arith.addi %convert_element_type3A_583, %convert_element_type3A_584 : vector<16xi32>
        %eq3A = arith.constant 3 : i32
        %eq3A_591 = vector.broadcast %eq3A : i32 to vector<16xi32>
        %eq3A_592 = arith.cmpi eq, %add3A_590, %eq3A_591 : vector<16xi32>
        %jit3A_593 = arith.constant 1.000000e+00 : f32
        %jit3A_594 = arith.constant 0.000000e+00 : f32
        %broadcast_in_dim3A_595 = vector.broadcast %jit3A_593 : f32 to vector<16xf32>
        %broadcast_in_dim3A_596 = vector.broadcast %jit3A_594 : f32 to vector<16xf32>
        %select_n3A_597 = arith.select %eq3A_592, %broadcast_in_dim3A_595, %broadcast_in_dim3A_596 : vector<16xi1>, vector<16xf32>
        %mul3A_598 = arith.mulf %gather3A_264, %gather3A_294 : vector<16xf32>
        %mul3A_599 = arith.mulf %gather3A_267, %gather3A_297 : vector<16xf32>
        %add3A_600 = arith.addf %mul3A_598, %mul3A_599 : vector<16xf32>
        %mul3A_601 = arith.mulf %gather3A_270, %gather3A_300 : vector<16xf32>
        %add3A_602 = arith.addf %add3A_600, %mul3A_601 : vector<16xf32>
        %neg3A = arith.constant 0.000000e+00 : f32
        %neg3A_603 = vector.broadcast %neg3A : f32 to vector<16xf32>
        %neg3A_604 = arith.subf %neg3A_603, %add3A_602 : vector<16xf32>
        %max3A_605 = arith.constant 0.000000e+00 : f32
        %max3A_606 = vector.broadcast %max3A_605 : f32 to vector<16xf32>
        %max3A_607 = arith.maximumf %neg3A_604, %max3A_606 : vector<16xf32>
        %min3A = arith.constant 1.000000e+00 : f32
        %min3A_608 = vector.broadcast %min3A : f32 to vector<16xf32>
        %min3A_609 = arith.minimumf %max3A_607, %min3A_608 : vector<16xf32>
        %sub3A_610 = arith.constant 4.000000e-01 : f32
        %sub3A_611 = vector.broadcast %sub3A_610 : f32 to vector<16xf32>
        %sub3A_612 = arith.subf %mul3A_582, %sub3A_611 : vector<16xf32>
        %mul3A_613 = arith.constant 4.000000e+00 : f32
        %mul3A_614 = vector.broadcast %mul3A_613 : f32 to vector<16xf32>
        %mul3A_615 = arith.mulf %sub3A_612, %mul3A_614 : vector<16xf32>
        %neg3A_616 = arith.constant 0.000000e+00 : f32
        %neg3A_617 = vector.broadcast %neg3A_616 : f32 to vector<16xf32>
        %neg3A_618 = arith.subf %neg3A_617, %gather3A_589 : vector<16xf32>
        %mul3A_619 = arith.mulf %neg3A_618, %select_n3A_597 : vector<16xf32>
        %neg3A_620 = arith.constant 0.000000e+00 : f32
        %neg3A_621 = vector.broadcast %neg3A_620 : f32 to vector<16xf32>
        %neg3A_622 = arith.subf %neg3A_621, %mul3A_615 : vector<16xf32>
        %mul3A_623 = arith.mulf %neg3A_622, %mul3A_615 : vector<16xf32>
        %exp3A = math.exp %mul3A_623 : vector<16xf32>
        %mul3A_624 = arith.mulf %mul3A_619, %exp3A : vector<16xf32>
        %mul3A_625 = arith.mulf %mul3A_624, %min3A_609 : vector<16xf32>
        %add3A_626 = arith.addf %add3A_548, %mul3A_625 : vector<16xf32>
        %mul3A_627 = arith.mulf %gather3A_273, %gather3A_303 : vector<16xf32>
        %mul3A_628 = arith.mulf %gather3A_276, %gather3A_306 : vector<16xf32>
        %add3A_629 = arith.addf %mul3A_627, %mul3A_628 : vector<16xf32>
        %mul3A_630 = arith.mulf %gather3A_279, %gather3A_309 : vector<16xf32>
        %add3A_631 = arith.addf %add3A_629, %mul3A_630 : vector<16xf32>
        %max3A_632 = arith.constant 0.000000e+00 : f32
        %max3A_633 = vector.broadcast %max3A_632 : f32 to vector<16xf32>
        %max3A_634 = arith.maximumf %add3A_631, %max3A_633 : vector<16xf32>
        %min3A_635 = arith.constant 1.000000e+00 : f32
        %min3A_636 = vector.broadcast %min3A_635 : f32 to vector<16xf32>
        %min3A_637 = arith.minimumf %max3A_634, %min3A_636 : vector<16xf32>
        %sub3A_638 = arith.constant 5.750000e-01 : f32
        %sub3A_639 = vector.broadcast %sub3A_638 : f32 to vector<16xf32>
        %sub3A_640 = arith.subf %mul3A_582, %sub3A_639 : vector<16xf32>
        %mul3A_641 = arith.constant 4.000000e+00 : f32
        %mul3A_642 = vector.broadcast %mul3A_641 : f32 to vector<16xf32>
        %mul3A_643 = arith.mulf %sub3A_640, %mul3A_642 : vector<16xf32>
        %neg3A_644 = arith.constant 0.000000e+00 : f32
        %neg3A_645 = vector.broadcast %neg3A_644 : f32 to vector<16xf32>
        %neg3A_646 = arith.subf %neg3A_645, %mul3A_643 : vector<16xf32>
        %mul3A_647 = arith.mulf %neg3A_646, %mul3A_643 : vector<16xf32>
        %exp3A_648 = math.exp %mul3A_647 : vector<16xf32>
        %neg3A_649 = arith.constant 0.000000e+00 : f32
        %neg3A_650 = vector.broadcast %neg3A_649 : f32 to vector<16xf32>
        %neg3A_651 = arith.subf %neg3A_650, %exp3A_648 : vector<16xf32>
        %mul3A_652 = arith.mulf %neg3A_651, %min3A_637 : vector<16xf32>
        %add3A_653 = arith.addf %add3A_626, %mul3A_652 : vector<16xf32>
        %bitcast_convert_type3A_654 = tpu.bitcast %add3A_460 : vector<16xf32> -> vector<16xi32>
        %shift_right_arithmetic3A_655 = arith.constant 1 : i32
        %shift_right_arithmetic3A_656 = vector.broadcast %shift_right_arithmetic3A_655 : i32 to vector<16xi32>
        %shift_right_arithmetic3A_657 = arith.shrsi %bitcast_convert_type3A_654, %shift_right_arithmetic3A_656 : vector<16xi32>
        %sub3A_658 = arith.constant 1597463007 : i32
        %sub3A_659 = vector.broadcast %sub3A_658 : i32 to vector<16xi32>
        %sub3A_660 = arith.subi %sub3A_659, %shift_right_arithmetic3A_657 : vector<16xi32>
        %bitcast_convert_type3A_661 = tpu.bitcast %sub3A_660 : vector<16xi32> -> vector<16xf32>
        %mul3A_662 = arith.constant 5.000000e-01 : f32
        %mul3A_663 = vector.broadcast %mul3A_662 : f32 to vector<16xf32>
        %mul3A_664 = arith.mulf %mul3A_663, %add3A_460 : vector<16xf32>
        %mul3A_665 = arith.mulf %mul3A_664, %bitcast_convert_type3A_661 : vector<16xf32>
        %mul3A_666 = arith.mulf %mul3A_665, %bitcast_convert_type3A_661 : vector<16xf32>
        %sub3A_667 = arith.constant 1.500000e+00 : f32
        %sub3A_668 = vector.broadcast %sub3A_667 : f32 to vector<16xf32>
        %sub3A_669 = arith.subf %sub3A_668, %mul3A_666 : vector<16xf32>
        %mul3A_670 = arith.mulf %bitcast_convert_type3A_661, %sub3A_669 : vector<16xf32>
        %mul3A_671 = arith.constant 5.000000e-01 : f32
        %mul3A_672 = vector.broadcast %mul3A_671 : f32 to vector<16xf32>
        %mul3A_673 = arith.mulf %mul3A_672, %add3A_460 : vector<16xf32>
        %mul3A_674 = arith.mulf %mul3A_673, %mul3A_670 : vector<16xf32>
        %mul3A_675 = arith.mulf %mul3A_674, %mul3A_670 : vector<16xf32>
        %sub3A_676 = arith.constant 1.500000e+00 : f32
        %sub3A_677 = vector.broadcast %sub3A_676 : f32 to vector<16xf32>
        %sub3A_678 = arith.subf %sub3A_677, %mul3A_675 : vector<16xf32>
        %mul3A_679 = arith.mulf %mul3A_670, %sub3A_678 : vector<16xf32>
        %mul3A_680 = arith.constant 5.000000e-01 : f32
        %mul3A_681 = vector.broadcast %mul3A_680 : f32 to vector<16xf32>
        %mul3A_682 = arith.mulf %mul3A_681, %add3A_460 : vector<16xf32>
        %mul3A_683 = arith.mulf %mul3A_682, %mul3A_679 : vector<16xf32>
        %mul3A_684 = arith.mulf %mul3A_683, %mul3A_679 : vector<16xf32>
        %sub3A_685 = arith.constant 1.500000e+00 : f32
        %sub3A_686 = vector.broadcast %sub3A_685 : f32 to vector<16xf32>
        %sub3A_687 = arith.subf %sub3A_686, %mul3A_684 : vector<16xf32>
        %mul3A_688 = arith.mulf %mul3A_679, %sub3A_687 : vector<16xf32>
        %mul3A_689 = arith.mulf %add3A_460, %mul3A_688 : vector<16xf32>
        %sub3A_690 = arith.constant 4.000000e-01 : f32
        %sub3A_691 = vector.broadcast %sub3A_690 : f32 to vector<16xf32>
        %sub3A_692 = arith.subf %mul3A_689, %sub3A_691 : vector<16xf32>
        %mul3A_693 = arith.constant 4.000000e+00 : f32
        %mul3A_694 = vector.broadcast %mul3A_693 : f32 to vector<16xf32>
        %mul3A_695 = arith.mulf %sub3A_692, %mul3A_694 : vector<16xf32>
        %neg3A_696 = arith.constant 0.000000e+00 : f32
        %neg3A_697 = vector.broadcast %neg3A_696 : f32 to vector<16xf32>
        %neg3A_698 = arith.subf %neg3A_697, %mul3A_695 : vector<16xf32>
        %mul3A_699 = arith.mulf %neg3A_698, %mul3A_695 : vector<16xf32>
        %exp3A_700 = math.exp %mul3A_699 : vector<16xf32>
        %mul3A_701 = arith.constant -1.300000e+00 : f32
        %mul3A_702 = vector.broadcast %mul3A_701 : f32 to vector<16xf32>
        %mul3A_703 = arith.mulf %mul3A_702, %exp3A_700 : vector<16xf32>
        %mul3A_704 = arith.mulf %mul3A_703, %min3A_637 : vector<16xf32>
        %mul3A_705 = arith.mulf %mul3A_704, %min3A_637 : vector<16xf32>
        %add3A_706 = arith.addf %add3A_653, %mul3A_705 : vector<16xf32>
        %add3A_707 = arith.addf %scan3A_247, %add3A_706 : vector<16xf32>
        %add3A_708 = arith.constant 16 : i32
        %add3A_709 = vector.broadcast %add3A_708 : i32 to vector<16xi32>
        %add3A_710 = arith.addi %add3A_253, %add3A_709 : vector<16xi32>
        %broadcast_in_dim3A_711 = arith.constant 0 : i32
        %broadcast_in_dim3A_712 = vector.broadcast %broadcast_in_dim3A_711 : i32 to vector<16xi32>
        %gather3A_713 = tpu.vector_load_idx %arg9[%add3A_710, %broadcast_in_dim3A_712] : memref<1280x16xf32, #tpu.memory_space<vmem>>[vector<16xi32>, vector<16xi32>], vector<16xf32>,
        %broadcast_in_dim3A_714 = arith.constant 1 : i32
        %broadcast_in_dim3A_715 = vector.broadcast %broadcast_in_dim3A_714 : i32 to vector<16xi32>
        %gather3A_716 = tpu.vector_load_idx %arg9[%add3A_710, %broadcast_in_dim3A_715] : memref<1280x16xf32, #tpu.memory_space<vmem>>[vector<16xi32>, vector<16xi32>], vector<16xf32>,
        %broadcast_in_dim3A_717 = arith.constant 2 : i32
        %broadcast_in_dim3A_718 = vector.broadcast %broadcast_in_dim3A_717 : i32 to vector<16xi32>
        %gather3A_719 = tpu.vector_load_idx %arg9[%add3A_710, %broadcast_in_dim3A_718] : memref<1280x16xf32, #tpu.memory_space<vmem>>[vector<16xi32>, vector<16xi32>], vector<16xf32>,
        %broadcast_in_dim3A_720 = arith.constant 3 : i32
        %broadcast_in_dim3A_721 = vector.broadcast %broadcast_in_dim3A_720 : i32 to vector<16xi32>
        %gather3A_722 = tpu.vector_load_idx %arg9[%add3A_710, %broadcast_in_dim3A_721] : memref<1280x16xf32, #tpu.memory_space<vmem>>[vector<16xi32>, vector<16xi32>], vector<16xf32>,
        %broadcast_in_dim3A_723 = arith.constant 4 : i32
        %broadcast_in_dim3A_724 = vector.broadcast %broadcast_in_dim3A_723 : i32 to vector<16xi32>
        %gather3A_725 = tpu.vector_load_idx %arg9[%add3A_710, %broadcast_in_dim3A_724] : memref<1280x16xf32, #tpu.memory_space<vmem>>[vector<16xi32>, vector<16xi32>], vector<16xf32>,
        %broadcast_in_dim3A_726 = arith.constant 5 : i32
        %broadcast_in_dim3A_727 = vector.broadcast %broadcast_in_dim3A_726 : i32 to vector<16xi32>
        %gather3A_728 = tpu.vector_load_idx %arg9[%add3A_710, %broadcast_in_dim3A_727] : memref<1280x16xf32, #tpu.memory_space<vmem>>[vector<16xi32>, vector<16xi32>], vector<16xf32>,
        %broadcast_in_dim3A_729 = arith.constant 6 : i32
        %broadcast_in_dim3A_730 = vector.broadcast %broadcast_in_dim3A_729 : i32 to vector<16xi32>
        %gather3A_731 = tpu.vector_load_idx %arg9[%add3A_710, %broadcast_in_dim3A_730] : memref<1280x16xf32, #tpu.memory_space<vmem>>[vector<16xi32>, vector<16xi32>], vector<16xf32>,
        %broadcast_in_dim3A_732 = arith.constant 7 : i32
        %broadcast_in_dim3A_733 = vector.broadcast %broadcast_in_dim3A_732 : i32 to vector<16xi32>
        %gather3A_734 = tpu.vector_load_idx %arg9[%add3A_710, %broadcast_in_dim3A_733] : memref<1280x16xf32, #tpu.memory_space<vmem>>[vector<16xi32>, vector<16xi32>], vector<16xf32>,
        %broadcast_in_dim3A_735 = arith.constant 8 : i32
        %broadcast_in_dim3A_736 = vector.broadcast %broadcast_in_dim3A_735 : i32 to vector<16xi32>
        %gather3A_737 = tpu.vector_load_idx %arg9[%add3A_710, %broadcast_in_dim3A_736] : memref<1280x16xf32, #tpu.memory_space<vmem>>[vector<16xi32>, vector<16xi32>], vector<16xf32>,
        %broadcast_in_dim3A_738 = arith.constant 9 : i32
        %broadcast_in_dim3A_739 = vector.broadcast %broadcast_in_dim3A_738 : i32 to vector<16xi32>
        %gather3A_740 = tpu.vector_load_idx %arg9[%add3A_710, %broadcast_in_dim3A_739] : memref<1280x16xf32, #tpu.memory_space<vmem>>[vector<16xi32>, vector<16xi32>], vector<16xf32>,
        %broadcast_in_dim3A_741 = arith.constant 0 : i32
        %broadcast_in_dim3A_742 = vector.broadcast %broadcast_in_dim3A_741 : i32 to vector<16xi32>
        %gather3A_743 = tpu.vector_load_idx %arg10[%add3A_710, %broadcast_in_dim3A_742] : memref<1280x16xf32, #tpu.memory_space<vmem>>[vector<16xi32>, vector<16xi32>], vector<16xf32>,
        %broadcast_in_dim3A_744 = arith.constant 1 : i32
        %broadcast_in_dim3A_745 = vector.broadcast %broadcast_in_dim3A_744 : i32 to vector<16xi32>
        %gather3A_746 = tpu.vector_load_idx %arg10[%add3A_710, %broadcast_in_dim3A_745] : memref<1280x16xf32, #tpu.memory_space<vmem>>[vector<16xi32>, vector<16xi32>], vector<16xf32>,
        %broadcast_in_dim3A_747 = arith.constant 2 : i32
        %broadcast_in_dim3A_748 = vector.broadcast %broadcast_in_dim3A_747 : i32 to vector<16xi32>
        %gather3A_749 = tpu.vector_load_idx %arg10[%add3A_710, %broadcast_in_dim3A_748] : memref<1280x16xf32, #tpu.memory_space<vmem>>[vector<16xi32>, vector<16xi32>], vector<16xf32>,
        %broadcast_in_dim3A_750 = arith.constant 3 : i32
        %broadcast_in_dim3A_751 = vector.broadcast %broadcast_in_dim3A_750 : i32 to vector<16xi32>
        %gather3A_752 = tpu.vector_load_idx %arg10[%add3A_710, %broadcast_in_dim3A_751] : memref<1280x16xf32, #tpu.memory_space<vmem>>[vector<16xi32>, vector<16xi32>], vector<16xf32>,
        %broadcast_in_dim3A_753 = arith.constant 4 : i32
        %broadcast_in_dim3A_754 = vector.broadcast %broadcast_in_dim3A_753 : i32 to vector<16xi32>
        %gather3A_755 = tpu.vector_load_idx %arg10[%add3A_710, %broadcast_in_dim3A_754] : memref<1280x16xf32, #tpu.memory_space<vmem>>[vector<16xi32>, vector<16xi32>], vector<16xf32>,
        %broadcast_in_dim3A_756 = arith.constant 5 : i32
        %broadcast_in_dim3A_757 = vector.broadcast %broadcast_in_dim3A_756 : i32 to vector<16xi32>
        %gather3A_758 = tpu.vector_load_idx %arg10[%add3A_710, %broadcast_in_dim3A_757] : memref<1280x16xf32, #tpu.memory_space<vmem>>[vector<16xi32>, vector<16xi32>], vector<16xf32>,
        %broadcast_in_dim3A_759 = arith.constant 6 : i32
        %broadcast_in_dim3A_760 = vector.broadcast %broadcast_in_dim3A_759 : i32 to vector<16xi32>
        %gather3A_761 = tpu.vector_load_idx %arg10[%add3A_710, %broadcast_in_dim3A_760] : memref<1280x16xf32, #tpu.memory_space<vmem>>[vector<16xi32>, vector<16xi32>], vector<16xf32>,
        %broadcast_in_dim3A_762 = arith.constant 7 : i32
        %broadcast_in_dim3A_763 = vector.broadcast %broadcast_in_dim3A_762 : i32 to vector<16xi32>
        %gather3A_764 = tpu.vector_load_idx %arg10[%add3A_710, %broadcast_in_dim3A_763] : memref<1280x16xf32, #tpu.memory_space<vmem>>[vector<16xi32>, vector<16xi32>], vector<16xf32>,
        %broadcast_in_dim3A_765 = arith.constant 8 : i32
        %broadcast_in_dim3A_766 = vector.broadcast %broadcast_in_dim3A_765 : i32 to vector<16xi32>
        %gather3A_767 = tpu.vector_load_idx %arg10[%add3A_710, %broadcast_in_dim3A_766] : memref<1280x16xf32, #tpu.memory_space<vmem>>[vector<16xi32>, vector<16xi32>], vector<16xf32>,
        %broadcast_in_dim3A_768 = arith.constant 9 : i32
        %broadcast_in_dim3A_769 = vector.broadcast %broadcast_in_dim3A_768 : i32 to vector<16xi32>
        %gather3A_770 = tpu.vector_load_idx %arg10[%add3A_710, %broadcast_in_dim3A_769] : memref<1280x16xf32, #tpu.memory_space<vmem>>[vector<16xi32>, vector<16xi32>], vector<16xf32>,
        %sub3A_771 = arith.subf %gather3A_743, %gather3A_713 : vector<16xf32>
        %gt3A_772 = arith.constant 2.500000e+01 : f32
        %gt3A_773 = vector.broadcast %gt3A_772 : f32 to vector<16xf32>
        %gt3A_774 = arith.cmpf ogt, %sub3A_771, %gt3A_773 : vector<16xf32>
        %sub3A_775 = arith.constant 5.000000e+01 : f32
        %sub3A_776 = vector.broadcast %sub3A_775 : f32 to vector<16xf32>
        %sub3A_777 = arith.subf %sub3A_771, %sub3A_776 : vector<16xf32>
        %lt3A_778 = arith.constant -2.500000e+01 : f32
        %lt3A_779 = vector.broadcast %lt3A_778 : f32 to vector<16xf32>
        %lt3A_780 = arith.cmpf olt, %sub3A_771, %lt3A_779 : vector<16xf32>
        %add3A_781 = arith.constant 5.000000e+01 : f32
        %add3A_782 = vector.broadcast %add3A_781 : f32 to vector<16xf32>
        %add3A_783 = arith.addf %sub3A_771, %add3A_782 : vector<16xf32>
        %select_n3A_784 = arith.select %lt3A_780, %add3A_783, %sub3A_771 : vector<16xi1>, vector<16xf32>
        %select_n3A_785 = arith.select %gt3A_774, %sub3A_777, %select_n3A_784 : vector<16xi1>, vector<16xf32>
        %sub3A_786 = arith.subf %gather3A_746, %gather3A_716 : vector<16xf32>
        %gt3A_787 = arith.constant 2.500000e+01 : f32
        %gt3A_788 = vector.broadcast %gt3A_787 : f32 to vector<16xf32>
        %gt3A_789 = arith.cmpf ogt, %sub3A_786, %gt3A_788 : vector<16xf32>
        %sub3A_790 = arith.constant 5.000000e+01 : f32
        %sub3A_791 = vector.broadcast %sub3A_790 : f32 to vector<16xf32>
        %sub3A_792 = arith.subf %sub3A_786, %sub3A_791 : vector<16xf32>
        %lt3A_793 = arith.constant -2.500000e+01 : f32
        %lt3A_794 = vector.broadcast %lt3A_793 : f32 to vector<16xf32>
        %lt3A_795 = arith.cmpf olt, %sub3A_786, %lt3A_794 : vector<16xf32>
        %add3A_796 = arith.constant 5.000000e+01 : f32
        %add3A_797 = vector.broadcast %add3A_796 : f32 to vector<16xf32>
        %add3A_798 = arith.addf %sub3A_786, %add3A_797 : vector<16xf32>
        %select_n3A_799 = arith.select %lt3A_795, %add3A_798, %sub3A_786 : vector<16xi1>, vector<16xf32>
        %select_n3A_800 = arith.select %gt3A_789, %sub3A_792, %select_n3A_799 : vector<16xi1>, vector<16xf32>
        %sub3A_801 = arith.subf %gather3A_749, %gather3A_719 : vector<16xf32>
        %gt3A_802 = arith.constant 2.500000e+01 : f32
        %gt3A_803 = vector.broadcast %gt3A_802 : f32 to vector<16xf32>
        %gt3A_804 = arith.cmpf ogt, %sub3A_801, %gt3A_803 : vector<16xf32>
        %sub3A_805 = arith.constant 5.000000e+01 : f32
        %sub3A_806 = vector.broadcast %sub3A_805 : f32 to vector<16xf32>
        %sub3A_807 = arith.subf %sub3A_801, %sub3A_806 : vector<16xf32>
        %lt3A_808 = arith.constant -2.500000e+01 : f32
        %lt3A_809 = vector.broadcast %lt3A_808 : f32 to vector<16xf32>
        %lt3A_810 = arith.cmpf olt, %sub3A_801, %lt3A_809 : vector<16xf32>
        %add3A_811 = arith.constant 5.000000e+01 : f32
        %add3A_812 = vector.broadcast %add3A_811 : f32 to vector<16xf32>
        %add3A_813 = arith.addf %sub3A_801, %add3A_812 : vector<16xf32>
        %select_n3A_814 = arith.select %lt3A_810, %add3A_813, %sub3A_801 : vector<16xi1>, vector<16xf32>
        %select_n3A_815 = arith.select %gt3A_804, %sub3A_807, %select_n3A_814 : vector<16xi1>, vector<16xf32>
        %sub3A_816 = arith.subf %gather3A_752, %gather3A_722 : vector<16xf32>
        %sub3A_817 = arith.subf %gather3A_755, %gather3A_725 : vector<16xf32>
        %sub3A_818 = arith.subf %gather3A_758, %gather3A_728 : vector<16xf32>
        %add3A_819 = arith.addf %gather3A_752, %gather3A_722 : vector<16xf32>
        %add3A_820 = arith.addf %gather3A_755, %gather3A_725 : vector<16xf32>
        %add3A_821 = arith.addf %gather3A_758, %gather3A_728 : vector<16xf32>
        %mul3A_822 = arith.constant -4.000000e-01 : f32
        %mul3A_823 = vector.broadcast %mul3A_822 : f32 to vector<16xf32>
        %mul3A_824 = arith.mulf %mul3A_823, %sub3A_816 : vector<16xf32>
        %add3A_825 = arith.addf %select_n3A_785, %mul3A_824 : vector<16xf32>
        %mul3A_826 = arith.constant -4.000000e-01 : f32
        %mul3A_827 = vector.broadcast %mul3A_826 : f32 to vector<16xf32>
        %mul3A_828 = arith.mulf %mul3A_827, %sub3A_817 : vector<16xf32>
        %add3A_829 = arith.addf %select_n3A_800, %mul3A_828 : vector<16xf32>
        %mul3A_830 = arith.constant -4.000000e-01 : f32
        %mul3A_831 = vector.broadcast %mul3A_830 : f32 to vector<16xf32>
        %mul3A_832 = arith.mulf %mul3A_831, %sub3A_818 : vector<16xf32>
        %add3A_833 = arith.addf %select_n3A_815, %mul3A_832 : vector<16xf32>
        %mul3A_834 = arith.mulf %add3A_825, %add3A_825 : vector<16xf32>
        %mul3A_835 = arith.mulf %add3A_829, %add3A_829 : vector<16xf32>
        %add3A_836 = arith.addf %mul3A_834, %mul3A_835 : vector<16xf32>
        %mul3A_837 = arith.mulf %add3A_833, %add3A_833 : vector<16xf32>
        %add3A_838 = arith.addf %add3A_836, %mul3A_837 : vector<16xf32>
        %add3A_839 = arith.constant 9.99999996E-13 : f32
        %add3A_840 = vector.broadcast %add3A_839 : f32 to vector<16xf32>
        %add3A_841 = arith.addf %add3A_838, %add3A_840 : vector<16xf32>
        %mul3A_842 = arith.constant 4.000000e-01 : f32
        %mul3A_843 = vector.broadcast %mul3A_842 : f32 to vector<16xf32>
        %mul3A_844 = arith.mulf %mul3A_843, %sub3A_816 : vector<16xf32>
        %add3A_845 = arith.addf %select_n3A_785, %mul3A_844 : vector<16xf32>
        %mul3A_846 = arith.constant 4.000000e-01 : f32
        %mul3A_847 = vector.broadcast %mul3A_846 : f32 to vector<16xf32>
        %mul3A_848 = arith.mulf %mul3A_847, %sub3A_817 : vector<16xf32>
        %add3A_849 = arith.addf %select_n3A_800, %mul3A_848 : vector<16xf32>
        %mul3A_850 = arith.constant 4.000000e-01 : f32
        %mul3A_851 = vector.broadcast %mul3A_850 : f32 to vector<16xf32>
        %mul3A_852 = arith.mulf %mul3A_851, %sub3A_818 : vector<16xf32>
        %add3A_853 = arith.addf %select_n3A_815, %mul3A_852 : vector<16xf32>
        %mul3A_854 = arith.mulf %add3A_845, %add3A_845 : vector<16xf32>
        %mul3A_855 = arith.mulf %add3A_849, %add3A_849 : vector<16xf32>
        %add3A_856 = arith.addf %mul3A_854, %mul3A_855 : vector<16xf32>
        %mul3A_857 = arith.mulf %add3A_853, %add3A_853 : vector<16xf32>
        %add3A_858 = arith.addf %add3A_856, %mul3A_857 : vector<16xf32>
        %add3A_859 = arith.constant 9.99999996E-13 : f32
        %add3A_860 = vector.broadcast %add3A_859 : f32 to vector<16xf32>
        %add3A_861 = arith.addf %add3A_858, %add3A_860 : vector<16xf32>
        %mul3A_862 = arith.constant 4.000000e-01 : f32
        %mul3A_863 = vector.broadcast %mul3A_862 : f32 to vector<16xf32>
        %mul3A_864 = arith.mulf %mul3A_863, %add3A_819 : vector<16xf32>
        %add3A_865 = arith.addf %select_n3A_785, %mul3A_864 : vector<16xf32>
        %mul3A_866 = arith.constant 4.000000e-01 : f32
        %mul3A_867 = vector.broadcast %mul3A_866 : f32 to vector<16xf32>
        %mul3A_868 = arith.mulf %mul3A_867, %add3A_820 : vector<16xf32>
        %add3A_869 = arith.addf %select_n3A_800, %mul3A_868 : vector<16xf32>
        %mul3A_870 = arith.constant 4.000000e-01 : f32
        %mul3A_871 = vector.broadcast %mul3A_870 : f32 to vector<16xf32>
        %mul3A_872 = arith.mulf %mul3A_871, %add3A_821 : vector<16xf32>
        %add3A_873 = arith.addf %select_n3A_815, %mul3A_872 : vector<16xf32>
        %mul3A_874 = arith.mulf %add3A_865, %add3A_865 : vector<16xf32>
        %mul3A_875 = arith.mulf %add3A_869, %add3A_869 : vector<16xf32>
        %add3A_876 = arith.addf %mul3A_874, %mul3A_875 : vector<16xf32>
        %mul3A_877 = arith.mulf %add3A_873, %add3A_873 : vector<16xf32>
        %add3A_878 = arith.addf %add3A_876, %mul3A_877 : vector<16xf32>
        %add3A_879 = arith.constant 9.99999996E-13 : f32
        %add3A_880 = vector.broadcast %add3A_879 : f32 to vector<16xf32>
        %add3A_881 = arith.addf %add3A_878, %add3A_880 : vector<16xf32>
        %mul3A_882 = arith.constant -4.000000e-01 : f32
        %mul3A_883 = vector.broadcast %mul3A_882 : f32 to vector<16xf32>
        %mul3A_884 = arith.mulf %mul3A_883, %add3A_819 : vector<16xf32>
        %add3A_885 = arith.addf %select_n3A_785, %mul3A_884 : vector<16xf32>
        %mul3A_886 = arith.constant -4.000000e-01 : f32
        %mul3A_887 = vector.broadcast %mul3A_886 : f32 to vector<16xf32>
        %mul3A_888 = arith.mulf %mul3A_887, %add3A_820 : vector<16xf32>
        %add3A_889 = arith.addf %select_n3A_800, %mul3A_888 : vector<16xf32>
        %mul3A_890 = arith.constant -4.000000e-01 : f32
        %mul3A_891 = vector.broadcast %mul3A_890 : f32 to vector<16xf32>
        %mul3A_892 = arith.mulf %mul3A_891, %add3A_821 : vector<16xf32>
        %add3A_893 = arith.addf %select_n3A_815, %mul3A_892 : vector<16xf32>
        %mul3A_894 = arith.mulf %add3A_885, %add3A_885 : vector<16xf32>
        %mul3A_895 = arith.mulf %add3A_889, %add3A_889 : vector<16xf32>
        %add3A_896 = arith.addf %mul3A_894, %mul3A_895 : vector<16xf32>
        %mul3A_897 = arith.mulf %add3A_893, %add3A_893 : vector<16xf32>
        %add3A_898 = arith.addf %add3A_896, %mul3A_897 : vector<16xf32>
        %add3A_899 = arith.constant 9.99999996E-13 : f32
        %add3A_900 = vector.broadcast %add3A_899 : f32 to vector<16xf32>
        %add3A_901 = arith.addf %add3A_898, %add3A_900 : vector<16xf32>
        %mul3A_902 = arith.constant 3.400000e-01 : f32
        %mul3A_903 = vector.broadcast %mul3A_902 : f32 to vector<16xf32>
        %mul3A_904 = arith.mulf %mul3A_903, %sub3A_816 : vector<16xf32>
        %add3A_905 = arith.addf %select_n3A_785, %mul3A_904 : vector<16xf32>
        %mul3A_906 = arith.constant 3.400000e-01 : f32
        %mul3A_907 = vector.broadcast %mul3A_906 : f32 to vector<16xf32>
        %mul3A_908 = arith.mulf %mul3A_907, %sub3A_817 : vector<16xf32>
        %add3A_909 = arith.addf %select_n3A_800, %mul3A_908 : vector<16xf32>
        %mul3A_910 = arith.constant 3.400000e-01 : f32
        %mul3A_911 = vector.broadcast %mul3A_910 : f32 to vector<16xf32>
        %mul3A_912 = arith.mulf %mul3A_911, %sub3A_818 : vector<16xf32>
        %add3A_913 = arith.addf %select_n3A_815, %mul3A_912 : vector<16xf32>
        %mul3A_914 = arith.mulf %add3A_905, %add3A_905 : vector<16xf32>
        %mul3A_915 = arith.mulf %add3A_909, %add3A_909 : vector<16xf32>
        %add3A_916 = arith.addf %mul3A_914, %mul3A_915 : vector<16xf32>
        %mul3A_917 = arith.mulf %add3A_913, %add3A_913 : vector<16xf32>
        %add3A_918 = arith.addf %add3A_916, %mul3A_917 : vector<16xf32>
        %add3A_919 = arith.constant 9.99999996E-13 : f32
        %add3A_920 = vector.broadcast %add3A_919 : f32 to vector<16xf32>
        %add3A_921 = arith.addf %add3A_918, %add3A_920 : vector<16xf32>
        %max3A_922 = arith.constant 4.900000e-03 : f32
        %max3A_923 = vector.broadcast %max3A_922 : f32 to vector<16xf32>
        %max3A_924 = arith.maximumf %add3A_841, %max3A_923 : vector<16xf32>
        %div3A_925 = arith.constant 4.900000e-01 : f32
        %div3A_926 = vector.broadcast %div3A_925 : f32 to vector<16xf32>
        %div3A_927 = arith.divf %div3A_926, %max3A_924 : vector<16xf32>
        %mul3A_928 = arith.mulf %div3A_927, %div3A_927 : vector<16xf32>
        %mul3A_929 = arith.mulf %mul3A_928, %div3A_927 : vector<16xf32>
        %mul3A_930 = arith.mulf %mul3A_929, %mul3A_929 : vector<16xf32>
        %sub3A_931 = arith.subf %mul3A_930, %mul3A_929 : vector<16xf32>
        %mul3A_932 = arith.constant 8.000000e+00 : f32
        %mul3A_933 = vector.broadcast %mul3A_932 : f32 to vector<16xf32>
        %mul3A_934 = arith.mulf %mul3A_933, %sub3A_931 : vector<16xf32>
        %add3A_935 = arith.constant 2.000000e+00 : f32
        %add3A_936 = vector.broadcast %add3A_935 : f32 to vector<16xf32>
        %add3A_937 = arith.addf %mul3A_934, %add3A_936 : vector<16xf32>
        %lt3A_938 = arith.constant 0.617361307 : f32
        %lt3A_939 = vector.broadcast %lt3A_938 : f32 to vector<16xf32>
        %lt3A_940 = arith.cmpf olt, %add3A_841, %lt3A_939 : vector<16xf32>
        %jit3A_941 = arith.constant 0.000000e+00 : f32
        %broadcast_in_dim3A_942 = vector.broadcast %jit3A_941 : f32 to vector<16xf32>
        %select_n3A_943 = arith.select %lt3A_940, %add3A_937, %broadcast_in_dim3A_942 : vector<16xi1>, vector<16xf32>
        %max3A_944 = arith.constant 1.089000e-03 : f32
        %max3A_945 = vector.broadcast %max3A_944 : f32 to vector<16xf32>
        %max3A_946 = arith.maximumf %add3A_861, %max3A_945 : vector<16xf32>
        %div3A_947 = arith.constant 1.089000e-01 : f32
        %div3A_948 = vector.broadcast %div3A_947 : f32 to vector<16xf32>
        %div3A_949 = arith.divf %div3A_948, %max3A_946 : vector<16xf32>
        %mul3A_950 = arith.mulf %div3A_949, %div3A_949 : vector<16xf32>
        %mul3A_951 = arith.mulf %mul3A_950, %div3A_949 : vector<16xf32>
        %mul3A_952 = arith.mulf %mul3A_951, %mul3A_951 : vector<16xf32>
        %sub3A_953 = arith.subf %mul3A_952, %mul3A_951 : vector<16xf32>
        %mul3A_954 = arith.constant 8.000000e+00 : f32
        %mul3A_955 = vector.broadcast %mul3A_954 : f32 to vector<16xf32>
        %mul3A_956 = arith.mulf %mul3A_955, %sub3A_953 : vector<16xf32>
        %add3A_957 = arith.constant 2.000000e+00 : f32
        %add3A_958 = vector.broadcast %add3A_957 : f32 to vector<16xf32>
        %add3A_959 = arith.addf %mul3A_956, %add3A_958 : vector<16xf32>
        %lt3A_960 = arith.constant 0.137205407 : f32
        %lt3A_961 = vector.broadcast %lt3A_960 : f32 to vector<16xf32>
        %lt3A_962 = arith.cmpf olt, %add3A_861, %lt3A_961 : vector<16xf32>
        %jit3A_963 = arith.constant 0.000000e+00 : f32
        %broadcast_in_dim3A_964 = vector.broadcast %jit3A_963 : f32 to vector<16xf32>
        %select_n3A_965 = arith.select %lt3A_962, %add3A_959, %broadcast_in_dim3A_964 : vector<16xi1>, vector<16xf32>
        %add3A_966 = arith.addf %select_n3A_943, %select_n3A_965 : vector<16xf32>
        %max3A_967 = arith.constant 2.652250e-03 : f32
        %max3A_968 = vector.broadcast %max3A_967 : f32 to vector<16xf32>
        %max3A_969 = arith.maximumf %add3A_881, %max3A_968 : vector<16xf32>
        %div3A_970 = arith.constant 2.652250e-01 : f32
        %div3A_971 = vector.broadcast %div3A_970 : f32 to vector<16xf32>
        %div3A_972 = arith.divf %div3A_971, %max3A_969 : vector<16xf32>
        %mul3A_973 = arith.mulf %div3A_972, %div3A_972 : vector<16xf32>
        %mul3A_974 = arith.mulf %mul3A_973, %div3A_972 : vector<16xf32>
        %mul3A_975 = arith.mulf %mul3A_974, %mul3A_974 : vector<16xf32>
        %sub3A_976 = arith.subf %mul3A_975, %mul3A_974 : vector<16xf32>
        %mul3A_977 = arith.constant 8.000000e+00 : f32
        %mul3A_978 = vector.broadcast %mul3A_977 : f32 to vector<16xf32>
        %mul3A_979 = arith.mulf %mul3A_978, %sub3A_976 : vector<16xf32>
        %add3A_980 = arith.constant 2.000000e+00 : f32
        %add3A_981 = vector.broadcast %add3A_980 : f32 to vector<16xf32>
        %add3A_982 = arith.addf %mul3A_979, %add3A_981 : vector<16xf32>
        %lt3A_983 = arith.constant 0.334162563 : f32
        %lt3A_984 = vector.broadcast %lt3A_983 : f32 to vector<16xf32>
        %lt3A_985 = arith.cmpf olt, %add3A_881, %lt3A_984 : vector<16xf32>
        %jit3A_986 = arith.constant 0.000000e+00 : f32
        %broadcast_in_dim3A_987 = vector.broadcast %jit3A_986 : f32 to vector<16xf32>
        %select_n3A_988 = arith.select %lt3A_985, %add3A_982, %broadcast_in_dim3A_987 : vector<16xi1>, vector<16xf32>
        %max3A_989 = arith.constant 2.652250e-03 : f32
        %max3A_990 = vector.broadcast %max3A_989 : f32 to vector<16xf32>
        %max3A_991 = arith.maximumf %add3A_901, %max3A_990 : vector<16xf32>
        %div3A_992 = arith.constant 2.652250e-01 : f32
        %div3A_993 = vector.broadcast %div3A_992 : f32 to vector<16xf32>
        %div3A_994 = arith.divf %div3A_993, %max3A_991 : vector<16xf32>
        %mul3A_995 = arith.mulf %div3A_994, %div3A_994 : vector<16xf32>
        %mul3A_996 = arith.mulf %mul3A_995, %div3A_994 : vector<16xf32>
        %mul3A_997 = arith.mulf %mul3A_996, %mul3A_996 : vector<16xf32>
        %sub3A_998 = arith.subf %mul3A_997, %mul3A_996 : vector<16xf32>
        %mul3A_999 = arith.constant 8.000000e+00 : f32
        %mul3A_1000 = vector.broadcast %mul3A_999 : f32 to vector<16xf32>
        %mul3A_1001 = arith.mulf %mul3A_1000, %sub3A_998 : vector<16xf32>
        %add3A_1002 = arith.constant 2.000000e+00 : f32
        %add3A_1003 = vector.broadcast %add3A_1002 : f32 to vector<16xf32>
        %add3A_1004 = arith.addf %mul3A_1001, %add3A_1003 : vector<16xf32>
        %lt3A_1005 = arith.constant 0.334162563 : f32
        %lt3A_1006 = vector.broadcast %lt3A_1005 : f32 to vector<16xf32>
        %lt3A_1007 = arith.cmpf olt, %add3A_901, %lt3A_1006 : vector<16xf32>
        %jit3A_1008 = arith.constant 0.000000e+00 : f32
        %broadcast_in_dim3A_1009 = vector.broadcast %jit3A_1008 : f32 to vector<16xf32>
        %select_n3A_1010 = arith.select %lt3A_1007, %add3A_1004, %broadcast_in_dim3A_1009 : vector<16xi1>, vector<16xf32>
        %add3A_1011 = arith.addf %select_n3A_988, %select_n3A_1010 : vector<16xf32>
        %add3A_1012 = arith.addf %add3A_966, %add3A_1011 : vector<16xf32>
        %bitcast_convert_type3A_1013 = tpu.bitcast %add3A_861 : vector<16xf32> -> vector<16xi32>
        %shift_right_arithmetic3A_1014 = arith.constant 1 : i32
        %shift_right_arithmetic3A_1015 = vector.broadcast %shift_right_arithmetic3A_1014 : i32 to vector<16xi32>
        %shift_right_arithmetic3A_1016 = arith.shrsi %bitcast_convert_type3A_1013, %shift_right_arithmetic3A_1015 : vector<16xi32>
        %sub3A_1017 = arith.constant 1597463007 : i32
        %sub3A_1018 = vector.broadcast %sub3A_1017 : i32 to vector<16xi32>
        %sub3A_1019 = arith.subi %sub3A_1018, %shift_right_arithmetic3A_1016 : vector<16xi32>
        %bitcast_convert_type3A_1020 = tpu.bitcast %sub3A_1019 : vector<16xi32> -> vector<16xf32>
        %mul3A_1021 = arith.constant 5.000000e-01 : f32
        %mul3A_1022 = vector.broadcast %mul3A_1021 : f32 to vector<16xf32>
        %mul3A_1023 = arith.mulf %mul3A_1022, %add3A_861 : vector<16xf32>
        %mul3A_1024 = arith.mulf %mul3A_1023, %bitcast_convert_type3A_1020 : vector<16xf32>
        %mul3A_1025 = arith.mulf %mul3A_1024, %bitcast_convert_type3A_1020 : vector<16xf32>
        %sub3A_1026 = arith.constant 1.500000e+00 : f32
        %sub3A_1027 = vector.broadcast %sub3A_1026 : f32 to vector<16xf32>
        %sub3A_1028 = arith.subf %sub3A_1027, %mul3A_1025 : vector<16xf32>
        %mul3A_1029 = arith.mulf %bitcast_convert_type3A_1020, %sub3A_1028 : vector<16xf32>
        %mul3A_1030 = arith.constant 5.000000e-01 : f32
        %mul3A_1031 = vector.broadcast %mul3A_1030 : f32 to vector<16xf32>
        %mul3A_1032 = arith.mulf %mul3A_1031, %add3A_861 : vector<16xf32>
        %mul3A_1033 = arith.mulf %mul3A_1032, %mul3A_1029 : vector<16xf32>
        %mul3A_1034 = arith.mulf %mul3A_1033, %mul3A_1029 : vector<16xf32>
        %sub3A_1035 = arith.constant 1.500000e+00 : f32
        %sub3A_1036 = vector.broadcast %sub3A_1035 : f32 to vector<16xf32>
        %sub3A_1037 = arith.subf %sub3A_1036, %mul3A_1034 : vector<16xf32>
        %mul3A_1038 = arith.mulf %mul3A_1029, %sub3A_1037 : vector<16xf32>
        %mul3A_1039 = arith.constant 5.000000e-01 : f32
        %mul3A_1040 = vector.broadcast %mul3A_1039 : f32 to vector<16xf32>
        %mul3A_1041 = arith.mulf %mul3A_1040, %add3A_861 : vector<16xf32>
        %mul3A_1042 = arith.mulf %mul3A_1041, %mul3A_1038 : vector<16xf32>
        %mul3A_1043 = arith.mulf %mul3A_1042, %mul3A_1038 : vector<16xf32>
        %sub3A_1044 = arith.constant 1.500000e+00 : f32
        %sub3A_1045 = vector.broadcast %sub3A_1044 : f32 to vector<16xf32>
        %sub3A_1046 = arith.subf %sub3A_1045, %mul3A_1043 : vector<16xf32>
        %mul3A_1047 = arith.mulf %mul3A_1038, %sub3A_1046 : vector<16xf32>
        %mul3A_1048 = arith.mulf %add3A_861, %mul3A_1047 : vector<16xf32>
        %convert_element_type3A_1049 = arith.fptosi %gather3A_740 : vector<16xf32> to vector<16xi32>
        %convert_element_type3A_1050 = arith.fptosi %gather3A_770 : vector<16xf32> to vector<16xi32>
        %mul3A_1051 = arith.constant 4 : i32
        %mul3A_1052 = vector.broadcast %mul3A_1051 : i32 to vector<16xi32>
        %mul3A_1053 = arith.muli %convert_element_type3A_1049, %mul3A_1052 : vector<16xi32>
        %add3A_1054 = arith.addi %mul3A_1053, %convert_element_type3A_1050 : vector<16xi32>
        %gather3A_1055 = tpu.vector_load_idx %arg11[%add3A_1054] : memref<16xf32, #tpu.memory_space<vmem>>[vector<16xi32>], vector<16xf32>,
        %add3A_1056 = arith.addi %convert_element_type3A_1049, %convert_element_type3A_1050 : vector<16xi32>
        %eq3A_1057 = arith.constant 3 : i32
        %eq3A_1058 = vector.broadcast %eq3A_1057 : i32 to vector<16xi32>
        %eq3A_1059 = arith.cmpi eq, %add3A_1056, %eq3A_1058 : vector<16xi32>
        %jit3A_1060 = arith.constant 1.000000e+00 : f32
        %jit3A_1061 = arith.constant 0.000000e+00 : f32
        %broadcast_in_dim3A_1062 = vector.broadcast %jit3A_1060 : f32 to vector<16xf32>
        %broadcast_in_dim3A_1063 = vector.broadcast %jit3A_1061 : f32 to vector<16xf32>
        %select_n3A_1064 = arith.select %eq3A_1059, %broadcast_in_dim3A_1062, %broadcast_in_dim3A_1063 : vector<16xi1>, vector<16xf32>
        %mul3A_1065 = arith.mulf %gather3A_722, %gather3A_752 : vector<16xf32>
        %mul3A_1066 = arith.mulf %gather3A_725, %gather3A_755 : vector<16xf32>
        %add3A_1067 = arith.addf %mul3A_1065, %mul3A_1066 : vector<16xf32>
        %mul3A_1068 = arith.mulf %gather3A_728, %gather3A_758 : vector<16xf32>
        %add3A_1069 = arith.addf %add3A_1067, %mul3A_1068 : vector<16xf32>
        %neg3A_1070 = arith.constant 0.000000e+00 : f32
        %neg3A_1071 = vector.broadcast %neg3A_1070 : f32 to vector<16xf32>
        %neg3A_1072 = arith.subf %neg3A_1071, %add3A_1069 : vector<16xf32>
        %max3A_1073 = arith.constant 0.000000e+00 : f32
        %max3A_1074 = vector.broadcast %max3A_1073 : f32 to vector<16xf32>
        %max3A_1075 = arith.maximumf %neg3A_1072, %max3A_1074 : vector<16xf32>
        %min3A_1076 = arith.constant 1.000000e+00 : f32
        %min3A_1077 = vector.broadcast %min3A_1076 : f32 to vector<16xf32>
        %min3A_1078 = arith.minimumf %max3A_1075, %min3A_1077 : vector<16xf32>
        %sub3A_1079 = arith.constant 4.000000e-01 : f32
        %sub3A_1080 = vector.broadcast %sub3A_1079 : f32 to vector<16xf32>
        %sub3A_1081 = arith.subf %mul3A_1048, %sub3A_1080 : vector<16xf32>
        %mul3A_1082 = arith.constant 4.000000e+00 : f32
        %mul3A_1083 = vector.broadcast %mul3A_1082 : f32 to vector<16xf32>
        %mul3A_1084 = arith.mulf %sub3A_1081, %mul3A_1083 : vector<16xf32>
        %neg3A_1085 = arith.constant 0.000000e+00 : f32
        %neg3A_1086 = vector.broadcast %neg3A_1085 : f32 to vector<16xf32>
        %neg3A_1087 = arith.subf %neg3A_1086, %gather3A_1055 : vector<16xf32>
        %mul3A_1088 = arith.mulf %neg3A_1087, %select_n3A_1064 : vector<16xf32>
        %neg3A_1089 = arith.constant 0.000000e+00 : f32
        %neg3A_1090 = vector.broadcast %neg3A_1089 : f32 to vector<16xf32>
        %neg3A_1091 = arith.subf %neg3A_1090, %mul3A_1084 : vector<16xf32>
        %mul3A_1092 = arith.mulf %neg3A_1091, %mul3A_1084 : vector<16xf32>
        %exp3A_1093 = math.exp %mul3A_1092 : vector<16xf32>
        %mul3A_1094 = arith.mulf %mul3A_1088, %exp3A_1093 : vector<16xf32>
        %mul3A_1095 = arith.mulf %mul3A_1094, %min3A_1078 : vector<16xf32>
        %add3A_1096 = arith.addf %add3A_1012, %mul3A_1095 : vector<16xf32>
        %mul3A_1097 = arith.mulf %gather3A_731, %gather3A_761 : vector<16xf32>
        %mul3A_1098 = arith.mulf %gather3A_734, %gather3A_764 : vector<16xf32>
        %add3A_1099 = arith.addf %mul3A_1097, %mul3A_1098 : vector<16xf32>
        %mul3A_1100 = arith.mulf %gather3A_737, %gather3A_767 : vector<16xf32>
        %add3A_1101 = arith.addf %add3A_1099, %mul3A_1100 : vector<16xf32>
        %max3A_1102 = arith.constant 0.000000e+00 : f32
        %max3A_1103 = vector.broadcast %max3A_1102 : f32 to vector<16xf32>
        %max3A_1104 = arith.maximumf %add3A_1101, %max3A_1103 : vector<16xf32>
        %min3A_1105 = arith.constant 1.000000e+00 : f32
        %min3A_1106 = vector.broadcast %min3A_1105 : f32 to vector<16xf32>
        %min3A_1107 = arith.minimumf %max3A_1104, %min3A_1106 : vector<16xf32>
        %sub3A_1108 = arith.constant 5.750000e-01 : f32
        %sub3A_1109 = vector.broadcast %sub3A_1108 : f32 to vector<16xf32>
        %sub3A_1110 = arith.subf %mul3A_1048, %sub3A_1109 : vector<16xf32>
        %mul3A_1111 = arith.constant 4.000000e+00 : f32
        %mul3A_1112 = vector.broadcast %mul3A_1111 : f32 to vector<16xf32>
        %mul3A_1113 = arith.mulf %sub3A_1110, %mul3A_1112 : vector<16xf32>
        %neg3A_1114 = arith.constant 0.000000e+00 : f32
        %neg3A_1115 = vector.broadcast %neg3A_1114 : f32 to vector<16xf32>
        %neg3A_1116 = arith.subf %neg3A_1115, %mul3A_1113 : vector<16xf32>
        %mul3A_1117 = arith.mulf %neg3A_1116, %mul3A_1113 : vector<16xf32>
        %exp3A_1118 = math.exp %mul3A_1117 : vector<16xf32>
        %neg3A_1119 = arith.constant 0.000000e+00 : f32
        %neg3A_1120 = vector.broadcast %neg3A_1119 : f32 to vector<16xf32>
        %neg3A_1121 = arith.subf %neg3A_1120, %exp3A_1118 : vector<16xf32>
        %mul3A_1122 = arith.mulf %neg3A_1121, %min3A_1107 : vector<16xf32>
        %add3A_1123 = arith.addf %add3A_1096, %mul3A_1122 : vector<16xf32>
        %bitcast_convert_type3A_1124 = tpu.bitcast %add3A_921 : vector<16xf32> -> vector<16xi32>
        %shift_right_arithmetic3A_1125 = arith.constant 1 : i32
        %shift_right_arithmetic3A_1126 = vector.broadcast %shift_right_arithmetic3A_1125 : i32 to vector<16xi32>
        %shift_right_arithmetic3A_1127 = arith.shrsi %bitcast_convert_type3A_1124, %shift_right_arithmetic3A_1126 : vector<16xi32>
        %sub3A_1128 = arith.constant 1597463007 : i32
        %sub3A_1129 = vector.broadcast %sub3A_1128 : i32 to vector<16xi32>
        %sub3A_1130 = arith.subi %sub3A_1129, %shift_right_arithmetic3A_1127 : vector<16xi32>
        %bitcast_convert_type3A_1131 = tpu.bitcast %sub3A_1130 : vector<16xi32> -> vector<16xf32>
        %mul3A_1132 = arith.constant 5.000000e-01 : f32
        %mul3A_1133 = vector.broadcast %mul3A_1132 : f32 to vector<16xf32>
        %mul3A_1134 = arith.mulf %mul3A_1133, %add3A_921 : vector<16xf32>
        %mul3A_1135 = arith.mulf %mul3A_1134, %bitcast_convert_type3A_1131 : vector<16xf32>
        %mul3A_1136 = arith.mulf %mul3A_1135, %bitcast_convert_type3A_1131 : vector<16xf32>
        %sub3A_1137 = arith.constant 1.500000e+00 : f32
        %sub3A_1138 = vector.broadcast %sub3A_1137 : f32 to vector<16xf32>
        %sub3A_1139 = arith.subf %sub3A_1138, %mul3A_1136 : vector<16xf32>
        %mul3A_1140 = arith.mulf %bitcast_convert_type3A_1131, %sub3A_1139 : vector<16xf32>
        %mul3A_1141 = arith.constant 5.000000e-01 : f32
        %mul3A_1142 = vector.broadcast %mul3A_1141 : f32 to vector<16xf32>
        %mul3A_1143 = arith.mulf %mul3A_1142, %add3A_921 : vector<16xf32>
        %mul3A_1144 = arith.mulf %mul3A_1143, %mul3A_1140 : vector<16xf32>
        %mul3A_1145 = arith.mulf %mul3A_1144, %mul3A_1140 : vector<16xf32>
        %sub3A_1146 = arith.constant 1.500000e+00 : f32
        %sub3A_1147 = vector.broadcast %sub3A_1146 : f32 to vector<16xf32>
        %sub3A_1148 = arith.subf %sub3A_1147, %mul3A_1145 : vector<16xf32>
        %mul3A_1149 = arith.mulf %mul3A_1140, %sub3A_1148 : vector<16xf32>
        %mul3A_1150 = arith.constant 5.000000e-01 : f32
        %mul3A_1151 = vector.broadcast %mul3A_1150 : f32 to vector<16xf32>
        %mul3A_1152 = arith.mulf %mul3A_1151, %add3A_921 : vector<16xf32>
        %mul3A_1153 = arith.mulf %mul3A_1152, %mul3A_1149 : vector<16xf32>
        %mul3A_1154 = arith.mulf %mul3A_1153, %mul3A_1149 : vector<16xf32>
        %sub3A_1155 = arith.constant 1.500000e+00 : f32
        %sub3A_1156 = vector.broadcast %sub3A_1155 : f32 to vector<16xf32>
        %sub3A_1157 = arith.subf %sub3A_1156, %mul3A_1154 : vector<16xf32>
        %mul3A_1158 = arith.mulf %mul3A_1149, %sub3A_1157 : vector<16xf32>
        %mul3A_1159 = arith.mulf %add3A_921, %mul3A_1158 : vector<16xf32>
        %sub3A_1160 = arith.constant 4.000000e-01 : f32
        %sub3A_1161 = vector.broadcast %sub3A_1160 : f32 to vector<16xf32>
        %sub3A_1162 = arith.subf %mul3A_1159, %sub3A_1161 : vector<16xf32>
        %mul3A_1163 = arith.constant 4.000000e+00 : f32
        %mul3A_1164 = vector.broadcast %mul3A_1163 : f32 to vector<16xf32>
        %mul3A_1165 = arith.mulf %sub3A_1162, %mul3A_1164 : vector<16xf32>
        %neg3A_1166 = arith.constant 0.000000e+00 : f32
        %neg3A_1167 = vector.broadcast %neg3A_1166 : f32 to vector<16xf32>
        %neg3A_1168 = arith.subf %neg3A_1167, %mul3A_1165 : vector<16xf32>
        %mul3A_1169 = arith.mulf %neg3A_1168, %mul3A_1165 : vector<16xf32>
        %exp3A_1170 = math.exp %mul3A_1169 : vector<16xf32>
        %mul3A_1171 = arith.constant -1.300000e+00 : f32
        %mul3A_1172 = vector.broadcast %mul3A_1171 : f32 to vector<16xf32>
        %mul3A_1173 = arith.mulf %mul3A_1172, %exp3A_1170 : vector<16xf32>
        %mul3A_1174 = arith.mulf %mul3A_1173, %min3A_1107 : vector<16xf32>
        %mul3A_1175 = arith.mulf %mul3A_1174, %min3A_1107 : vector<16xf32>
        %add3A_1176 = arith.addf %add3A_1123, %mul3A_1175 : vector<16xf32>
        %add3A_1177 = arith.addf %add3A_707, %add3A_1176 : vector<16xf32>
        scf.yield %add3A_1177 : vector<16xf32>
      }
      %scan3A_213 = arith.constant 20 : i32
      %lt3A = arith.constant 19 : i32
      %lt3A_214 = arith.cmpi slt, %scan3A_89, %lt3A : i32
      %convert_element_type3A = arith.extui %lt3A_214 : i1 to i32
      %cond3A = arith.constant 0 : i32
      %cond3A_215 = arith.cmpi ne, %convert_element_type3A, %cond3A : i32
      scf.if %cond3A_215 {
        %add3A_246 = arith.constant 2 : i32
        %add3A_247 = arith.addi %mul3A_92, %add3A_246 : i32
        %mul3A_248 = arith.constant 640 : i32
        %mul3A_249 = arith.muli %add3A_247, %mul3A_248 : i32
        %add3A_250 = arith.constant 0 : i32
        %add3A_251 = arith.addi %mul3A_249, %add3A_250 : i32
        %dma_start3A_252 = arith.constant 0 : i32
        %dma_start3A_253 = arith.constant 0 : i32
        %dma_start3A_254 = tpu.memref_slice %arg9[%dma_start3A_252, %dma_start3A_253] : memref<1280x16xf32, #tpu.memory_space<vmem>> -> memref<128x16xf32, #tpu.memory_space<vmem>>
        %dma_start3A_255 = tpu.memref_slice %arg7[%add3A_251] : memref<25600xi32, #tpu.memory_space<vmem>> -> memref<128xi32, #tpu.memory_space<vmem>>
        %dma_start3A_256 = arith.constant 0 : i32
        %dma_start3A_257 = arith.constant 0 : i32
        %dma_start3A_258 = tpu.memref_slice %arg2[%dma_start3A_256, %dma_start3A_257] : memref<50048x16xf32, #tpu.memory_space<hbm>> -> memref<50048x16xf32, #tpu.memory_space<hbm>>
        tpu.enqueue_indirect_dma source(%dma_start3A_258 : memref<50048x16xf32, #tpu.memory_space<hbm>>) target(%dma_start3A_254 : memref<128x16xf32, #tpu.memory_space<vmem>>) offsets(%dma_start3A_255 : memref<128xi32, #tpu.memory_space<vmem>>) semaphore(%arg13 : memref<!tpu.dma_semaphore, #tpu.memory_space<semaphore_mem>>)
        %dma_start3A_259 = arith.constant 0 : i32
        %dma_start3A_260 = arith.constant 0 : i32
        %dma_start3A_261 = tpu.memref_slice %arg10[%dma_start3A_259, %dma_start3A_260] : memref<1280x16xf32, #tpu.memory_space<vmem>> -> memref<128x16xf32, #tpu.memory_space<vmem>>
        %dma_start3A_262 = tpu.memref_slice %arg8[%add3A_251] : memref<25600xi32, #tpu.memory_space<vmem>> -> memref<128xi32, #tpu.memory_space<vmem>>
        %dma_start3A_263 = arith.constant 0 : i32
        %dma_start3A_264 = arith.constant 0 : i32
        %dma_start3A_265 = tpu.memref_slice %arg2[%dma_start3A_263, %dma_start3A_264] : memref<50048x16xf32, #tpu.memory_space<hbm>> -> memref<50048x16xf32, #tpu.memory_space<hbm>>
        tpu.enqueue_indirect_dma source(%dma_start3A_265 : memref<50048x16xf32, #tpu.memory_space<hbm>>) target(%dma_start3A_261 : memref<128x16xf32, #tpu.memory_space<vmem>>) offsets(%dma_start3A_262 : memref<128xi32, #tpu.memory_space<vmem>>) semaphore(%arg13 : memref<!tpu.dma_semaphore, #tpu.memory_space<semaphore_mem>>)
        %mul3A_266 = arith.constant 640 : i32
        %mul3A_267 = arith.muli %add3A_247, %mul3A_266 : i32
        %add3A_268 = arith.constant 128 : i32
        %add3A_269 = arith.addi %mul3A_267, %add3A_268 : i32
        %dma_start3A_270 = arith.constant 128 : i32
        %dma_start3A_271 = arith.constant 0 : i32
        %dma_start3A_272 = tpu.memref_slice %arg9[%dma_start3A_270, %dma_start3A_271] : memref<1280x16xf32, #tpu.memory_space<vmem>> -> memref<128x16xf32, #tpu.memory_space<vmem>>
        %dma_start3A_273 = tpu.memref_slice %arg7[%add3A_269] : memref<25600xi32, #tpu.memory_space<vmem>> -> memref<128xi32, #tpu.memory_space<vmem>>
        %dma_start3A_274 = arith.constant 0 : i32
        %dma_start3A_275 = arith.constant 0 : i32
        %dma_start3A_276 = tpu.memref_slice %arg2[%dma_start3A_274, %dma_start3A_275] : memref<50048x16xf32, #tpu.memory_space<hbm>> -> memref<50048x16xf32, #tpu.memory_space<hbm>>
        tpu.enqueue_indirect_dma source(%dma_start3A_276 : memref<50048x16xf32, #tpu.memory_space<hbm>>) target(%dma_start3A_272 : memref<128x16xf32, #tpu.memory_space<vmem>>) offsets(%dma_start3A_273 : memref<128xi32, #tpu.memory_space<vmem>>) semaphore(%arg13 : memref<!tpu.dma_semaphore, #tpu.memory_space<semaphore_mem>>)
        %dma_start3A_277 = arith.constant 128 : i32
        %dma_start3A_278 = arith.constant 0 : i32
        %dma_start3A_279 = tpu.memref_slice %arg10[%dma_start3A_277, %dma_start3A_278] : memref<1280x16xf32, #tpu.memory_space<vmem>> -> memref<128x16xf32, #tpu.memory_space<vmem>>
        %dma_start3A_280 = tpu.memref_slice %arg8[%add3A_269] : memref<25600xi32, #tpu.memory_space<vmem>> -> memref<128xi32, #tpu.memory_space<vmem>>
        %dma_start3A_281 = arith.constant 0 : i32
        %dma_start3A_282 = arith.constant 0 : i32
        %dma_start3A_283 = tpu.memref_slice %arg2[%dma_start3A_281, %dma_start3A_282] : memref<50048x16xf32, #tpu.memory_space<hbm>> -> memref<50048x16xf32, #tpu.memory_space<hbm>>
        tpu.enqueue_indirect_dma source(%dma_start3A_283 : memref<50048x16xf32, #tpu.memory_space<hbm>>) target(%dma_start3A_279 : memref<128x16xf32, #tpu.memory_space<vmem>>) offsets(%dma_start3A_280 : memref<128xi32, #tpu.memory_space<vmem>>) semaphore(%arg13 : memref<!tpu.dma_semaphore, #tpu.memory_space<semaphore_mem>>)
        %mul3A_284 = arith.constant 640 : i32
        %mul3A_285 = arith.muli %add3A_247, %mul3A_284 : i32
        %add3A_286 = arith.constant 256 : i32
        %add3A_287 = arith.addi %mul3A_285, %add3A_286 : i32
        %dma_start3A_288 = arith.constant 256 : i32
        %dma_start3A_289 = arith.constant 0 : i32
        %dma_start3A_290 = tpu.memref_slice %arg9[%dma_start3A_288, %dma_start3A_289] : memref<1280x16xf32, #tpu.memory_space<vmem>> -> memref<128x16xf32, #tpu.memory_space<vmem>>
        %dma_start3A_291 = tpu.memref_slice %arg7[%add3A_287] : memref<25600xi32, #tpu.memory_space<vmem>> -> memref<128xi32, #tpu.memory_space<vmem>>
        %dma_start3A_292 = arith.constant 0 : i32
        %dma_start3A_293 = arith.constant 0 : i32
        %dma_start3A_294 = tpu.memref_slice %arg2[%dma_start3A_292, %dma_start3A_293] : memref<50048x16xf32, #tpu.memory_space<hbm>> -> memref<50048x16xf32, #tpu.memory_space<hbm>>
        tpu.enqueue_indirect_dma source(%dma_start3A_294 : memref<50048x16xf32, #tpu.memory_space<hbm>>) target(%dma_start3A_290 : memref<128x16xf32, #tpu.memory_space<vmem>>) offsets(%dma_start3A_291 : memref<128xi32, #tpu.memory_space<vmem>>) semaphore(%arg13 : memref<!tpu.dma_semaphore, #tpu.memory_space<semaphore_mem>>)
        %dma_start3A_295 = arith.constant 256 : i32
        %dma_start3A_296 = arith.constant 0 : i32
        %dma_start3A_297 = tpu.memref_slice %arg10[%dma_start3A_295, %dma_start3A_296] : memref<1280x16xf32, #tpu.memory_space<vmem>> -> memref<128x16xf32, #tpu.memory_space<vmem>>
        %dma_start3A_298 = tpu.memref_slice %arg8[%add3A_287] : memref<25600xi32, #tpu.memory_space<vmem>> -> memref<128xi32, #tpu.memory_space<vmem>>
        %dma_start3A_299 = arith.constant 0 : i32
        %dma_start3A_300 = arith.constant 0 : i32
        %dma_start3A_301 = tpu.memref_slice %arg2[%dma_start3A_299, %dma_start3A_300] : memref<50048x16xf32, #tpu.memory_space<hbm>> -> memref<50048x16xf32, #tpu.memory_space<hbm>>
        tpu.enqueue_indirect_dma source(%dma_start3A_301 : memref<50048x16xf32, #tpu.memory_space<hbm>>) target(%dma_start3A_297 : memref<128x16xf32, #tpu.memory_space<vmem>>) offsets(%dma_start3A_298 : memref<128xi32, #tpu.memory_space<vmem>>) semaphore(%arg13 : memref<!tpu.dma_semaphore, #tpu.memory_space<semaphore_mem>>)
        %mul3A_302 = arith.constant 640 : i32
        %mul3A_303 = arith.muli %add3A_247, %mul3A_302 : i32
        %add3A_304 = arith.constant 384 : i32
        %add3A_305 = arith.addi %mul3A_303, %add3A_304 : i32
        %dma_start3A_306 = arith.constant 384 : i32
        %dma_start3A_307 = arith.constant 0 : i32
        %dma_start3A_308 = tpu.memref_slice %arg9[%dma_start3A_306, %dma_start3A_307] : memref<1280x16xf32, #tpu.memory_space<vmem>> -> memref<128x16xf32, #tpu.memory_space<vmem>>
        %dma_start3A_309 = tpu.memref_slice %arg7[%add3A_305] : memref<25600xi32, #tpu.memory_space<vmem>> -> memref<128xi32, #tpu.memory_space<vmem>>
        %dma_start3A_310 = arith.constant 0 : i32
        %dma_start3A_311 = arith.constant 0 : i32
        %dma_start3A_312 = tpu.memref_slice %arg2[%dma_start3A_310, %dma_start3A_311] : memref<50048x16xf32, #tpu.memory_space<hbm>> -> memref<50048x16xf32, #tpu.memory_space<hbm>>
        tpu.enqueue_indirect_dma source(%dma_start3A_312 : memref<50048x16xf32, #tpu.memory_space<hbm>>) target(%dma_start3A_308 : memref<128x16xf32, #tpu.memory_space<vmem>>) offsets(%dma_start3A_309 : memref<128xi32, #tpu.memory_space<vmem>>) semaphore(%arg13 : memref<!tpu.dma_semaphore, #tpu.memory_space<semaphore_mem>>)
        %dma_start3A_313 = arith.constant 384 : i32
        %dma_start3A_314 = arith.constant 0 : i32
        %dma_start3A_315 = tpu.memref_slice %arg10[%dma_start3A_313, %dma_start3A_314] : memref<1280x16xf32, #tpu.memory_space<vmem>> -> memref<128x16xf32, #tpu.memory_space<vmem>>
        %dma_start3A_316 = tpu.memref_slice %arg8[%add3A_305] : memref<25600xi32, #tpu.memory_space<vmem>> -> memref<128xi32, #tpu.memory_space<vmem>>
        %dma_start3A_317 = arith.constant 0 : i32
        %dma_start3A_318 = arith.constant 0 : i32
        %dma_start3A_319 = tpu.memref_slice %arg2[%dma_start3A_317, %dma_start3A_318] : memref<50048x16xf32, #tpu.memory_space<hbm>> -> memref<50048x16xf32, #tpu.memory_space<hbm>>
        tpu.enqueue_indirect_dma source(%dma_start3A_319 : memref<50048x16xf32, #tpu.memory_space<hbm>>) target(%dma_start3A_315 : memref<128x16xf32, #tpu.memory_space<vmem>>) offsets(%dma_start3A_316 : memref<128xi32, #tpu.memory_space<vmem>>) semaphore(%arg13 : memref<!tpu.dma_semaphore, #tpu.memory_space<semaphore_mem>>)
        %mul3A_320 = arith.constant 640 : i32
        %mul3A_321 = arith.muli %add3A_247, %mul3A_320 : i32
        %add3A_322 = arith.constant 512 : i32
        %add3A_323 = arith.addi %mul3A_321, %add3A_322 : i32
        %dma_start3A_324 = arith.constant 512 : i32
        %dma_start3A_325 = arith.constant 0 : i32
        %dma_start3A_326 = tpu.memref_slice %arg9[%dma_start3A_324, %dma_start3A_325] : memref<1280x16xf32, #tpu.memory_space<vmem>> -> memref<128x16xf32, #tpu.memory_space<vmem>>
        %dma_start3A_327 = tpu.memref_slice %arg7[%add3A_323] : memref<25600xi32, #tpu.memory_space<vmem>> -> memref<128xi32, #tpu.memory_space<vmem>>
        %dma_start3A_328 = arith.constant 0 : i32
        %dma_start3A_329 = arith.constant 0 : i32
        %dma_start3A_330 = tpu.memref_slice %arg2[%dma_start3A_328, %dma_start3A_329] : memref<50048x16xf32, #tpu.memory_space<hbm>> -> memref<50048x16xf32, #tpu.memory_space<hbm>>
        tpu.enqueue_indirect_dma source(%dma_start3A_330 : memref<50048x16xf32, #tpu.memory_space<hbm>>) target(%dma_start3A_326 : memref<128x16xf32, #tpu.memory_space<vmem>>) offsets(%dma_start3A_327 : memref<128xi32, #tpu.memory_space<vmem>>) semaphore(%arg13 : memref<!tpu.dma_semaphore, #tpu.memory_space<semaphore_mem>>)
        %dma_start3A_331 = arith.constant 512 : i32
        %dma_start3A_332 = arith.constant 0 : i32
        %dma_start3A_333 = tpu.memref_slice %arg10[%dma_start3A_331, %dma_start3A_332] : memref<1280x16xf32, #tpu.memory_space<vmem>> -> memref<128x16xf32, #tpu.memory_space<vmem>>
        %dma_start3A_334 = tpu.memref_slice %arg8[%add3A_323] : memref<25600xi32, #tpu.memory_space<vmem>> -> memref<128xi32, #tpu.memory_space<vmem>>
        %dma_start3A_335 = arith.constant 0 : i32
        %dma_start3A_336 = arith.constant 0 : i32
        %dma_start3A_337 = tpu.memref_slice %arg2[%dma_start3A_335, %dma_start3A_336] : memref<50048x16xf32, #tpu.memory_space<hbm>> -> memref<50048x16xf32, #tpu.memory_space<hbm>>
        tpu.enqueue_indirect_dma source(%dma_start3A_337 : memref<50048x16xf32, #tpu.memory_space<hbm>>) target(%dma_start3A_333 : memref<128x16xf32, #tpu.memory_space<vmem>>) offsets(%dma_start3A_334 : memref<128xi32, #tpu.memory_space<vmem>>) semaphore(%arg13 : memref<!tpu.dma_semaphore, #tpu.memory_space<semaphore_mem>>)
      } else {
      }
      %dma_wait3A_216 = arith.constant 640 : i32
      %dma_wait3A_217 = arith.constant 0 : i32
      %dma_wait3A_218 = tpu.memref_slice %arg9[%dma_wait3A_216, %dma_wait3A_217] : memref<1280x16xf32, #tpu.memory_space<vmem>> -> memref<640x16xf32, #tpu.memory_space<vmem>>
      %dma_wait3A_219 = arith.constant 0 : i32
      %dma_wait3A_220 = arith.constant 0 : i32
      %dma_wait3A_221 = tpu.memref_slice %arg2[%dma_wait3A_219, %dma_wait3A_220] : memref<50048x16xf32, #tpu.memory_space<hbm>> -> memref<640x16xf32, #tpu.memory_space<hbm>>
      %dma_wait3A_222 = arith.constant 640 : i32
      %dma_wait3A_223 = arith.constant 0 : i32
      %dma_wait3A_224 = tpu.memref_slice %arg9[%dma_wait3A_222, %dma_wait3A_223] : memref<1280x16xf32, #tpu.memory_space<vmem>> -> memref<640x16xf32, #tpu.memory_space<vmem>>
      %dma_wait3A_225 = arith.constant 0 : i32
      %dma_wait3A_226 = arith.constant 0 : i32
      %dma_wait3A_227 = tpu.memref_slice %arg2[%dma_wait3A_225, %dma_wait3A_226] : memref<50048x16xf32, #tpu.memory_space<hbm>> -> memref<640x16xf32, #tpu.memory_space<hbm>>
      tpu.wait_dma2 semaphore(%arg14 : memref<!tpu.dma_semaphore, #tpu.memory_space<semaphore_mem>>) src(%dma_wait3A_227 : memref<640x16xf32, #tpu.memory_space<hbm>>) dst(%dma_wait3A_224 : memref<640x16xf32, #tpu.memory_space<vmem>>)
      %dma_wait3A_228 = arith.constant 640 : i32
      %dma_wait3A_229 = arith.constant 0 : i32
      %dma_wait3A_230 = tpu.memref_slice %arg10[%dma_wait3A_228, %dma_wait3A_229] : memref<1280x16xf32, #tpu.memory_space<vmem>> -> memref<640x16xf32, #tpu.memory_space<vmem>>
      %dma_wait3A_231 = arith.constant 0 : i32
      %dma_wait3A_232 = arith.constant 0 : i32
      %dma_wait3A_233 = tpu.memref_slice %arg2[%dma_wait3A_231, %dma_wait3A_232] : memref<50048x16xf32, #tpu.memory_space<hbm>> -> memref<640x16xf32, #tpu.memory_space<hbm>>
      %dma_wait3A_234 = arith.constant 640 : i32
      %dma_wait3A_235 = arith.constant 0 : i32
      %dma_wait3A_236 = tpu.memref_slice %arg10[%dma_wait3A_234, %dma_wait3A_235] : memref<1280x16xf32, #tpu.memory_space<vmem>> -> memref<640x16xf32, #tpu.memory_space<vmem>>
      %dma_wait3A_237 = arith.constant 0 : i32
      %dma_wait3A_238 = arith.constant 0 : i32
      %dma_wait3A_239 = tpu.memref_slice %arg2[%dma_wait3A_237, %dma_wait3A_238] : memref<50048x16xf32, #tpu.memory_space<hbm>> -> memref<640x16xf32, #tpu.memory_space<hbm>>
      tpu.wait_dma2 semaphore(%arg14 : memref<!tpu.dma_semaphore, #tpu.memory_space<semaphore_mem>>) src(%dma_wait3A_239 : memref<640x16xf32, #tpu.memory_space<hbm>>) dst(%dma_wait3A_236 : memref<640x16xf32, #tpu.memory_space<vmem>>)
      %scan3A_240 = arith.constant 0 : i32
      %scan3A_241 = arith.constant 20 : i32
      %scan3A_242 = arith.addi %scan3A_240, %scan3A_241 : i32
      %scan3A_243 = arith.constant 1 : i32
      %scan3A_244 = scf.for %scan3A_246 = %scan3A_240 to %scan3A_242 step %scan3A_243 iter_args(%scan3A_247 = %scan3A_212) -> (vector<16xf32>)  : i32 {
        %mul3A_248 = arith.constant 32 : i32
        %mul3A_249 = arith.muli %scan3A_246, %mul3A_248 : i32
        %add3A_250 = arith.constant 640 : i32
        %add3A_251 = arith.addi %add3A_250, %mul3A_249 : i32
        %add3A_252 = vector.broadcast %add3A_251 : i32 to vector<16xi32>
        %add3A_253 = arith.addi %add3A_252, %iota3A : vector<16xi32>
        %broadcast_in_dim3A_254 = arith.constant 0 : i32
        %broadcast_in_dim3A_255 = vector.broadcast %broadcast_in_dim3A_254 : i32 to vector<16xi32>
        %gather3A = tpu.vector_load_idx %arg9[%add3A_253, %broadcast_in_dim3A_255] : memref<1280x16xf32, #tpu.memory_space<vmem>>[vector<16xi32>, vector<16xi32>], vector<16xf32>,
        %broadcast_in_dim3A_256 = arith.constant 1 : i32
        %broadcast_in_dim3A_257 = vector.broadcast %broadcast_in_dim3A_256 : i32 to vector<16xi32>
        %gather3A_258 = tpu.vector_load_idx %arg9[%add3A_253, %broadcast_in_dim3A_257] : memref<1280x16xf32, #tpu.memory_space<vmem>>[vector<16xi32>, vector<16xi32>], vector<16xf32>,
        %broadcast_in_dim3A_259 = arith.constant 2 : i32
        %broadcast_in_dim3A_260 = vector.broadcast %broadcast_in_dim3A_259 : i32 to vector<16xi32>
        %gather3A_261 = tpu.vector_load_idx %arg9[%add3A_253, %broadcast_in_dim3A_260] : memref<1280x16xf32, #tpu.memory_space<vmem>>[vector<16xi32>, vector<16xi32>], vector<16xf32>,
        %broadcast_in_dim3A_262 = arith.constant 3 : i32
        %broadcast_in_dim3A_263 = vector.broadcast %broadcast_in_dim3A_262 : i32 to vector<16xi32>
        %gather3A_264 = tpu.vector_load_idx %arg9[%add3A_253, %broadcast_in_dim3A_263] : memref<1280x16xf32, #tpu.memory_space<vmem>>[vector<16xi32>, vector<16xi32>], vector<16xf32>,
        %broadcast_in_dim3A_265 = arith.constant 4 : i32
        %broadcast_in_dim3A_266 = vector.broadcast %broadcast_in_dim3A_265 : i32 to vector<16xi32>
        %gather3A_267 = tpu.vector_load_idx %arg9[%add3A_253, %broadcast_in_dim3A_266] : memref<1280x16xf32, #tpu.memory_space<vmem>>[vector<16xi32>, vector<16xi32>], vector<16xf32>,
        %broadcast_in_dim3A_268 = arith.constant 5 : i32
        %broadcast_in_dim3A_269 = vector.broadcast %broadcast_in_dim3A_268 : i32 to vector<16xi32>
        %gather3A_270 = tpu.vector_load_idx %arg9[%add3A_253, %broadcast_in_dim3A_269] : memref<1280x16xf32, #tpu.memory_space<vmem>>[vector<16xi32>, vector<16xi32>], vector<16xf32>,
        %broadcast_in_dim3A_271 = arith.constant 6 : i32
        %broadcast_in_dim3A_272 = vector.broadcast %broadcast_in_dim3A_271 : i32 to vector<16xi32>
        %gather3A_273 = tpu.vector_load_idx %arg9[%add3A_253, %broadcast_in_dim3A_272] : memref<1280x16xf32, #tpu.memory_space<vmem>>[vector<16xi32>, vector<16xi32>], vector<16xf32>,
        %broadcast_in_dim3A_274 = arith.constant 7 : i32
        %broadcast_in_dim3A_275 = vector.broadcast %broadcast_in_dim3A_274 : i32 to vector<16xi32>
        %gather3A_276 = tpu.vector_load_idx %arg9[%add3A_253, %broadcast_in_dim3A_275] : memref<1280x16xf32, #tpu.memory_space<vmem>>[vector<16xi32>, vector<16xi32>], vector<16xf32>,
        %broadcast_in_dim3A_277 = arith.constant 8 : i32
        %broadcast_in_dim3A_278 = vector.broadcast %broadcast_in_dim3A_277 : i32 to vector<16xi32>
        %gather3A_279 = tpu.vector_load_idx %arg9[%add3A_253, %broadcast_in_dim3A_278] : memref<1280x16xf32, #tpu.memory_space<vmem>>[vector<16xi32>, vector<16xi32>], vector<16xf32>,
        %broadcast_in_dim3A_280 = arith.constant 9 : i32
        %broadcast_in_dim3A_281 = vector.broadcast %broadcast_in_dim3A_280 : i32 to vector<16xi32>
        %gather3A_282 = tpu.vector_load_idx %arg9[%add3A_253, %broadcast_in_dim3A_281] : memref<1280x16xf32, #tpu.memory_space<vmem>>[vector<16xi32>, vector<16xi32>], vector<16xf32>,
        %broadcast_in_dim3A_283 = arith.constant 0 : i32
        %broadcast_in_dim3A_284 = vector.broadcast %broadcast_in_dim3A_283 : i32 to vector<16xi32>
        %gather3A_285 = tpu.vector_load_idx %arg10[%add3A_253, %broadcast_in_dim3A_284] : memref<1280x16xf32, #tpu.memory_space<vmem>>[vector<16xi32>, vector<16xi32>], vector<16xf32>,
        %broadcast_in_dim3A_286 = arith.constant 1 : i32
        %broadcast_in_dim3A_287 = vector.broadcast %broadcast_in_dim3A_286 : i32 to vector<16xi32>
        %gather3A_288 = tpu.vector_load_idx %arg10[%add3A_253, %broadcast_in_dim3A_287] : memref<1280x16xf32, #tpu.memory_space<vmem>>[vector<16xi32>, vector<16xi32>], vector<16xf32>,
        %broadcast_in_dim3A_289 = arith.constant 2 : i32
        %broadcast_in_dim3A_290 = vector.broadcast %broadcast_in_dim3A_289 : i32 to vector<16xi32>
        %gather3A_291 = tpu.vector_load_idx %arg10[%add3A_253, %broadcast_in_dim3A_290] : memref<1280x16xf32, #tpu.memory_space<vmem>>[vector<16xi32>, vector<16xi32>], vector<16xf32>,
        %broadcast_in_dim3A_292 = arith.constant 3 : i32
        %broadcast_in_dim3A_293 = vector.broadcast %broadcast_in_dim3A_292 : i32 to vector<16xi32>
        %gather3A_294 = tpu.vector_load_idx %arg10[%add3A_253, %broadcast_in_dim3A_293] : memref<1280x16xf32, #tpu.memory_space<vmem>>[vector<16xi32>, vector<16xi32>], vector<16xf32>,
        %broadcast_in_dim3A_295 = arith.constant 4 : i32
        %broadcast_in_dim3A_296 = vector.broadcast %broadcast_in_dim3A_295 : i32 to vector<16xi32>
        %gather3A_297 = tpu.vector_load_idx %arg10[%add3A_253, %broadcast_in_dim3A_296] : memref<1280x16xf32, #tpu.memory_space<vmem>>[vector<16xi32>, vector<16xi32>], vector<16xf32>,
        %broadcast_in_dim3A_298 = arith.constant 5 : i32
        %broadcast_in_dim3A_299 = vector.broadcast %broadcast_in_dim3A_298 : i32 to vector<16xi32>
        %gather3A_300 = tpu.vector_load_idx %arg10[%add3A_253, %broadcast_in_dim3A_299] : memref<1280x16xf32, #tpu.memory_space<vmem>>[vector<16xi32>, vector<16xi32>], vector<16xf32>,
        %broadcast_in_dim3A_301 = arith.constant 6 : i32
        %broadcast_in_dim3A_302 = vector.broadcast %broadcast_in_dim3A_301 : i32 to vector<16xi32>
        %gather3A_303 = tpu.vector_load_idx %arg10[%add3A_253, %broadcast_in_dim3A_302] : memref<1280x16xf32, #tpu.memory_space<vmem>>[vector<16xi32>, vector<16xi32>], vector<16xf32>,
        %broadcast_in_dim3A_304 = arith.constant 7 : i32
        %broadcast_in_dim3A_305 = vector.broadcast %broadcast_in_dim3A_304 : i32 to vector<16xi32>
        %gather3A_306 = tpu.vector_load_idx %arg10[%add3A_253, %broadcast_in_dim3A_305] : memref<1280x16xf32, #tpu.memory_space<vmem>>[vector<16xi32>, vector<16xi32>], vector<16xf32>,
        %broadcast_in_dim3A_307 = arith.constant 8 : i32
        %broadcast_in_dim3A_308 = vector.broadcast %broadcast_in_dim3A_307 : i32 to vector<16xi32>
        %gather3A_309 = tpu.vector_load_idx %arg10[%add3A_253, %broadcast_in_dim3A_308] : memref<1280x16xf32, #tpu.memory_space<vmem>>[vector<16xi32>, vector<16xi32>], vector<16xf32>,
        %broadcast_in_dim3A_310 = arith.constant 9 : i32
        %broadcast_in_dim3A_311 = vector.broadcast %broadcast_in_dim3A_310 : i32 to vector<16xi32>
        %gather3A_312 = tpu.vector_load_idx %arg10[%add3A_253, %broadcast_in_dim3A_311] : memref<1280x16xf32, #tpu.memory_space<vmem>>[vector<16xi32>, vector<16xi32>], vector<16xf32>,
        %sub3A = arith.subf %gather3A_285, %gather3A : vector<16xf32>
        %gt3A = arith.constant 2.500000e+01 : f32
        %gt3A_313 = vector.broadcast %gt3A : f32 to vector<16xf32>
        %gt3A_314 = arith.cmpf ogt, %sub3A, %gt3A_313 : vector<16xf32>
        %sub3A_315 = arith.constant 5.000000e+01 : f32
        %sub3A_316 = vector.broadcast %sub3A_315 : f32 to vector<16xf32>
        %sub3A_317 = arith.subf %sub3A, %sub3A_316 : vector<16xf32>
        %lt3A_318 = arith.constant -2.500000e+01 : f32
        %lt3A_319 = vector.broadcast %lt3A_318 : f32 to vector<16xf32>
        %lt3A_320 = arith.cmpf olt, %sub3A, %lt3A_319 : vector<16xf32>
        %add3A_321 = arith.constant 5.000000e+01 : f32
        %add3A_322 = vector.broadcast %add3A_321 : f32 to vector<16xf32>
        %add3A_323 = arith.addf %sub3A, %add3A_322 : vector<16xf32>
        %select_n3A = arith.select %lt3A_320, %add3A_323, %sub3A : vector<16xi1>, vector<16xf32>
        %select_n3A_324 = arith.select %gt3A_314, %sub3A_317, %select_n3A : vector<16xi1>, vector<16xf32>
        %sub3A_325 = arith.subf %gather3A_288, %gather3A_258 : vector<16xf32>
        %gt3A_326 = arith.constant 2.500000e+01 : f32
        %gt3A_327 = vector.broadcast %gt3A_326 : f32 to vector<16xf32>
        %gt3A_328 = arith.cmpf ogt, %sub3A_325, %gt3A_327 : vector<16xf32>
        %sub3A_329 = arith.constant 5.000000e+01 : f32
        %sub3A_330 = vector.broadcast %sub3A_329 : f32 to vector<16xf32>
        %sub3A_331 = arith.subf %sub3A_325, %sub3A_330 : vector<16xf32>
        %lt3A_332 = arith.constant -2.500000e+01 : f32
        %lt3A_333 = vector.broadcast %lt3A_332 : f32 to vector<16xf32>
        %lt3A_334 = arith.cmpf olt, %sub3A_325, %lt3A_333 : vector<16xf32>
        %add3A_335 = arith.constant 5.000000e+01 : f32
        %add3A_336 = vector.broadcast %add3A_335 : f32 to vector<16xf32>
        %add3A_337 = arith.addf %sub3A_325, %add3A_336 : vector<16xf32>
        %select_n3A_338 = arith.select %lt3A_334, %add3A_337, %sub3A_325 : vector<16xi1>, vector<16xf32>
        %select_n3A_339 = arith.select %gt3A_328, %sub3A_331, %select_n3A_338 : vector<16xi1>, vector<16xf32>
        %sub3A_340 = arith.subf %gather3A_291, %gather3A_261 : vector<16xf32>
        %gt3A_341 = arith.constant 2.500000e+01 : f32
        %gt3A_342 = vector.broadcast %gt3A_341 : f32 to vector<16xf32>
        %gt3A_343 = arith.cmpf ogt, %sub3A_340, %gt3A_342 : vector<16xf32>
        %sub3A_344 = arith.constant 5.000000e+01 : f32
        %sub3A_345 = vector.broadcast %sub3A_344 : f32 to vector<16xf32>
        %sub3A_346 = arith.subf %sub3A_340, %sub3A_345 : vector<16xf32>
        %lt3A_347 = arith.constant -2.500000e+01 : f32
        %lt3A_348 = vector.broadcast %lt3A_347 : f32 to vector<16xf32>
        %lt3A_349 = arith.cmpf olt, %sub3A_340, %lt3A_348 : vector<16xf32>
        %add3A_350 = arith.constant 5.000000e+01 : f32
        %add3A_351 = vector.broadcast %add3A_350 : f32 to vector<16xf32>
        %add3A_352 = arith.addf %sub3A_340, %add3A_351 : vector<16xf32>
        %select_n3A_353 = arith.select %lt3A_349, %add3A_352, %sub3A_340 : vector<16xi1>, vector<16xf32>
        %select_n3A_354 = arith.select %gt3A_343, %sub3A_346, %select_n3A_353 : vector<16xi1>, vector<16xf32>
        %sub3A_355 = arith.subf %gather3A_294, %gather3A_264 : vector<16xf32>
        %sub3A_356 = arith.subf %gather3A_297, %gather3A_267 : vector<16xf32>
        %sub3A_357 = arith.subf %gather3A_300, %gather3A_270 : vector<16xf32>
        %add3A_358 = arith.addf %gather3A_294, %gather3A_264 : vector<16xf32>
        %add3A_359 = arith.addf %gather3A_297, %gather3A_267 : vector<16xf32>
        %add3A_360 = arith.addf %gather3A_300, %gather3A_270 : vector<16xf32>
        %mul3A_361 = arith.constant -4.000000e-01 : f32
        %mul3A_362 = vector.broadcast %mul3A_361 : f32 to vector<16xf32>
        %mul3A_363 = arith.mulf %mul3A_362, %sub3A_355 : vector<16xf32>
        %add3A_364 = arith.addf %select_n3A_324, %mul3A_363 : vector<16xf32>
        %mul3A_365 = arith.constant -4.000000e-01 : f32
        %mul3A_366 = vector.broadcast %mul3A_365 : f32 to vector<16xf32>
        %mul3A_367 = arith.mulf %mul3A_366, %sub3A_356 : vector<16xf32>
        %add3A_368 = arith.addf %select_n3A_339, %mul3A_367 : vector<16xf32>
        %mul3A_369 = arith.constant -4.000000e-01 : f32
        %mul3A_370 = vector.broadcast %mul3A_369 : f32 to vector<16xf32>
        %mul3A_371 = arith.mulf %mul3A_370, %sub3A_357 : vector<16xf32>
        %add3A_372 = arith.addf %select_n3A_354, %mul3A_371 : vector<16xf32>
        %mul3A_373 = arith.mulf %add3A_364, %add3A_364 : vector<16xf32>
        %mul3A_374 = arith.mulf %add3A_368, %add3A_368 : vector<16xf32>
        %add3A_375 = arith.addf %mul3A_373, %mul3A_374 : vector<16xf32>
        %mul3A_376 = arith.mulf %add3A_372, %add3A_372 : vector<16xf32>
        %add3A_377 = arith.addf %add3A_375, %mul3A_376 : vector<16xf32>
        %add3A_378 = arith.constant 9.99999996E-13 : f32
        %add3A_379 = vector.broadcast %add3A_378 : f32 to vector<16xf32>
        %add3A_380 = arith.addf %add3A_377, %add3A_379 : vector<16xf32>
        %mul3A_381 = arith.constant 4.000000e-01 : f32
        %mul3A_382 = vector.broadcast %mul3A_381 : f32 to vector<16xf32>
        %mul3A_383 = arith.mulf %mul3A_382, %sub3A_355 : vector<16xf32>
        %add3A_384 = arith.addf %select_n3A_324, %mul3A_383 : vector<16xf32>
        %mul3A_385 = arith.constant 4.000000e-01 : f32
        %mul3A_386 = vector.broadcast %mul3A_385 : f32 to vector<16xf32>
        %mul3A_387 = arith.mulf %mul3A_386, %sub3A_356 : vector<16xf32>
        %add3A_388 = arith.addf %select_n3A_339, %mul3A_387 : vector<16xf32>
        %mul3A_389 = arith.constant 4.000000e-01 : f32
        %mul3A_390 = vector.broadcast %mul3A_389 : f32 to vector<16xf32>
        %mul3A_391 = arith.mulf %mul3A_390, %sub3A_357 : vector<16xf32>
        %add3A_392 = arith.addf %select_n3A_354, %mul3A_391 : vector<16xf32>
        %mul3A_393 = arith.mulf %add3A_384, %add3A_384 : vector<16xf32>
        %mul3A_394 = arith.mulf %add3A_388, %add3A_388 : vector<16xf32>
        %add3A_395 = arith.addf %mul3A_393, %mul3A_394 : vector<16xf32>
        %mul3A_396 = arith.mulf %add3A_392, %add3A_392 : vector<16xf32>
        %add3A_397 = arith.addf %add3A_395, %mul3A_396 : vector<16xf32>
        %add3A_398 = arith.constant 9.99999996E-13 : f32
        %add3A_399 = vector.broadcast %add3A_398 : f32 to vector<16xf32>
        %add3A_400 = arith.addf %add3A_397, %add3A_399 : vector<16xf32>
        %mul3A_401 = arith.constant 4.000000e-01 : f32
        %mul3A_402 = vector.broadcast %mul3A_401 : f32 to vector<16xf32>
        %mul3A_403 = arith.mulf %mul3A_402, %add3A_358 : vector<16xf32>
        %add3A_404 = arith.addf %select_n3A_324, %mul3A_403 : vector<16xf32>
        %mul3A_405 = arith.constant 4.000000e-01 : f32
        %mul3A_406 = vector.broadcast %mul3A_405 : f32 to vector<16xf32>
        %mul3A_407 = arith.mulf %mul3A_406, %add3A_359 : vector<16xf32>
        %add3A_408 = arith.addf %select_n3A_339, %mul3A_407 : vector<16xf32>
        %mul3A_409 = arith.constant 4.000000e-01 : f32
        %mul3A_410 = vector.broadcast %mul3A_409 : f32 to vector<16xf32>
        %mul3A_411 = arith.mulf %mul3A_410, %add3A_360 : vector<16xf32>
        %add3A_412 = arith.addf %select_n3A_354, %mul3A_411 : vector<16xf32>
        %mul3A_413 = arith.mulf %add3A_404, %add3A_404 : vector<16xf32>
        %mul3A_414 = arith.mulf %add3A_408, %add3A_408 : vector<16xf32>
        %add3A_415 = arith.addf %mul3A_413, %mul3A_414 : vector<16xf32>
        %mul3A_416 = arith.mulf %add3A_412, %add3A_412 : vector<16xf32>
        %add3A_417 = arith.addf %add3A_415, %mul3A_416 : vector<16xf32>
        %add3A_418 = arith.constant 9.99999996E-13 : f32
        %add3A_419 = vector.broadcast %add3A_418 : f32 to vector<16xf32>
        %add3A_420 = arith.addf %add3A_417, %add3A_419 : vector<16xf32>
        %mul3A_421 = arith.constant -4.000000e-01 : f32
        %mul3A_422 = vector.broadcast %mul3A_421 : f32 to vector<16xf32>
        %mul3A_423 = arith.mulf %mul3A_422, %add3A_358 : vector<16xf32>
        %add3A_424 = arith.addf %select_n3A_324, %mul3A_423 : vector<16xf32>
        %mul3A_425 = arith.constant -4.000000e-01 : f32
        %mul3A_426 = vector.broadcast %mul3A_425 : f32 to vector<16xf32>
        %mul3A_427 = arith.mulf %mul3A_426, %add3A_359 : vector<16xf32>
        %add3A_428 = arith.addf %select_n3A_339, %mul3A_427 : vector<16xf32>
        %mul3A_429 = arith.constant -4.000000e-01 : f32
        %mul3A_430 = vector.broadcast %mul3A_429 : f32 to vector<16xf32>
        %mul3A_431 = arith.mulf %mul3A_430, %add3A_360 : vector<16xf32>
        %add3A_432 = arith.addf %select_n3A_354, %mul3A_431 : vector<16xf32>
        %mul3A_433 = arith.mulf %add3A_424, %add3A_424 : vector<16xf32>
        %mul3A_434 = arith.mulf %add3A_428, %add3A_428 : vector<16xf32>
        %add3A_435 = arith.addf %mul3A_433, %mul3A_434 : vector<16xf32>
        %mul3A_436 = arith.mulf %add3A_432, %add3A_432 : vector<16xf32>
        %add3A_437 = arith.addf %add3A_435, %mul3A_436 : vector<16xf32>
        %add3A_438 = arith.constant 9.99999996E-13 : f32
        %add3A_439 = vector.broadcast %add3A_438 : f32 to vector<16xf32>
        %add3A_440 = arith.addf %add3A_437, %add3A_439 : vector<16xf32>
        %mul3A_441 = arith.constant 3.400000e-01 : f32
        %mul3A_442 = vector.broadcast %mul3A_441 : f32 to vector<16xf32>
        %mul3A_443 = arith.mulf %mul3A_442, %sub3A_355 : vector<16xf32>
        %add3A_444 = arith.addf %select_n3A_324, %mul3A_443 : vector<16xf32>
        %mul3A_445 = arith.constant 3.400000e-01 : f32
        %mul3A_446 = vector.broadcast %mul3A_445 : f32 to vector<16xf32>
        %mul3A_447 = arith.mulf %mul3A_446, %sub3A_356 : vector<16xf32>
        %add3A_448 = arith.addf %select_n3A_339, %mul3A_447 : vector<16xf32>
        %mul3A_449 = arith.constant 3.400000e-01 : f32
        %mul3A_450 = vector.broadcast %mul3A_449 : f32 to vector<16xf32>
        %mul3A_451 = arith.mulf %mul3A_450, %sub3A_357 : vector<16xf32>
        %add3A_452 = arith.addf %select_n3A_354, %mul3A_451 : vector<16xf32>
        %mul3A_453 = arith.mulf %add3A_444, %add3A_444 : vector<16xf32>
        %mul3A_454 = arith.mulf %add3A_448, %add3A_448 : vector<16xf32>
        %add3A_455 = arith.addf %mul3A_453, %mul3A_454 : vector<16xf32>
        %mul3A_456 = arith.mulf %add3A_452, %add3A_452 : vector<16xf32>
        %add3A_457 = arith.addf %add3A_455, %mul3A_456 : vector<16xf32>
        %add3A_458 = arith.constant 9.99999996E-13 : f32
        %add3A_459 = vector.broadcast %add3A_458 : f32 to vector<16xf32>
        %add3A_460 = arith.addf %add3A_457, %add3A_459 : vector<16xf32>
        %max3A = arith.constant 4.900000e-03 : f32
        %max3A_461 = vector.broadcast %max3A : f32 to vector<16xf32>
        %max3A_462 = arith.maximumf %add3A_380, %max3A_461 : vector<16xf32>
        %div3A = arith.constant 4.900000e-01 : f32
        %div3A_463 = vector.broadcast %div3A : f32 to vector<16xf32>
        %div3A_464 = arith.divf %div3A_463, %max3A_462 : vector<16xf32>
        %mul3A_465 = arith.mulf %div3A_464, %div3A_464 : vector<16xf32>
        %mul3A_466 = arith.mulf %mul3A_465, %div3A_464 : vector<16xf32>
        %mul3A_467 = arith.mulf %mul3A_466, %mul3A_466 : vector<16xf32>
        %sub3A_468 = arith.subf %mul3A_467, %mul3A_466 : vector<16xf32>
        %mul3A_469 = arith.constant 8.000000e+00 : f32
        %mul3A_470 = vector.broadcast %mul3A_469 : f32 to vector<16xf32>
        %mul3A_471 = arith.mulf %mul3A_470, %sub3A_468 : vector<16xf32>
        %add3A_472 = arith.constant 2.000000e+00 : f32
        %add3A_473 = vector.broadcast %add3A_472 : f32 to vector<16xf32>
        %add3A_474 = arith.addf %mul3A_471, %add3A_473 : vector<16xf32>
        %lt3A_475 = arith.constant 0.617361307 : f32
        %lt3A_476 = vector.broadcast %lt3A_475 : f32 to vector<16xf32>
        %lt3A_477 = arith.cmpf olt, %add3A_380, %lt3A_476 : vector<16xf32>
        %jit3A = arith.constant 0.000000e+00 : f32
        %broadcast_in_dim3A_478 = vector.broadcast %jit3A : f32 to vector<16xf32>
        %select_n3A_479 = arith.select %lt3A_477, %add3A_474, %broadcast_in_dim3A_478 : vector<16xi1>, vector<16xf32>
        %max3A_480 = arith.constant 1.089000e-03 : f32
        %max3A_481 = vector.broadcast %max3A_480 : f32 to vector<16xf32>
        %max3A_482 = arith.maximumf %add3A_400, %max3A_481 : vector<16xf32>
        %div3A_483 = arith.constant 1.089000e-01 : f32
        %div3A_484 = vector.broadcast %div3A_483 : f32 to vector<16xf32>
        %div3A_485 = arith.divf %div3A_484, %max3A_482 : vector<16xf32>
        %mul3A_486 = arith.mulf %div3A_485, %div3A_485 : vector<16xf32>
        %mul3A_487 = arith.mulf %mul3A_486, %div3A_485 : vector<16xf32>
        %mul3A_488 = arith.mulf %mul3A_487, %mul3A_487 : vector<16xf32>
        %sub3A_489 = arith.subf %mul3A_488, %mul3A_487 : vector<16xf32>
        %mul3A_490 = arith.constant 8.000000e+00 : f32
        %mul3A_491 = vector.broadcast %mul3A_490 : f32 to vector<16xf32>
        %mul3A_492 = arith.mulf %mul3A_491, %sub3A_489 : vector<16xf32>
        %add3A_493 = arith.constant 2.000000e+00 : f32
        %add3A_494 = vector.broadcast %add3A_493 : f32 to vector<16xf32>
        %add3A_495 = arith.addf %mul3A_492, %add3A_494 : vector<16xf32>
        %lt3A_496 = arith.constant 0.137205407 : f32
        %lt3A_497 = vector.broadcast %lt3A_496 : f32 to vector<16xf32>
        %lt3A_498 = arith.cmpf olt, %add3A_400, %lt3A_497 : vector<16xf32>
        %jit3A_499 = arith.constant 0.000000e+00 : f32
        %broadcast_in_dim3A_500 = vector.broadcast %jit3A_499 : f32 to vector<16xf32>
        %select_n3A_501 = arith.select %lt3A_498, %add3A_495, %broadcast_in_dim3A_500 : vector<16xi1>, vector<16xf32>
        %add3A_502 = arith.addf %select_n3A_479, %select_n3A_501 : vector<16xf32>
        %max3A_503 = arith.constant 2.652250e-03 : f32
        %max3A_504 = vector.broadcast %max3A_503 : f32 to vector<16xf32>
        %max3A_505 = arith.maximumf %add3A_420, %max3A_504 : vector<16xf32>
        %div3A_506 = arith.constant 2.652250e-01 : f32
        %div3A_507 = vector.broadcast %div3A_506 : f32 to vector<16xf32>
        %div3A_508 = arith.divf %div3A_507, %max3A_505 : vector<16xf32>
        %mul3A_509 = arith.mulf %div3A_508, %div3A_508 : vector<16xf32>
        %mul3A_510 = arith.mulf %mul3A_509, %div3A_508 : vector<16xf32>
        %mul3A_511 = arith.mulf %mul3A_510, %mul3A_510 : vector<16xf32>
        %sub3A_512 = arith.subf %mul3A_511, %mul3A_510 : vector<16xf32>
        %mul3A_513 = arith.constant 8.000000e+00 : f32
        %mul3A_514 = vector.broadcast %mul3A_513 : f32 to vector<16xf32>
        %mul3A_515 = arith.mulf %mul3A_514, %sub3A_512 : vector<16xf32>
        %add3A_516 = arith.constant 2.000000e+00 : f32
        %add3A_517 = vector.broadcast %add3A_516 : f32 to vector<16xf32>
        %add3A_518 = arith.addf %mul3A_515, %add3A_517 : vector<16xf32>
        %lt3A_519 = arith.constant 0.334162563 : f32
        %lt3A_520 = vector.broadcast %lt3A_519 : f32 to vector<16xf32>
        %lt3A_521 = arith.cmpf olt, %add3A_420, %lt3A_520 : vector<16xf32>
        %jit3A_522 = arith.constant 0.000000e+00 : f32
        %broadcast_in_dim3A_523 = vector.broadcast %jit3A_522 : f32 to vector<16xf32>
        %select_n3A_524 = arith.select %lt3A_521, %add3A_518, %broadcast_in_dim3A_523 : vector<16xi1>, vector<16xf32>
        %max3A_525 = arith.constant 2.652250e-03 : f32
        %max3A_526 = vector.broadcast %max3A_525 : f32 to vector<16xf32>
        %max3A_527 = arith.maximumf %add3A_440, %max3A_526 : vector<16xf32>
        %div3A_528 = arith.constant 2.652250e-01 : f32
        %div3A_529 = vector.broadcast %div3A_528 : f32 to vector<16xf32>
        %div3A_530 = arith.divf %div3A_529, %max3A_527 : vector<16xf32>
        %mul3A_531 = arith.mulf %div3A_530, %div3A_530 : vector<16xf32>
        %mul3A_532 = arith.mulf %mul3A_531, %div3A_530 : vector<16xf32>
        %mul3A_533 = arith.mulf %mul3A_532, %mul3A_532 : vector<16xf32>
        %sub3A_534 = arith.subf %mul3A_533, %mul3A_532 : vector<16xf32>
        %mul3A_535 = arith.constant 8.000000e+00 : f32
        %mul3A_536 = vector.broadcast %mul3A_535 : f32 to vector<16xf32>
        %mul3A_537 = arith.mulf %mul3A_536, %sub3A_534 : vector<16xf32>
        %add3A_538 = arith.constant 2.000000e+00 : f32
        %add3A_539 = vector.broadcast %add3A_538 : f32 to vector<16xf32>
        %add3A_540 = arith.addf %mul3A_537, %add3A_539 : vector<16xf32>
        %lt3A_541 = arith.constant 0.334162563 : f32
        %lt3A_542 = vector.broadcast %lt3A_541 : f32 to vector<16xf32>
        %lt3A_543 = arith.cmpf olt, %add3A_440, %lt3A_542 : vector<16xf32>
        %jit3A_544 = arith.constant 0.000000e+00 : f32
        %broadcast_in_dim3A_545 = vector.broadcast %jit3A_544 : f32 to vector<16xf32>
        %select_n3A_546 = arith.select %lt3A_543, %add3A_540, %broadcast_in_dim3A_545 : vector<16xi1>, vector<16xf32>
        %add3A_547 = arith.addf %select_n3A_524, %select_n3A_546 : vector<16xf32>
        %add3A_548 = arith.addf %add3A_502, %add3A_547 : vector<16xf32>
        %bitcast_convert_type3A = tpu.bitcast %add3A_400 : vector<16xf32> -> vector<16xi32>
        %shift_right_arithmetic3A = arith.constant 1 : i32
        %shift_right_arithmetic3A_549 = vector.broadcast %shift_right_arithmetic3A : i32 to vector<16xi32>
        %shift_right_arithmetic3A_550 = arith.shrsi %bitcast_convert_type3A, %shift_right_arithmetic3A_549 : vector<16xi32>
        %sub3A_551 = arith.constant 1597463007 : i32
        %sub3A_552 = vector.broadcast %sub3A_551 : i32 to vector<16xi32>
        %sub3A_553 = arith.subi %sub3A_552, %shift_right_arithmetic3A_550 : vector<16xi32>
        %bitcast_convert_type3A_554 = tpu.bitcast %sub3A_553 : vector<16xi32> -> vector<16xf32>
        %mul3A_555 = arith.constant 5.000000e-01 : f32
        %mul3A_556 = vector.broadcast %mul3A_555 : f32 to vector<16xf32>
        %mul3A_557 = arith.mulf %mul3A_556, %add3A_400 : vector<16xf32>
        %mul3A_558 = arith.mulf %mul3A_557, %bitcast_convert_type3A_554 : vector<16xf32>
        %mul3A_559 = arith.mulf %mul3A_558, %bitcast_convert_type3A_554 : vector<16xf32>
        %sub3A_560 = arith.constant 1.500000e+00 : f32
        %sub3A_561 = vector.broadcast %sub3A_560 : f32 to vector<16xf32>
        %sub3A_562 = arith.subf %sub3A_561, %mul3A_559 : vector<16xf32>
        %mul3A_563 = arith.mulf %bitcast_convert_type3A_554, %sub3A_562 : vector<16xf32>
        %mul3A_564 = arith.constant 5.000000e-01 : f32
        %mul3A_565 = vector.broadcast %mul3A_564 : f32 to vector<16xf32>
        %mul3A_566 = arith.mulf %mul3A_565, %add3A_400 : vector<16xf32>
        %mul3A_567 = arith.mulf %mul3A_566, %mul3A_563 : vector<16xf32>
        %mul3A_568 = arith.mulf %mul3A_567, %mul3A_563 : vector<16xf32>
        %sub3A_569 = arith.constant 1.500000e+00 : f32
        %sub3A_570 = vector.broadcast %sub3A_569 : f32 to vector<16xf32>
        %sub3A_571 = arith.subf %sub3A_570, %mul3A_568 : vector<16xf32>
        %mul3A_572 = arith.mulf %mul3A_563, %sub3A_571 : vector<16xf32>
        %mul3A_573 = arith.constant 5.000000e-01 : f32
        %mul3A_574 = vector.broadcast %mul3A_573 : f32 to vector<16xf32>
        %mul3A_575 = arith.mulf %mul3A_574, %add3A_400 : vector<16xf32>
        %mul3A_576 = arith.mulf %mul3A_575, %mul3A_572 : vector<16xf32>
        %mul3A_577 = arith.mulf %mul3A_576, %mul3A_572 : vector<16xf32>
        %sub3A_578 = arith.constant 1.500000e+00 : f32
        %sub3A_579 = vector.broadcast %sub3A_578 : f32 to vector<16xf32>
        %sub3A_580 = arith.subf %sub3A_579, %mul3A_577 : vector<16xf32>
        %mul3A_581 = arith.mulf %mul3A_572, %sub3A_580 : vector<16xf32>
        %mul3A_582 = arith.mulf %add3A_400, %mul3A_581 : vector<16xf32>
        %convert_element_type3A_583 = arith.fptosi %gather3A_282 : vector<16xf32> to vector<16xi32>
        %convert_element_type3A_584 = arith.fptosi %gather3A_312 : vector<16xf32> to vector<16xi32>
        %mul3A_585 = arith.constant 4 : i32
        %mul3A_586 = vector.broadcast %mul3A_585 : i32 to vector<16xi32>
        %mul3A_587 = arith.muli %convert_element_type3A_583, %mul3A_586 : vector<16xi32>
        %add3A_588 = arith.addi %mul3A_587, %convert_element_type3A_584 : vector<16xi32>
        %gather3A_589 = tpu.vector_load_idx %arg11[%add3A_588] : memref<16xf32, #tpu.memory_space<vmem>>[vector<16xi32>], vector<16xf32>,
        %add3A_590 = arith.addi %convert_element_type3A_583, %convert_element_type3A_584 : vector<16xi32>
        %eq3A = arith.constant 3 : i32
        %eq3A_591 = vector.broadcast %eq3A : i32 to vector<16xi32>
        %eq3A_592 = arith.cmpi eq, %add3A_590, %eq3A_591 : vector<16xi32>
        %jit3A_593 = arith.constant 1.000000e+00 : f32
        %jit3A_594 = arith.constant 0.000000e+00 : f32
        %broadcast_in_dim3A_595 = vector.broadcast %jit3A_593 : f32 to vector<16xf32>
        %broadcast_in_dim3A_596 = vector.broadcast %jit3A_594 : f32 to vector<16xf32>
        %select_n3A_597 = arith.select %eq3A_592, %broadcast_in_dim3A_595, %broadcast_in_dim3A_596 : vector<16xi1>, vector<16xf32>
        %mul3A_598 = arith.mulf %gather3A_264, %gather3A_294 : vector<16xf32>
        %mul3A_599 = arith.mulf %gather3A_267, %gather3A_297 : vector<16xf32>
        %add3A_600 = arith.addf %mul3A_598, %mul3A_599 : vector<16xf32>
        %mul3A_601 = arith.mulf %gather3A_270, %gather3A_300 : vector<16xf32>
        %add3A_602 = arith.addf %add3A_600, %mul3A_601 : vector<16xf32>
        %neg3A = arith.constant 0.000000e+00 : f32
        %neg3A_603 = vector.broadcast %neg3A : f32 to vector<16xf32>
        %neg3A_604 = arith.subf %neg3A_603, %add3A_602 : vector<16xf32>
        %max3A_605 = arith.constant 0.000000e+00 : f32
        %max3A_606 = vector.broadcast %max3A_605 : f32 to vector<16xf32>
        %max3A_607 = arith.maximumf %neg3A_604, %max3A_606 : vector<16xf32>
        %min3A = arith.constant 1.000000e+00 : f32
        %min3A_608 = vector.broadcast %min3A : f32 to vector<16xf32>
        %min3A_609 = arith.minimumf %max3A_607, %min3A_608 : vector<16xf32>
        %sub3A_610 = arith.constant 4.000000e-01 : f32
        %sub3A_611 = vector.broadcast %sub3A_610 : f32 to vector<16xf32>
        %sub3A_612 = arith.subf %mul3A_582, %sub3A_611 : vector<16xf32>
        %mul3A_613 = arith.constant 4.000000e+00 : f32
        %mul3A_614 = vector.broadcast %mul3A_613 : f32 to vector<16xf32>
        %mul3A_615 = arith.mulf %sub3A_612, %mul3A_614 : vector<16xf32>
        %neg3A_616 = arith.constant 0.000000e+00 : f32
        %neg3A_617 = vector.broadcast %neg3A_616 : f32 to vector<16xf32>
        %neg3A_618 = arith.subf %neg3A_617, %gather3A_589 : vector<16xf32>
        %mul3A_619 = arith.mulf %neg3A_618, %select_n3A_597 : vector<16xf32>
        %neg3A_620 = arith.constant 0.000000e+00 : f32
        %neg3A_621 = vector.broadcast %neg3A_620 : f32 to vector<16xf32>
        %neg3A_622 = arith.subf %neg3A_621, %mul3A_615 : vector<16xf32>
        %mul3A_623 = arith.mulf %neg3A_622, %mul3A_615 : vector<16xf32>
        %exp3A = math.exp %mul3A_623 : vector<16xf32>
        %mul3A_624 = arith.mulf %mul3A_619, %exp3A : vector<16xf32>
        %mul3A_625 = arith.mulf %mul3A_624, %min3A_609 : vector<16xf32>
        %add3A_626 = arith.addf %add3A_548, %mul3A_625 : vector<16xf32>
        %mul3A_627 = arith.mulf %gather3A_273, %gather3A_303 : vector<16xf32>
        %mul3A_628 = arith.mulf %gather3A_276, %gather3A_306 : vector<16xf32>
        %add3A_629 = arith.addf %mul3A_627, %mul3A_628 : vector<16xf32>
        %mul3A_630 = arith.mulf %gather3A_279, %gather3A_309 : vector<16xf32>
        %add3A_631 = arith.addf %add3A_629, %mul3A_630 : vector<16xf32>
        %max3A_632 = arith.constant 0.000000e+00 : f32
        %max3A_633 = vector.broadcast %max3A_632 : f32 to vector<16xf32>
        %max3A_634 = arith.maximumf %add3A_631, %max3A_633 : vector<16xf32>
        %min3A_635 = arith.constant 1.000000e+00 : f32
        %min3A_636 = vector.broadcast %min3A_635 : f32 to vector<16xf32>
        %min3A_637 = arith.minimumf %max3A_634, %min3A_636 : vector<16xf32>
        %sub3A_638 = arith.constant 5.750000e-01 : f32
        %sub3A_639 = vector.broadcast %sub3A_638 : f32 to vector<16xf32>
        %sub3A_640 = arith.subf %mul3A_582, %sub3A_639 : vector<16xf32>
        %mul3A_641 = arith.constant 4.000000e+00 : f32
        %mul3A_642 = vector.broadcast %mul3A_641 : f32 to vector<16xf32>
        %mul3A_643 = arith.mulf %sub3A_640, %mul3A_642 : vector<16xf32>
        %neg3A_644 = arith.constant 0.000000e+00 : f32
        %neg3A_645 = vector.broadcast %neg3A_644 : f32 to vector<16xf32>
        %neg3A_646 = arith.subf %neg3A_645, %mul3A_643 : vector<16xf32>
        %mul3A_647 = arith.mulf %neg3A_646, %mul3A_643 : vector<16xf32>
        %exp3A_648 = math.exp %mul3A_647 : vector<16xf32>
        %neg3A_649 = arith.constant 0.000000e+00 : f32
        %neg3A_650 = vector.broadcast %neg3A_649 : f32 to vector<16xf32>
        %neg3A_651 = arith.subf %neg3A_650, %exp3A_648 : vector<16xf32>
        %mul3A_652 = arith.mulf %neg3A_651, %min3A_637 : vector<16xf32>
        %add3A_653 = arith.addf %add3A_626, %mul3A_652 : vector<16xf32>
        %bitcast_convert_type3A_654 = tpu.bitcast %add3A_460 : vector<16xf32> -> vector<16xi32>
        %shift_right_arithmetic3A_655 = arith.constant 1 : i32
        %shift_right_arithmetic3A_656 = vector.broadcast %shift_right_arithmetic3A_655 : i32 to vector<16xi32>
        %shift_right_arithmetic3A_657 = arith.shrsi %bitcast_convert_type3A_654, %shift_right_arithmetic3A_656 : vector<16xi32>
        %sub3A_658 = arith.constant 1597463007 : i32
        %sub3A_659 = vector.broadcast %sub3A_658 : i32 to vector<16xi32>
        %sub3A_660 = arith.subi %sub3A_659, %shift_right_arithmetic3A_657 : vector<16xi32>
        %bitcast_convert_type3A_661 = tpu.bitcast %sub3A_660 : vector<16xi32> -> vector<16xf32>
        %mul3A_662 = arith.constant 5.000000e-01 : f32
        %mul3A_663 = vector.broadcast %mul3A_662 : f32 to vector<16xf32>
        %mul3A_664 = arith.mulf %mul3A_663, %add3A_460 : vector<16xf32>
        %mul3A_665 = arith.mulf %mul3A_664, %bitcast_convert_type3A_661 : vector<16xf32>
        %mul3A_666 = arith.mulf %mul3A_665, %bitcast_convert_type3A_661 : vector<16xf32>
        %sub3A_667 = arith.constant 1.500000e+00 : f32
        %sub3A_668 = vector.broadcast %sub3A_667 : f32 to vector<16xf32>
        %sub3A_669 = arith.subf %sub3A_668, %mul3A_666 : vector<16xf32>
        %mul3A_670 = arith.mulf %bitcast_convert_type3A_661, %sub3A_669 : vector<16xf32>
        %mul3A_671 = arith.constant 5.000000e-01 : f32
        %mul3A_672 = vector.broadcast %mul3A_671 : f32 to vector<16xf32>
        %mul3A_673 = arith.mulf %mul3A_672, %add3A_460 : vector<16xf32>
        %mul3A_674 = arith.mulf %mul3A_673, %mul3A_670 : vector<16xf32>
        %mul3A_675 = arith.mulf %mul3A_674, %mul3A_670 : vector<16xf32>
        %sub3A_676 = arith.constant 1.500000e+00 : f32
        %sub3A_677 = vector.broadcast %sub3A_676 : f32 to vector<16xf32>
        %sub3A_678 = arith.subf %sub3A_677, %mul3A_675 : vector<16xf32>
        %mul3A_679 = arith.mulf %mul3A_670, %sub3A_678 : vector<16xf32>
        %mul3A_680 = arith.constant 5.000000e-01 : f32
        %mul3A_681 = vector.broadcast %mul3A_680 : f32 to vector<16xf32>
        %mul3A_682 = arith.mulf %mul3A_681, %add3A_460 : vector<16xf32>
        %mul3A_683 = arith.mulf %mul3A_682, %mul3A_679 : vector<16xf32>
        %mul3A_684 = arith.mulf %mul3A_683, %mul3A_679 : vector<16xf32>
        %sub3A_685 = arith.constant 1.500000e+00 : f32
        %sub3A_686 = vector.broadcast %sub3A_685 : f32 to vector<16xf32>
        %sub3A_687 = arith.subf %sub3A_686, %mul3A_684 : vector<16xf32>
        %mul3A_688 = arith.mulf %mul3A_679, %sub3A_687 : vector<16xf32>
        %mul3A_689 = arith.mulf %add3A_460, %mul3A_688 : vector<16xf32>
        %sub3A_690 = arith.constant 4.000000e-01 : f32
        %sub3A_691 = vector.broadcast %sub3A_690 : f32 to vector<16xf32>
        %sub3A_692 = arith.subf %mul3A_689, %sub3A_691 : vector<16xf32>
        %mul3A_693 = arith.constant 4.000000e+00 : f32
        %mul3A_694 = vector.broadcast %mul3A_693 : f32 to vector<16xf32>
        %mul3A_695 = arith.mulf %sub3A_692, %mul3A_694 : vector<16xf32>
        %neg3A_696 = arith.constant 0.000000e+00 : f32
        %neg3A_697 = vector.broadcast %neg3A_696 : f32 to vector<16xf32>
        %neg3A_698 = arith.subf %neg3A_697, %mul3A_695 : vector<16xf32>
        %mul3A_699 = arith.mulf %neg3A_698, %mul3A_695 : vector<16xf32>
        %exp3A_700 = math.exp %mul3A_699 : vector<16xf32>
        %mul3A_701 = arith.constant -1.300000e+00 : f32
        %mul3A_702 = vector.broadcast %mul3A_701 : f32 to vector<16xf32>
        %mul3A_703 = arith.mulf %mul3A_702, %exp3A_700 : vector<16xf32>
        %mul3A_704 = arith.mulf %mul3A_703, %min3A_637 : vector<16xf32>
        %mul3A_705 = arith.mulf %mul3A_704, %min3A_637 : vector<16xf32>
        %add3A_706 = arith.addf %add3A_653, %mul3A_705 : vector<16xf32>
        %add3A_707 = arith.addf %scan3A_247, %add3A_706 : vector<16xf32>
        %add3A_708 = arith.constant 16 : i32
        %add3A_709 = vector.broadcast %add3A_708 : i32 to vector<16xi32>
        %add3A_710 = arith.addi %add3A_253, %add3A_709 : vector<16xi32>
        %broadcast_in_dim3A_711 = arith.constant 0 : i32
        %broadcast_in_dim3A_712 = vector.broadcast %broadcast_in_dim3A_711 : i32 to vector<16xi32>
        %gather3A_713 = tpu.vector_load_idx %arg9[%add3A_710, %broadcast_in_dim3A_712] : memref<1280x16xf32, #tpu.memory_space<vmem>>[vector<16xi32>, vector<16xi32>], vector<16xf32>,
        %broadcast_in_dim3A_714 = arith.constant 1 : i32
        %broadcast_in_dim3A_715 = vector.broadcast %broadcast_in_dim3A_714 : i32 to vector<16xi32>
        %gather3A_716 = tpu.vector_load_idx %arg9[%add3A_710, %broadcast_in_dim3A_715] : memref<1280x16xf32, #tpu.memory_space<vmem>>[vector<16xi32>, vector<16xi32>], vector<16xf32>,
        %broadcast_in_dim3A_717 = arith.constant 2 : i32
        %broadcast_in_dim3A_718 = vector.broadcast %broadcast_in_dim3A_717 : i32 to vector<16xi32>
        %gather3A_719 = tpu.vector_load_idx %arg9[%add3A_710, %broadcast_in_dim3A_718] : memref<1280x16xf32, #tpu.memory_space<vmem>>[vector<16xi32>, vector<16xi32>], vector<16xf32>,
        %broadcast_in_dim3A_720 = arith.constant 3 : i32
        %broadcast_in_dim3A_721 = vector.broadcast %broadcast_in_dim3A_720 : i32 to vector<16xi32>
        %gather3A_722 = tpu.vector_load_idx %arg9[%add3A_710, %broadcast_in_dim3A_721] : memref<1280x16xf32, #tpu.memory_space<vmem>>[vector<16xi32>, vector<16xi32>], vector<16xf32>,
        %broadcast_in_dim3A_723 = arith.constant 4 : i32
        %broadcast_in_dim3A_724 = vector.broadcast %broadcast_in_dim3A_723 : i32 to vector<16xi32>
        %gather3A_725 = tpu.vector_load_idx %arg9[%add3A_710, %broadcast_in_dim3A_724] : memref<1280x16xf32, #tpu.memory_space<vmem>>[vector<16xi32>, vector<16xi32>], vector<16xf32>,
        %broadcast_in_dim3A_726 = arith.constant 5 : i32
        %broadcast_in_dim3A_727 = vector.broadcast %broadcast_in_dim3A_726 : i32 to vector<16xi32>
        %gather3A_728 = tpu.vector_load_idx %arg9[%add3A_710, %broadcast_in_dim3A_727] : memref<1280x16xf32, #tpu.memory_space<vmem>>[vector<16xi32>, vector<16xi32>], vector<16xf32>,
        %broadcast_in_dim3A_729 = arith.constant 6 : i32
        %broadcast_in_dim3A_730 = vector.broadcast %broadcast_in_dim3A_729 : i32 to vector<16xi32>
        %gather3A_731 = tpu.vector_load_idx %arg9[%add3A_710, %broadcast_in_dim3A_730] : memref<1280x16xf32, #tpu.memory_space<vmem>>[vector<16xi32>, vector<16xi32>], vector<16xf32>,
        %broadcast_in_dim3A_732 = arith.constant 7 : i32
        %broadcast_in_dim3A_733 = vector.broadcast %broadcast_in_dim3A_732 : i32 to vector<16xi32>
        %gather3A_734 = tpu.vector_load_idx %arg9[%add3A_710, %broadcast_in_dim3A_733] : memref<1280x16xf32, #tpu.memory_space<vmem>>[vector<16xi32>, vector<16xi32>], vector<16xf32>,
        %broadcast_in_dim3A_735 = arith.constant 8 : i32
        %broadcast_in_dim3A_736 = vector.broadcast %broadcast_in_dim3A_735 : i32 to vector<16xi32>
        %gather3A_737 = tpu.vector_load_idx %arg9[%add3A_710, %broadcast_in_dim3A_736] : memref<1280x16xf32, #tpu.memory_space<vmem>>[vector<16xi32>, vector<16xi32>], vector<16xf32>,
        %broadcast_in_dim3A_738 = arith.constant 9 : i32
        %broadcast_in_dim3A_739 = vector.broadcast %broadcast_in_dim3A_738 : i32 to vector<16xi32>
        %gather3A_740 = tpu.vector_load_idx %arg9[%add3A_710, %broadcast_in_dim3A_739] : memref<1280x16xf32, #tpu.memory_space<vmem>>[vector<16xi32>, vector<16xi32>], vector<16xf32>,
        %broadcast_in_dim3A_741 = arith.constant 0 : i32
        %broadcast_in_dim3A_742 = vector.broadcast %broadcast_in_dim3A_741 : i32 to vector<16xi32>
        %gather3A_743 = tpu.vector_load_idx %arg10[%add3A_710, %broadcast_in_dim3A_742] : memref<1280x16xf32, #tpu.memory_space<vmem>>[vector<16xi32>, vector<16xi32>], vector<16xf32>,
        %broadcast_in_dim3A_744 = arith.constant 1 : i32
        %broadcast_in_dim3A_745 = vector.broadcast %broadcast_in_dim3A_744 : i32 to vector<16xi32>
        %gather3A_746 = tpu.vector_load_idx %arg10[%add3A_710, %broadcast_in_dim3A_745] : memref<1280x16xf32, #tpu.memory_space<vmem>>[vector<16xi32>, vector<16xi32>], vector<16xf32>,
        %broadcast_in_dim3A_747 = arith.constant 2 : i32
        %broadcast_in_dim3A_748 = vector.broadcast %broadcast_in_dim3A_747 : i32 to vector<16xi32>
        %gather3A_749 = tpu.vector_load_idx %arg10[%add3A_710, %broadcast_in_dim3A_748] : memref<1280x16xf32, #tpu.memory_space<vmem>>[vector<16xi32>, vector<16xi32>], vector<16xf32>,
        %broadcast_in_dim3A_750 = arith.constant 3 : i32
        %broadcast_in_dim3A_751 = vector.broadcast %broadcast_in_dim3A_750 : i32 to vector<16xi32>
        %gather3A_752 = tpu.vector_load_idx %arg10[%add3A_710, %broadcast_in_dim3A_751] : memref<1280x16xf32, #tpu.memory_space<vmem>>[vector<16xi32>, vector<16xi32>], vector<16xf32>,
        %broadcast_in_dim3A_753 = arith.constant 4 : i32
        %broadcast_in_dim3A_754 = vector.broadcast %broadcast_in_dim3A_753 : i32 to vector<16xi32>
        %gather3A_755 = tpu.vector_load_idx %arg10[%add3A_710, %broadcast_in_dim3A_754] : memref<1280x16xf32, #tpu.memory_space<vmem>>[vector<16xi32>, vector<16xi32>], vector<16xf32>,
        %broadcast_in_dim3A_756 = arith.constant 5 : i32
        %broadcast_in_dim3A_757 = vector.broadcast %broadcast_in_dim3A_756 : i32 to vector<16xi32>
        %gather3A_758 = tpu.vector_load_idx %arg10[%add3A_710, %broadcast_in_dim3A_757] : memref<1280x16xf32, #tpu.memory_space<vmem>>[vector<16xi32>, vector<16xi32>], vector<16xf32>,
        %broadcast_in_dim3A_759 = arith.constant 6 : i32
        %broadcast_in_dim3A_760 = vector.broadcast %broadcast_in_dim3A_759 : i32 to vector<16xi32>
        %gather3A_761 = tpu.vector_load_idx %arg10[%add3A_710, %broadcast_in_dim3A_760] : memref<1280x16xf32, #tpu.memory_space<vmem>>[vector<16xi32>, vector<16xi32>], vector<16xf32>,
        %broadcast_in_dim3A_762 = arith.constant 7 : i32
        %broadcast_in_dim3A_763 = vector.broadcast %broadcast_in_dim3A_762 : i32 to vector<16xi32>
        %gather3A_764 = tpu.vector_load_idx %arg10[%add3A_710, %broadcast_in_dim3A_763] : memref<1280x16xf32, #tpu.memory_space<vmem>>[vector<16xi32>, vector<16xi32>], vector<16xf32>,
        %broadcast_in_dim3A_765 = arith.constant 8 : i32
        %broadcast_in_dim3A_766 = vector.broadcast %broadcast_in_dim3A_765 : i32 to vector<16xi32>
        %gather3A_767 = tpu.vector_load_idx %arg10[%add3A_710, %broadcast_in_dim3A_766] : memref<1280x16xf32, #tpu.memory_space<vmem>>[vector<16xi32>, vector<16xi32>], vector<16xf32>,
        %broadcast_in_dim3A_768 = arith.constant 9 : i32
        %broadcast_in_dim3A_769 = vector.broadcast %broadcast_in_dim3A_768 : i32 to vector<16xi32>
        %gather3A_770 = tpu.vector_load_idx %arg10[%add3A_710, %broadcast_in_dim3A_769] : memref<1280x16xf32, #tpu.memory_space<vmem>>[vector<16xi32>, vector<16xi32>], vector<16xf32>,
        %sub3A_771 = arith.subf %gather3A_743, %gather3A_713 : vector<16xf32>
        %gt3A_772 = arith.constant 2.500000e+01 : f32
        %gt3A_773 = vector.broadcast %gt3A_772 : f32 to vector<16xf32>
        %gt3A_774 = arith.cmpf ogt, %sub3A_771, %gt3A_773 : vector<16xf32>
        %sub3A_775 = arith.constant 5.000000e+01 : f32
        %sub3A_776 = vector.broadcast %sub3A_775 : f32 to vector<16xf32>
        %sub3A_777 = arith.subf %sub3A_771, %sub3A_776 : vector<16xf32>
        %lt3A_778 = arith.constant -2.500000e+01 : f32
        %lt3A_779 = vector.broadcast %lt3A_778 : f32 to vector<16xf32>
        %lt3A_780 = arith.cmpf olt, %sub3A_771, %lt3A_779 : vector<16xf32>
        %add3A_781 = arith.constant 5.000000e+01 : f32
        %add3A_782 = vector.broadcast %add3A_781 : f32 to vector<16xf32>
        %add3A_783 = arith.addf %sub3A_771, %add3A_782 : vector<16xf32>
        %select_n3A_784 = arith.select %lt3A_780, %add3A_783, %sub3A_771 : vector<16xi1>, vector<16xf32>
        %select_n3A_785 = arith.select %gt3A_774, %sub3A_777, %select_n3A_784 : vector<16xi1>, vector<16xf32>
        %sub3A_786 = arith.subf %gather3A_746, %gather3A_716 : vector<16xf32>
        %gt3A_787 = arith.constant 2.500000e+01 : f32
        %gt3A_788 = vector.broadcast %gt3A_787 : f32 to vector<16xf32>
        %gt3A_789 = arith.cmpf ogt, %sub3A_786, %gt3A_788 : vector<16xf32>
        %sub3A_790 = arith.constant 5.000000e+01 : f32
        %sub3A_791 = vector.broadcast %sub3A_790 : f32 to vector<16xf32>
        %sub3A_792 = arith.subf %sub3A_786, %sub3A_791 : vector<16xf32>
        %lt3A_793 = arith.constant -2.500000e+01 : f32
        %lt3A_794 = vector.broadcast %lt3A_793 : f32 to vector<16xf32>
        %lt3A_795 = arith.cmpf olt, %sub3A_786, %lt3A_794 : vector<16xf32>
        %add3A_796 = arith.constant 5.000000e+01 : f32
        %add3A_797 = vector.broadcast %add3A_796 : f32 to vector<16xf32>
        %add3A_798 = arith.addf %sub3A_786, %add3A_797 : vector<16xf32>
        %select_n3A_799 = arith.select %lt3A_795, %add3A_798, %sub3A_786 : vector<16xi1>, vector<16xf32>
        %select_n3A_800 = arith.select %gt3A_789, %sub3A_792, %select_n3A_799 : vector<16xi1>, vector<16xf32>
        %sub3A_801 = arith.subf %gather3A_749, %gather3A_719 : vector<16xf32>
        %gt3A_802 = arith.constant 2.500000e+01 : f32
        %gt3A_803 = vector.broadcast %gt3A_802 : f32 to vector<16xf32>
        %gt3A_804 = arith.cmpf ogt, %sub3A_801, %gt3A_803 : vector<16xf32>
        %sub3A_805 = arith.constant 5.000000e+01 : f32
        %sub3A_806 = vector.broadcast %sub3A_805 : f32 to vector<16xf32>
        %sub3A_807 = arith.subf %sub3A_801, %sub3A_806 : vector<16xf32>
        %lt3A_808 = arith.constant -2.500000e+01 : f32
        %lt3A_809 = vector.broadcast %lt3A_808 : f32 to vector<16xf32>
        %lt3A_810 = arith.cmpf olt, %sub3A_801, %lt3A_809 : vector<16xf32>
        %add3A_811 = arith.constant 5.000000e+01 : f32
        %add3A_812 = vector.broadcast %add3A_811 : f32 to vector<16xf32>
        %add3A_813 = arith.addf %sub3A_801, %add3A_812 : vector<16xf32>
        %select_n3A_814 = arith.select %lt3A_810, %add3A_813, %sub3A_801 : vector<16xi1>, vector<16xf32>
        %select_n3A_815 = arith.select %gt3A_804, %sub3A_807, %select_n3A_814 : vector<16xi1>, vector<16xf32>
        %sub3A_816 = arith.subf %gather3A_752, %gather3A_722 : vector<16xf32>
        %sub3A_817 = arith.subf %gather3A_755, %gather3A_725 : vector<16xf32>
        %sub3A_818 = arith.subf %gather3A_758, %gather3A_728 : vector<16xf32>
        %add3A_819 = arith.addf %gather3A_752, %gather3A_722 : vector<16xf32>
        %add3A_820 = arith.addf %gather3A_755, %gather3A_725 : vector<16xf32>
        %add3A_821 = arith.addf %gather3A_758, %gather3A_728 : vector<16xf32>
        %mul3A_822 = arith.constant -4.000000e-01 : f32
        %mul3A_823 = vector.broadcast %mul3A_822 : f32 to vector<16xf32>
        %mul3A_824 = arith.mulf %mul3A_823, %sub3A_816 : vector<16xf32>
        %add3A_825 = arith.addf %select_n3A_785, %mul3A_824 : vector<16xf32>
        %mul3A_826 = arith.constant -4.000000e-01 : f32
        %mul3A_827 = vector.broadcast %mul3A_826 : f32 to vector<16xf32>
        %mul3A_828 = arith.mulf %mul3A_827, %sub3A_817 : vector<16xf32>
        %add3A_829 = arith.addf %select_n3A_800, %mul3A_828 : vector<16xf32>
        %mul3A_830 = arith.constant -4.000000e-01 : f32
        %mul3A_831 = vector.broadcast %mul3A_830 : f32 to vector<16xf32>
        %mul3A_832 = arith.mulf %mul3A_831, %sub3A_818 : vector<16xf32>
        %add3A_833 = arith.addf %select_n3A_815, %mul3A_832 : vector<16xf32>
        %mul3A_834 = arith.mulf %add3A_825, %add3A_825 : vector<16xf32>
        %mul3A_835 = arith.mulf %add3A_829, %add3A_829 : vector<16xf32>
        %add3A_836 = arith.addf %mul3A_834, %mul3A_835 : vector<16xf32>
        %mul3A_837 = arith.mulf %add3A_833, %add3A_833 : vector<16xf32>
        %add3A_838 = arith.addf %add3A_836, %mul3A_837 : vector<16xf32>
        %add3A_839 = arith.constant 9.99999996E-13 : f32
        %add3A_840 = vector.broadcast %add3A_839 : f32 to vector<16xf32>
        %add3A_841 = arith.addf %add3A_838, %add3A_840 : vector<16xf32>
        %mul3A_842 = arith.constant 4.000000e-01 : f32
        %mul3A_843 = vector.broadcast %mul3A_842 : f32 to vector<16xf32>
        %mul3A_844 = arith.mulf %mul3A_843, %sub3A_816 : vector<16xf32>
        %add3A_845 = arith.addf %select_n3A_785, %mul3A_844 : vector<16xf32>
        %mul3A_846 = arith.constant 4.000000e-01 : f32
        %mul3A_847 = vector.broadcast %mul3A_846 : f32 to vector<16xf32>
        %mul3A_848 = arith.mulf %mul3A_847, %sub3A_817 : vector<16xf32>
        %add3A_849 = arith.addf %select_n3A_800, %mul3A_848 : vector<16xf32>
        %mul3A_850 = arith.constant 4.000000e-01 : f32
        %mul3A_851 = vector.broadcast %mul3A_850 : f32 to vector<16xf32>
        %mul3A_852 = arith.mulf %mul3A_851, %sub3A_818 : vector<16xf32>
        %add3A_853 = arith.addf %select_n3A_815, %mul3A_852 : vector<16xf32>
        %mul3A_854 = arith.mulf %add3A_845, %add3A_845 : vector<16xf32>
        %mul3A_855 = arith.mulf %add3A_849, %add3A_849 : vector<16xf32>
        %add3A_856 = arith.addf %mul3A_854, %mul3A_855 : vector<16xf32>
        %mul3A_857 = arith.mulf %add3A_853, %add3A_853 : vector<16xf32>
        %add3A_858 = arith.addf %add3A_856, %mul3A_857 : vector<16xf32>
        %add3A_859 = arith.constant 9.99999996E-13 : f32
        %add3A_860 = vector.broadcast %add3A_859 : f32 to vector<16xf32>
        %add3A_861 = arith.addf %add3A_858, %add3A_860 : vector<16xf32>
        %mul3A_862 = arith.constant 4.000000e-01 : f32
        %mul3A_863 = vector.broadcast %mul3A_862 : f32 to vector<16xf32>
        %mul3A_864 = arith.mulf %mul3A_863, %add3A_819 : vector<16xf32>
        %add3A_865 = arith.addf %select_n3A_785, %mul3A_864 : vector<16xf32>
        %mul3A_866 = arith.constant 4.000000e-01 : f32
        %mul3A_867 = vector.broadcast %mul3A_866 : f32 to vector<16xf32>
        %mul3A_868 = arith.mulf %mul3A_867, %add3A_820 : vector<16xf32>
        %add3A_869 = arith.addf %select_n3A_800, %mul3A_868 : vector<16xf32>
        %mul3A_870 = arith.constant 4.000000e-01 : f32
        %mul3A_871 = vector.broadcast %mul3A_870 : f32 to vector<16xf32>
        %mul3A_872 = arith.mulf %mul3A_871, %add3A_821 : vector<16xf32>
        %add3A_873 = arith.addf %select_n3A_815, %mul3A_872 : vector<16xf32>
        %mul3A_874 = arith.mulf %add3A_865, %add3A_865 : vector<16xf32>
        %mul3A_875 = arith.mulf %add3A_869, %add3A_869 : vector<16xf32>
        %add3A_876 = arith.addf %mul3A_874, %mul3A_875 : vector<16xf32>
        %mul3A_877 = arith.mulf %add3A_873, %add3A_873 : vector<16xf32>
        %add3A_878 = arith.addf %add3A_876, %mul3A_877 : vector<16xf32>
        %add3A_879 = arith.constant 9.99999996E-13 : f32
        %add3A_880 = vector.broadcast %add3A_879 : f32 to vector<16xf32>
        %add3A_881 = arith.addf %add3A_878, %add3A_880 : vector<16xf32>
        %mul3A_882 = arith.constant -4.000000e-01 : f32
        %mul3A_883 = vector.broadcast %mul3A_882 : f32 to vector<16xf32>
        %mul3A_884 = arith.mulf %mul3A_883, %add3A_819 : vector<16xf32>
        %add3A_885 = arith.addf %select_n3A_785, %mul3A_884 : vector<16xf32>
        %mul3A_886 = arith.constant -4.000000e-01 : f32
        %mul3A_887 = vector.broadcast %mul3A_886 : f32 to vector<16xf32>
        %mul3A_888 = arith.mulf %mul3A_887, %add3A_820 : vector<16xf32>
        %add3A_889 = arith.addf %select_n3A_800, %mul3A_888 : vector<16xf32>
        %mul3A_890 = arith.constant -4.000000e-01 : f32
        %mul3A_891 = vector.broadcast %mul3A_890 : f32 to vector<16xf32>
        %mul3A_892 = arith.mulf %mul3A_891, %add3A_821 : vector<16xf32>
        %add3A_893 = arith.addf %select_n3A_815, %mul3A_892 : vector<16xf32>
        %mul3A_894 = arith.mulf %add3A_885, %add3A_885 : vector<16xf32>
        %mul3A_895 = arith.mulf %add3A_889, %add3A_889 : vector<16xf32>
        %add3A_896 = arith.addf %mul3A_894, %mul3A_895 : vector<16xf32>
        %mul3A_897 = arith.mulf %add3A_893, %add3A_893 : vector<16xf32>
        %add3A_898 = arith.addf %add3A_896, %mul3A_897 : vector<16xf32>
        %add3A_899 = arith.constant 9.99999996E-13 : f32
        %add3A_900 = vector.broadcast %add3A_899 : f32 to vector<16xf32>
        %add3A_901 = arith.addf %add3A_898, %add3A_900 : vector<16xf32>
        %mul3A_902 = arith.constant 3.400000e-01 : f32
        %mul3A_903 = vector.broadcast %mul3A_902 : f32 to vector<16xf32>
        %mul3A_904 = arith.mulf %mul3A_903, %sub3A_816 : vector<16xf32>
        %add3A_905 = arith.addf %select_n3A_785, %mul3A_904 : vector<16xf32>
        %mul3A_906 = arith.constant 3.400000e-01 : f32
        %mul3A_907 = vector.broadcast %mul3A_906 : f32 to vector<16xf32>
        %mul3A_908 = arith.mulf %mul3A_907, %sub3A_817 : vector<16xf32>
        %add3A_909 = arith.addf %select_n3A_800, %mul3A_908 : vector<16xf32>
        %mul3A_910 = arith.constant 3.400000e-01 : f32
        %mul3A_911 = vector.broadcast %mul3A_910 : f32 to vector<16xf32>
        %mul3A_912 = arith.mulf %mul3A_911, %sub3A_818 : vector<16xf32>
        %add3A_913 = arith.addf %select_n3A_815, %mul3A_912 : vector<16xf32>
        %mul3A_914 = arith.mulf %add3A_905, %add3A_905 : vector<16xf32>
        %mul3A_915 = arith.mulf %add3A_909, %add3A_909 : vector<16xf32>
        %add3A_916 = arith.addf %mul3A_914, %mul3A_915 : vector<16xf32>
        %mul3A_917 = arith.mulf %add3A_913, %add3A_913 : vector<16xf32>
        %add3A_918 = arith.addf %add3A_916, %mul3A_917 : vector<16xf32>
        %add3A_919 = arith.constant 9.99999996E-13 : f32
        %add3A_920 = vector.broadcast %add3A_919 : f32 to vector<16xf32>
        %add3A_921 = arith.addf %add3A_918, %add3A_920 : vector<16xf32>
        %max3A_922 = arith.constant 4.900000e-03 : f32
        %max3A_923 = vector.broadcast %max3A_922 : f32 to vector<16xf32>
        %max3A_924 = arith.maximumf %add3A_841, %max3A_923 : vector<16xf32>
        %div3A_925 = arith.constant 4.900000e-01 : f32
        %div3A_926 = vector.broadcast %div3A_925 : f32 to vector<16xf32>
        %div3A_927 = arith.divf %div3A_926, %max3A_924 : vector<16xf32>
        %mul3A_928 = arith.mulf %div3A_927, %div3A_927 : vector<16xf32>
        %mul3A_929 = arith.mulf %mul3A_928, %div3A_927 : vector<16xf32>
        %mul3A_930 = arith.mulf %mul3A_929, %mul3A_929 : vector<16xf32>
        %sub3A_931 = arith.subf %mul3A_930, %mul3A_929 : vector<16xf32>
        %mul3A_932 = arith.constant 8.000000e+00 : f32
        %mul3A_933 = vector.broadcast %mul3A_932 : f32 to vector<16xf32>
        %mul3A_934 = arith.mulf %mul3A_933, %sub3A_931 : vector<16xf32>
        %add3A_935 = arith.constant 2.000000e+00 : f32
        %add3A_936 = vector.broadcast %add3A_935 : f32 to vector<16xf32>
        %add3A_937 = arith.addf %mul3A_934, %add3A_936 : vector<16xf32>
        %lt3A_938 = arith.constant 0.617361307 : f32
        %lt3A_939 = vector.broadcast %lt3A_938 : f32 to vector<16xf32>
        %lt3A_940 = arith.cmpf olt, %add3A_841, %lt3A_939 : vector<16xf32>
        %jit3A_941 = arith.constant 0.000000e+00 : f32
        %broadcast_in_dim3A_942 = vector.broadcast %jit3A_941 : f32 to vector<16xf32>
        %select_n3A_943 = arith.select %lt3A_940, %add3A_937, %broadcast_in_dim3A_942 : vector<16xi1>, vector<16xf32>
        %max3A_944 = arith.constant 1.089000e-03 : f32
        %max3A_945 = vector.broadcast %max3A_944 : f32 to vector<16xf32>
        %max3A_946 = arith.maximumf %add3A_861, %max3A_945 : vector<16xf32>
        %div3A_947 = arith.constant 1.089000e-01 : f32
        %div3A_948 = vector.broadcast %div3A_947 : f32 to vector<16xf32>
        %div3A_949 = arith.divf %div3A_948, %max3A_946 : vector<16xf32>
        %mul3A_950 = arith.mulf %div3A_949, %div3A_949 : vector<16xf32>
        %mul3A_951 = arith.mulf %mul3A_950, %div3A_949 : vector<16xf32>
        %mul3A_952 = arith.mulf %mul3A_951, %mul3A_951 : vector<16xf32>
        %sub3A_953 = arith.subf %mul3A_952, %mul3A_951 : vector<16xf32>
        %mul3A_954 = arith.constant 8.000000e+00 : f32
        %mul3A_955 = vector.broadcast %mul3A_954 : f32 to vector<16xf32>
        %mul3A_956 = arith.mulf %mul3A_955, %sub3A_953 : vector<16xf32>
        %add3A_957 = arith.constant 2.000000e+00 : f32
        %add3A_958 = vector.broadcast %add3A_957 : f32 to vector<16xf32>
        %add3A_959 = arith.addf %mul3A_956, %add3A_958 : vector<16xf32>
        %lt3A_960 = arith.constant 0.137205407 : f32
        %lt3A_961 = vector.broadcast %lt3A_960 : f32 to vector<16xf32>
        %lt3A_962 = arith.cmpf olt, %add3A_861, %lt3A_961 : vector<16xf32>
        %jit3A_963 = arith.constant 0.000000e+00 : f32
        %broadcast_in_dim3A_964 = vector.broadcast %jit3A_963 : f32 to vector<16xf32>
        %select_n3A_965 = arith.select %lt3A_962, %add3A_959, %broadcast_in_dim3A_964 : vector<16xi1>, vector<16xf32>
        %add3A_966 = arith.addf %select_n3A_943, %select_n3A_965 : vector<16xf32>
        %max3A_967 = arith.constant 2.652250e-03 : f32
        %max3A_968 = vector.broadcast %max3A_967 : f32 to vector<16xf32>
        %max3A_969 = arith.maximumf %add3A_881, %max3A_968 : vector<16xf32>
        %div3A_970 = arith.constant 2.652250e-01 : f32
        %div3A_971 = vector.broadcast %div3A_970 : f32 to vector<16xf32>
        %div3A_972 = arith.divf %div3A_971, %max3A_969 : vector<16xf32>
        %mul3A_973 = arith.mulf %div3A_972, %div3A_972 : vector<16xf32>
        %mul3A_974 = arith.mulf %mul3A_973, %div3A_972 : vector<16xf32>
        %mul3A_975 = arith.mulf %mul3A_974, %mul3A_974 : vector<16xf32>
        %sub3A_976 = arith.subf %mul3A_975, %mul3A_974 : vector<16xf32>
        %mul3A_977 = arith.constant 8.000000e+00 : f32
        %mul3A_978 = vector.broadcast %mul3A_977 : f32 to vector<16xf32>
        %mul3A_979 = arith.mulf %mul3A_978, %sub3A_976 : vector<16xf32>
        %add3A_980 = arith.constant 2.000000e+00 : f32
        %add3A_981 = vector.broadcast %add3A_980 : f32 to vector<16xf32>
        %add3A_982 = arith.addf %mul3A_979, %add3A_981 : vector<16xf32>
        %lt3A_983 = arith.constant 0.334162563 : f32
        %lt3A_984 = vector.broadcast %lt3A_983 : f32 to vector<16xf32>
        %lt3A_985 = arith.cmpf olt, %add3A_881, %lt3A_984 : vector<16xf32>
        %jit3A_986 = arith.constant 0.000000e+00 : f32
        %broadcast_in_dim3A_987 = vector.broadcast %jit3A_986 : f32 to vector<16xf32>
        %select_n3A_988 = arith.select %lt3A_985, %add3A_982, %broadcast_in_dim3A_987 : vector<16xi1>, vector<16xf32>
        %max3A_989 = arith.constant 2.652250e-03 : f32
        %max3A_990 = vector.broadcast %max3A_989 : f32 to vector<16xf32>
        %max3A_991 = arith.maximumf %add3A_901, %max3A_990 : vector<16xf32>
        %div3A_992 = arith.constant 2.652250e-01 : f32
        %div3A_993 = vector.broadcast %div3A_992 : f32 to vector<16xf32>
        %div3A_994 = arith.divf %div3A_993, %max3A_991 : vector<16xf32>
        %mul3A_995 = arith.mulf %div3A_994, %div3A_994 : vector<16xf32>
        %mul3A_996 = arith.mulf %mul3A_995, %div3A_994 : vector<16xf32>
        %mul3A_997 = arith.mulf %mul3A_996, %mul3A_996 : vector<16xf32>
        %sub3A_998 = arith.subf %mul3A_997, %mul3A_996 : vector<16xf32>
        %mul3A_999 = arith.constant 8.000000e+00 : f32
        %mul3A_1000 = vector.broadcast %mul3A_999 : f32 to vector<16xf32>
        %mul3A_1001 = arith.mulf %mul3A_1000, %sub3A_998 : vector<16xf32>
        %add3A_1002 = arith.constant 2.000000e+00 : f32
        %add3A_1003 = vector.broadcast %add3A_1002 : f32 to vector<16xf32>
        %add3A_1004 = arith.addf %mul3A_1001, %add3A_1003 : vector<16xf32>
        %lt3A_1005 = arith.constant 0.334162563 : f32
        %lt3A_1006 = vector.broadcast %lt3A_1005 : f32 to vector<16xf32>
        %lt3A_1007 = arith.cmpf olt, %add3A_901, %lt3A_1006 : vector<16xf32>
        %jit3A_1008 = arith.constant 0.000000e+00 : f32
        %broadcast_in_dim3A_1009 = vector.broadcast %jit3A_1008 : f32 to vector<16xf32>
        %select_n3A_1010 = arith.select %lt3A_1007, %add3A_1004, %broadcast_in_dim3A_1009 : vector<16xi1>, vector<16xf32>
        %add3A_1011 = arith.addf %select_n3A_988, %select_n3A_1010 : vector<16xf32>
        %add3A_1012 = arith.addf %add3A_966, %add3A_1011 : vector<16xf32>
        %bitcast_convert_type3A_1013 = tpu.bitcast %add3A_861 : vector<16xf32> -> vector<16xi32>
        %shift_right_arithmetic3A_1014 = arith.constant 1 : i32
        %shift_right_arithmetic3A_1015 = vector.broadcast %shift_right_arithmetic3A_1014 : i32 to vector<16xi32>
        %shift_right_arithmetic3A_1016 = arith.shrsi %bitcast_convert_type3A_1013, %shift_right_arithmetic3A_1015 : vector<16xi32>
        %sub3A_1017 = arith.constant 1597463007 : i32
        %sub3A_1018 = vector.broadcast %sub3A_1017 : i32 to vector<16xi32>
        %sub3A_1019 = arith.subi %sub3A_1018, %shift_right_arithmetic3A_1016 : vector<16xi32>
        %bitcast_convert_type3A_1020 = tpu.bitcast %sub3A_1019 : vector<16xi32> -> vector<16xf32>
        %mul3A_1021 = arith.constant 5.000000e-01 : f32
        %mul3A_1022 = vector.broadcast %mul3A_1021 : f32 to vector<16xf32>
        %mul3A_1023 = arith.mulf %mul3A_1022, %add3A_861 : vector<16xf32>
        %mul3A_1024 = arith.mulf %mul3A_1023, %bitcast_convert_type3A_1020 : vector<16xf32>
        %mul3A_1025 = arith.mulf %mul3A_1024, %bitcast_convert_type3A_1020 : vector<16xf32>
        %sub3A_1026 = arith.constant 1.500000e+00 : f32
        %sub3A_1027 = vector.broadcast %sub3A_1026 : f32 to vector<16xf32>
        %sub3A_1028 = arith.subf %sub3A_1027, %mul3A_1025 : vector<16xf32>
        %mul3A_1029 = arith.mulf %bitcast_convert_type3A_1020, %sub3A_1028 : vector<16xf32>
        %mul3A_1030 = arith.constant 5.000000e-01 : f32
        %mul3A_1031 = vector.broadcast %mul3A_1030 : f32 to vector<16xf32>
        %mul3A_1032 = arith.mulf %mul3A_1031, %add3A_861 : vector<16xf32>
        %mul3A_1033 = arith.mulf %mul3A_1032, %mul3A_1029 : vector<16xf32>
        %mul3A_1034 = arith.mulf %mul3A_1033, %mul3A_1029 : vector<16xf32>
        %sub3A_1035 = arith.constant 1.500000e+00 : f32
        %sub3A_1036 = vector.broadcast %sub3A_1035 : f32 to vector<16xf32>
        %sub3A_1037 = arith.subf %sub3A_1036, %mul3A_1034 : vector<16xf32>
        %mul3A_1038 = arith.mulf %mul3A_1029, %sub3A_1037 : vector<16xf32>
        %mul3A_1039 = arith.constant 5.000000e-01 : f32
        %mul3A_1040 = vector.broadcast %mul3A_1039 : f32 to vector<16xf32>
        %mul3A_1041 = arith.mulf %mul3A_1040, %add3A_861 : vector<16xf32>
        %mul3A_1042 = arith.mulf %mul3A_1041, %mul3A_1038 : vector<16xf32>
        %mul3A_1043 = arith.mulf %mul3A_1042, %mul3A_1038 : vector<16xf32>
        %sub3A_1044 = arith.constant 1.500000e+00 : f32
        %sub3A_1045 = vector.broadcast %sub3A_1044 : f32 to vector<16xf32>
        %sub3A_1046 = arith.subf %sub3A_1045, %mul3A_1043 : vector<16xf32>
        %mul3A_1047 = arith.mulf %mul3A_1038, %sub3A_1046 : vector<16xf32>
        %mul3A_1048 = arith.mulf %add3A_861, %mul3A_1047 : vector<16xf32>
        %convert_element_type3A_1049 = arith.fptosi %gather3A_740 : vector<16xf32> to vector<16xi32>
        %convert_element_type3A_1050 = arith.fptosi %gather3A_770 : vector<16xf32> to vector<16xi32>
        %mul3A_1051 = arith.constant 4 : i32
        %mul3A_1052 = vector.broadcast %mul3A_1051 : i32 to vector<16xi32>
        %mul3A_1053 = arith.muli %convert_element_type3A_1049, %mul3A_1052 : vector<16xi32>
        %add3A_1054 = arith.addi %mul3A_1053, %convert_element_type3A_1050 : vector<16xi32>
        %gather3A_1055 = tpu.vector_load_idx %arg11[%add3A_1054] : memref<16xf32, #tpu.memory_space<vmem>>[vector<16xi32>], vector<16xf32>,
        %add3A_1056 = arith.addi %convert_element_type3A_1049, %convert_element_type3A_1050 : vector<16xi32>
        %eq3A_1057 = arith.constant 3 : i32
        %eq3A_1058 = vector.broadcast %eq3A_1057 : i32 to vector<16xi32>
        %eq3A_1059 = arith.cmpi eq, %add3A_1056, %eq3A_1058 : vector<16xi32>
        %jit3A_1060 = arith.constant 1.000000e+00 : f32
        %jit3A_1061 = arith.constant 0.000000e+00 : f32
        %broadcast_in_dim3A_1062 = vector.broadcast %jit3A_1060 : f32 to vector<16xf32>
        %broadcast_in_dim3A_1063 = vector.broadcast %jit3A_1061 : f32 to vector<16xf32>
        %select_n3A_1064 = arith.select %eq3A_1059, %broadcast_in_dim3A_1062, %broadcast_in_dim3A_1063 : vector<16xi1>, vector<16xf32>
        %mul3A_1065 = arith.mulf %gather3A_722, %gather3A_752 : vector<16xf32>
        %mul3A_1066 = arith.mulf %gather3A_725, %gather3A_755 : vector<16xf32>
        %add3A_1067 = arith.addf %mul3A_1065, %mul3A_1066 : vector<16xf32>
        %mul3A_1068 = arith.mulf %gather3A_728, %gather3A_758 : vector<16xf32>
        %add3A_1069 = arith.addf %add3A_1067, %mul3A_1068 : vector<16xf32>
        %neg3A_1070 = arith.constant 0.000000e+00 : f32
        %neg3A_1071 = vector.broadcast %neg3A_1070 : f32 to vector<16xf32>
        %neg3A_1072 = arith.subf %neg3A_1071, %add3A_1069 : vector<16xf32>
        %max3A_1073 = arith.constant 0.000000e+00 : f32
        %max3A_1074 = vector.broadcast %max3A_1073 : f32 to vector<16xf32>
        %max3A_1075 = arith.maximumf %neg3A_1072, %max3A_1074 : vector<16xf32>
        %min3A_1076 = arith.constant 1.000000e+00 : f32
        %min3A_1077 = vector.broadcast %min3A_1076 : f32 to vector<16xf32>
        %min3A_1078 = arith.minimumf %max3A_1075, %min3A_1077 : vector<16xf32>
        %sub3A_1079 = arith.constant 4.000000e-01 : f32
        %sub3A_1080 = vector.broadcast %sub3A_1079 : f32 to vector<16xf32>
        %sub3A_1081 = arith.subf %mul3A_1048, %sub3A_1080 : vector<16xf32>
        %mul3A_1082 = arith.constant 4.000000e+00 : f32
        %mul3A_1083 = vector.broadcast %mul3A_1082 : f32 to vector<16xf32>
        %mul3A_1084 = arith.mulf %sub3A_1081, %mul3A_1083 : vector<16xf32>
        %neg3A_1085 = arith.constant 0.000000e+00 : f32
        %neg3A_1086 = vector.broadcast %neg3A_1085 : f32 to vector<16xf32>
        %neg3A_1087 = arith.subf %neg3A_1086, %gather3A_1055 : vector<16xf32>
        %mul3A_1088 = arith.mulf %neg3A_1087, %select_n3A_1064 : vector<16xf32>
        %neg3A_1089 = arith.constant 0.000000e+00 : f32
        %neg3A_1090 = vector.broadcast %neg3A_1089 : f32 to vector<16xf32>
        %neg3A_1091 = arith.subf %neg3A_1090, %mul3A_1084 : vector<16xf32>
        %mul3A_1092 = arith.mulf %neg3A_1091, %mul3A_1084 : vector<16xf32>
        %exp3A_1093 = math.exp %mul3A_1092 : vector<16xf32>
        %mul3A_1094 = arith.mulf %mul3A_1088, %exp3A_1093 : vector<16xf32>
        %mul3A_1095 = arith.mulf %mul3A_1094, %min3A_1078 : vector<16xf32>
        %add3A_1096 = arith.addf %add3A_1012, %mul3A_1095 : vector<16xf32>
        %mul3A_1097 = arith.mulf %gather3A_731, %gather3A_761 : vector<16xf32>
        %mul3A_1098 = arith.mulf %gather3A_734, %gather3A_764 : vector<16xf32>
        %add3A_1099 = arith.addf %mul3A_1097, %mul3A_1098 : vector<16xf32>
        %mul3A_1100 = arith.mulf %gather3A_737, %gather3A_767 : vector<16xf32>
        %add3A_1101 = arith.addf %add3A_1099, %mul3A_1100 : vector<16xf32>
        %max3A_1102 = arith.constant 0.000000e+00 : f32
        %max3A_1103 = vector.broadcast %max3A_1102 : f32 to vector<16xf32>
        %max3A_1104 = arith.maximumf %add3A_1101, %max3A_1103 : vector<16xf32>
        %min3A_1105 = arith.constant 1.000000e+00 : f32
        %min3A_1106 = vector.broadcast %min3A_1105 : f32 to vector<16xf32>
        %min3A_1107 = arith.minimumf %max3A_1104, %min3A_1106 : vector<16xf32>
        %sub3A_1108 = arith.constant 5.750000e-01 : f32
        %sub3A_1109 = vector.broadcast %sub3A_1108 : f32 to vector<16xf32>
        %sub3A_1110 = arith.subf %mul3A_1048, %sub3A_1109 : vector<16xf32>
        %mul3A_1111 = arith.constant 4.000000e+00 : f32
        %mul3A_1112 = vector.broadcast %mul3A_1111 : f32 to vector<16xf32>
        %mul3A_1113 = arith.mulf %sub3A_1110, %mul3A_1112 : vector<16xf32>
        %neg3A_1114 = arith.constant 0.000000e+00 : f32
        %neg3A_1115 = vector.broadcast %neg3A_1114 : f32 to vector<16xf32>
        %neg3A_1116 = arith.subf %neg3A_1115, %mul3A_1113 : vector<16xf32>
        %mul3A_1117 = arith.mulf %neg3A_1116, %mul3A_1113 : vector<16xf32>
        %exp3A_1118 = math.exp %mul3A_1117 : vector<16xf32>
        %neg3A_1119 = arith.constant 0.000000e+00 : f32
        %neg3A_1120 = vector.broadcast %neg3A_1119 : f32 to vector<16xf32>
        %neg3A_1121 = arith.subf %neg3A_1120, %exp3A_1118 : vector<16xf32>
        %mul3A_1122 = arith.mulf %neg3A_1121, %min3A_1107 : vector<16xf32>
        %add3A_1123 = arith.addf %add3A_1096, %mul3A_1122 : vector<16xf32>
        %bitcast_convert_type3A_1124 = tpu.bitcast %add3A_921 : vector<16xf32> -> vector<16xi32>
        %shift_right_arithmetic3A_1125 = arith.constant 1 : i32
        %shift_right_arithmetic3A_1126 = vector.broadcast %shift_right_arithmetic3A_1125 : i32 to vector<16xi32>
        %shift_right_arithmetic3A_1127 = arith.shrsi %bitcast_convert_type3A_1124, %shift_right_arithmetic3A_1126 : vector<16xi32>
        %sub3A_1128 = arith.constant 1597463007 : i32
        %sub3A_1129 = vector.broadcast %sub3A_1128 : i32 to vector<16xi32>
        %sub3A_1130 = arith.subi %sub3A_1129, %shift_right_arithmetic3A_1127 : vector<16xi32>
        %bitcast_convert_type3A_1131 = tpu.bitcast %sub3A_1130 : vector<16xi32> -> vector<16xf32>
        %mul3A_1132 = arith.constant 5.000000e-01 : f32
        %mul3A_1133 = vector.broadcast %mul3A_1132 : f32 to vector<16xf32>
        %mul3A_1134 = arith.mulf %mul3A_1133, %add3A_921 : vector<16xf32>
        %mul3A_1135 = arith.mulf %mul3A_1134, %bitcast_convert_type3A_1131 : vector<16xf32>
        %mul3A_1136 = arith.mulf %mul3A_1135, %bitcast_convert_type3A_1131 : vector<16xf32>
        %sub3A_1137 = arith.constant 1.500000e+00 : f32
        %sub3A_1138 = vector.broadcast %sub3A_1137 : f32 to vector<16xf32>
        %sub3A_1139 = arith.subf %sub3A_1138, %mul3A_1136 : vector<16xf32>
        %mul3A_1140 = arith.mulf %bitcast_convert_type3A_1131, %sub3A_1139 : vector<16xf32>
        %mul3A_1141 = arith.constant 5.000000e-01 : f32
        %mul3A_1142 = vector.broadcast %mul3A_1141 : f32 to vector<16xf32>
        %mul3A_1143 = arith.mulf %mul3A_1142, %add3A_921 : vector<16xf32>
        %mul3A_1144 = arith.mulf %mul3A_1143, %mul3A_1140 : vector<16xf32>
        %mul3A_1145 = arith.mulf %mul3A_1144, %mul3A_1140 : vector<16xf32>
        %sub3A_1146 = arith.constant 1.500000e+00 : f32
        %sub3A_1147 = vector.broadcast %sub3A_1146 : f32 to vector<16xf32>
        %sub3A_1148 = arith.subf %sub3A_1147, %mul3A_1145 : vector<16xf32>
        %mul3A_1149 = arith.mulf %mul3A_1140, %sub3A_1148 : vector<16xf32>
        %mul3A_1150 = arith.constant 5.000000e-01 : f32
        %mul3A_1151 = vector.broadcast %mul3A_1150 : f32 to vector<16xf32>
        %mul3A_1152 = arith.mulf %mul3A_1151, %add3A_921 : vector<16xf32>
        %mul3A_1153 = arith.mulf %mul3A_1152, %mul3A_1149 : vector<16xf32>
        %mul3A_1154 = arith.mulf %mul3A_1153, %mul3A_1149 : vector<16xf32>
        %sub3A_1155 = arith.constant 1.500000e+00 : f32
        %sub3A_1156 = vector.broadcast %sub3A_1155 : f32 to vector<16xf32>
        %sub3A_1157 = arith.subf %sub3A_1156, %mul3A_1154 : vector<16xf32>
        %mul3A_1158 = arith.mulf %mul3A_1149, %sub3A_1157 : vector<16xf32>
        %mul3A_1159 = arith.mulf %add3A_921, %mul3A_1158 : vector<16xf32>
        %sub3A_1160 = arith.constant 4.000000e-01 : f32
        %sub3A_1161 = vector.broadcast %sub3A_1160 : f32 to vector<16xf32>
        %sub3A_1162 = arith.subf %mul3A_1159, %sub3A_1161 : vector<16xf32>
        %mul3A_1163 = arith.constant 4.000000e+00 : f32
        %mul3A_1164 = vector.broadcast %mul3A_1163 : f32 to vector<16xf32>
        %mul3A_1165 = arith.mulf %sub3A_1162, %mul3A_1164 : vector<16xf32>
        %neg3A_1166 = arith.constant 0.000000e+00 : f32
        %neg3A_1167 = vector.broadcast %neg3A_1166 : f32 to vector<16xf32>
        %neg3A_1168 = arith.subf %neg3A_1167, %mul3A_1165 : vector<16xf32>
        %mul3A_1169 = arith.mulf %neg3A_1168, %mul3A_1165 : vector<16xf32>
        %exp3A_1170 = math.exp %mul3A_1169 : vector<16xf32>
        %mul3A_1171 = arith.constant -1.300000e+00 : f32
        %mul3A_1172 = vector.broadcast %mul3A_1171 : f32 to vector<16xf32>
        %mul3A_1173 = arith.mulf %mul3A_1172, %exp3A_1170 : vector<16xf32>
        %mul3A_1174 = arith.mulf %mul3A_1173, %min3A_1107 : vector<16xf32>
        %mul3A_1175 = arith.mulf %mul3A_1174, %min3A_1107 : vector<16xf32>
        %add3A_1176 = arith.addf %add3A_1123, %mul3A_1175 : vector<16xf32>
        %add3A_1177 = arith.addf %add3A_707, %add3A_1176 : vector<16xf32>
        scf.yield %add3A_1177 : vector<16xf32>
      }
      %scan3A_245 = arith.constant 20 : i32
      scf.yield %scan3A_244 : vector<16xf32>
    }
    %scan3A_87 = arith.constant 20 : i32
    %swap3A = arith.constant 0 : index
    %swap3A_88 = tpu.vector_load %arg12[%swap3A] {strides = array<i32>} : memref<16xf32, #tpu.memory_space<vmem>>, vector<16xf32>,
    tpu.vector_store %arg12[%swap3A], %scan3A_86 {strides = array<i32>} : memref<16xf32, #tpu.memory_space<vmem>>, vector<16xf32>,
    "tpu.region"() ({
      %run_scoped3A = tpu.sem_alloc : memref<!tpu.dma_semaphore, #tpu.memory_space<semaphore_mem>>
      %dma_start3A_89 = arith.constant 0 : i32
      %dma_start3A_90 = tpu.memref_slice %arg6[%add3A, %dma_start3A_89] : memref<32x16xf32, #tpu.memory_space<hbm>> -> memref<1x16xf32, #tpu.memory_space<hbm>>
      %dma_start3A_91 = tpu.memref_squeeze %dma_start3A_90 : memref<1x16xf32, #tpu.memory_space<hbm>> -> memref<16xf32, #tpu.memory_space<hbm>>
      %dma_start3A_92 = arith.constant 0 : i32
      %dma_start3A_93 = tpu.memref_slice %arg6[%add3A, %dma_start3A_92] : memref<32x16xf32, #tpu.memory_space<hbm>> -> memref<1x16xf32, #tpu.memory_space<hbm>>
      %dma_start3A_94 = tpu.memref_squeeze %dma_start3A_93 : memref<1x16xf32, #tpu.memory_space<hbm>> -> memref<16xf32, #tpu.memory_space<hbm>>
      tpu.enqueue_dma source(%arg12 : memref<16xf32, #tpu.memory_space<vmem>>) target(%dma_start3A_94 : memref<16xf32, #tpu.memory_space<hbm>>) target_semaphore(%run_scoped3A : memref<!tpu.dma_semaphore, #tpu.memory_space<semaphore_mem>>)
      %dma_wait3A = arith.constant 0 : i32
      %dma_wait3A_95 = tpu.memref_slice %arg6[%add3A, %dma_wait3A] : memref<32x16xf32, #tpu.memory_space<hbm>> -> memref<1x16xf32, #tpu.memory_space<hbm>>
      %dma_wait3A_96 = tpu.memref_squeeze %dma_wait3A_95 : memref<1x16xf32, #tpu.memory_space<hbm>> -> memref<16xf32, #tpu.memory_space<hbm>>
      %dma_wait3A_97 = arith.constant 0 : i32
      %dma_wait3A_98 = tpu.memref_slice %arg6[%add3A, %dma_wait3A_97] : memref<32x16xf32, #tpu.memory_space<hbm>> -> memref<1x16xf32, #tpu.memory_space<hbm>>
      %dma_wait3A_99 = tpu.memref_squeeze %dma_wait3A_98 : memref<1x16xf32, #tpu.memory_space<hbm>> -> memref<16xf32, #tpu.memory_space<hbm>>
      tpu.wait_dma2 semaphore(%run_scoped3A : memref<!tpu.dma_semaphore, #tpu.memory_space<semaphore_mem>>) src(%arg12 : memref<16xf32, #tpu.memory_space<vmem>>) dst(%dma_wait3A_99 : memref<16xf32, #tpu.memory_space<hbm>>)
      tpu.yield
    }) : () -> ()
    return
  }
}

module attributes {stable_mosaic.version = 14 : i64} {
  func.func @_tc_body(%arg0: memref<3x50048xf32, #tpu.memory_space<vmem>>, %arg1: memref<4x50048xf32, #tpu.memory_space<vmem>>, %arg2: memref<1x50048xf32, #tpu.memory_space<vmem>>, %arg3: memref<1x50048xf32, #tpu.memory_space<vmem>>, %arg4: memref<16x50048xf32, #tpu.memory_space<vmem>>, %arg5: memref<1x1xf32, #tpu.memory_space<smem>>) attributes {dimension_semantics = [], scalar_prefetch = 0 : i64, scratch_operands = 0 : i64, tpu.core_type = #tpu.core_type<tc>} {
    %get3A = arith.constant 0 : index
    %get3A_0 = arith.constant 0 : index
    %get3A_1 = vector.load %arg0[%get3A, %get3A_0] : memref<3x50048xf32, #tpu.memory_space<vmem>>, vector<1x50048xf32>
    %get3A_2 = arith.constant 1 : index
    %get3A_3 = arith.constant 0 : index
    %get3A_4 = vector.load %arg0[%get3A_2, %get3A_3] : memref<3x50048xf32, #tpu.memory_space<vmem>>, vector<1x50048xf32>
    %get3A_5 = arith.constant 2 : index
    %get3A_6 = arith.constant 0 : index
    %get3A_7 = vector.load %arg0[%get3A_5, %get3A_6] : memref<3x50048xf32, #tpu.memory_space<vmem>>, vector<1x50048xf32>
    %get3A_8 = arith.constant 0 : index
    %get3A_9 = arith.constant 0 : index
    %get3A_10 = vector.load %arg1[%get3A_8, %get3A_9] : memref<4x50048xf32, #tpu.memory_space<vmem>>, vector<1x50048xf32>
    %get3A_11 = arith.constant 1 : index
    %get3A_12 = arith.constant 0 : index
    %get3A_13 = vector.load %arg1[%get3A_11, %get3A_12] : memref<4x50048xf32, #tpu.memory_space<vmem>>, vector<1x50048xf32>
    %get3A_14 = arith.constant 2 : index
    %get3A_15 = arith.constant 0 : index
    %get3A_16 = vector.load %arg1[%get3A_14, %get3A_15] : memref<4x50048xf32, #tpu.memory_space<vmem>>, vector<1x50048xf32>
    %get3A_17 = arith.constant 3 : index
    %get3A_18 = arith.constant 0 : index
    %get3A_19 = vector.load %arg1[%get3A_17, %get3A_18] : memref<4x50048xf32, #tpu.memory_space<vmem>>, vector<1x50048xf32>
    %mul3A = arith.mulf %get3A_10, %get3A_10 : vector<1x50048xf32>
    %mul3A_20 = arith.mulf %get3A_13, %get3A_13 : vector<1x50048xf32>
    %add3A = arith.addf %mul3A, %mul3A_20 : vector<1x50048xf32>
    %mul3A_21 = arith.mulf %get3A_16, %get3A_16 : vector<1x50048xf32>
    %add3A_22 = arith.addf %add3A, %mul3A_21 : vector<1x50048xf32>
    %mul3A_23 = arith.mulf %get3A_19, %get3A_19 : vector<1x50048xf32>
    %add3A_24 = arith.addf %add3A_22, %mul3A_23 : vector<1x50048xf32>
    %sqrt3A = math.sqrt %add3A_24 : vector<1x50048xf32>
    %add3A_25 = arith.constant 9.99999996E-13 : f32
    %add3A_26 = vector.broadcast %add3A_25 : f32 to vector<1x50048xf32>
    %add3A_27 = arith.addf %sqrt3A, %add3A_26 : vector<1x50048xf32>
    %div3A = arith.constant 1.000000e+00 : f32
    %div3A_28 = vector.broadcast %div3A : f32 to vector<1x50048xf32>
    %div3A_29 = arith.divf %div3A_28, %add3A_27 : vector<1x50048xf32>
    %mul3A_30 = arith.mulf %get3A_10, %div3A_29 : vector<1x50048xf32>
    %mul3A_31 = arith.mulf %get3A_13, %div3A_29 : vector<1x50048xf32>
    %mul3A_32 = arith.mulf %get3A_16, %div3A_29 : vector<1x50048xf32>
    %mul3A_33 = arith.mulf %get3A_19, %div3A_29 : vector<1x50048xf32>
    %mul3A_34 = arith.mulf %mul3A_32, %mul3A_32 : vector<1x50048xf32>
    %mul3A_35 = arith.mulf %mul3A_33, %mul3A_33 : vector<1x50048xf32>
    %add3A_36 = arith.addf %mul3A_34, %mul3A_35 : vector<1x50048xf32>
    %mul3A_37 = arith.constant 2.000000e+00 : f32
    %mul3A_38 = vector.broadcast %mul3A_37 : f32 to vector<1x50048xf32>
    %mul3A_39 = arith.mulf %mul3A_38, %add3A_36 : vector<1x50048xf32>
    %sub3A = arith.constant 1.000000e+00 : f32
    %sub3A_40 = vector.broadcast %sub3A : f32 to vector<1x50048xf32>
    %sub3A_41 = arith.subf %sub3A_40, %mul3A_39 : vector<1x50048xf32>
    %mul3A_42 = arith.mulf %mul3A_31, %mul3A_32 : vector<1x50048xf32>
    %mul3A_43 = arith.mulf %mul3A_30, %mul3A_33 : vector<1x50048xf32>
    %add3A_44 = arith.addf %mul3A_42, %mul3A_43 : vector<1x50048xf32>
    %mul3A_45 = arith.constant 2.000000e+00 : f32
    %mul3A_46 = vector.broadcast %mul3A_45 : f32 to vector<1x50048xf32>
    %mul3A_47 = arith.mulf %mul3A_46, %add3A_44 : vector<1x50048xf32>
    %mul3A_48 = arith.mulf %mul3A_31, %mul3A_33 : vector<1x50048xf32>
    %mul3A_49 = arith.mulf %mul3A_30, %mul3A_32 : vector<1x50048xf32>
    %sub3A_50 = arith.subf %mul3A_48, %mul3A_49 : vector<1x50048xf32>
    %mul3A_51 = arith.constant 2.000000e+00 : f32
    %mul3A_52 = vector.broadcast %mul3A_51 : f32 to vector<1x50048xf32>
    %mul3A_53 = arith.mulf %mul3A_52, %sub3A_50 : vector<1x50048xf32>
    %mul3A_54 = arith.mulf %mul3A_31, %mul3A_33 : vector<1x50048xf32>
    %mul3A_55 = arith.mulf %mul3A_30, %mul3A_32 : vector<1x50048xf32>
    %add3A_56 = arith.addf %mul3A_54, %mul3A_55 : vector<1x50048xf32>
    %mul3A_57 = arith.constant 2.000000e+00 : f32
    %mul3A_58 = vector.broadcast %mul3A_57 : f32 to vector<1x50048xf32>
    %mul3A_59 = arith.mulf %mul3A_58, %add3A_56 : vector<1x50048xf32>
    %mul3A_60 = arith.mulf %mul3A_32, %mul3A_33 : vector<1x50048xf32>
    %mul3A_61 = arith.mulf %mul3A_30, %mul3A_31 : vector<1x50048xf32>
    %sub3A_62 = arith.subf %mul3A_60, %mul3A_61 : vector<1x50048xf32>
    %mul3A_63 = arith.constant 2.000000e+00 : f32
    %mul3A_64 = vector.broadcast %mul3A_63 : f32 to vector<1x50048xf32>
    %mul3A_65 = arith.mulf %mul3A_64, %sub3A_62 : vector<1x50048xf32>
    %mul3A_66 = arith.mulf %mul3A_31, %mul3A_31 : vector<1x50048xf32>
    %mul3A_67 = arith.mulf %mul3A_32, %mul3A_32 : vector<1x50048xf32>
    %add3A_68 = arith.addf %mul3A_66, %mul3A_67 : vector<1x50048xf32>
    %mul3A_69 = arith.constant 2.000000e+00 : f32
    %mul3A_70 = vector.broadcast %mul3A_69 : f32 to vector<1x50048xf32>
    %mul3A_71 = arith.mulf %mul3A_70, %add3A_68 : vector<1x50048xf32>
    %sub3A_72 = arith.constant 1.000000e+00 : f32
    %sub3A_73 = vector.broadcast %sub3A_72 : f32 to vector<1x50048xf32>
    %sub3A_74 = arith.subf %sub3A_73, %mul3A_71 : vector<1x50048xf32>
    %get3A_75 = arith.constant 0 : index
    %get3A_76 = arith.constant 0 : index
    %get3A_77 = vector.load %arg0[%get3A_75, %get3A_76] : memref<3x50048xf32, #tpu.memory_space<vmem>>, vector<3x50048xf32>
    %swap3A = arith.constant 0 : index
    %swap3A_78 = arith.constant 0 : index
    %swap3A_79 = vector.load %arg4[%swap3A, %swap3A_78] : memref<16x50048xf32, #tpu.memory_space<vmem>>, vector<3x50048xf32>
    tpu.vector_store %arg4[%swap3A, %swap3A_78], %get3A_77 {strides = array<i32>} : memref<16x50048xf32, #tpu.memory_space<vmem>>, vector<3x50048xf32>,
    %swap3A_80 = arith.constant 3 : index
    %swap3A_81 = arith.constant 0 : index
    %swap3A_82 = vector.load %arg4[%swap3A_80, %swap3A_81] : memref<16x50048xf32, #tpu.memory_space<vmem>>, vector<1x50048xf32>
    tpu.vector_store %arg4[%swap3A_80, %swap3A_81], %sub3A_41 {strides = array<i32>} : memref<16x50048xf32, #tpu.memory_space<vmem>>, vector<1x50048xf32>,
    %swap3A_83 = arith.constant 4 : index
    %swap3A_84 = arith.constant 0 : index
    %swap3A_85 = vector.load %arg4[%swap3A_83, %swap3A_84] : memref<16x50048xf32, #tpu.memory_space<vmem>>, vector<1x50048xf32>
    tpu.vector_store %arg4[%swap3A_83, %swap3A_84], %mul3A_47 {strides = array<i32>} : memref<16x50048xf32, #tpu.memory_space<vmem>>, vector<1x50048xf32>,
    %swap3A_86 = arith.constant 5 : index
    %swap3A_87 = arith.constant 0 : index
    %swap3A_88 = vector.load %arg4[%swap3A_86, %swap3A_87] : memref<16x50048xf32, #tpu.memory_space<vmem>>, vector<1x50048xf32>
    tpu.vector_store %arg4[%swap3A_86, %swap3A_87], %mul3A_53 {strides = array<i32>} : memref<16x50048xf32, #tpu.memory_space<vmem>>, vector<1x50048xf32>,
    %swap3A_89 = arith.constant 6 : index
    %swap3A_90 = arith.constant 0 : index
    %swap3A_91 = vector.load %arg4[%swap3A_89, %swap3A_90] : memref<16x50048xf32, #tpu.memory_space<vmem>>, vector<1x50048xf32>
    tpu.vector_store %arg4[%swap3A_89, %swap3A_90], %mul3A_59 {strides = array<i32>} : memref<16x50048xf32, #tpu.memory_space<vmem>>, vector<1x50048xf32>,
    %swap3A_92 = arith.constant 7 : index
    %swap3A_93 = arith.constant 0 : index
    %swap3A_94 = vector.load %arg4[%swap3A_92, %swap3A_93] : memref<16x50048xf32, #tpu.memory_space<vmem>>, vector<1x50048xf32>
    tpu.vector_store %arg4[%swap3A_92, %swap3A_93], %mul3A_65 {strides = array<i32>} : memref<16x50048xf32, #tpu.memory_space<vmem>>, vector<1x50048xf32>,
    %swap3A_95 = arith.constant 8 : index
    %swap3A_96 = arith.constant 0 : index
    %swap3A_97 = vector.load %arg4[%swap3A_95, %swap3A_96] : memref<16x50048xf32, #tpu.memory_space<vmem>>, vector<1x50048xf32>
    tpu.vector_store %arg4[%swap3A_95, %swap3A_96], %sub3A_74 {strides = array<i32>} : memref<16x50048xf32, #tpu.memory_space<vmem>>, vector<1x50048xf32>,
    %get3A_98 = arith.constant 0 : index
    %get3A_99 = arith.constant 0 : index
    %get3A_100 = vector.load %arg3[%get3A_98, %get3A_99] : memref<1x50048xf32, #tpu.memory_space<vmem>>, vector<1x50048xf32>
    %swap3A_101 = arith.constant 9 : index
    %swap3A_102 = arith.constant 0 : index
    %swap3A_103 = vector.load %arg4[%swap3A_101, %swap3A_102] : memref<16x50048xf32, #tpu.memory_space<vmem>>, vector<1x50048xf32>
    tpu.vector_store %arg4[%swap3A_101, %swap3A_102], %get3A_100 {strides = array<i32>} : memref<16x50048xf32, #tpu.memory_space<vmem>>, vector<1x50048xf32>,
    %broadcast_in_dim3A = arith.constant 0.000000e+00 : f32
    %broadcast_in_dim3A_104 = vector.broadcast %broadcast_in_dim3A : f32 to vector<6x50048xf32>
    %swap3A_105 = arith.constant 10 : index
    %swap3A_106 = arith.constant 0 : index
    %swap3A_107 = vector.load %arg4[%swap3A_105, %swap3A_106] : memref<16x50048xf32, #tpu.memory_space<vmem>>, vector<6x50048xf32>
    tpu.vector_store %arg4[%swap3A_105, %swap3A_106], %broadcast_in_dim3A_104 {strides = array<i32>} : memref<16x50048xf32, #tpu.memory_space<vmem>>, vector<6x50048xf32>,
    %mul3A_108 = arith.constant 4.000000e-01 : f32
    %mul3A_109 = vector.broadcast %mul3A_108 : f32 to vector<1x50048xf32>
    %mul3A_110 = arith.mulf %mul3A_109, %sub3A_41 : vector<1x50048xf32>
    %sub3A_111 = arith.subf %get3A_1, %mul3A_110 : vector<1x50048xf32>
    %mul3A_112 = arith.constant 4.000000e-01 : f32
    %mul3A_113 = vector.broadcast %mul3A_112 : f32 to vector<1x50048xf32>
    %mul3A_114 = arith.mulf %mul3A_113, %mul3A_47 : vector<1x50048xf32>
    %sub3A_115 = arith.subf %get3A_4, %mul3A_114 : vector<1x50048xf32>
    %mul3A_116 = arith.constant 4.000000e-01 : f32
    %mul3A_117 = vector.broadcast %mul3A_116 : f32 to vector<1x50048xf32>
    %mul3A_118 = arith.mulf %mul3A_117, %mul3A_53 : vector<1x50048xf32>
    %sub3A_119 = arith.subf %get3A_7, %mul3A_118 : vector<1x50048xf32>
    %mul3A_120 = arith.constant 4.000000e-01 : f32
    %mul3A_121 = vector.broadcast %mul3A_120 : f32 to vector<1x50048xf32>
    %mul3A_122 = arith.mulf %mul3A_121, %sub3A_41 : vector<1x50048xf32>
    %add3A_123 = arith.addf %get3A_1, %mul3A_122 : vector<1x50048xf32>
    %mul3A_124 = arith.constant 4.000000e-01 : f32
    %mul3A_125 = vector.broadcast %mul3A_124 : f32 to vector<1x50048xf32>
    %mul3A_126 = arith.mulf %mul3A_125, %mul3A_47 : vector<1x50048xf32>
    %add3A_127 = arith.addf %get3A_4, %mul3A_126 : vector<1x50048xf32>
    %mul3A_128 = arith.constant 4.000000e-01 : f32
    %mul3A_129 = vector.broadcast %mul3A_128 : f32 to vector<1x50048xf32>
    %mul3A_130 = arith.mulf %mul3A_129, %mul3A_53 : vector<1x50048xf32>
    %add3A_131 = arith.addf %get3A_7, %mul3A_130 : vector<1x50048xf32>
    %mul3A_132 = arith.constant 3.400000e-01 : f32
    %mul3A_133 = vector.broadcast %mul3A_132 : f32 to vector<1x50048xf32>
    %mul3A_134 = arith.mulf %mul3A_133, %sub3A_41 : vector<1x50048xf32>
    %add3A_135 = arith.addf %get3A_1, %mul3A_134 : vector<1x50048xf32>
    %mul3A_136 = arith.constant 3.400000e-01 : f32
    %mul3A_137 = vector.broadcast %mul3A_136 : f32 to vector<1x50048xf32>
    %mul3A_138 = arith.mulf %mul3A_137, %mul3A_47 : vector<1x50048xf32>
    %add3A_139 = arith.addf %get3A_4, %mul3A_138 : vector<1x50048xf32>
    %mul3A_140 = arith.constant 3.400000e-01 : f32
    %mul3A_141 = vector.broadcast %mul3A_140 : f32 to vector<1x50048xf32>
    %mul3A_142 = arith.mulf %mul3A_141, %mul3A_53 : vector<1x50048xf32>
    %add3A_143 = arith.addf %get3A_7, %mul3A_142 : vector<1x50048xf32>
    %slice3A = vector.extract_strided_slice %sub3A_111 {offsets = [0, 0], sizes = [1, 50047], strides = [1, 1]} : vector<1x50048xf32> to vector<1x50047xf32>
    %slice3A_144 = vector.extract_strided_slice %sub3A_111 {offsets = [0, 1], sizes = [1, 50047], strides = [1, 1]} : vector<1x50048xf32> to vector<1x50047xf32>
    %slice3A_145 = vector.extract_strided_slice %sub3A_115 {offsets = [0, 0], sizes = [1, 50047], strides = [1, 1]} : vector<1x50048xf32> to vector<1x50047xf32>
    %slice3A_146 = vector.extract_strided_slice %sub3A_115 {offsets = [0, 1], sizes = [1, 50047], strides = [1, 1]} : vector<1x50048xf32> to vector<1x50047xf32>
    %slice3A_147 = vector.extract_strided_slice %sub3A_119 {offsets = [0, 0], sizes = [1, 50047], strides = [1, 1]} : vector<1x50048xf32> to vector<1x50047xf32>
    %slice3A_148 = vector.extract_strided_slice %sub3A_119 {offsets = [0, 1], sizes = [1, 50047], strides = [1, 1]} : vector<1x50048xf32> to vector<1x50047xf32>
    %slice3A_149 = vector.extract_strided_slice %add3A_123 {offsets = [0, 0], sizes = [1, 50047], strides = [1, 1]} : vector<1x50048xf32> to vector<1x50047xf32>
    %slice3A_150 = vector.extract_strided_slice %add3A_123 {offsets = [0, 1], sizes = [1, 50047], strides = [1, 1]} : vector<1x50048xf32> to vector<1x50047xf32>
    %slice3A_151 = vector.extract_strided_slice %add3A_127 {offsets = [0, 0], sizes = [1, 50047], strides = [1, 1]} : vector<1x50048xf32> to vector<1x50047xf32>
    %slice3A_152 = vector.extract_strided_slice %add3A_127 {offsets = [0, 1], sizes = [1, 50047], strides = [1, 1]} : vector<1x50048xf32> to vector<1x50047xf32>
    %slice3A_153 = vector.extract_strided_slice %add3A_131 {offsets = [0, 0], sizes = [1, 50047], strides = [1, 1]} : vector<1x50048xf32> to vector<1x50047xf32>
    %slice3A_154 = vector.extract_strided_slice %add3A_131 {offsets = [0, 1], sizes = [1, 50047], strides = [1, 1]} : vector<1x50048xf32> to vector<1x50047xf32>
    %slice3A_155 = vector.extract_strided_slice %add3A_135 {offsets = [0, 0], sizes = [1, 50047], strides = [1, 1]} : vector<1x50048xf32> to vector<1x50047xf32>
    %slice3A_156 = vector.extract_strided_slice %add3A_135 {offsets = [0, 1], sizes = [1, 50047], strides = [1, 1]} : vector<1x50048xf32> to vector<1x50047xf32>
    %slice3A_157 = vector.extract_strided_slice %add3A_139 {offsets = [0, 0], sizes = [1, 50047], strides = [1, 1]} : vector<1x50048xf32> to vector<1x50047xf32>
    %slice3A_158 = vector.extract_strided_slice %add3A_139 {offsets = [0, 1], sizes = [1, 50047], strides = [1, 1]} : vector<1x50048xf32> to vector<1x50047xf32>
    %slice3A_159 = vector.extract_strided_slice %add3A_143 {offsets = [0, 0], sizes = [1, 50047], strides = [1, 1]} : vector<1x50048xf32> to vector<1x50047xf32>
    %slice3A_160 = vector.extract_strided_slice %add3A_143 {offsets = [0, 1], sizes = [1, 50047], strides = [1, 1]} : vector<1x50048xf32> to vector<1x50047xf32>
    %slice3A_161 = vector.extract_strided_slice %mul3A_59 {offsets = [0, 0], sizes = [1, 50047], strides = [1, 1]} : vector<1x50048xf32> to vector<1x50047xf32>
    %slice3A_162 = vector.extract_strided_slice %mul3A_59 {offsets = [0, 1], sizes = [1, 50047], strides = [1, 1]} : vector<1x50048xf32> to vector<1x50047xf32>
    %slice3A_163 = vector.extract_strided_slice %mul3A_65 {offsets = [0, 0], sizes = [1, 50047], strides = [1, 1]} : vector<1x50048xf32> to vector<1x50047xf32>
    %slice3A_164 = vector.extract_strided_slice %mul3A_65 {offsets = [0, 1], sizes = [1, 50047], strides = [1, 1]} : vector<1x50048xf32> to vector<1x50047xf32>
    %slice3A_165 = vector.extract_strided_slice %sub3A_74 {offsets = [0, 0], sizes = [1, 50047], strides = [1, 1]} : vector<1x50048xf32> to vector<1x50047xf32>
    %slice3A_166 = vector.extract_strided_slice %sub3A_74 {offsets = [0, 1], sizes = [1, 50047], strides = [1, 1]} : vector<1x50048xf32> to vector<1x50047xf32>
    %sub3A_167 = arith.subf %slice3A_144, %slice3A : vector<1x50047xf32>
    %gt3A = arith.constant 2.500000e+01 : f32
    %gt3A_168 = vector.broadcast %gt3A : f32 to vector<1x50047xf32>
    %gt3A_169 = arith.cmpf ogt, %sub3A_167, %gt3A_168 : vector<1x50047xf32>
    %sub3A_170 = arith.constant 5.000000e+01 : f32
    %sub3A_171 = vector.broadcast %sub3A_170 : f32 to vector<1x50047xf32>
    %sub3A_172 = arith.subf %sub3A_167, %sub3A_171 : vector<1x50047xf32>
    %lt3A = arith.constant -2.500000e+01 : f32
    %lt3A_173 = vector.broadcast %lt3A : f32 to vector<1x50047xf32>
    %lt3A_174 = arith.cmpf olt, %sub3A_167, %lt3A_173 : vector<1x50047xf32>
    %add3A_175 = arith.constant 5.000000e+01 : f32
    %add3A_176 = vector.broadcast %add3A_175 : f32 to vector<1x50047xf32>
    %add3A_177 = arith.addf %sub3A_167, %add3A_176 : vector<1x50047xf32>
    %select_n3A = arith.select %lt3A_174, %add3A_177, %sub3A_167 : vector<1x50047xi1>, vector<1x50047xf32>
    %select_n3A_178 = arith.select %gt3A_169, %sub3A_172, %select_n3A : vector<1x50047xi1>, vector<1x50047xf32>
    %sub3A_179 = arith.subf %slice3A_146, %slice3A_145 : vector<1x50047xf32>
    %gt3A_180 = arith.constant 2.500000e+01 : f32
    %gt3A_181 = vector.broadcast %gt3A_180 : f32 to vector<1x50047xf32>
    %gt3A_182 = arith.cmpf ogt, %sub3A_179, %gt3A_181 : vector<1x50047xf32>
    %sub3A_183 = arith.constant 5.000000e+01 : f32
    %sub3A_184 = vector.broadcast %sub3A_183 : f32 to vector<1x50047xf32>
    %sub3A_185 = arith.subf %sub3A_179, %sub3A_184 : vector<1x50047xf32>
    %lt3A_186 = arith.constant -2.500000e+01 : f32
    %lt3A_187 = vector.broadcast %lt3A_186 : f32 to vector<1x50047xf32>
    %lt3A_188 = arith.cmpf olt, %sub3A_179, %lt3A_187 : vector<1x50047xf32>
    %add3A_189 = arith.constant 5.000000e+01 : f32
    %add3A_190 = vector.broadcast %add3A_189 : f32 to vector<1x50047xf32>
    %add3A_191 = arith.addf %sub3A_179, %add3A_190 : vector<1x50047xf32>
    %select_n3A_192 = arith.select %lt3A_188, %add3A_191, %sub3A_179 : vector<1x50047xi1>, vector<1x50047xf32>
    %select_n3A_193 = arith.select %gt3A_182, %sub3A_185, %select_n3A_192 : vector<1x50047xi1>, vector<1x50047xf32>
    %sub3A_194 = arith.subf %slice3A_148, %slice3A_147 : vector<1x50047xf32>
    %gt3A_195 = arith.constant 2.500000e+01 : f32
    %gt3A_196 = vector.broadcast %gt3A_195 : f32 to vector<1x50047xf32>
    %gt3A_197 = arith.cmpf ogt, %sub3A_194, %gt3A_196 : vector<1x50047xf32>
    %sub3A_198 = arith.constant 5.000000e+01 : f32
    %sub3A_199 = vector.broadcast %sub3A_198 : f32 to vector<1x50047xf32>
    %sub3A_200 = arith.subf %sub3A_194, %sub3A_199 : vector<1x50047xf32>
    %lt3A_201 = arith.constant -2.500000e+01 : f32
    %lt3A_202 = vector.broadcast %lt3A_201 : f32 to vector<1x50047xf32>
    %lt3A_203 = arith.cmpf olt, %sub3A_194, %lt3A_202 : vector<1x50047xf32>
    %add3A_204 = arith.constant 5.000000e+01 : f32
    %add3A_205 = vector.broadcast %add3A_204 : f32 to vector<1x50047xf32>
    %add3A_206 = arith.addf %sub3A_194, %add3A_205 : vector<1x50047xf32>
    %select_n3A_207 = arith.select %lt3A_203, %add3A_206, %sub3A_194 : vector<1x50047xi1>, vector<1x50047xf32>
    %select_n3A_208 = arith.select %gt3A_197, %sub3A_200, %select_n3A_207 : vector<1x50047xi1>, vector<1x50047xf32>
    %mul3A_209 = arith.mulf %select_n3A_178, %select_n3A_178 : vector<1x50047xf32>
    %mul3A_210 = arith.mulf %select_n3A_193, %select_n3A_193 : vector<1x50047xf32>
    %add3A_211 = arith.addf %mul3A_209, %mul3A_210 : vector<1x50047xf32>
    %mul3A_212 = arith.mulf %select_n3A_208, %select_n3A_208 : vector<1x50047xf32>
    %add3A_213 = arith.addf %add3A_211, %mul3A_212 : vector<1x50047xf32>
    %add3A_214 = arith.constant 9.99999996E-13 : f32
    %add3A_215 = vector.broadcast %add3A_214 : f32 to vector<1x50047xf32>
    %add3A_216 = arith.addf %add3A_213, %add3A_215 : vector<1x50047xf32>
    %sqrt3A_217 = math.sqrt %add3A_216 : vector<1x50047xf32>
    %sub3A_218 = arith.constant 0.752499997 : f32
    %sub3A_219 = vector.broadcast %sub3A_218 : f32 to vector<1x50047xf32>
    %sub3A_220 = arith.subf %sqrt3A_217, %sub3A_219 : vector<1x50047xf32>
    %integer_pow3A = arith.mulf %sub3A_220, %sub3A_220 : vector<1x50047xf32>
    %div3A_221 = arith.constant 6.250000e-02 : f32
    %div3A_222 = vector.broadcast %div3A_221 : f32 to vector<1x50047xf32>
    %div3A_223 = arith.divf %integer_pow3A, %div3A_222 : vector<1x50047xf32>
    %jit3A = arith.constant 0.000000e+00 : f32
    %jit3A_224 = arith.constant 9.900000e-01 : f32
    %max3A = vector.broadcast %jit3A : f32 to vector<1x50047xf32>
    %max3A_225 = arith.maximumf %max3A, %div3A_223 : vector<1x50047xf32>
    %min3A = vector.broadcast %jit3A_224 : f32 to vector<1x50047xf32>
    %min3A_226 = arith.minimumf %min3A, %max3A_225 : vector<1x50047xf32>
    %sub3A_227 = arith.constant 1.000000e+00 : f32
    %sub3A_228 = vector.broadcast %sub3A_227 : f32 to vector<1x50047xf32>
    %sub3A_229 = arith.subf %sub3A_228, %min3A_226 : vector<1x50047xf32>
    %log3A = math.log %sub3A_229 : vector<1x50047xf32>
    %mul3A_230 = arith.constant -6.250000e-02 : f32
    %mul3A_231 = vector.broadcast %mul3A_230 : f32 to vector<1x50047xf32>
    %mul3A_232 = arith.mulf %mul3A_231, %log3A : vector<1x50047xf32>
    %sub3A_233 = arith.subf %slice3A_150, %slice3A_149 : vector<1x50047xf32>
    %gt3A_234 = arith.constant 2.500000e+01 : f32
    %gt3A_235 = vector.broadcast %gt3A_234 : f32 to vector<1x50047xf32>
    %gt3A_236 = arith.cmpf ogt, %sub3A_233, %gt3A_235 : vector<1x50047xf32>
    %sub3A_237 = arith.constant 5.000000e+01 : f32
    %sub3A_238 = vector.broadcast %sub3A_237 : f32 to vector<1x50047xf32>
    %sub3A_239 = arith.subf %sub3A_233, %sub3A_238 : vector<1x50047xf32>
    %lt3A_240 = arith.constant -2.500000e+01 : f32
    %lt3A_241 = vector.broadcast %lt3A_240 : f32 to vector<1x50047xf32>
    %lt3A_242 = arith.cmpf olt, %sub3A_233, %lt3A_241 : vector<1x50047xf32>
    %add3A_243 = arith.constant 5.000000e+01 : f32
    %add3A_244 = vector.broadcast %add3A_243 : f32 to vector<1x50047xf32>
    %add3A_245 = arith.addf %sub3A_233, %add3A_244 : vector<1x50047xf32>
    %select_n3A_246 = arith.select %lt3A_242, %add3A_245, %sub3A_233 : vector<1x50047xi1>, vector<1x50047xf32>
    %select_n3A_247 = arith.select %gt3A_236, %sub3A_239, %select_n3A_246 : vector<1x50047xi1>, vector<1x50047xf32>
    %sub3A_248 = arith.subf %slice3A_152, %slice3A_151 : vector<1x50047xf32>
    %gt3A_249 = arith.constant 2.500000e+01 : f32
    %gt3A_250 = vector.broadcast %gt3A_249 : f32 to vector<1x50047xf32>
    %gt3A_251 = arith.cmpf ogt, %sub3A_248, %gt3A_250 : vector<1x50047xf32>
    %sub3A_252 = arith.constant 5.000000e+01 : f32
    %sub3A_253 = vector.broadcast %sub3A_252 : f32 to vector<1x50047xf32>
    %sub3A_254 = arith.subf %sub3A_248, %sub3A_253 : vector<1x50047xf32>
    %lt3A_255 = arith.constant -2.500000e+01 : f32
    %lt3A_256 = vector.broadcast %lt3A_255 : f32 to vector<1x50047xf32>
    %lt3A_257 = arith.cmpf olt, %sub3A_248, %lt3A_256 : vector<1x50047xf32>
    %add3A_258 = arith.constant 5.000000e+01 : f32
    %add3A_259 = vector.broadcast %add3A_258 : f32 to vector<1x50047xf32>
    %add3A_260 = arith.addf %sub3A_248, %add3A_259 : vector<1x50047xf32>
    %select_n3A_261 = arith.select %lt3A_257, %add3A_260, %sub3A_248 : vector<1x50047xi1>, vector<1x50047xf32>
    %select_n3A_262 = arith.select %gt3A_251, %sub3A_254, %select_n3A_261 : vector<1x50047xi1>, vector<1x50047xf32>
    %sub3A_263 = arith.subf %slice3A_154, %slice3A_153 : vector<1x50047xf32>
    %gt3A_264 = arith.constant 2.500000e+01 : f32
    %gt3A_265 = vector.broadcast %gt3A_264 : f32 to vector<1x50047xf32>
    %gt3A_266 = arith.cmpf ogt, %sub3A_263, %gt3A_265 : vector<1x50047xf32>
    %sub3A_267 = arith.constant 5.000000e+01 : f32
    %sub3A_268 = vector.broadcast %sub3A_267 : f32 to vector<1x50047xf32>
    %sub3A_269 = arith.subf %sub3A_263, %sub3A_268 : vector<1x50047xf32>
    %lt3A_270 = arith.constant -2.500000e+01 : f32
    %lt3A_271 = vector.broadcast %lt3A_270 : f32 to vector<1x50047xf32>
    %lt3A_272 = arith.cmpf olt, %sub3A_263, %lt3A_271 : vector<1x50047xf32>
    %add3A_273 = arith.constant 5.000000e+01 : f32
    %add3A_274 = vector.broadcast %add3A_273 : f32 to vector<1x50047xf32>
    %add3A_275 = arith.addf %sub3A_263, %add3A_274 : vector<1x50047xf32>
    %select_n3A_276 = arith.select %lt3A_272, %add3A_275, %sub3A_263 : vector<1x50047xi1>, vector<1x50047xf32>
    %select_n3A_277 = arith.select %gt3A_266, %sub3A_269, %select_n3A_276 : vector<1x50047xi1>, vector<1x50047xf32>
    %mul3A_278 = arith.mulf %select_n3A_247, %select_n3A_247 : vector<1x50047xf32>
    %mul3A_279 = arith.mulf %select_n3A_262, %select_n3A_262 : vector<1x50047xf32>
    %add3A_280 = arith.addf %mul3A_278, %mul3A_279 : vector<1x50047xf32>
    %mul3A_281 = arith.mulf %select_n3A_277, %select_n3A_277 : vector<1x50047xf32>
    %add3A_282 = arith.addf %add3A_280, %mul3A_281 : vector<1x50047xf32>
    %add3A_283 = arith.constant 9.99999996E-13 : f32
    %add3A_284 = vector.broadcast %add3A_283 : f32 to vector<1x50047xf32>
    %add3A_285 = arith.addf %add3A_282, %add3A_284 : vector<1x50047xf32>
    %sqrt3A_286 = math.sqrt %add3A_285 : vector<1x50047xf32>
    %sub3A_287 = arith.subf %slice3A_150, %slice3A : vector<1x50047xf32>
    %gt3A_288 = arith.constant 2.500000e+01 : f32
    %gt3A_289 = vector.broadcast %gt3A_288 : f32 to vector<1x50047xf32>
    %gt3A_290 = arith.cmpf ogt, %sub3A_287, %gt3A_289 : vector<1x50047xf32>
    %sub3A_291 = arith.constant 5.000000e+01 : f32
    %sub3A_292 = vector.broadcast %sub3A_291 : f32 to vector<1x50047xf32>
    %sub3A_293 = arith.subf %sub3A_287, %sub3A_292 : vector<1x50047xf32>
    %lt3A_294 = arith.constant -2.500000e+01 : f32
    %lt3A_295 = vector.broadcast %lt3A_294 : f32 to vector<1x50047xf32>
    %lt3A_296 = arith.cmpf olt, %sub3A_287, %lt3A_295 : vector<1x50047xf32>
    %add3A_297 = arith.constant 5.000000e+01 : f32
    %add3A_298 = vector.broadcast %add3A_297 : f32 to vector<1x50047xf32>
    %add3A_299 = arith.addf %sub3A_287, %add3A_298 : vector<1x50047xf32>
    %select_n3A_300 = arith.select %lt3A_296, %add3A_299, %sub3A_287 : vector<1x50047xi1>, vector<1x50047xf32>
    %select_n3A_301 = arith.select %gt3A_290, %sub3A_293, %select_n3A_300 : vector<1x50047xi1>, vector<1x50047xf32>
    %sub3A_302 = arith.subf %slice3A_152, %slice3A_145 : vector<1x50047xf32>
    %gt3A_303 = arith.constant 2.500000e+01 : f32
    %gt3A_304 = vector.broadcast %gt3A_303 : f32 to vector<1x50047xf32>
    %gt3A_305 = arith.cmpf ogt, %sub3A_302, %gt3A_304 : vector<1x50047xf32>
    %sub3A_306 = arith.constant 5.000000e+01 : f32
    %sub3A_307 = vector.broadcast %sub3A_306 : f32 to vector<1x50047xf32>
    %sub3A_308 = arith.subf %sub3A_302, %sub3A_307 : vector<1x50047xf32>
    %lt3A_309 = arith.constant -2.500000e+01 : f32
    %lt3A_310 = vector.broadcast %lt3A_309 : f32 to vector<1x50047xf32>
    %lt3A_311 = arith.cmpf olt, %sub3A_302, %lt3A_310 : vector<1x50047xf32>
    %add3A_312 = arith.constant 5.000000e+01 : f32
    %add3A_313 = vector.broadcast %add3A_312 : f32 to vector<1x50047xf32>
    %add3A_314 = arith.addf %sub3A_302, %add3A_313 : vector<1x50047xf32>
    %select_n3A_315 = arith.select %lt3A_311, %add3A_314, %sub3A_302 : vector<1x50047xi1>, vector<1x50047xf32>
    %select_n3A_316 = arith.select %gt3A_305, %sub3A_308, %select_n3A_315 : vector<1x50047xi1>, vector<1x50047xf32>
    %sub3A_317 = arith.subf %slice3A_154, %slice3A_147 : vector<1x50047xf32>
    %gt3A_318 = arith.constant 2.500000e+01 : f32
    %gt3A_319 = vector.broadcast %gt3A_318 : f32 to vector<1x50047xf32>
    %gt3A_320 = arith.cmpf ogt, %sub3A_317, %gt3A_319 : vector<1x50047xf32>
    %sub3A_321 = arith.constant 5.000000e+01 : f32
    %sub3A_322 = vector.broadcast %sub3A_321 : f32 to vector<1x50047xf32>
    %sub3A_323 = arith.subf %sub3A_317, %sub3A_322 : vector<1x50047xf32>
    %lt3A_324 = arith.constant -2.500000e+01 : f32
    %lt3A_325 = vector.broadcast %lt3A_324 : f32 to vector<1x50047xf32>
    %lt3A_326 = arith.cmpf olt, %sub3A_317, %lt3A_325 : vector<1x50047xf32>
    %add3A_327 = arith.constant 5.000000e+01 : f32
    %add3A_328 = vector.broadcast %add3A_327 : f32 to vector<1x50047xf32>
    %add3A_329 = arith.addf %sub3A_317, %add3A_328 : vector<1x50047xf32>
    %select_n3A_330 = arith.select %lt3A_326, %add3A_329, %sub3A_317 : vector<1x50047xi1>, vector<1x50047xf32>
    %select_n3A_331 = arith.select %gt3A_320, %sub3A_323, %select_n3A_330 : vector<1x50047xi1>, vector<1x50047xf32>
    %mul3A_332 = arith.mulf %select_n3A_301, %select_n3A_301 : vector<1x50047xf32>
    %mul3A_333 = arith.mulf %select_n3A_316, %select_n3A_316 : vector<1x50047xf32>
    %add3A_334 = arith.addf %mul3A_332, %mul3A_333 : vector<1x50047xf32>
    %mul3A_335 = arith.mulf %select_n3A_331, %select_n3A_331 : vector<1x50047xf32>
    %add3A_336 = arith.addf %add3A_334, %mul3A_335 : vector<1x50047xf32>
    %add3A_337 = arith.constant 9.99999996E-13 : f32
    %add3A_338 = vector.broadcast %add3A_337 : f32 to vector<1x50047xf32>
    %add3A_339 = arith.addf %add3A_336, %add3A_338 : vector<1x50047xf32>
    %sqrt3A_340 = math.sqrt %add3A_339 : vector<1x50047xf32>
    %sub3A_341 = arith.subf %slice3A_144, %slice3A_149 : vector<1x50047xf32>
    %gt3A_342 = arith.constant 2.500000e+01 : f32
    %gt3A_343 = vector.broadcast %gt3A_342 : f32 to vector<1x50047xf32>
    %gt3A_344 = arith.cmpf ogt, %sub3A_341, %gt3A_343 : vector<1x50047xf32>
    %sub3A_345 = arith.constant 5.000000e+01 : f32
    %sub3A_346 = vector.broadcast %sub3A_345 : f32 to vector<1x50047xf32>
    %sub3A_347 = arith.subf %sub3A_341, %sub3A_346 : vector<1x50047xf32>
    %lt3A_348 = arith.constant -2.500000e+01 : f32
    %lt3A_349 = vector.broadcast %lt3A_348 : f32 to vector<1x50047xf32>
    %lt3A_350 = arith.cmpf olt, %sub3A_341, %lt3A_349 : vector<1x50047xf32>
    %add3A_351 = arith.constant 5.000000e+01 : f32
    %add3A_352 = vector.broadcast %add3A_351 : f32 to vector<1x50047xf32>
    %add3A_353 = arith.addf %sub3A_341, %add3A_352 : vector<1x50047xf32>
    %select_n3A_354 = arith.select %lt3A_350, %add3A_353, %sub3A_341 : vector<1x50047xi1>, vector<1x50047xf32>
    %select_n3A_355 = arith.select %gt3A_344, %sub3A_347, %select_n3A_354 : vector<1x50047xi1>, vector<1x50047xf32>
    %sub3A_356 = arith.subf %slice3A_146, %slice3A_151 : vector<1x50047xf32>
    %gt3A_357 = arith.constant 2.500000e+01 : f32
    %gt3A_358 = vector.broadcast %gt3A_357 : f32 to vector<1x50047xf32>
    %gt3A_359 = arith.cmpf ogt, %sub3A_356, %gt3A_358 : vector<1x50047xf32>
    %sub3A_360 = arith.constant 5.000000e+01 : f32
    %sub3A_361 = vector.broadcast %sub3A_360 : f32 to vector<1x50047xf32>
    %sub3A_362 = arith.subf %sub3A_356, %sub3A_361 : vector<1x50047xf32>
    %lt3A_363 = arith.constant -2.500000e+01 : f32
    %lt3A_364 = vector.broadcast %lt3A_363 : f32 to vector<1x50047xf32>
    %lt3A_365 = arith.cmpf olt, %sub3A_356, %lt3A_364 : vector<1x50047xf32>
    %add3A_366 = arith.constant 5.000000e+01 : f32
    %add3A_367 = vector.broadcast %add3A_366 : f32 to vector<1x50047xf32>
    %add3A_368 = arith.addf %sub3A_356, %add3A_367 : vector<1x50047xf32>
    %select_n3A_369 = arith.select %lt3A_365, %add3A_368, %sub3A_356 : vector<1x50047xi1>, vector<1x50047xf32>
    %select_n3A_370 = arith.select %gt3A_359, %sub3A_362, %select_n3A_369 : vector<1x50047xi1>, vector<1x50047xf32>
    %sub3A_371 = arith.subf %slice3A_148, %slice3A_153 : vector<1x50047xf32>
    %gt3A_372 = arith.constant 2.500000e+01 : f32
    %gt3A_373 = vector.broadcast %gt3A_372 : f32 to vector<1x50047xf32>
    %gt3A_374 = arith.cmpf ogt, %sub3A_371, %gt3A_373 : vector<1x50047xf32>
    %sub3A_375 = arith.constant 5.000000e+01 : f32
    %sub3A_376 = vector.broadcast %sub3A_375 : f32 to vector<1x50047xf32>
    %sub3A_377 = arith.subf %sub3A_371, %sub3A_376 : vector<1x50047xf32>
    %lt3A_378 = arith.constant -2.500000e+01 : f32
    %lt3A_379 = vector.broadcast %lt3A_378 : f32 to vector<1x50047xf32>
    %lt3A_380 = arith.cmpf olt, %sub3A_371, %lt3A_379 : vector<1x50047xf32>
    %add3A_381 = arith.constant 5.000000e+01 : f32
    %add3A_382 = vector.broadcast %add3A_381 : f32 to vector<1x50047xf32>
    %add3A_383 = arith.addf %sub3A_371, %add3A_382 : vector<1x50047xf32>
    %select_n3A_384 = arith.select %lt3A_380, %add3A_383, %sub3A_371 : vector<1x50047xi1>, vector<1x50047xf32>
    %select_n3A_385 = arith.select %gt3A_374, %sub3A_377, %select_n3A_384 : vector<1x50047xi1>, vector<1x50047xf32>
    %mul3A_386 = arith.mulf %select_n3A_355, %select_n3A_355 : vector<1x50047xf32>
    %mul3A_387 = arith.mulf %select_n3A_370, %select_n3A_370 : vector<1x50047xf32>
    %add3A_388 = arith.addf %mul3A_386, %mul3A_387 : vector<1x50047xf32>
    %mul3A_389 = arith.mulf %select_n3A_385, %select_n3A_385 : vector<1x50047xf32>
    %add3A_390 = arith.addf %add3A_388, %mul3A_389 : vector<1x50047xf32>
    %add3A_391 = arith.constant 9.99999996E-13 : f32
    %add3A_392 = vector.broadcast %add3A_391 : f32 to vector<1x50047xf32>
    %add3A_393 = arith.addf %add3A_390, %add3A_392 : vector<1x50047xf32>
    %sqrt3A_394 = math.sqrt %add3A_393 : vector<1x50047xf32>
    %max3A_395 = arith.constant 3.300000e-02 : f32
    %max3A_396 = vector.broadcast %max3A_395 : f32 to vector<1x50047xf32>
    %max3A_397 = arith.maximumf %sqrt3A_286, %max3A_396 : vector<1x50047xf32>
    %div3A_398 = arith.constant 3.300000e-01 : f32
    %div3A_399 = vector.broadcast %div3A_398 : f32 to vector<1x50047xf32>
    %div3A_400 = arith.divf %div3A_399, %max3A_397 : vector<1x50047xf32>
    %mul3A_401 = arith.mulf %div3A_400, %div3A_400 : vector<1x50047xf32>
    %mul3A_402 = arith.mulf %mul3A_401, %mul3A_401 : vector<1x50047xf32>
    %mul3A_403 = arith.mulf %mul3A_402, %mul3A_401 : vector<1x50047xf32>
    %mul3A_404 = arith.mulf %mul3A_403, %mul3A_403 : vector<1x50047xf32>
    %sub3A_405 = arith.subf %mul3A_404, %mul3A_403 : vector<1x50047xf32>
    %mul3A_406 = arith.constant 8.000000e+00 : f32
    %mul3A_407 = vector.broadcast %mul3A_406 : f32 to vector<1x50047xf32>
    %mul3A_408 = arith.mulf %mul3A_407, %sub3A_405 : vector<1x50047xf32>
    %add3A_409 = arith.constant 2.000000e+00 : f32
    %add3A_410 = vector.broadcast %add3A_409 : f32 to vector<1x50047xf32>
    %add3A_411 = arith.addf %mul3A_408, %add3A_410 : vector<1x50047xf32>
    %lt3A_412 = arith.constant 0.370412469 : f32
    %lt3A_413 = vector.broadcast %lt3A_412 : f32 to vector<1x50047xf32>
    %lt3A_414 = arith.cmpf olt, %sqrt3A_286, %lt3A_413 : vector<1x50047xf32>
    %jit3A_415 = arith.constant 0.000000e+00 : f32
    %broadcast_in_dim3A_416 = vector.broadcast %jit3A_415 : f32 to vector<1x50047xf32>
    %select_n3A_417 = arith.select %lt3A_414, %add3A_411, %broadcast_in_dim3A_416 : vector<1x50047xi1>, vector<1x50047xf32>
    %max3A_418 = arith.constant 5.150000e-02 : f32
    %max3A_419 = vector.broadcast %max3A_418 : f32 to vector<1x50047xf32>
    %max3A_420 = arith.maximumf %sqrt3A_340, %max3A_419 : vector<1x50047xf32>
    %div3A_421 = arith.constant 5.150000e-01 : f32
    %div3A_422 = vector.broadcast %div3A_421 : f32 to vector<1x50047xf32>
    %div3A_423 = arith.divf %div3A_422, %max3A_420 : vector<1x50047xf32>
    %mul3A_424 = arith.mulf %div3A_423, %div3A_423 : vector<1x50047xf32>
    %mul3A_425 = arith.mulf %mul3A_424, %mul3A_424 : vector<1x50047xf32>
    %mul3A_426 = arith.mulf %mul3A_425, %mul3A_424 : vector<1x50047xf32>
    %mul3A_427 = arith.mulf %mul3A_426, %mul3A_426 : vector<1x50047xf32>
    %sub3A_428 = arith.subf %mul3A_427, %mul3A_426 : vector<1x50047xf32>
    %mul3A_429 = arith.constant 8.000000e+00 : f32
    %mul3A_430 = vector.broadcast %mul3A_429 : f32 to vector<1x50047xf32>
    %mul3A_431 = arith.mulf %mul3A_430, %sub3A_428 : vector<1x50047xf32>
    %add3A_432 = arith.constant 2.000000e+00 : f32
    %add3A_433 = vector.broadcast %add3A_432 : f32 to vector<1x50047xf32>
    %add3A_434 = arith.addf %mul3A_431, %add3A_433 : vector<1x50047xf32>
    %lt3A_435 = arith.constant 0.578067958 : f32
    %lt3A_436 = vector.broadcast %lt3A_435 : f32 to vector<1x50047xf32>
    %lt3A_437 = arith.cmpf olt, %sqrt3A_340, %lt3A_436 : vector<1x50047xf32>
    %jit3A_438 = arith.constant 0.000000e+00 : f32
    %broadcast_in_dim3A_439 = vector.broadcast %jit3A_438 : f32 to vector<1x50047xf32>
    %select_n3A_440 = arith.select %lt3A_437, %add3A_434, %broadcast_in_dim3A_439 : vector<1x50047xi1>, vector<1x50047xf32>
    %add3A_441 = arith.addf %select_n3A_417, %select_n3A_440 : vector<1x50047xf32>
    %max3A_442 = arith.constant 5.150000e-02 : f32
    %max3A_443 = vector.broadcast %max3A_442 : f32 to vector<1x50047xf32>
    %max3A_444 = arith.maximumf %sqrt3A_394, %max3A_443 : vector<1x50047xf32>
    %div3A_445 = arith.constant 5.150000e-01 : f32
    %div3A_446 = vector.broadcast %div3A_445 : f32 to vector<1x50047xf32>
    %div3A_447 = arith.divf %div3A_446, %max3A_444 : vector<1x50047xf32>
    %mul3A_448 = arith.mulf %div3A_447, %div3A_447 : vector<1x50047xf32>
    %mul3A_449 = arith.mulf %mul3A_448, %mul3A_448 : vector<1x50047xf32>
    %mul3A_450 = arith.mulf %mul3A_449, %mul3A_448 : vector<1x50047xf32>
    %mul3A_451 = arith.mulf %mul3A_450, %mul3A_450 : vector<1x50047xf32>
    %sub3A_452 = arith.subf %mul3A_451, %mul3A_450 : vector<1x50047xf32>
    %mul3A_453 = arith.constant 8.000000e+00 : f32
    %mul3A_454 = vector.broadcast %mul3A_453 : f32 to vector<1x50047xf32>
    %mul3A_455 = arith.mulf %mul3A_454, %sub3A_452 : vector<1x50047xf32>
    %add3A_456 = arith.constant 2.000000e+00 : f32
    %add3A_457 = vector.broadcast %add3A_456 : f32 to vector<1x50047xf32>
    %add3A_458 = arith.addf %mul3A_455, %add3A_457 : vector<1x50047xf32>
    %lt3A_459 = arith.constant 0.578067958 : f32
    %lt3A_460 = vector.broadcast %lt3A_459 : f32 to vector<1x50047xf32>
    %lt3A_461 = arith.cmpf olt, %sqrt3A_394, %lt3A_460 : vector<1x50047xf32>
    %jit3A_462 = arith.constant 0.000000e+00 : f32
    %broadcast_in_dim3A_463 = vector.broadcast %jit3A_462 : f32 to vector<1x50047xf32>
    %select_n3A_464 = arith.select %lt3A_461, %add3A_458, %broadcast_in_dim3A_463 : vector<1x50047xi1>, vector<1x50047xf32>
    %add3A_465 = arith.addf %add3A_441, %select_n3A_464 : vector<1x50047xf32>
    %add3A_466 = arith.addf %mul3A_232, %add3A_465 : vector<1x50047xf32>
    %sub3A_467 = arith.subf %slice3A_156, %slice3A_155 : vector<1x50047xf32>
    %gt3A_468 = arith.constant 2.500000e+01 : f32
    %gt3A_469 = vector.broadcast %gt3A_468 : f32 to vector<1x50047xf32>
    %gt3A_470 = arith.cmpf ogt, %sub3A_467, %gt3A_469 : vector<1x50047xf32>
    %sub3A_471 = arith.constant 5.000000e+01 : f32
    %sub3A_472 = vector.broadcast %sub3A_471 : f32 to vector<1x50047xf32>
    %sub3A_473 = arith.subf %sub3A_467, %sub3A_472 : vector<1x50047xf32>
    %lt3A_474 = arith.constant -2.500000e+01 : f32
    %lt3A_475 = vector.broadcast %lt3A_474 : f32 to vector<1x50047xf32>
    %lt3A_476 = arith.cmpf olt, %sub3A_467, %lt3A_475 : vector<1x50047xf32>
    %add3A_477 = arith.constant 5.000000e+01 : f32
    %add3A_478 = vector.broadcast %add3A_477 : f32 to vector<1x50047xf32>
    %add3A_479 = arith.addf %sub3A_467, %add3A_478 : vector<1x50047xf32>
    %select_n3A_480 = arith.select %lt3A_476, %add3A_479, %sub3A_467 : vector<1x50047xi1>, vector<1x50047xf32>
    %select_n3A_481 = arith.select %gt3A_470, %sub3A_473, %select_n3A_480 : vector<1x50047xi1>, vector<1x50047xf32>
    %sub3A_482 = arith.subf %slice3A_158, %slice3A_157 : vector<1x50047xf32>
    %gt3A_483 = arith.constant 2.500000e+01 : f32
    %gt3A_484 = vector.broadcast %gt3A_483 : f32 to vector<1x50047xf32>
    %gt3A_485 = arith.cmpf ogt, %sub3A_482, %gt3A_484 : vector<1x50047xf32>
    %sub3A_486 = arith.constant 5.000000e+01 : f32
    %sub3A_487 = vector.broadcast %sub3A_486 : f32 to vector<1x50047xf32>
    %sub3A_488 = arith.subf %sub3A_482, %sub3A_487 : vector<1x50047xf32>
    %lt3A_489 = arith.constant -2.500000e+01 : f32
    %lt3A_490 = vector.broadcast %lt3A_489 : f32 to vector<1x50047xf32>
    %lt3A_491 = arith.cmpf olt, %sub3A_482, %lt3A_490 : vector<1x50047xf32>
    %add3A_492 = arith.constant 5.000000e+01 : f32
    %add3A_493 = vector.broadcast %add3A_492 : f32 to vector<1x50047xf32>
    %add3A_494 = arith.addf %sub3A_482, %add3A_493 : vector<1x50047xf32>
    %select_n3A_495 = arith.select %lt3A_491, %add3A_494, %sub3A_482 : vector<1x50047xi1>, vector<1x50047xf32>
    %select_n3A_496 = arith.select %gt3A_485, %sub3A_488, %select_n3A_495 : vector<1x50047xi1>, vector<1x50047xf32>
    %sub3A_497 = arith.subf %slice3A_160, %slice3A_159 : vector<1x50047xf32>
    %gt3A_498 = arith.constant 2.500000e+01 : f32
    %gt3A_499 = vector.broadcast %gt3A_498 : f32 to vector<1x50047xf32>
    %gt3A_500 = arith.cmpf ogt, %sub3A_497, %gt3A_499 : vector<1x50047xf32>
    %sub3A_501 = arith.constant 5.000000e+01 : f32
    %sub3A_502 = vector.broadcast %sub3A_501 : f32 to vector<1x50047xf32>
    %sub3A_503 = arith.subf %sub3A_497, %sub3A_502 : vector<1x50047xf32>
    %lt3A_504 = arith.constant -2.500000e+01 : f32
    %lt3A_505 = vector.broadcast %lt3A_504 : f32 to vector<1x50047xf32>
    %lt3A_506 = arith.cmpf olt, %sub3A_497, %lt3A_505 : vector<1x50047xf32>
    %add3A_507 = arith.constant 5.000000e+01 : f32
    %add3A_508 = vector.broadcast %add3A_507 : f32 to vector<1x50047xf32>
    %add3A_509 = arith.addf %sub3A_497, %add3A_508 : vector<1x50047xf32>
    %select_n3A_510 = arith.select %lt3A_506, %add3A_509, %sub3A_497 : vector<1x50047xi1>, vector<1x50047xf32>
    %select_n3A_511 = arith.select %gt3A_500, %sub3A_503, %select_n3A_510 : vector<1x50047xi1>, vector<1x50047xf32>
    %mul3A_512 = arith.mulf %select_n3A_481, %select_n3A_481 : vector<1x50047xf32>
    %mul3A_513 = arith.mulf %select_n3A_496, %select_n3A_496 : vector<1x50047xf32>
    %add3A_514 = arith.addf %mul3A_512, %mul3A_513 : vector<1x50047xf32>
    %mul3A_515 = arith.mulf %select_n3A_511, %select_n3A_511 : vector<1x50047xf32>
    %add3A_516 = arith.addf %add3A_514, %mul3A_515 : vector<1x50047xf32>
    %add3A_517 = arith.constant 9.99999996E-13 : f32
    %add3A_518 = vector.broadcast %add3A_517 : f32 to vector<1x50047xf32>
    %add3A_519 = arith.addf %add3A_516, %add3A_518 : vector<1x50047xf32>
    %sqrt3A_520 = math.sqrt %add3A_519 : vector<1x50047xf32>
    %div3A_521 = arith.divf %select_n3A_481, %sqrt3A_520 : vector<1x50047xf32>
    %div3A_522 = arith.divf %select_n3A_496, %sqrt3A_520 : vector<1x50047xf32>
    %div3A_523 = arith.divf %select_n3A_511, %sqrt3A_520 : vector<1x50047xf32>
    %sub3A_524 = arith.constant 4.000000e-01 : f32
    %sub3A_525 = vector.broadcast %sub3A_524 : f32 to vector<1x50047xf32>
    %sub3A_526 = arith.subf %sqrt3A_520, %sub3A_525 : vector<1x50047xf32>
    %div3A_527 = arith.constant 3.000000e-01 : f32
    %div3A_528 = vector.broadcast %div3A_527 : f32 to vector<1x50047xf32>
    %div3A_529 = arith.divf %sub3A_526, %div3A_528 : vector<1x50047xf32>
    %integer_pow3A_530 = arith.mulf %div3A_529, %div3A_529 : vector<1x50047xf32>
    %neg3A = arith.constant 0.000000e+00 : f32
    %neg3A_531 = vector.broadcast %neg3A : f32 to vector<1x50047xf32>
    %neg3A_532 = arith.subf %neg3A_531, %integer_pow3A_530 : vector<1x50047xf32>
    %exp3A = math.exp %neg3A_532 : vector<1x50047xf32>
    %mul3A_533 = arith.mulf %slice3A_161, %slice3A_162 : vector<1x50047xf32>
    %mul3A_534 = arith.mulf %slice3A_163, %slice3A_164 : vector<1x50047xf32>
    %add3A_535 = arith.addf %mul3A_533, %mul3A_534 : vector<1x50047xf32>
    %mul3A_536 = arith.mulf %slice3A_165, %slice3A_166 : vector<1x50047xf32>
    %add3A_537 = arith.addf %add3A_535, %mul3A_536 : vector<1x50047xf32>
    %jit3A_538 = arith.constant 0.000000e+00 : f32
    %jit3A_539 = arith.constant 1.000000e+00 : f32
    %max3A_540 = vector.broadcast %jit3A_538 : f32 to vector<1x50047xf32>
    %max3A_541 = arith.maximumf %max3A_540, %add3A_537 : vector<1x50047xf32>
    %min3A_542 = vector.broadcast %jit3A_539 : f32 to vector<1x50047xf32>
    %min3A_543 = arith.minimumf %min3A_542, %max3A_541 : vector<1x50047xf32>
    %mul3A_544 = arith.mulf %div3A_521, %slice3A_161 : vector<1x50047xf32>
    %mul3A_545 = arith.mulf %div3A_522, %slice3A_163 : vector<1x50047xf32>
    %add3A_546 = arith.addf %mul3A_544, %mul3A_545 : vector<1x50047xf32>
    %mul3A_547 = arith.mulf %div3A_523, %slice3A_165 : vector<1x50047xf32>
    %add3A_548 = arith.addf %add3A_546, %mul3A_547 : vector<1x50047xf32>
    %jit3A_549 = arith.constant 0.000000e+00 : f32
    %jit3A_550 = arith.constant 1.000000e+00 : f32
    %max3A_551 = vector.broadcast %jit3A_549 : f32 to vector<1x50047xf32>
    %max3A_552 = arith.maximumf %max3A_551, %add3A_548 : vector<1x50047xf32>
    %min3A_553 = vector.broadcast %jit3A_550 : f32 to vector<1x50047xf32>
    %min3A_554 = arith.minimumf %min3A_553, %max3A_552 : vector<1x50047xf32>
    %mul3A_555 = arith.mulf %div3A_521, %slice3A_162 : vector<1x50047xf32>
    %mul3A_556 = arith.mulf %div3A_522, %slice3A_164 : vector<1x50047xf32>
    %add3A_557 = arith.addf %mul3A_555, %mul3A_556 : vector<1x50047xf32>
    %mul3A_558 = arith.mulf %div3A_523, %slice3A_166 : vector<1x50047xf32>
    %add3A_559 = arith.addf %add3A_557, %mul3A_558 : vector<1x50047xf32>
    %neg3A_560 = arith.constant 0.000000e+00 : f32
    %neg3A_561 = vector.broadcast %neg3A_560 : f32 to vector<1x50047xf32>
    %neg3A_562 = arith.subf %neg3A_561, %add3A_559 : vector<1x50047xf32>
    %jit3A_563 = arith.constant 0.000000e+00 : f32
    %jit3A_564 = arith.constant 1.000000e+00 : f32
    %max3A_565 = vector.broadcast %jit3A_563 : f32 to vector<1x50047xf32>
    %max3A_566 = arith.maximumf %max3A_565, %neg3A_562 : vector<1x50047xf32>
    %min3A_567 = vector.broadcast %jit3A_564 : f32 to vector<1x50047xf32>
    %min3A_568 = arith.minimumf %min3A_567, %max3A_566 : vector<1x50047xf32>
    %get3A_569 = arith.constant 0 : index
    %get3A_570 = arith.constant 0 : index
    %get3A_571 = vector.load %arg2[%get3A_569, %get3A_570] : memref<1x50048xf32, #tpu.memory_space<vmem>>, vector<1x50047xf32>
    %neg3A_572 = arith.constant 0.000000e+00 : f32
    %neg3A_573 = vector.broadcast %neg3A_572 : f32 to vector<1x50047xf32>
    %neg3A_574 = arith.subf %neg3A_573, %get3A_571 : vector<1x50047xf32>
    %mul3A_575 = arith.mulf %neg3A_574, %exp3A : vector<1x50047xf32>
    %mul3A_576 = arith.mulf %mul3A_575, %min3A_543 : vector<1x50047xf32>
    %mul3A_577 = arith.mulf %mul3A_576, %min3A_543 : vector<1x50047xf32>
    %mul3A_578 = arith.mulf %mul3A_577, %min3A_554 : vector<1x50047xf32>
    %mul3A_579 = arith.mulf %mul3A_578, %min3A_568 : vector<1x50047xf32>
    %add3A_580 = arith.addf %add3A_466, %mul3A_579 : vector<1x50047xf32>
    %iota3A = tpu.iota {dimensions = array<i32: 1>} : vector<1x50047xi32>
    %lt3A_581 = arith.constant 49999 : i32
    %lt3A_582 = vector.broadcast %lt3A_581 : i32 to vector<1x50047xi32>
    %lt3A_583 = arith.cmpi slt, %iota3A, %lt3A_582 : vector<1x50047xi32>
    %jit3A_584 = arith.constant 0.000000e+00 : f32
    %broadcast_in_dim3A_585 = vector.broadcast %jit3A_584 : f32 to vector<1x50047xf32>
    %select_n3A_586 = arith.select %lt3A_583, %add3A_580, %broadcast_in_dim3A_585 : vector<1x50047xi1>, vector<1x50047xf32>
    %reduce_sum3A = vector.shape_cast %select_n3A_586 : vector<1x50047xf32> to vector<1x1x50047xf32>
    %reduce_sum3A_587 = arith.constant dense<0.000000e+00> : vector<1xf32>
    %reduce_sum3A_588 = vector.multi_reduction <add>, %reduce_sum3A, %reduce_sum3A_587 [1, 2] : vector<1x1x50047xf32> to vector<1xf32>
    %reduce_sum3A_589 = vector.shape_cast %reduce_sum3A_588 : vector<1xf32> to vector<1x1x1xf32>
    %reduce_sum3A_590 = vector.extract %reduce_sum3A_589[0, 0, 0] : f32 from vector<1x1x1xf32>
    %swap3A_591 = arith.constant 0 : index
    %swap3A_592 = arith.constant 0 : index
    %swap3A_593 = memref.load %arg5[%swap3A_591, %swap3A_592] : memref<1x1xf32, #tpu.memory_space<smem>>
    memref.store %reduce_sum3A_590, %arg5[%swap3A_591, %swap3A_592] : memref<1x1xf32, #tpu.memory_space<smem>>
    return
  }
}

</mosaic_0001>

<sc_bundles>
// kernel: kernel.4.cloned.1.call-start
scs
__scs_entry_jumppad:
0x0: {  	(pc) =	sbr.rel $0x88, $3  }
0x1: {  	(tag) =	ssettag $0x0;
	lr =	simm.s32 $0x1  }
0x2: {  	[smem:$0x3F9B] =	sst lr;
	_ =	strace $0xD0000000  }
0x3: {  	_ = 	snop  }
0x4: {  	_ = 	snop  }
0x5: {  	_ = 	snop  }
0x6: {  	_ = 	snop  }
0x7: {  	_ = 	snop  }
__scs_overlays_trampoline_lowered:
0x8: {  	[smem:$0x3FAA] =	sst s0  }
0x9: {  	[smem:$0x3FAB] =	sst s1  }
0xa: {  	[smem:$0x3FAC] =	sst s2  }
0xb: {  	[smem:$0x3FAD] =	sst s3  }
0xc: {  	[smem:$0x3FAE] =	sst s4  }
0xd: {  	[smem:$0x3FAF] =	sst s5  }
0xe: {  	[smem:$0x3FB0] =	sst s6  }
0xf: {  	[smem:$0x3FB1] =	sst s7  }
0x10: {  	[smem:$0x3FB2] =	sst s8  }
0x11: {  	[smem:$0x3FB3] =	sst s9;
	s0 =	simm.s32 @!p0 $0x0  }
0x12: {  	s1 =	sld [smem:$0x3F99];
	s0 =	simm.s32 @p0 $0x1  }
0x13: {  	[smem:$0x3FB4] =	sst s0;
	s0 =	simm.s32 @!p1 $0x0  }
0x14: {  	s2 =	sld [smem:$0x3F98];
	s0 =	simm.s32 @p1 $0x1  }
0x15: {  	[smem:$0x3FB5] =	sst s0;
	s0 =	simm.s32 @!p2 $0x0  }
0x16: {  	s3 =	sld [smem:$0x3FDB];
	s0 =	simm.s32 @p2 $0x1  }
0x17: {  	s4 =	simm.s32 $0x1BF5;
	[smem:$0x3FB7] =	sst s0  }
0x18: {  	s0 =	sld [smem:$0x3F9A];
	_ =	swait.ge [sflag:s4], $0x0  }
0x19: {  	s7 =	sld [smem:$0x3F9B]  }
0x1a: {  	s8 =	sadd.s32 $0xFFFFE003, lr  }
0x1b: {  	s9 =	sadd.s32 $0xFFFFFEF7, lr;
	s5 =	simm.s32 $0xFFFFFFFF;
	p2 =	slt.u32 s8, $0xFFFFF086  }
0x1c: {  	p1 =	slt.u32 s9, $0xF7A;
	s5 =	simm.s32 @!p2 $0x0  }
0x1d: {  	s5 =	simm.s32 @p1 $0x1;
	p0 =	seq.s32 s7, s2  }
0x1e: {  	s7 =	smul.u32 @!p0 $0xF7A, s2;
	p2 =	seq.s32 @!p0 s5, $0x0  }
0x1f: {  	s9 =	smul.u32 $0xF7A, s1;
	s8 =	simm.s32 @!p0 $0x1BF5;
	p2 =	por !p2, p0  }
0x20: {  	[sflag:s8] =	ssyncset.s32 @!p0 $0xFFFFF086;
	s6 =	sadd.s32 @!p0 s3, s7;
	s7 =	simm.s32 @!p0 $0x108  }
0x21: {  	s3 =	sadd.s32 s3, s9;
	s6 =	sadd.s32 @!p0 $0x88, s6;
	s7 =	simm.s32 @p2 $0x1082  }
0x22: {  	[simem:s7], [sflag:s8] =	dma.local @!p0 [hbm:s6], $0xF7A  }
0x23: {  	s9 =	sor.u32 $0xD0000000, s2;
	s6 =	simm.s32 $0x108;
	_ =	swait.ge @!p0 [sflag:s8], $0x0  }
0x24: {  	s3 =	sadd.s32 $0x88, s3;
	s6 =	simm.s32 @!p1 $0x1082;
	[sflag:s4] =	ssyncset.s32 $0xFFFFF086  }
0x25: {  	[simem:s6], [sflag:s4] =	dma.local [hbm:s3], $0xF7A  }
0x26: {  	[smem:$0x3F9B] =	sst s1;
	(tag) =	ssettag s2;
	_ =	strace s9  }
0x27: {  	s1 =	sld [smem:$0x3FAB]  }
0x28: {  	s2 =	sld [smem:$0x3FAC]  }
0x29: {  	s4 =	sld [smem:$0x3FAE]  }
0x2a: {  	p0 =	seq.s32 s5, $0x0;
	s5 =	sld [smem:$0x3FAF]  }
0x2b: {  	s6 =	sld [smem:$0x3FB0]  }
0x2c: {  	s7 =	sld [smem:$0x3FB1]  }
0x2d: {  	s3 =	simm.s32 $0x108;
	s8 =	sld [smem:$0x3FB2]  }
0x2e: {  	s3 =	simm.s32 @!p0 $0x1082;
	s9 =	sld [smem:$0x3FB3]  }
0x2f: {  	lr =	sadd.s32 s0, s3;
	s0 =	sld [smem:$0x3FAA]  }
0x30: {  	s3 =	sld [smem:$0x3FAD]  }
0x31: {  	[smem:$0x3FB6] =	sst s10  }
0x32: {  	s10 =	sld [smem:$0x3FB4];
	_ =	sdelay $0x3  }
0x33: {  	p0 =	seq.s32 s10, $0x1;
	s10 =	sld [smem:$0x3FB6];
	_ =	sdelay $0x3  }
0x34: {  	[smem:$0x3FB6] =	sst s10  }
0x35: {  	s10 =	sld [smem:$0x3FB5];
	_ =	sdelay $0x3  }
0x36: {  	p1 =	seq.s32 s10, $0x1;
	s10 =	sld [smem:$0x3FB6];
	_ =	sdelay $0x3  }
0x37: {  	[smem:$0x3FB6] =	sst s10  }
0x38: {  	s10 =	sld [smem:$0x3FB7]  }
0x39: {  	_ = 	snop;
	(pc) =	sbr.ind lr, $3  }
0x3a: {  	_ = 	snop  }
0x3b: {  	_ = 	snop  }
0x3c: {  	p2 =	seq.s32 s10, $0x1;
	s10 =	sld [smem:$0x3FB6]  }
0x3d: {  	_ =	shalt  }
0x3e: {  	_ =	shalt  }
0x3f: {  	_ =	shalt  }
0x40: {  	_ =	shalt  }
0x41: {  	_ =	shalt  }
0x42: {  	_ =	shalt  }
0x43: {  	_ =	shalt  }
0x44: {  	_ =	shalt  }
0x45: {  	_ =	shalt  }
0x46: {  	_ =	shalt  }
0x47: {  	_ =	shalt  }
0x48: {  	_ =	shalt  }
0x49: {  	_ =	shalt  }
0x4a: {  	_ =	shalt  }
0x4b: {  	_ =	shalt  }
0x4c: {  	_ =	shalt  }
0x4d: {  	_ =	shalt  }
0x4e: {  	_ =	shalt  }
0x4f: {  	_ =	shalt  }
0x50: {  	_ =	shalt  }
0x51: {  	_ =	shalt  }
0x52: {  	_ =	shalt  }
0x53: {  	_ =	shalt  }
0x54: {  	_ =	shalt  }
0x55: {  	_ =	shalt  }
0x56: {  	_ =	shalt  }
0x57: {  	_ =	shalt  }
0x58: {  	_ =	shalt  }
0x59: {  	_ =	shalt  }
0x5a: {  	_ =	shalt  }
0x5b: {  	_ =	shalt  }
0x5c: {  	_ =	shalt  }
0x5d: {  	_ =	shalt  }
0x5e: {  	_ =	shalt  }
0x5f: {  	_ =	shalt  }
0x60: {  	_ =	shalt  }
0x61: {  	_ =	shalt  }
0x62: {  	_ =	shalt  }
0x63: {  	_ =	shalt  }
0x64: {  	_ =	shalt  }
0x65: {  	_ =	shalt  }
0x66: {  	_ =	shalt  }
0x67: {  	_ =	shalt  }
0x68: {  	_ =	shalt  }
0x69: {  	_ =	shalt  }
0x6a: {  	_ =	shalt  }
0x6b: {  	_ =	shalt  }
0x6c: {  	_ =	shalt  }
0x6d: {  	_ =	shalt  }
0x6e: {  	_ =	shalt  }
0x6f: {  	_ =	shalt  }
0x70: {  	_ =	shalt  }
0x71: {  	_ =	shalt  }
0x72: {  	_ =	shalt  }
0x73: {  	_ =	shalt  }
0x74: {  	_ =	shalt  }
0x75: {  	_ =	shalt  }
0x76: {  	_ =	shalt  }
0x77: {  	_ =	shalt  }
0x78: {  	_ =	shalt  }
0x79: {  	_ =	shalt  }
0x7a: {  	_ =	shalt  }
0x7b: {  	_ =	shalt  }
0x7c: {  	_ =	shalt  }
0x7d: {  	_ =	shalt  }
0x7e: {  	_ =	shalt  }
0x7f: {  	_ =	shalt  }
0x80: {  	_ =	shalt  }
0x81: {  	_ =	shalt  }
0x82: {  	_ =	shalt  }
0x83: {  	_ =	shalt  }
0x84: {  	_ =	shalt  }
0x85: {  	_ =	shalt  }
0x86: {  	_ =	shalt  }
0x87: {  	_ =	shalt  }
.Lfunc_end0:
.L_simem_size_0:
called_computation_lowered:
.L_overlay_start_0:
0x88: {  	s2 =	sld [smem:$0x3FD9]  }
0x89: {  	s3 =	sld [smem:$0x3FFE];
	_ =	sdelay $0x1  }
0x8a: {  	s1 =	srdreg.scid  }
0x8b: {  	s0 =	sand.u32 $0x1, s1  }
0x8c: {  	s16 =	sshll.u32 s0, $0xA;
	s2 =	sadd.s32 s3, s2  }
0x8d: {  	s2 =	sadd.s32 s2, s16  }
0x8e: {  	[smem:$0x3FC2] =	sst s2  }
0x8f: {  	_ = 	snop  }
0x90: {  	(tm) =	ssettm $0x1  }
0x91: {  	s17 =	sld [smem:$0x3FFB];
	_ =	sdelay $0x3  }
0x92: {  	_ =	strace s17  }
0x93: {  	s2 =	sld [smem:$0x3FFC];
	_ =	sdelay $0x3  }
0x94: {  	_ =	strace s2  }
0x95: {  	s2 =	sld [smem:$0x3FFD];
	_ =	sdelay $0x3  }
0x96: {  	_ =	strace s2  }
0x97: {  	_ =	strace $0x8FFFFFFF  }
0x98: {  	s18 =	sld [smem:$0x3FDB];
	_ =	sdelay $0x1  }
0x99: {  	s19 =	simm.s32 $_scs_section_size  }
0x9a: {  	s4 =	simm.s32 $_size__tile_overlayer_lowered;
	s5 =	simm.s32 $_tile_overlayer_lowered  }
0x9b: {  	s22 =	simm.s32 $0x1BFF;
	s21 =	sshll.u32 s5, $0x1;
	s2 =	sadd.s32 s19, s18  }
0x9c: {  	s6 =	simm.s32 $0x0;
	s20 =	sshll.u32 s4, $0x1;
	s4 =	sadd.s32 s21, s2  }
0x9d: {  	[timem:s6], [sflag:s22] =	dma.local [hbm:s4], s20  }
0x9e: {  	_ =	swait.ge [sflag:s22], s20  }
0x9f: {  	s3 =	ssub.s32 $0x0, s20;
	[sflag:s22] =	ssyncset.done $0x0  }
0xa0: {  	[sflag:s22] =	ssyncadd.s32 s3;
	_ =	sdelay $0x1  }
0xa1: {  	s23 =	simm.s32 $0x1B8B  }
0xa2: {  	_ =	swait.ge [sflag:s23], $0x1  }
0xa3: {  	[sflag:s23] =	ssyncset.done $0x0  }
0xa4: {  	s25 =	simm.s32 $0x1B8E;
	s24 =	sld [smem:$0x3FFE];
	[sflag:s23] =	ssyncadd.s32 $0xFFFFFFFF  }
0xa5: {  	s26 =	simm.s32 $execute0_lowered;
	[smem:$0x3FD2] =	sst s25  }
0xa6: {  	s4 =	sshll.u32 s26, $0x1;
	_ =	strace $0x80000046;
	[dreg:$0x1] =	wrdreg $0xFFFFFFFF  }
0xa7: {  	s28 =	simm.s32 $_size_execute0_lowered;
	s2 =	sadd.s32 s2, s4;
	[dreg:$0x0] =	wrdreg $0x0  }
0xa8: {  	s4 =	sshll.u32 s28, $0x1;
	[dreg:$0x2] =	wrdreg s2  }
0xa9: {  	[dreg:$0x3] =	wrdreg s4  }
0xaa: {  	[dreg:$0x4] =	wrdreg $0xC0  }
0xab: {  	_ =	task [dreg:s6], $0x5FFFF  }
0xac: {  	[dreg:$0x1] =	wrdreg $0xFFFFFFFF  }
0xad: {  	[dreg:$0x0] =	wrdreg $0x60  }
0xae: {  	[dreg:$0x2] =	wrdreg s24  }
0xaf: {  	[dreg:$0x3] =	wrdreg $0x9  }
0xb0: {  	_ =	task.clear_ibuf [dreg:s6], $0x4FFFF;
	_ =	strace $0x90000046  }
0xb1: {  	s29 =	simm.s32 $0x9;
	_ =	strace $0x80000048  }
0xb2: {  	_ =	swait.ge [sflag:s29], $0x1  }
0xb3: {  	[sflag:s29] =	ssyncadd.s32 $0xFFFFFFFF  }
0xb4: {  	_ =	strace $0x90000048  }
0xb5: {  	_ =	sfence  }
0xb6: {  	s30 =	sld [smem:$0x0];
	_ =	sdelay $0x2  }
0xb7: {  	s31 =	sshll.u32 s1, $0xD;
	s1 =	sshrl.u32 s1, $0x2  }
0xb8: {  	s3 =	sand.u32 $0x4000, s31;
	s1 =	sadd.s32 s1, s30  }
0xb9: {  	s0 =	sor.u32 s3, s0;
	s1 =	sshll.u32 s1, $0x11  }
0xba: {  	s0 =	sor.u32 s1, s0  }
0xbb: {  	s0 =	sadd.s32 $0x8F2B, s0  }
0xbc: {  	[sflag:s0] =	ssyncadd.remote.s32 $0x1  }
0xbd: {  	_ =	sfence.sel $0xFFFF  }
0xbe: {  	[dreg:$0x0] =	wrdreg $0xFFFFFFFF;
	(pc) =	sbr.abs _section_cstart, $3  }
0xbf: {  	[dreg:$0x1] =	wrdreg $0xFFFFFFFF  }
0xc0: {  	_ =	task.clear_ibuf [dreg:s6], $0x2FFFF;
	_ =	strace $0x9FFFFFFF  }
0xc1: {  	(tm) =	ssettm $0x7FFFFFFF  }
tec
execute0_lowered:
.L_overlay_start_1:
0x0: {  	(tag) =	ssettag $0x1  }
0x1: {  	s0 =	srdreg.scid  }
0x2: {  	s1 =	stileid.u32;
	s2 =	rddreg [dreg:$0x0];
	s3 =	simm.s32 $0x0  }
0x3: {  	s9 =	simm.s32 $0x16800;
	s10 =	simm.s32 $0x3;
	s11 =	simm.s32 $0x6400  }
0x4: {  	s12 =	simm.s32 $0x80;
	s13 =	simm.s32 $0xC800;
	s14 =	simm.s32 $0x11800  }
0x5: {  	s31 =	simm.s32 $0xF000;
	s15 =	simm.s32 $0x14800;
	s16 =	simm.s32 $0x10000  }
0x6: {  	s17 =	simm.s32 $0x15000;
	s18 =	simm.s32 $0x10800;
	s19 =	simm.s32 $0x15800  }
0x7: {  	s20 =	simm.s32 $0x11000;
	s21 =	simm.s32 $0x16000;
	s22 =	simm.s32 $0x1  }
0x8: {  	s23 =	simm.s32 $0x2;
	s0 =	sand.u32 $0x1, s0;
	s1 =	sshll.u32 s1, $0x1  }
0x9: {  	s25 =	simm.s32 $0x0;
	[smem:$0x7FF] =	sst s3;
	s1 =	sor.u32 s0, s1  }
0xa: {  	s0 =	ssub.s32 $0x2, s0;
	s4 =	smul.u32 $0xC80, s1;
	s1 =	sshll.u32 s1, $0x1  }
0xb: {  	v0 =	vlaneseq.u32;
	_ =	strace $0x80000047;
	s5 =	sshrl.u32 s0, $0x1;
	s1 =	sadd.s32 s1, s2  }
0xc: {  	v0 =	vmul.u32 $0x10, v0;
	s0 =	ssub.s32 s0, s5;
	s6 =	sadd.s32 s4, s2;
	s4 =	sadd.s32 $0x31800, s2  }
0xd: {  	s7 =	sadd.s32 $0x4AA00, s1;
	s8 =	smax.u32 s0, $0x1;
	s1 =	simm.s32 $0x14000  }
0xe: {  	v2 =	vimm.f32 $0.0e+00;
	v1 =	vor.u32 $0x100, v0;
	s0 =	simm.s32 $0xF800;
	s5 =	sadd.s32 $0x31A00, s6;
	s6 =	sadd.s32 $0x18800, s6  }
.LBB2_1:
0xf: {  	[tilespmem:s9], [sflag:$0x3] =	stream.linear.gather [hbm4b:s4+s3], $0x10, $0x38;
	[tilespmem:$0x16820] =	vst v63  }
0x10: {  	_ =	swait.ge [sflag:s10], $0x10  }
0x11: {  	[sflag:s10] =	ssyncset.done $0x0  }
0x12: {  	[sflag:s10] =	ssyncadd.s32 $0xFFFFFFF0  }
0x13: {  	[tilespmem:s3], [sflag:$0x3] =	stream.linear.gather [hbm4b:s5+s3], $0x6400, $0x38;
	[tilespmem:$0x16820] =	vst v63  }
0x14: {  	_ =	swait.ge [sflag:s10], $0x6400  }
0x15: {  	[sflag:s10] =	ssyncset.done $0x0  }
0x16: {  	[sflag:s10] =	ssyncadd.s32 $0xFFFF9C00  }
0x17: {  	[tilespmem:s11], [sflag:$0x3] =	stream.linear.gather [hbm4b:s6+s3], $0x6400, $0x38;
	[tilespmem:$0x16820] =	vst v63  }
0x18: {  	_ =	swait.ge [sflag:s10], $0x6400  }
0x19: {  	[sflag:s10] =	ssyncset.done $0x0  }
0x1a: {  	[sflag:s10] =	ssyncadd.s32 $0xFFFF9C00  }
0x1b: {  	[tilespmem:s13], [sflag:$0x1] =	stream.indirect.gather [hbm4b:s2+s12], $0x10, s3, s12, $0xb8;
	[tilespmem:$0x16820] =	vst v63  }
0x1c: {  	_ = 	snop  }
0x1d: {  	[tilespmem:s14], [sflag:$0x1] =	stream.indirect.gather [hbm4b:s2+s12], $0x10, s11, s12, $0xb8;
	[tilespmem:$0x16820] =	vst v63  }
0x1e: {  	s24 =	simm.s32 $0xD000  }
0x1f: {  	[tilespmem:s24], [sflag:$0x1] =	stream.indirect.gather [hbm4b:s2+s12], $0x10, s12, s12, $0xb8;
	[tilespmem:$0x16820] =	vst v63  }
0x20: {  	s30 =	simm.s32 $0x6480;
	s26 =	simm.s32 $0x12000  }
0x21: {  	[tilespmem:s26], [sflag:$0x1] =	stream.indirect.gather [hbm4b:s2+s12], $0x10, s30, s12, $0xb8;
	[tilespmem:$0x16820] =	vst v63  }
0x22: {  	s28 =	simm.s32 $0xD800;
	s26 =	simm.s32 $0x100  }
0x23: {  	[tilespmem:s28], [sflag:$0x1] =	stream.indirect.gather [hbm4b:s2+s12], $0x10, s26, s12, $0xb8;
	[tilespmem:$0x16820] =	vst v63  }
0x24: {  	s29 =	simm.s32 $0x6500;
	s30 =	simm.s32 $0x12800  }
0x25: {  	[tilespmem:s30], [sflag:$0x1] =	stream.indirect.gather [hbm4b:s2+s12], $0x10, s29, s12, $0xb8;
	[tilespmem:$0x16820] =	vst v63  }
0x26: {  	s26 =	simm.s32 $0x180;
	s28 =	simm.s32 $0xE000  }
0x27: {  	[tilespmem:s28], [sflag:$0x1] =	stream.indirect.gather [hbm4b:s2+s12], $0x10, s26, s12, $0xb8;
	[tilespmem:$0x16820] =	vst v63  }
0x28: {  	s29 =	simm.s32 $0x6580;
	s30 =	simm.s32 $0x13000  }
0x29: {  	[tilespmem:s30], [sflag:$0x1] =	stream.indirect.gather [hbm4b:s2+s12], $0x10, s29, s12, $0xb8;
	[tilespmem:$0x16820] =	vst v63  }
0x2a: {  	s26 =	simm.s32 $0x200;
	s28 =	simm.s32 $0xE800  }
0x2b: {  	[tilespmem:s28], [sflag:$0x1] =	stream.indirect.gather [hbm4b:s2+s12], $0x10, s26, s12, $0xb8;
	[tilespmem:$0x16820] =	vst v63  }
0x2c: {  	s29 =	simm.s32 $0x6600;
	s30 =	simm.s32 $0x13800;
	s26 =	simm.s32 $0x0  }
0x2d: {  	v3 =	vimm.f32 $0.0e+00;
	[tilespmem:s30], [sflag:$0x1] =	stream.indirect.gather [hbm4b:s2+s12], $0x10, s29, s12, $0xb8;
	[tilespmem:$0x16820] =	vst v63  }
.LBB2_2:
0x2e: {  	s28 =	smul.u32 $0x500, s26;
	_ =	sdelay $0x1  }
0x2f: {  	s29 =	sadd.s32 $0x280, s28  }
0x30: {  	[tilespmem:s31], [sflag:$0x2] =	stream.indirect.gather [hbm4b:s2+s12], $0x10, s29, s12, $0xb8;
	[tilespmem:$0x16820] =	vst v63  }
0x31: {  	s29 =	sadd.s32 $0x6680, s28  }
0x32: {  	[tilespmem:s1], [sflag:$0x2] =	stream.indirect.gather [hbm4b:s2+s12], $0x10, s29, s12, $0xb8;
	[tilespmem:$0x16820] =	vst v63  }
0x33: {  	s29 =	sadd.s32 $0x300, s28  }
0x34: {  	[tilespmem:s0], [sflag:$0x2] =	stream.indirect.gather [hbm4b:s2+s12], $0x10, s29, s12, $0xb8;
	[tilespmem:$0x16820] =	vst v63  }
0x35: {  	s29 =	sadd.s32 $0x6700, s28  }
0x36: {  	[tilespmem:s15], [sflag:$0x2] =	stream.indirect.gather [hbm4b:s2+s12], $0x10, s29, s12, $0xb8;
	[tilespmem:$0x16820] =	vst v63  }
0x37: {  	s29 =	sadd.s32 $0x380, s28  }
0x38: {  	[tilespmem:s16], [sflag:$0x2] =	stream.indirect.gather [hbm4b:s2+s12], $0x10, s29, s12, $0xb8;
	[tilespmem:$0x16820] =	vst v63  }
0x39: {  	s29 =	sadd.s32 $0x6780, s28  }
0x3a: {  	[tilespmem:s17], [sflag:$0x2] =	stream.indirect.gather [hbm4b:s2+s12], $0x10, s29, s12, $0xb8;
	[tilespmem:$0x16820] =	vst v63  }
0x3b: {  	s29 =	sadd.s32 $0x400, s28  }
0x3c: {  	[tilespmem:s18], [sflag:$0x2] =	stream.indirect.gather [hbm4b:s2+s12], $0x10, s29, s12, $0xb8;
	[tilespmem:$0x16820] =	vst v63  }
0x3d: {  	s29 =	sadd.s32 $0x6800, s28  }
0x3e: {  	[tilespmem:s19], [sflag:$0x2] =	stream.indirect.gather [hbm4b:s2+s12], $0x10, s29, s12, $0xb8;
	[tilespmem:$0x16820] =	vst v63  }
0x3f: {  	s29 =	sadd.s32 $0x480, s28  }
0x40: {  	[tilespmem:s20], [sflag:$0x2] =	stream.indirect.gather [hbm4b:s2+s12], $0x10, s29, s12, $0xb8;
	[tilespmem:$0x16820] =	vst v63  }
0x41: {  	s30 =	simm.s32 $0x0;
	s29 =	sadd.s32 $0x6880, s28  }
0x42: {  	v4 =	vmov s30;
	[tilespmem:s21], [sflag:$0x2] =	stream.indirect.gather [hbm4b:s2+s12], $0x10, s29, s12, $0xb8;
	[tilespmem:$0x16820] =	vst v63  }
0x43: {  	v4 =	vshll.u32 v4, $0x4;
	_ =	swait.ge [sflag:s22], $0x2800  }
0x44: {  	v5 =	vor.u32 v1, v4;
	[sflag:s22] =	ssyncset.done $0x0  }
0x45: {  	[sflag:s22] =	ssyncadd.s32 $0xFFFFD800  }
0x46: {  	v4 =	vor.u32 v0, v4;
	_ =	swait.ge [sflag:s22], $0x2800  }
0x47: {  	[sflag:s22] =	ssyncset.done $0x0  }
0x48: {  	v6 =	vor.u32 $0x8, v5;
	[sflag:s22] =	ssyncadd.s32 $0xFFFFD800  }
0x49: {  	v7 =	vld.idx.msk [tilespmem:v5+s13+$0x0], $0xffff  }
0x4a: {  	v8 =	vor.u32 $0x8, v4;
	v11 =	vld.idx.msk [tilespmem:v5+s14+$0x0], $0xffff  }
0x4b: {  	v13 =	vld.idx.msk [tilespmem:v4+s13+$0x0], $0xffff  }
0x4c: {  	v9 =	vor.u32 $0x6, v5;
	v14 =	vld.idx.msk [tilespmem:v4+s14+$0x0], $0xffff  }
0x4d: {  	v10 =	vor.u32 $0x7, v5;
	v12 =	vld.idx.msk [tilespmem:v6+s13+$0x0], $0xffff  }
0x4e: {  	v6 =	vld.idx.msk [tilespmem:v6+s14+$0x0], $0xffff  }
0x4f: {  	v15 =	vld.idx.msk [tilespmem:v8+s13+$0x0], $0xffff  }
0x50: {  	v16 =	vor.u32 $0x6, v4;
	v8 =	vld.idx.msk [tilespmem:v8+s14+$0x0], $0xffff  }
0x51: {  	v17 =	vor.u32 $0x7, v4;
	v18 =	vld.idx.msk [tilespmem:v9+s13+$0x0], $0xffff  }
0x52: {  	v19 =	vld.idx.msk [tilespmem:v10+s13+$0x0], $0xffff  }
0x53: {  	v9 =	vld.idx.msk [tilespmem:v9+s14+$0x0], $0xffff  }
0x54: {  	v20 =	vor.u32 $0x9, v5;
	v10 =	vld.idx.msk [tilespmem:v10+s14+$0x0], $0xffff  }
0x55: {  	v21 =	vld.idx.msk [tilespmem:v16+s13+$0x0], $0xffff  }
0x56: {  	v23 =	vor.u32 $0x9, v4;
	v22 =	vld.idx.msk [tilespmem:v17+s13+$0x0], $0xffff  }
0x57: {  	v24 =	vor.u32 $0x5, v5;
	v16 =	vld.idx.msk [tilespmem:v16+s14+$0x0], $0xffff  }
0x58: {  	v17 =	vld.idx.msk [tilespmem:v17+s14+$0x0], $0xffff  }
0x59: {  	v26 =	vor.u32 $0x5, v4;
	v25 =	vld.idx.msk [tilespmem:v20+s14+$0x0], $0xffff  }
0x5a: {  	v20 =	vld.idx.msk [tilespmem:v20+s13+$0x0], $0xffff  }
0x5b: {  	v29 =	vor.u32 $0x3, v5;
	v27 =	vld.idx.msk [tilespmem:v23+s14+$0x0], $0xffff  }
0x5c: {  	v31 =	vor.u32 $0x4, v5;
	v30 =	vld.idx.msk [tilespmem:v24+s13+$0x0], $0xffff  }
0x5d: {  	v24 =	vld.idx.msk [tilespmem:v24+s14+$0x0], $0xffff  }
0x5e: {  	v32 =	vld.idx.msk [tilespmem:v26+s13+$0x0], $0xffff  }
0x5f: {  	v34 =	vor.u32 $0x3, v4;
	v26 =	vld.idx.msk [tilespmem:v26+s14+$0x0], $0xffff  }
0x60: {  	v36 =	vor.u32 $0x4, v4;
	v35 =	vld.idx.msk [tilespmem:v29+s13+$0x0], $0xffff  }
0x61: {  	v37 =	vld.idx.msk [tilespmem:v31+s13+$0x0], $0xffff  }
0x62: {  	v29 =	vld.idx.msk [tilespmem:v29+s14+$0x0], $0xffff  }
0x63: {  	v28 =	vor.u32 $0x2, v5;
	v31 =	vld.idx.msk [tilespmem:v31+s14+$0x0], $0xffff  }
0x64: {  	v39 =	vld.idx.msk [tilespmem:v34+s13+$0x0], $0xffff  }
0x65: {  	v41 =	vor.u32 $0x1, v5;
	v40 =	vld.idx.msk [tilespmem:v36+s13+$0x0], $0xffff;
	v5 =	vmul.f32 v6, v12  }
0x66: {  	v38 =	vor.u32 $0x2, v4;
	v34 =	vld.idx.msk [tilespmem:v34+s14+$0x0], $0xffff;
	v6 =	vmul.f32 v8, v15;
	v8 =	vmul.f32 v9, v18  }
0x67: {  	v36 =	vld.idx.msk [tilespmem:v36+s14+$0x0], $0xffff;
	v18 =	vor.u32 $0x1, v4;
	v4 =	vmul.f32 v24, v30;
	v12 =	vmul.f32 v10, v19  }
0x68: {  	v33 =	vld.idx.msk [tilespmem:v28+s13+$0x0], $0xffff;
	v9 =	vmul.f32 v16, v21;
	v10 =	vmul.f32 v17, v22;
	v21 =	vsub.f32 v11, v7  }
0x69: {  	v28 =	vld.idx.msk [tilespmem:v28+s14+$0x0], $0xffff;
	v22 =	vsub.f32 v14, v13;
	v7 =	vmul.f32 v26, v32;
	v11 =	vmul.f32 v29, v35  }
0x6a: {  	v23 =	vld.idx.msk [tilespmem:v23+s13+$0x0], $0xffff;
	v62 =	vadd.f32 v26, v32;
	v42 =	vadd.f32 v24, v30;
	v13 =	vmul.f32 v31, v37  }
0x6b: {  	v14 =	vmul.f32 v34, v39;
	v43 =	vadd.f32 v29, v35;
	v44 =	vadd.f32 v31, v37  }
0x6c: {  	v46 =	vadd.f32 v34, v39;
	v47 =	vadd.f32 v36, v40;
	v15 =	vmul.f32 v36, v40  }
0x6d: {  	v26 =	vsub.f32 v26, v32;
	v24 =	vsub.f32 v24, v30;
	v25 =	vtrunc.f32 v25  }
0x6e: {  	v28 =	vsub.f32 v28, v33;
	v29 =	vsub.f32 v29, v35;
	v20 =	vtrunc.f32 v20  }
0x6f: {  	v30 =	vsub.f32 v34, v39;
	v23 =	vtrunc.f32 v23;
	v20 =	vcvt.f32.s32 v20  }
0x70: {  	v19 =	vld.idx.msk [tilespmem:v38+s13+$0x0], $0xffff;
	v23 =	vcvt.f32.s32 v23;
	vm0 =	vgt.f32 v21, $2.500000000e+01;
	v33 =	vadd.f32 $-5.000000000e+01, v21  }
0x71: {  	v16 =	vld.idx.msk [tilespmem:v38+s14+$0x0], $0xffff;
	vm5 =	vlt.f32 v21, $-2.500000000e+01;
	vm1 =	vgt.f32 v22, $2.500000000e+01;
	v34 =	vadd.f32 $5.000000000e+01, v21  }
0x72: {  	v17 =	vld.idx.msk [tilespmem:v41+s13+$0x0], $0xffff;
	v35 =	vmul.f32 $4.000000060e-01, v42;
	v38 =	vmul.f32 $4.000000060e-01, v43;
	vm7 =	vlt.f32 v22, $-2.500000000e+01  }
0x73: {  	v41 =	vld.idx.msk [tilespmem:v41+s14+$0x0], $0xffff;
	v63 =	vmul.f32 $4.000000060e-01, v46;
	v60 =	vadd.f32 $5.000000000e+01, v22;
	v42 =	vmul.f32 $4.000000060e-01, v47  }
0x74: {  	v43 =	vmul.f32 $3.400000040e-01, v24;
	vm2 =	vgt.f32 v28, $2.500000000e+01;
	v50 =	vadd.f32 $5.000000000e+01, v28  }
0x75: {  	v24 =	vmul.f32 $4.000000060e-01, v24;
	v61 =	vadd.f32 $-5.000000000e+01, v28;
	vm8 =	vlt.f32 v28, $-2.500000000e+01  }
0x76: {  	v48 =	vmul.f32 $4.000000060e-01, v26;
	v21 =	vsel vm5, v34, v21;
	v28 =	vsel vm8, v50, v28  }
0x77: {  	v19 =	vsub.f32 v16, v19;
	v16 =	vtrunc.f32 v27;
	v27 =	vsub.f32 v31, v37  }
0x78: {  	v32 =	vsub.f32 v41, v17;
	v17 =	vcvt.f32.s32 v25;
	v37 =	vmul.f32 $4.000000060e-01, v62  }
0x79: {  	v31 =	vsub.f32 v36, v40;
	v40 =	vmul.f32 $4.000000060e-01, v44;
	v44 =	vmul.f32 $3.400000040e-01, v26  }
0x7a: {  	v36 =	vadd.f32 $-5.000000000e+01, v22;
	v62 =	vmul.f32 $3.400000040e-01, v29;
	v26 =	vmul.f32 $3.400000040e-01, v30  }
0x7b: {  	v29 =	vmul.f32 $4.000000060e-01, v29;
	v30 =	vmul.f32 $4.000000060e-01, v30;
	v22 =	vsel vm7, v60, v22  }
0x7c: {  	v21 =	vsel vm0, v33, v21;
	v28 =	vsel vm2, v61, v28;
	v16 =	vcvt.f32.s32 v16  }
0x7d: {  	v43 =	vadd.f32 v43, v28;
	v47 =	vmul.f32 $3.400000040e-01, v27;
	vm4 =	vgt.f32 v19, $2.500000000e+01  }
0x7e: {  	v49 =	vmul.f32 $3.400000040e-01, v31;
	v51 =	vadd.f32 $-5.000000000e+01, v19;
	v52 =	vadd.f32 $-5.000000000e+01, v32  }
0x7f: {  	vm3 =	vgt.f32 v32, $2.500000000e+01;
	v53 =	vadd.f32 $5.000000000e+01, v19;
	v54 =	vadd.f32 $5.000000000e+01, v32  }
0x80: {  	v22 =	vsel vm1, v36, v22;
	v33 =	vsub.f32 v21, v29;
	v36 =	vadd.f32 v38, v21  }
0x81: {  	v27 =	vmul.f32 $4.000000060e-01, v27;
	v38 =	vsub.f32 v21, v38;
	v57 =	vadd.f32 v62, v21  }
0x82: {  	vm9 =	vlt.f32 v19, $-2.500000000e+01;
	v21 =	vadd.f32 v29, v21;
	v29 =	vsub.f32 v28, v24  }
0x83: {  	v45 =	vld.idx.msk [tilespmem:v18+s13+$0x0], $0xffff;
	vm10 =	vlt.f32 v32, $-2.500000000e+01;
	v24 =	vadd.f32 v24, v28;
	v41 =	vsub.f32 v22, v30  }
0x84: {  	v18 =	vld.idx.msk [tilespmem:v18+s14+$0x0], $0xffff;
	v31 =	vmul.f32 $4.000000060e-01, v31;
	v50 =	vadd.f32 v63, v22;
	v39 =	vsub.f32 v22, v63  }
0x85: {  	v34 =	vadd.s32 v20, v17;
	v63 =	vadd.f32 v26, v22;
	v22 =	vadd.f32 v30, v22  }
0x86: {  	v20 =	vshll.u32 v20, $0x2;
	v30 =	vadd.f32 v35, v28;
	v35 =	vsub.f32 v28, v35  }
0x87: {  	v19 =	vsel vm9, v53, v19;
	v33 =	vmul.f32 v33, v33;
	v36 =	vmul.f32 v36, v36  }
0x88: {  	v26 =	vsel vm10, v54, v32;
	v38 =	vmul.f32 v38, v38;
	v32 =	vmul.f32 v57, v57  }
0x89: {  	v21 =	vmul.f32 v21, v21;
	v28 =	vmul.f32 v29, v29;
	v25 =	vsub.f32 v18, v45  }
0x8a: {  	v18 =	vadd.s32 v23, v16;
	v19 =	vsel vm4, v51, v19;
	v60 =	vsel vm3, v52, v26  }
0x8b: {  	v26 =	vshll.u32 v23, $0x2;
	v41 =	vmul.f32 v41, v41;
	v50 =	vmul.f32 v50, v50  }
0x8c: {  	v39 =	vmul.f32 v39, v39;
	v58 =	vsub.f32 v19, v48;
	v59 =	vadd.f32 v37, v19  }
0x8d: {  	v53 =	vmul.f32 v63, v63;
	v37 =	vsub.f32 v19, v37;
	v52 =	vsub.f32 v60, v27  }
0x8e: {  	v22 =	vmul.f32 v22, v22;
	v61 =	vadd.f32 v40, v60;
	v23 =	vsub.f32 v60, v40  }
0x8f: {  	v29 =	vmul.f32 v30, v30;
	v44 =	vadd.f32 v44, v19;
	v30 =	vadd.f32 v47, v60  }
0x90: {  	v35 =	vmul.f32 v35, v35;
	v47 =	vadd.f32 v48, v19;
	v27 =	vadd.f32 v27, v60  }
0x91: {  	vm6 =	vgt.f32 v25, $2.500000000e+01;
	v55 =	vadd.f32 $-5.000000000e+01, v25;
	v45 =	vmul.f32 v58, v58  }
0x92: {  	v56 =	vadd.f32 $5.000000000e+01, v25;
	v63 =	vmul.f32 v52, v52;
	v23 =	vmul.f32 v23, v23  }
0x93: {  	vm11 =	vlt.f32 v25, $-2.500000000e+01;
	v30 =	vmul.f32 v30, v30;
	v27 =	vmul.f32 v27, v27  }
0x94: {  	v25 =	vsel vm11, v56, v25;
	v33 =	vadd.f32 v63, v33;
	v23 =	vadd.f32 v23, v38  }
0x95: {  	v25 =	vsel vm6, v55, v25;
	v32 =	vadd.f32 v30, v32;
	v27 =	vadd.f32 v27, v21  }
0x96: {  	v46 =	vmul.f32 v59, v59;
	v55 =	vsub.f32 v25, v31;
	v62 =	vadd.f32 v42, v25  }
0x97: {  	v56 =	vmul.f32 v61, v61;
	v42 =	vsub.f32 v25, v42;
	v19 =	vadd.f32 v49, v25  }
0x98: {  	v25 =	vadd.f32 v31, v25;
	v57 =	vmul.f32 v55, v55;
	v31 =	vmul.f32 v62, v62  }
0x99: {  	v36 =	vadd.f32 v56, v36;
	v58 =	vmul.f32 v42, v42;
	v19 =	vmul.f32 v19, v19  }
0x9a: {  	v25 =	vmul.f32 v25, v25;
	v59 =	vadd.f32 v57, v41;
	v60 =	vadd.f32 v31, v50  }
0x9b: {  	v37 =	vmul.f32 v37, v37;
	v39 =	vadd.f32 v58, v39;
	v61 =	vadd.f32 v19, v53  }
0x9c: {  	v63 =	vmul.f32 v24, v24;
	v21 =	vadd.f32 v25, v22;
	v19 =	vadd.f32 v28, v33  }
0x9d: {  	v25 =	vmul.f32 v43, v43;
	v22 =	vadd.f32 v29, v36;
	v31 =	vadd.f32 v35, v23  }
0x9e: {  	v62 =	vmul.f32 v44, v44;
	v30 =	vadd.f32 v45, v59;
	v29 =	vadd.f32 v46, v60  }
0x9f: {  	v24 =	vmul.f32 v47, v47;
	v28 =	vadd.f32 v37, v39;
	v23 =	vadd.f32 v25, v32  }
0xa0: {  	s29 =	simm.s32 $0x20;
	vm0 =	veq.s32 v34, $0x3;
	v32 =	vadd.f32 v62, v61;
	v25 =	vadd.f32 v63, v27  }
.LBB2_3:
0xa1: {  	p0 =	sne.s32 s29, $0x260;
	v24 =	vadd.f32 v24, v21;
	vm1 =	veq.s32 v18, $0x3;
	v27 =	vadd.f32 $9.999999960e-13, v19  }
0xa2: {  	v22 =	vadd.f32 $9.999999960e-13, v22;
	v21 =	vadd.f32 $9.999999960e-13, v31;
	v33 =	vadd.s32 v17, v20  }
0xa3: {  	v19 =	vadd.f32 $9.999999960e-13, v30;
	v18 =	vadd.f32 $9.999999960e-13, v29;
	v16 =	vadd.s32 v16, v26  }
0xa4: {  	v17 =	vadd.f32 $9.999999960e-13, v28;
	v28 =	vadd.f32 $9.999999960e-13, v25;
	v25 =	vsel vm0, $0x3F800000, v2  }
0xa5: {  	v29 =	vadd.f32 $9.999999960e-13, v23;
	v26 =	vadd.f32 $9.999999960e-13, v32;
	v23 =	vmax.f32 v27, $4.900000060e-03  }
0xa6: {  	v20 =	vadd.f32 $9.999999960e-13, v24;
	v24 =	vmax.f32 v28, $1.089000030e-03;
	(erf) = vrcp.f32 v23  }
0xa7: {  	v30 =	vmax.f32 v21, $2.652250000e-03;
	v23 =	vmax.f32 v22, $2.652250000e-03;
	(erf) = vrcp.f32 v24  }
0xa8: {  	v32 =	vmax.f32 v20, $1.089000030e-03;
	v24 =	vmax.f32 v19, $4.900000060e-03;
	(erf) = vrcp.f32 v23  }
0xa9: {  	v34 =	vmax.f32 v17, $2.652250000e-03;
	v23 =	vmax.f32 v18, $2.652250000e-03;
	(erf) = vrcp.f32 v30  }
0xaa: {  	v35 =	vshra.s32 v29, $0x1;
	v30 =	vmul.f32 $5.000000000e-01, v29;
	(erf) = vrcp.f32 v24  }
0xab: {  	v31 =	vmul.f32 $5.000000000e-01, v26;
	v24 =	vshra.s32 v26, $0x1;
	v36 =	vld.idx.msk [tilespmem:v33+s9+$0x0], $0xffff;
	(erf) = vrcp.f32 v32  }
0xac: {  	v37 =	vshra.s32 v28, $0x1;
	v32 =	vmul.f32 $5.000000000e-01, v28;
	v16 =	vld.idx.msk [tilespmem:v16+s9+$0x0], $0xffff;
	(erf) = vrcp.f32 v23  }
0xad: {  	v33 =	vmul.f32 $5.000000000e-01, v20;
	v23 =	vshra.s32 v20, $0x1;
	(erf) = vrcp.f32 v34  }
0xae: {  	v35 =	vsub.s32 $0x5F3759DF, v35;
	v24 =	vsub.s32 $0x5F3759DF, v24;
	v34 =	vsub.s32 $0x5F3759DF, v37  }
0xaf: {  	v38 =	vmul.f32 v35, v30;
	v37 =	vsub.s32 $0x5F3759DF, v23;
	v23 =	vmul.f32 v24, v31;
	v39 =	vpop (erf)  }
0xb0: {  	v41 =	vsel vm1, $0x3F800000, v2;
	v40 =	vmul.f32 v37, v33;
	v42 =	vmul.f32 v34, v32;
	v43 =	vpop (erf)  }
0xb1: {  	v47 =	vmul.f32 v35, v38;
	v23 =	vmul.f32 v24, v23;
	v36 =	vsub.f32 $0.0e+00, v36;
	v44 =	vpop (erf)  }
0xb2: {  	v40 =	vmul.f32 v37, v40;
	v42 =	vmul.f32 v34, v42;
	v16 =	vsub.f32 $0.0e+00, v16;
	v45 =	vpop (erf)  }
0xb3: {  	v47 =	vsub.f32 $1.500000000e+00, v47;
	v46 =	vsub.f32 $1.500000000e+00, v23;
	v23 =	vmul.f32 v25, v36;
	v38 =	vpop (erf)  }
0xb4: {  	v48 =	vsub.f32 $1.500000000e+00, v40;
	v25 =	vmul.f32 v41, v16;
	v16 =	vsub.f32 $1.500000000e+00, v42;
	v41 =	vpop (erf)  }
0xb5: {  	v35 =	vmul.f32 v35, v47;
	v42 =	vmov s29;
	v46 =	vmul.f32 v24, v46;
	v36 =	vpop (erf)  }
0xb6: {  	v24 =	vshll.u32 v42, $0x4;
	v37 =	vmul.f32 v37, v48;
	v34 =	vmul.f32 v34, v16;
	v40 =	vpop (erf)  }
0xb7: {  	v39 =	vmul.f32 $4.900000100e-01, v39;
	v42 =	vmul.f32 $1.089000030e-01, v43;
	v16 =	vor.u32 v1, v24  }
0xb8: {  	v8 =	vadd.f32 v12, v8;
	v43 =	vmul.f32 $2.652249930e-01, v44;
	v44 =	vmul.f32 $2.652249930e-01, v45  }
0xb9: {  	v9 =	vadd.f32 v10, v9;
	v12 =	vmul.f32 $4.900000100e-01, v38;
	v38 =	vmul.f32 $1.089000030e-01, v41  }
0xba: {  	v11 =	vadd.f32 v13, v11;
	v10 =	vmul.f32 $2.652249930e-01, v36;
	v36 =	vmul.f32 $2.652249930e-01, v40  }
0xbb: {  	v13 =	vadd.f32 v15, v14;
	v15 =	vmul.f32 v35, v30;
	v14 =	vmul.f32 v46, v31  }
0xbc: {  	v5 =	vadd.f32 v5, v8;
	v40 =	vmul.f32 v37, v33;
	v41 =	vmul.f32 v34, v32  }
0xbd: {  	v6 =	vadd.f32 v6, v9;
	v8 =	vmul.f32 v39, v39;
	v9 =	vmul.f32 v42, v42  }
0xbe: {  	v4 =	vadd.f32 v4, v11;
	v45 =	vmul.f32 v43, v43;
	v47 =	vmul.f32 v44, v44  }
0xbf: {  	v7 =	vadd.f32 v7, v13;
	v11 =	vmul.f32 v12, v12;
	v48 =	vmul.f32 v38, v38  }
0xc0: {  	v5 =	vmax.f32 v5, $0.0e+00;
	v13 =	vmul.f32 v10, v10;
	v49 =	vmul.f32 v36, v36  }
0xc1: {  	v6 =	vmax.f32 v6, $0.0e+00;
	v15 =	vmul.f32 v15, v35;
	v14 =	vmul.f32 v14, v46  }
0xc2: {  	v50 =	vxor.u32 $0x80000000, v4;
	v40 =	vmul.f32 v40, v37;
	v41 =	vmul.f32 v41, v34  }
0xc3: {  	v7 =	vxor.u32 $0x80000000, v7;
	v8 =	vmul.f32 v8, v39;
	v9 =	vmul.f32 v9, v42  }
0xc4: {  	v4 =	vmin.f32 v5, $1.000000000e+00;
	v39 =	vmul.f32 v45, v43;
	v42 =	vmul.f32 v47, v44  }
0xc5: {  	v5 =	vmin.f32 v6, $1.000000000e+00;
	v11 =	vmul.f32 v11, v12;
	v12 =	vmul.f32 v48, v38  }
0xc6: {  	v6 =	vmax.f32 v50, $0.0e+00;
	v10 =	vmul.f32 v13, v10;
	v13 =	vmul.f32 v49, v36  }
0xc7: {  	v15 =	vsub.f32 $1.500000000e+00, v15;
	v38 =	vmul.f32 v9, v9;
	v36 =	vmul.f32 v8, v8  }
0xc8: {  	v14 =	vsub.f32 $1.500000000e+00, v14;
	v43 =	vmul.f32 v39, v39;
	v44 =	vmul.f32 v42, v42  }
0xc9: {  	v45 =	vmul.f32 v11, v11;
	v47 =	vmul.f32 v12, v12;
	v41 =	vsub.f32 $1.500000000e+00, v41  }
0xca: {  	v40 =	vsub.f32 $1.500000000e+00, v40;
	v48 =	vmul.f32 v10, v10;
	v49 =	vmul.f32 v13, v13  }
0xcb: {  	v7 =	vmax.f32 v7, $0.0e+00;
	v15 =	vmul.f32 v15, v35;
	v14 =	vmul.f32 v14, v46  }
0xcc: {  	v35 =	vmul.f32 v40, v37;
	v8 =	vsub.f32 v36, v8;
	v34 =	vmul.f32 v41, v34  }
0xcd: {  	v30 =	vmul.f32 v15, v30;
	v9 =	vsub.f32 v38, v9;
	v31 =	vmul.f32 v14, v31  }
0xce: {  	v6 =	vmin.f32 v6, $1.000000000e+00;
	v33 =	vmul.f32 v35, v33;
	v32 =	vmul.f32 v34, v32  }
0xcf: {  	v7 =	vmin.f32 v7, $1.000000000e+00;
	v9 =	vmul.f32 $8.000000000e+00, v9;
	v8 =	vmul.f32 $8.000000000e+00, v8  }
0xd0: {  	v36 =	vsub.f32 v43, v39;
	v30 =	vmul.f32 v30, v15;
	v32 =	vmul.f32 v32, v34  }
0xd1: {  	v37 =	vsub.f32 v44, v42;
	v31 =	vmul.f32 v31, v14;
	v33 =	vmul.f32 v33, v35  }
0xd2: {  	v36 =	vmul.f32 $8.000000000e+00, v36;
	v30 =	vsub.f32 $1.500000000e+00, v30;
	v32 =	vsub.f32 $1.500000000e+00, v32  }
0xd3: {  	v37 =	vmul.f32 $8.000000000e+00, v37;
	v31 =	vsub.f32 $1.500000000e+00, v31;
	v33 =	vsub.f32 $1.500000000e+00, v33  }
0xd4: {  	vm0 =	vlt.f32 v27, $6.173613070e-01;
	v15 =	vmul.f32 v30, v15;
	v27 =	vmul.f32 v32, v34  }
0xd5: {  	vm1 =	vlt.f32 v28, $1.372054070e-01;
	v14 =	vmul.f32 v31, v14;
	v30 =	vmul.f32 v33, v35  }
0xd6: {  	v11 =	vsub.f32 v45, v11;
	v15 =	vmul.f32 v15, v29;
	v27 =	vmul.f32 v27, v28  }
0xd7: {  	v12 =	vsub.f32 v47, v12;
	v14 =	vmul.f32 v14, v26;
	v28 =	vmul.f32 v30, v20  }
0xd8: {  	v11 =	vmul.f32 $8.000000000e+00, v11;
	v15 =	vadd.f32 $-4.000000060e-01, v15;
	v26 =	vadd.f32 $-5.749999880e-01, v27  }
0xd9: {  	v12 =	vmul.f32 $8.000000000e+00, v12;
	v14 =	vadd.f32 $-4.000000060e-01, v14;
	v29 =	vadd.f32 $-5.749999880e-01, v28  }
0xda: {  	v15 =	vmul.f32 $4.000000000e+00, v15;
	v28 =	vadd.f32 $-4.000000060e-01, v28;
	v26 =	vmul.f32 $4.000000000e+00, v26  }
0xdb: {  	v14 =	vmul.f32 $4.000000000e+00, v14;
	v27 =	vadd.f32 $-4.000000060e-01, v27;
	v29 =	vmul.f32 $4.000000000e+00, v29  }
0xdc: {  	v31 =	vsub.f32 $0.0e+00, v15;
	v28 =	vmul.f32 $4.000000000e+00, v28;
	v30 =	vsub.f32 $0.0e+00, v26  }
0xdd: {  	v33 =	vsub.f32 $0.0e+00, v14;
	v27 =	vmul.f32 $4.000000000e+00, v27;
	v32 =	vsub.f32 $0.0e+00, v29  }
0xde: {  	v15 =	vmul.f32 v31, v15;
	v34 =	vsub.f32 $0.0e+00, v28;
	v26 =	vmul.f32 v30, v26  }
0xdf: {  	v14 =	vmul.f32 v33, v14;
	v29 =	vmul.f32 v32, v29;
	v30 =	vsub.f32 $0.0e+00, v27  }
0xe0: {  	vm2 =	vlt.f32 v22, $3.341625630e-01;
	v28 =	vmul.f32 v34, v28;
	v22 =	vmul.f32 $1.442695020e+00, v26  }
0xe1: {  	vm4 =	vlt.f32 v21, $3.341625630e-01;
	v26 =	vmul.f32 $1.442695020e+00, v29;
	v21 =	vmul.f32 v30, v27  }
0xe2: {  	vm3 =	vlt.f32 v19, $6.173613070e-01;
	v19 =	vmul.f32 $1.442695020e+00, v28;
	(erf) = vpow2.f32 v22  }
0xe3: {  	vm5 =	vlt.f32 v20, $1.372054070e-01;
	v14 =	vmul.f32 $1.442695020e+00, v14;
	(erf) = vpow2.f32 v26  }
0xe4: {  	v10 =	vsub.f32 v48, v10;
	v20 =	vmul.f32 $1.442695020e+00, v21;
	(erf) = vpow2.f32 v19  }
0xe5: {  	vm6 =	vlt.f32 v18, $3.341625630e-01;
	v15 =	vmul.f32 $1.442695020e+00, v15;
	(erf) = vpow2.f32 v14  }
0xe6: {  	v13 =	vsub.f32 v49, v13;
	v10 =	vmul.f32 $8.000000000e+00, v10;
	(erf) = vpow2.f32 v20  }
0xe7: {  	v9 =	vadd.f32 $2.000000000e+00, v9;
	v8 =	vadd.f32 $2.000000000e+00, v8;
	(erf) = vpow2.f32 v15  }
0xe8: {  	v13 =	vmul.f32 $8.000000000e+00, v13;
	v14 =	vadd.f32 $2.000000000e+00, v36;
	v15 =	vadd.f32 $2.000000000e+00, v37  }
0xe9: {  	vm7 =	vlt.f32 v17, $3.341625630e-01;
	v11 =	vadd.f32 $2.000000000e+00, v11;
	v12 =	vadd.f32 $2.000000000e+00, v12  }
0xea: {  	v10 =	vadd.f32 $2.000000000e+00, v10;
	v13 =	vadd.f32 $2.000000000e+00, v13;
	v8 =	vnsel vm0, $0x0, v8  }
0xeb: {  	v9 =	vnsel vm1, $0x0, v9;
	v19 =	vnsel vm2, $0x0, v14;
	v15 =	vnsel vm4, $0x0, v15;
	v17 =	vpop (erf)  }
0xec: {  	v11 =	vnsel vm3, $0x0, v11;
	v12 =	vnsel vm5, $0x0, v12;
	v10 =	vnsel vm6, $0x0, v10;
	v18 =	vpop (erf)  }
0xed: {  	v8 =	vadd.f32 v9, v8;
	v20 =	vnsel vm7, $0x0, v13;
	v15 =	vadd.f32 v15, v19;
	v14 =	vpop (erf)  }
0xee: {  	v10 =	vadd.f32 v20, v10;
	v19 =	vadd.f32 v12, v11;
	v12 =	vmul.f32 v14, v25;
	v13 =	vpop (erf)  }
0xef: {  	v8 =	vadd.f32 v15, v8;
	v14 =	vsub.f32 $0.0e+00, v18;
	v13 =	vmul.f32 $1.299999950e+00, v13;
	v9 =	vpop (erf)  }
0xf0: {  	v10 =	vadd.f32 v10, v19;
	v7 =	vmul.f32 v12, v7;
	v9 =	vmul.f32 v9, v23;
	v11 =	vpop (erf)  }
0xf1: {  	v12 =	vmul.f32 v14, v5;
	v14 =	vsub.f32 $0.0e+00, v17;
	v11 =	vmul.f32 $1.299999950e+00, v11  }
0xf2: {  	v7 =	vadd.f32 v7, v10;
	v10 =	vmul.f32 v13, v5;
	v6 =	vmul.f32 v9, v6  }
0xf3: {  	v9 =	vor.u32 v0, v24;
	v13 =	vmul.f32 v14, v4;
	v11 =	vmul.f32 v11, v4  }
0xf4: {  	v7 =	vadd.f32 v7, v12;
	v5 =	vmul.f32 v10, v5;
	v6 =	vadd.f32 v6, v8  }
0xf5: {  	v8 =	vor.u32 $0x8, v16  }
0xf6: {  	v4 =	vmul.f32 v11, v4;
	v14 =	vld.idx.msk [tilespmem:v16+s13+$0x0], $0xffff;
	v5 =	vsub.f32 v7, v5;
	v6 =	vadd.f32 v6, v13  }
0xf7: {  	v7 =	vor.u32 $0x8, v9;
	v11 =	vld.idx.msk [tilespmem:v16+s14+$0x0], $0xffff  }
0xf8: {  	v13 =	vld.idx.msk [tilespmem:v9+s13+$0x0], $0xffff;
	v3 =	vadd.f32 v5, v3;
	v4 =	vsub.f32 v6, v4  }
0xf9: {  	v5 =	vor.u32 $0x6, v16;
	v15 =	vld.idx.msk [tilespmem:v9+s14+$0x0], $0xffff  }
0xfa: {  	v6 =	vor.u32 $0x7, v16;
	v10 =	vld.idx.msk [tilespmem:v8+s13+$0x0], $0xffff;
	v3 =	vadd.f32 v4, v3  }
0xfb: {  	v4 =	vld.idx.msk [tilespmem:v8+s14+$0x0], $0xffff  }
0xfc: {  	v8 =	vld.idx.msk [tilespmem:v7+s13+$0x0], $0xffff  }
0xfd: {  	v12 =	vor.u32 $0x6, v9;
	v7 =	vld.idx.msk [tilespmem:v7+s14+$0x0], $0xffff  }
0xfe: {  	v17 =	vor.u32 $0x7, v9;
	v18 =	vld.idx.msk [tilespmem:v5+s13+$0x0], $0xffff  }
0xff: {  	v19 =	vld.idx.msk [tilespmem:v6+s13+$0x0], $0xffff  }
0x100: {  	v20 =	vld.idx.msk [tilespmem:v5+s14+$0x0], $0xffff  }
0x101: {  	v5 =	vor.u32 $0x9, v16;
	v21 =	vld.idx.msk [tilespmem:v6+s14+$0x0], $0xffff  }
0x102: {  	v22 =	vld.idx.msk [tilespmem:v12+s13+$0x0], $0xffff  }
0x103: {  	v6 =	vor.u32 $0x9, v9;
	v23 =	vld.idx.msk [tilespmem:v17+s13+$0x0], $0xffff  }
0x104: {  	v24 =	vld.idx.msk [tilespmem:v12+s14+$0x0], $0xffff  }
0x105: {  	v12 =	vor.u32 $0x5, v16;
	v17 =	vld.idx.msk [tilespmem:v17+s14+$0x0], $0xffff  }
0x106: {  	v25 =	vld.idx.msk [tilespmem:v5+s14+$0x0], $0xffff  }
0x107: {  	v26 =	vor.u32 $0x5, v9;
	v27 =	vld.idx.msk [tilespmem:v5+s13+$0x0], $0xffff  }
0x108: {  	v28 =	vld.idx.msk [tilespmem:v6+s14+$0x0], $0xffff  }
0x109: {  	v5 =	vor.u32 $0x2, v16;
	v29 =	vld.idx.msk [tilespmem:v6+s13+$0x0], $0xffff  }
0x10a: {  	v6 =	vor.u32 $0x3, v16;
	v30 =	vld.idx.msk [tilespmem:v12+s13+$0x0], $0xffff  }
0x10b: {  	v31 =	vor.u32 $0x4, v16;
	v32 =	vld.idx.msk [tilespmem:v12+s14+$0x0], $0xffff  }
0x10c: {  	v33 =	vld.idx.msk [tilespmem:v26+s13+$0x0], $0xffff  }
0x10d: {  	v26 =	vld.idx.msk [tilespmem:v26+s14+$0x0], $0xffff  }
0x10e: {  	v34 =	vld.idx.msk [tilespmem:v5+s13+$0x0], $0xffff  }
0x10f: {  	v12 =	vor.u32 $0x3, v9;
	v35 =	vld.idx.msk [tilespmem:v6+s13+$0x0], $0xffff  }
0x110: {  	v36 =	vor.u32 $0x4, v9;
	v37 =	vld.idx.msk [tilespmem:v31+s13+$0x0], $0xffff  }
0x111: {  	v38 =	vld.idx.msk [tilespmem:v5+s14+$0x0], $0xffff  }
0x112: {  	v39 =	vld.idx.msk [tilespmem:v6+s14+$0x0], $0xffff  }
0x113: {  	v40 =	vor.u32 $0x2, v9;
	v31 =	vld.idx.msk [tilespmem:v31+s14+$0x0], $0xffff  }
0x114: {  	v41 =	vld.idx.msk [tilespmem:v12+s13+$0x0], $0xffff  }
0x115: {  	v16 =	vor.u32 $0x1, v16;
	v42 =	vld.idx.msk [tilespmem:v36+s13+$0x0], $0xffff  }
0x116: {  	v5 =	vmul.f32 v4, v10;
	v43 =	vld.idx.msk [tilespmem:v12+s14+$0x0], $0xffff  }
0x117: {  	v44 =	vor.u32 $0x1, v9;
	v6 =	vmul.f32 v7, v8;
	v8 =	vmul.f32 v20, v18;
	v36 =	vld.idx.msk [tilespmem:v36+s14+$0x0], $0xffff  }
0x118: {  	v4 =	vmul.f32 v32, v30;
	v12 =	vmul.f32 v21, v19;
	v18 =	vld.idx.msk [tilespmem:v40+s13+$0x0], $0xffff  }
0x119: {  	v9 =	vmul.f32 v24, v22;
	v10 =	vmul.f32 v17, v23;
	v20 =	vsub.f32 v11, v14;
	v19 =	vld.idx.msk [tilespmem:v40+s14+$0x0], $0xffff  }
0x11a: {  	v7 =	vmul.f32 v26, v33;
	v21 =	vsub.f32 v15, v13;
	v11 =	vmul.f32 v39, v35;
	v17 =	vld.idx.msk [tilespmem:v16+s13+$0x0], $0xffff  }
0x11b: {  	v23 =	vadd.f32 v32, v30;
	v22 =	vadd.f32 v26, v33;
	v13 =	vmul.f32 v31, v37;
	v16 =	vld.idx.msk [tilespmem:v16+s14+$0x0], $0xffff  }
0x11c: {  	v45 =	vadd.f32 v31, v37;
	v40 =	vadd.f32 v39, v35;
	v14 =	vmul.f32 v43, v41;
	v24 =	vld.idx.msk [tilespmem:v44+s13+$0x0], $0xffff  }
0x11d: {  	v46 =	vadd.f32 v43, v41;
	v47 =	vadd.f32 v36, v42;
	v15 =	vmul.f32 v36, v42;
	v44 =	vld.idx.msk [tilespmem:v44+s14+$0x0], $0xffff  }
0x11e: {  	v25 =	vtrunc.f32 v25;
	v30 =	vsub.f32 v32, v30;
	v26 =	vsub.f32 v26, v33  }
0x11f: {  	v27 =	vtrunc.f32 v27;
	v32 =	vsub.f32 v38, v34;
	v33 =	vsub.f32 v39, v35  }
0x120: {  	v19 =	vsub.f32 v19, v18;
	v18 =	vtrunc.f32 v28;
	v28 =	vsub.f32 v31, v37  }
0x121: {  	v29 =	vtrunc.f32 v29;
	v34 =	vsub.f32 v36, v42;
	v31 =	vsub.f32 v43, v41  }
0x122: {  	v27 =	vcvt.f32.s32 v27;
	v35 =	vsub.f32 v16, v17;
	v17 =	vcvt.f32.s32 v25  }
0x123: {  	v25 =	vcvt.f32.s32 v29;
	v16 =	vcvt.f32.s32 v18;
	v24 =	vsub.f32 v44, v24  }
0x124: {  	vm0 =	vgt.f32 v20, $2.500000000e+01;
	vm5 =	vlt.f32 v20, $-2.500000000e+01;
	v29 =	vadd.f32 $-5.000000000e+01, v20  }
0x125: {  	v23 =	vmul.f32 $4.000000060e-01, v23;
	vm1 =	vgt.f32 v21, $2.500000000e+01;
	v36 =	vadd.f32 $5.000000000e+01, v20  }
0x126: {  	v22 =	vmul.f32 $4.000000060e-01, v22;
	v38 =	vmul.f32 $4.000000060e-01, v40;
	v37 =	vadd.f32 $-5.000000000e+01, v21  }
0x127: {  	vm7 =	vlt.f32 v21, $-2.500000000e+01;
	v40 =	vmul.f32 $4.000000060e-01, v45;
	v39 =	vmul.f32 $4.000000060e-01, v46  }
0x128: {  	v41 =	vadd.f32 $5.000000000e+01, v21;
	v42 =	vmul.f32 $4.000000060e-01, v47;
	v43 =	vmul.f32 $3.400000040e-01, v30  }
0x129: {  	vm3 =	vgt.f32 v32, $2.500000000e+01;
	v30 =	vmul.f32 $4.000000060e-01, v30;
	v44 =	vmul.f32 $3.400000040e-01, v26  }
0x12a: {  	v45 =	vadd.f32 $-5.000000000e+01, v32;
	v46 =	vmul.f32 $3.400000040e-01, v33;
	v47 =	vmul.f32 $3.400000040e-01, v28  }
0x12b: {  	v48 =	vmul.f32 $4.000000060e-01, v26;
	vm8 =	vlt.f32 v32, $-2.500000000e+01;
	vm4 =	vgt.f32 v19, $2.500000000e+01  }
0x12c: {  	v49 =	vmul.f32 $3.400000040e-01, v34;
	v26 =	vmul.f32 $3.400000040e-01, v31;
	vm2 =	vgt.f32 v35, $2.500000000e+01  }
0x12d: {  	v50 =	vadd.f32 $5.000000000e+01, v32;
	v33 =	vmul.f32 $4.000000060e-01, v33;
	v28 =	vmul.f32 $4.000000060e-01, v28  }
0x12e: {  	v51 =	vadd.f32 $-5.000000000e+01, v19;
	vm10 =	vlt.f32 v19, $-2.500000000e+01;
	v52 =	vadd.f32 $-5.000000000e+01, v35  }
0x12f: {  	v53 =	vadd.f32 $5.000000000e+01, v19;
	vm11 =	vlt.f32 v35, $-2.500000000e+01;
	vm6 =	vgt.f32 v24, $2.500000000e+01  }
0x130: {  	v34 =	vmul.f32 $4.000000060e-01, v34;
	v31 =	vmul.f32 $4.000000060e-01, v31;
	v54 =	vadd.f32 $5.000000000e+01, v35  }
0x131: {  	v55 =	vadd.f32 $-5.000000000e+01, v24;
	vm9 =	vlt.f32 v24, $-2.500000000e+01;
	v56 =	vadd.f32 $5.000000000e+01, v24  }
0x132: {  	v20 =	vsel vm5, v36, v20;
	v18 =	vadd.s32 v25, v16;
	v36 =	vadd.s32 v27, v17  }
0x133: {  	v21 =	vsel vm7, v41, v21;
	v29 =	vsel vm0, v29, v20;
	v20 =	vshll.u32 v27, $0x2  }
0x134: {  	v21 =	vsel vm1, v37, v21;
	v27 =	vsub.f32 v29, v33;
	v37 =	vadd.f32 v38, v29  }
0x135: {  	v32 =	vsel vm8, v50, v32;
	v38 =	vsub.f32 v29, v38;
	v41 =	vsub.f32 v21, v31  }
0x136: {  	v19 =	vsel vm10, v53, v19;
	v50 =	vadd.f32 v39, v21;
	v39 =	vsub.f32 v21, v39  }
0x137: {  	v53 =	vadd.f32 v26, v21;
	v26 =	vsel vm11, v54, v35;
	v35 =	vadd.f32 v46, v29  }
0x138: {  	v21 =	vadd.f32 v31, v21;
	v31 =	vsel vm3, v45, v32;
	v29 =	vadd.f32 v33, v29  }
0x139: {  	v19 =	vsel vm4, v51, v19;
	v32 =	vsub.f32 v31, v30;
	v33 =	vadd.f32 v23, v31  }
0x13a: {  	v45 =	vsub.f32 v19, v48;
	v23 =	vsub.f32 v31, v23;
	v24 =	vsel vm9, v56, v24  }
0x13b: {  	v46 =	vadd.f32 v22, v19;
	v22 =	vsub.f32 v19, v22;
	v51 =	vsel vm2, v52, v26  }
0x13c: {  	v52 =	vsub.f32 v51, v28;
	v54 =	vadd.f32 v40, v51;
	v24 =	vsel vm6, v55, v24  }
0x13d: {  	v26 =	vshll.u32 v25, $0x2;
	v25 =	vsub.f32 v51, v40;
	v55 =	vsub.f32 v24, v34  }
0x13e: {  	v27 =	vmul.f32 v27, v27;
	v37 =	vmul.f32 v37, v37;
	v40 =	vadd.f32 v42, v24  }
0x13f: {  	v38 =	vmul.f32 v38, v38;
	v41 =	vmul.f32 v41, v41;
	v42 =	vsub.f32 v24, v42  }
0x140: {  	v50 =	vmul.f32 v50, v50;
	v39 =	vmul.f32 v39, v39;
	v43 =	vadd.f32 v43, v31  }
0x141: {  	v44 =	vadd.f32 v44, v19;
	v53 =	vmul.f32 v53, v53;
	v35 =	vmul.f32 v35, v35  }
0x142: {  	v21 =	vmul.f32 v21, v21;
	v56 =	vadd.f32 v30, v31;
	v29 =	vmul.f32 v29, v29  }
0x143: {  	v30 =	vmul.f32 v32, v32;
	v31 =	vmul.f32 v33, v33;
	v32 =	vadd.f32 v47, v51  }
0x144: {  	v33 =	vmul.f32 v45, v45;
	v45 =	vadd.f32 v48, v19;
	v23 =	vmul.f32 v23, v23  }
0x145: {  	v46 =	vmul.f32 v46, v46;
	v19 =	vadd.f32 v49, v24;
	v47 =	vmul.f32 v52, v52  }
0x146: {  	v28 =	vadd.f32 v28, v51;
	v48 =	vmul.f32 v54, v54;
	v25 =	vmul.f32 v25, v25  }
0x147: {  	v24 =	vadd.f32 v34, v24;
	v49 =	vmul.f32 v55, v55;
	v34 =	vmul.f32 v40, v40  }
0x148: {  	v32 =	vmul.f32 v32, v32;
	v40 =	vmul.f32 v42, v42;
	v27 =	vadd.f32 v47, v27  }
0x149: {  	v19 =	vmul.f32 v19, v19;
	v37 =	vadd.f32 v48, v37;
	v25 =	vadd.f32 v25, v38  }
0x14a: {  	v28 =	vmul.f32 v28, v28;
	v38 =	vadd.f32 v49, v41;
	v34 =	vadd.f32 v34, v50  }
0x14b: {  	v24 =	vmul.f32 v24, v24;
	v32 =	vadd.f32 v32, v35;
	v39 =	vadd.f32 v40, v39  }
0x14c: {  	v35 =	vmul.f32 v22, v22;
	v40 =	vadd.f32 v19, v53;
	v41 =	vadd.f32 v28, v29  }
.Ltmp0:
0x14d: {  	v21 =	vadd.f32 v24, v21;
	v19 =	vadd.f32 v30, v27;
	v27 =	vmul.f32 v43, v43;
	(pc) =	sbr.rel @p0 .LBB2_3-.Ltmp0, $4  }
0x14e: {  	v42 =	vmul.f32 v44, v44;
	v22 =	vadd.f32 v31, v37;
	v31 =	vadd.f32 v23, v25  }
0x14f: {  	v25 =	vmul.f32 v56, v56;
	v30 =	vadd.f32 v33, v38;
	v29 =	vadd.f32 v46, v34  }
0x150: {  	v24 =	vmul.f32 v45, v45;
	v28 =	vadd.f32 v35, v39;
	v23 =	vadd.f32 v27, v32  }
0x151: {  	s29 =	sadd.s32 $0x20, s29;
	vm0 =	veq.s32 v36, $0x3;
	v32 =	vadd.f32 v42, v40;
	v25 =	vadd.f32 v25, v41  }
0x152: {  	v27 =	vadd.f32 v24, v21  }
0x153: {  	v24 =	vadd.f32 $9.999999960e-13, v19;
	v22 =	vadd.f32 $9.999999960e-13, v22  }
0x154: {  	v21 =	vadd.f32 $9.999999960e-13, v31;
	v25 =	vadd.f32 $9.999999960e-13, v25  }
0x155: {  	v19 =	vadd.f32 $9.999999960e-13, v30;
	v31 =	vadd.f32 $9.999999960e-13, v32  }
0x156: {  	v30 =	vmax.f32 v24, $4.900000060e-03;
	v33 =	vmax.f32 v22, $2.652250000e-03;
	v53 =	vmax.f32 v25, $1.089000030e-03  }
0x157: {  	(erf) = vrcp.f32 v30;
	v30 =	vadd.f32 $9.999999960e-13, v23;
	v23 =	vadd.f32 $9.999999960e-13, v27  }
0x158: {  	v27 =	vmax.f32 v21, $2.652250000e-03;
	v55 =	vshra.s32 v31, $0x1;
	v34 =	vmul.f32 $5.000000000e-01, v31  }
0x159: {  	v35 =	vshra.s32 v25, $0x1;
	v36 =	vmul.f32 $5.000000000e-01, v25;
	(erf) = vrcp.f32 v53  }
0x15a: {  	v35 =	vsub.s32 $0x5F3759DF, v35;
	(erf) = vrcp.f32 v33;
	v54 =	vmul.f32 $5.000000000e-01, v30  }
0x15b: {  	v37 =	vshra.s32 v23, $0x1;
	v38 =	vmul.f32 $5.000000000e-01, v23;
	v33 =	vsub.s32 $0x5F3759DF, v55  }
0x15c: {  	(erf) = vrcp.f32 v27;
	v27 =	vshra.s32 v30, $0x1;
	v37 =	vsub.s32 $0x5F3759DF, v37  }
0x15d: {  	v41 =	vmul.f32 v33, v34;
	v27 =	vsub.s32 $0x5F3759DF, v27;
	v42 =	vmul.f32 v37, v38  }
0x15e: {  	v40 =	vmul.f32 v35, v36;
	v39 =	vmul.f32 v27, v54  }
0x15f: {  	v41 =	vmul.f32 v33, v41;
	v42 =	vmul.f32 v37, v42  }
0x160: {  	v40 =	vmul.f32 v35, v40;
	v39 =	vmul.f32 v27, v39  }
0x161: {  	v41 =	vsub.f32 $1.500000000e+00, v41;
	v42 =	vsub.f32 $1.500000000e+00, v42  }
0x162: {  	v56 =	vadd.s32 v17, v20;
	v40 =	vsub.f32 $1.500000000e+00, v40;
	v39 =	vsub.f32 $1.500000000e+00, v39  }
0x163: {  	v20 =	vadd.f32 $9.999999960e-13, v29;
	v29 =	vmul.f32 v33, v41;
	v57 =	vmul.f32 v37, v42  }
0x164: {  	v16 =	vadd.s32 v16, v26;
	v35 =	vmul.f32 v35, v40;
	v27 =	vmul.f32 v27, v39  }
0x165: {  	v17 =	vadd.f32 $9.999999960e-13, v28;
	v28 =	vmul.f32 v29, v34;
	v59 =	vmul.f32 v57, v38  }
0x166: {  	v8 =	vadd.f32 v12, v8;
	v58 =	vmul.f32 v35, v36;
	v26 =	vmul.f32 v27, v54  }
0x167: {  	v9 =	vadd.f32 v10, v9;
	v28 =	vmul.f32 v28, v29;
	v39 =	vmul.f32 v59, v57  }
0x168: {  	v11 =	vadd.f32 v13, v11;
	v37 =	vmul.f32 v58, v35;
	v26 =	vmul.f32 v26, v27  }
0x169: {  	vm1 =	veq.s32 v18, $0x3;
	v28 =	vsub.f32 $1.500000000e+00, v28;
	v39 =	vsub.f32 $1.500000000e+00, v39  }
0x16a: {  	v18 =	vsel vm0, $0x3F800000, v2;
	v37 =	vsub.f32 $1.500000000e+00, v37;
	v26 =	vsub.f32 $1.500000000e+00, v26  }
0x16b: {  	v13 =	vadd.f32 v15, v14;
	v28 =	vmul.f32 v28, v29;
	v29 =	vmul.f32 v39, v57  }
0x16c: {  	v43 =	vmax.f32 v19, $4.900000060e-03;
	v26 =	vmul.f32 v26, v27;
	v27 =	vmul.f32 v37, v35  }
0x16d: {  	v60 =	vmax.f32 v20, $2.652250000e-03;
	v61 =	vmax.f32 v17, $2.652250000e-03;
	v34 =	vmul.f32 v28, v34  }
0x16e: {  	v14 =	vadd.f32 v5, v8;
	v42 =	vmul.f32 v29, v38;
	v63 =	vmul.f32 v27, v36  }
0x16f: {  	v6 =	vadd.f32 v6, v9;
	v32 =	vmul.f32 v26, v54;
	v34 =	vmul.f32 v34, v28  }
0x170: {  	v4 =	vadd.f32 v4, v11;
	v36 =	vmul.f32 v42, v29;
	v33 =	vmul.f32 v63, v27  }
0x171: {  	v44 =	vmax.f32 v23, $1.089000030e-03;
	v32 =	vmul.f32 v32, v26;
	v34 =	vsub.f32 $1.500000000e+00, v34  }
0x172: {  	(erf) = vrcp.f32 v43;
	v45 =	vsub.f32 $1.500000000e+00, v36;
	v33 =	vsub.f32 $1.500000000e+00, v33  }
0x173: {  	(erf) = vrcp.f32 v44;
	v32 =	vsub.f32 $1.500000000e+00, v32;
	v28 =	vmul.f32 v34, v28  }
0x174: {  	v7 =	vadd.f32 v7, v13;
	v29 =	vmul.f32 v45, v29;
	v27 =	vmul.f32 v33, v27  }
0x175: {  	vm2 =	vlt.f32 v22, $3.341625630e-01;
	v26 =	vmul.f32 v32, v26;
	v28 =	vmul.f32 v28, v31  }
0x176: {  	vm3 =	vlt.f32 v21, $3.341625630e-01;
	v29 =	vmul.f32 v29, v23;
	v27 =	vmul.f32 v27, v25  }
0x177: {  	p0 =	seq.s32 s26, $0x13;
	(erf) = vrcp.f32 v60;
	v26 =	vmul.f32 v26, v30;
	v28 =	vadd.f32 $-4.000000060e-01, v28  }
0x178: {  	s30 =	sadd.s32 @!p0 $0x500, s28;
	s29 =	simm.s32 @!p0 $0x80;
	s24 =	simm.s32 @!p0 $0xC800;
	v62 =	vld.idx.msk [tilespmem:v56+s9+$0x0], $0xffff;
	(erf) = vrcp.f32 v61;
	v47 =	vadd.f32 $-5.749999880e-01, v29;
	v46 =	vadd.f32 $-5.749999880e-01, v27  }
0x179: {  	v16 =	vld.idx.msk [tilespmem:v16+s9+$0x0], $0xffff;
	[tilespmem:s24], [sflag:$0x1] =	stream.indirect.gather @!p0 [hbm4b:s2+s29], $0x10, s30, s29, $0xb8;
	v29 =	vadd.f32 $-4.000000060e-01, v29;
	v26 =	vadd.f32 $-4.000000060e-01, v26;
	v28 =	vmul.f32 $4.000000000e+00, v28  }
0x17a: {  	s24 =	sadd.s32 @!p0 $0x6900, s28;
	s30 =	simm.s32 @!p0 $0x11800;
	v27 =	vadd.f32 $-4.000000060e-01, v27;
	v33 =	vmul.f32 $4.000000000e+00, v47;
	v32 =	vmul.f32 $4.000000000e+00, v46  }
0x17b: {  	[tilespmem:s30], [sflag:$0x1] =	stream.indirect.gather @!p0 [hbm4b:s2+s29], $0x10, s24, s29, $0xb8;
	v29 =	vmul.f32 $4.000000000e+00, v29;
	v26 =	vmul.f32 $4.000000000e+00, v26;
	v51 =	vsub.f32 $0.0e+00, v28;
	[tilespmem:$0x16820] =	vst v63  }
0x17c: {  	s24 =	sadd.s32 @!p0 $0x580, s28;
	s30 =	simm.s32 @!p0 $0xD000;
	v27 =	vmul.f32 $4.000000000e+00, v27;
	v50 =	vsub.f32 $0.0e+00, v33;
	v48 =	vsub.f32 $0.0e+00, v32  }
0x17d: {  	[tilespmem:s30], [sflag:$0x1] =	stream.indirect.gather @!p0 [hbm4b:s2+s29], $0x10, s24, s29, $0xb8;
	v52 =	vsub.f32 $0.0e+00, v29;
	v49 =	vsub.f32 $0.0e+00, v26;
	v28 =	vmul.f32 v51, v28;
	[tilespmem:$0x16820] =	vst v63  }
0x17e: {  	s24 =	sadd.s32 @!p0 $0x6980, s28;
	s30 =	simm.s32 @!p0 $0x12000;
	v53 =	vsub.f32 $0.0e+00, v27;
	v33 =	vmul.f32 v50, v33;
	v32 =	vmul.f32 v48, v32  }
0x17f: {  	vm4 =	vlt.f32 v19, $6.173613070e-01;
	[tilespmem:s30], [sflag:$0x1] =	stream.indirect.gather @!p0 [hbm4b:s2+s29], $0x10, s24, s29, $0xb8;
	v29 =	vmul.f32 v52, v29;
	v26 =	vmul.f32 v49, v26;
	[tilespmem:$0x16820] =	vst v63  }
0x180: {  	vm6 =	vlt.f32 v20, $3.341625630e-01;
	s24 =	sadd.s32 @!p0 $0x600, s28;
	s30 =	simm.s32 @!p0 $0xD800;
	v27 =	vmul.f32 v53, v27;
	v32 =	vmul.f32 $1.442695020e+00, v32  }
0x181: {  	vm7 =	vlt.f32 v17, $3.341625630e-01;
	[tilespmem:s30], [sflag:$0x1] =	stream.indirect.gather @!p0 [hbm4b:s2+s29], $0x10, s24, s29, $0xb8;
	v30 =	vpop (erf);
	v33 =	vmul.f32 $1.442695020e+00, v33;
	v29 =	vmul.f32 $1.442695020e+00, v29;
	[tilespmem:$0x16820] =	vst v63  }
0x182: {  	vm0 =	vlt.f32 v25, $1.372054070e-01;
	s24 =	sadd.s32 @!p0 $0x6A00, s28;
	s30 =	simm.s32 @!p0 $0x12800;
	v31 =	vpop (erf);
	v28 =	vmul.f32 $1.442695020e+00, v28;
	(erf) = vpow2.f32 v32  }
0x183: {  	v14 =	vmax.f32 v14, $0.0e+00;
	[tilespmem:s30], [sflag:$0x1] =	stream.indirect.gather @!p0 [hbm4b:s2+s29], $0x10, s24, s29, $0xb8;
	v54 =	vpop (erf);
	v27 =	vmul.f32 $1.442695020e+00, v27;
	(erf) = vpow2.f32 v33;
	[tilespmem:$0x16820] =	vst v63  }
0x184: {  	vm5 =	vlt.f32 v23, $1.372054070e-01;
	v60 =	vxor.u32 $0x80000000, v7;
	s24 =	sadd.s32 @!p0 $0x680, s28;
	s30 =	simm.s32 @!p0 $0xE000;
	v55 =	vpop (erf);
	(erf) = vpow2.f32 v29  }
0x185: {  	v43 =	vsub.f32 $0.0e+00, v62;
	[tilespmem:s30], [sflag:$0x1] =	stream.indirect.gather @!p0 [hbm4b:s2+s29], $0x10, s24, s29, $0xb8;
	v26 =	vmul.f32 $1.442695020e+00, v26;
	v29 =	vpop (erf);
	(erf) = vpow2.f32 v28;
	[tilespmem:$0x16820] =	vst v63  }
0x186: {  	v44 =	vsub.f32 $0.0e+00, v16;
	s24 =	sadd.s32 @!p0 $0x6A80, s28;
	s30 =	simm.s32 @!p0 $0x13000;
	v30 =	vmul.f32 $4.900000100e-01, v30;
	v28 =	vpop (erf);
	(erf) = vpow2.f32 v27  }
0x187: {  	v41 =	vsel vm1, $0x3F800000, v2;
	[tilespmem:s30], [sflag:$0x1] =	stream.indirect.gather @!p0 [hbm4b:s2+s29], $0x10, s24, s29, $0xb8;
	v31 =	vmul.f32 $1.089000030e-01, v31;
	v27 =	vpop (erf);
	(erf) = vpow2.f32 v26;
	[tilespmem:$0x16820] =	vst v63  }
0x188: {  	v16 =	vmul.f32 v18, v43;
	vm1 =	vlt.f32 v24, $6.173613070e-01;
	v18 =	vmul.f32 v41, v44;
	s24 =	sadd.s32 @!p0 $0x700, s28;
	s30 =	simm.s32 @!p0 $0xE800  }
0x189: {  	v59 =	vxor.u32 $0x80000000, v4;
	[tilespmem:s30], [sflag:$0x1] =	stream.indirect.gather @!p0 [hbm4b:s2+s29], $0x10, s24, s29, $0xb8;
	v15 =	vmul.f32 v30, v30;
	v9 =	vmul.f32 v31, v31;
	[tilespmem:$0x16820] =	vst v63  }
0x18a: {  	v58 =	vmax.f32 v6, $0.0e+00;
	v6 =	vmin.f32 v14, $1.000000000e+00;
	v61 =	vmax.f32 v59, $0.0e+00;
	s30 =	simm.s32 $0x280;
	v12 =	vpop (erf)  }
0x18b: {  	v4 =	vmov s30;
	v15 =	vmul.f32 v15, v30;
	v9 =	vmul.f32 v9, v31;
	v5 =	vpop (erf)  }
0x18c: {  	v7 =	vshll.u32 v4, $0x4;
	v32 =	vmul.f32 $2.652249930e-01, v54;
	v33 =	vmul.f32 $2.652249930e-01, v55;
	v8 =	vpop (erf)  }
0x18d: {  	v4 =	vor.u32 v1, v7;
	v28 =	vmul.f32 $1.089000030e-01, v28;
	v26 =	vmul.f32 $4.900000100e-01, v29;
	v35 =	vpop (erf)  }
0x18e: {  	v7 =	vor.u32 v0, v7;
	v10 =	vmul.f32 $2.652249930e-01, v27;
	v27 =	vmul.f32 v32, v32;
	v38 =	vpop (erf)  }
0x18f: {  	s24 =	sadd.s32 @!p0 $0x6B00, s28;
	s28 =	simm.s32 @!p0 $0x13800;
	v22 =	vor.u32 $0x6, v7;
	v29 =	vmul.f32 v33, v33;
	v12 =	vmul.f32 $2.652249930e-01, v12;
	v30 =	vpop (erf)  }
0x190: {  	[tilespmem:s28], [sflag:$0x1] =	stream.indirect.gather @!p0 [hbm4b:s2+s29], $0x10, s24, s29, $0xb8;
	v59 =	vor.u32 $0x5, v4;
	v56 =	vmul.f32 v28, v28;
	v11 =	vmul.f32 v26, v26;
	v31 =	vpop (erf);
	[tilespmem:$0x16820] =	vst v63  }
0x191: {  	v50 =	vor.u32 $0x8, v4;
	v13 =	vmul.f32 v10, v10;
	v27 =	vmul.f32 v27, v32;
	_ =	swait.ge [sflag:s23], $0x2800  }
0x192: {  	v53 =	vor.u32 $0x6, v4;
	v29 =	vmul.f32 v29, v33;
	v57 =	vmul.f32 v12, v12;
	[sflag:s23] =	ssyncset.done $0x0  }
0x193: {  	v54 =	vor.u32 $0x7, v4;
	v14 =	vmul.f32 v56, v28;
	v28 =	vmul.f32 v9, v9;
	[sflag:s23] =	ssyncadd.s32 $0xFFFFD800  }
0x194: {  	v32 =	vmin.f32 v61, $1.000000000e+00;
	v11 =	vmul.f32 v11, v26;
	v10 =	vmul.f32 v13, v10;
	_ =	swait.ge [sflag:s23], $0x2800  }
0x195: {  	v61 =	vor.u32 $0x3, v4;
	v13 =	vmul.f32 v57, v12;
	v12 =	vmul.f32 v15, v15;
	[sflag:s23] =	ssyncset.done $0x0  }
0x196: {  	v26 =	vmin.f32 v58, $1.000000000e+00;
	v62 =	vmul.f32 v27, v27;
	v63 =	vmul.f32 v29, v29;
	[sflag:s23] =	ssyncadd.s32 $0xFFFFD800  }
0x197: {  	v58 =	vor.u32 $0x9, v7;
	v49 =	vmul.f32 v14, v14;
	v15 =	vsub.f32 v12, v15;
	v12 =	vld.idx.msk [tilespmem:v4+s13+$0x0], $0xffff  }
0x198: {  	v9 =	vsub.f32 v28, v9;
	v28 =	vor.u32 $0x8, v7;
	v48 =	vmul.f32 v11, v11;
	v43 =	vld.idx.msk [tilespmem:v4+s14+$0x0], $0xffff  }
0x199: {  	v51 =	vmul.f32 v10, v10;
	v27 =	vsub.f32 v62, v27;
	v29 =	vsub.f32 v63, v29;
	v44 =	vld.idx.msk [tilespmem:v7+s13+$0x0], $0xffff  }
0x19a: {  	v52 =	vmul.f32 v13, v13;
	v9 =	vmul.f32 $8.000000000e+00, v9;
	v14 =	vsub.f32 v49, v14;
	v33 =	vld.idx.msk [tilespmem:v7+s14+$0x0], $0xffff  }
0x19b: {  	v11 =	vsub.f32 v48, v11;
	v27 =	vmul.f32 $8.000000000e+00, v27;
	v29 =	vmul.f32 $8.000000000e+00, v29;
	v45 =	vld.idx.msk [tilespmem:v50+s13+$0x0], $0xffff  }
0x19c: {  	v10 =	vsub.f32 v51, v10;
	v15 =	vmul.f32 $8.000000000e+00, v15;
	v14 =	vmul.f32 $8.000000000e+00, v14;
	v55 =	vld.idx.msk [tilespmem:v50+s14+$0x0], $0xffff  }
0x19d: {  	v13 =	vsub.f32 v52, v13;
	v9 =	vadd.f32 $2.000000000e+00, v9;
	v11 =	vmul.f32 $8.000000000e+00, v11;
	v24 =	vld.idx.msk [tilespmem:v28+s13+$0x0], $0xffff  }
0x19e: {  	v10 =	vmul.f32 $8.000000000e+00, v10;
	v23 =	vadd.f32 $2.000000000e+00, v27;
	v27 =	vor.u32 $0x9, v4;
	v25 =	vld.idx.msk [tilespmem:v28+s14+$0x0], $0xffff  }
0x19f: {  	v29 =	vadd.f32 $2.000000000e+00, v29;
	v31 =	vmul.f32 $1.299999950e+00, v31;
	v15 =	vadd.f32 $2.000000000e+00, v15;
	v28 =	vld.idx.msk [tilespmem:v53+s13+$0x0], $0xffff  }
0x1a0: {  	v13 =	vmul.f32 $8.000000000e+00, v13;
	v14 =	vadd.f32 $2.000000000e+00, v14;
	v9 =	vnsel vm0, $0x0, v9;
	v19 =	vld.idx.msk [tilespmem:v54+s13+$0x0], $0xffff  }
0x1a1: {  	v11 =	vadd.f32 $2.000000000e+00, v11;
	v10 =	vadd.f32 $2.000000000e+00, v10;
	v23 =	vnsel vm2, $0x0, v23;
	v20 =	vld.idx.msk [tilespmem:v53+s14+$0x0], $0xffff  }
0x1a2: {  	v29 =	vnsel vm3, $0x0, v29;
	v13 =	vadd.f32 $2.000000000e+00, v13;
	v15 =	vnsel vm1, $0x0, v15;
	v57 =	vld.idx.msk [tilespmem:v22+s13+$0x0], $0xffff  }
0x1a3: {  	v14 =	vnsel vm5, $0x0, v14;
	v23 =	vadd.f32 v29, v23;
	v11 =	vnsel vm4, $0x0, v11;
	v22 =	vld.idx.msk [tilespmem:v22+s14+$0x0], $0xffff  }
0x1a4: {  	v10 =	vnsel vm6, $0x0, v10;
	v9 =	vadd.f32 v9, v15;
	v13 =	vnsel vm7, $0x0, v13;
	v42 =	vld.idx.msk [tilespmem:v27+s14+$0x0], $0xffff  }
0x1a5: {  	v15 =	vor.u32 $0x5, v7;
	v10 =	vadd.f32 v13, v10;
	v13 =	vmul.f32 v35, v18;
	v18 =	vld.idx.msk [tilespmem:v58+s13+$0x0], $0xffff  }
0x1a6: {  	v40 =	vmax.f32 v60, $0.0e+00;
	v5 =	vsub.f32 $0.0e+00, v5;
	v11 =	vadd.f32 v14, v11;
	v62 =	vld.idx.msk [tilespmem:v59+s13+$0x0], $0xffff  }
0x1a7: {  	v14 =	vor.u32 $0x2, v4;
	v63 =	vld.idx.msk [tilespmem:v59+s14+$0x0], $0xffff;
	v9 =	vadd.f32 v23, v9;
	v23 =	vmul.f32 v31, v6  }
0x1a8: {  	v40 =	vmin.f32 v40, $1.000000000e+00;
	v5 =	vmul.f32 v5, v6;
	v31 =	vld.idx.msk [tilespmem:v61+s13+$0x0], $0xffff  }
0x1a9: {  	v21 =	vor.u32 $0x7, v7;
	v16 =	vmul.f32 v30, v16;
	v6 =	vmul.f32 v23, v6;
	v23 =	vld.idx.msk [tilespmem:v61+s14+$0x0], $0xffff  }
0x1aa: {  	v8 =	vsub.f32 $0.0e+00, v8;
	v10 =	vadd.f32 v10, v11;
	v11 =	vmul.f32 v13, v40;
	v30 =	vld.idx.msk [tilespmem:v15+s13+$0x0], $0xffff  }
0x1ab: {  	v47 =	vor.u32 $0x1, v4;
	v60 =	vmul.f32 $1.299999950e+00, v38;
	v48 =	vld.idx.msk [tilespmem:v15+s14+$0x0], $0xffff;
	v15 =	vmul.f32 v16, v32  }
0x1ac: {  	v8 =	vmul.f32 v8, v26;
	v13 =	vor.u32 $0x4, v4;
	v10 =	vadd.f32 v11, v10;
	v16 =	vld.idx.msk [tilespmem:v14+s13+$0x0], $0xffff  }
0x1ad: {  	v11 =	vmul.f32 v60, v26;
	v49 =	vld.idx.msk [tilespmem:v14+s14+$0x0], $0xffff;
	v14 =	vor.u32 $0x2, v7;
	v9 =	vadd.f32 v15, v9  }
0x1ae: {  	v56 =	vld.idx.msk [tilespmem:v54+s14+$0x0], $0xffff;
	v15 =	vor.u32 $0x4, v7;
	v4 =	vmul.f32 v55, v45;
	v53 =	vadd.f32 v63, v62  }
0x1af: {  	v27 =	vld.idx.msk [tilespmem:v27+s13+$0x0], $0xffff;
	v60 =	vsub.f32 v63, v62;
	v61 =	vtrunc.f32 v42;
	v18 =	vtrunc.f32 v18  }
0x1b0: {  	v8 =	vadd.f32 v10, v8;
	v10 =	vor.u32 $0x3, v7;
	v11 =	vmul.f32 v11, v26  }
0x1b1: {  	v17 =	vld.idx.msk [tilespmem:v21+s13+$0x0], $0xffff;
	v5 =	vadd.f32 v9, v5;
	v9 =	vmul.f32 v22, v57;
	v22 =	vsub.f32 v33, v44  }
0x1b2: {  	v21 =	vld.idx.msk [tilespmem:v21+s14+$0x0], $0xffff;
	v55 =	vadd.f32 v23, v31;
	v33 =	vmul.f32 $4.000000060e-01, v53;
	v35 =	vmul.f32 $4.000000060e-01, v60  }
0x1b3: {  	v29 =	vld.idx.msk [tilespmem:v58+s14+$0x0], $0xffff;
	v8 =	vsub.f32 v8, v11;
	v11 =	vmul.f32 v56, v19;
	v5 =	vsub.f32 v5, v6  }
0x1b4: {  	v54 =	vld.idx.msk [tilespmem:v47+s14+$0x0], $0xffff;
	v6 =	vmul.f32 v25, v24;
	v32 =	vsub.f32 v49, v16;
	v16 =	vtrunc.f32 v27  }
0x1b5: {  	v26 =	vld.idx.msk [tilespmem:v13+s13+$0x0], $0xffff;
	vm1 =	vgt.f32 v22, $2.500000000e+01;
	v38 =	vadd.f32 $-5.000000000e+01, v22;
	v36 =	vmul.f32 $4.000000060e-01, v55  }
0x1b6: {  	v50 =	vld.idx.msk [tilespmem:v13+s14+$0x0], $0xffff;
	vm13 =	vlt.f32 v22, $-2.500000000e+01;
	v3 =	vadd.f32 v8, v3;
	v8 =	vmul.f32 v20, v28  }
0x1b7: {  	v20 =	vor.u32 $0x1, v7;
	v7 =	vmul.f32 v48, v30;
	v28 =	vadd.f32 v48, v30;
	v51 =	vld.idx.msk [tilespmem:v10+s13+$0x0], $0xffff  }
0x1b8: {  	v30 =	vsub.f32 v48, v30;
	v52 =	vld.idx.msk [tilespmem:v10+s14+$0x0], $0xffff;
	v10 =	vmul.f32 v21, v17;
	v21 =	vsub.f32 v43, v12  }
0x1b9: {  	v25 =	vld.idx.msk [tilespmem:v47+s13+$0x0], $0xffff;
	v12 =	vmul.f32 v23, v31;
	v23 =	vsub.f32 v23, v31;
	v31 =	vcvt.f32.s32 v18  }
0x1ba: {  	v46 =	vld.idx.msk [tilespmem:v15+s13+$0x0], $0xffff;
	v43 =	vmul.f32 $3.400000040e-01, v60;
	vm2 =	vgt.f32 v32, $2.500000000e+01;
	vm8 =	vlt.f32 v32, $-2.500000000e+01  }
0x1bb: {  	v24 =	vld.idx.msk [tilespmem:v15+s14+$0x0], $0xffff;
	v3 =	vadd.f32 v5, v3;
	v5 =	vmul.f32 v63, v62;
	v13 =	vmul.f32 v50, v26  }
0x1bc: {  	v19 =	vld.idx.msk [tilespmem:v14+s13+$0x0], $0xffff;
	v56 =	vadd.f32 v50, v26;
	v28 =	vmul.f32 $4.000000060e-01, v28;
	v62 =	vadd.f32 $5.000000000e+01, v22  }
0x1bd: {  	v17 =	vld.idx.msk [tilespmem:v14+s14+$0x0], $0xffff;
	v44 =	vmul.f32 $3.400000040e-01, v30;
	v63 =	vadd.f32 $-5.000000000e+01, v32;
	v30 =	vmul.f32 $4.000000060e-01, v30  }
0x1be: {  	vm0 =	vgt.f32 v21, $2.500000000e+01;
	v34 =	vadd.f32 $-5.000000000e+01, v21;
	vm12 =	vlt.f32 v21, $-2.500000000e+01  }
0x1bf: {  	v37 =	vadd.f32 $5.000000000e+01, v21;
	v60 =	vmul.f32 $3.400000040e-01, v23;
	v23 =	vmul.f32 $4.000000060e-01, v23  }
0x1c0: {  	v25 =	vsub.f32 v54, v25;
	v40 =	vmul.f32 $4.000000060e-01, v56;
	v59 =	vadd.f32 v24, v46  }
0x1c1: {  	v15 =	vmul.f32 v24, v46;
	v24 =	vsub.f32 v24, v46;
	v14 =	vmul.f32 v52, v51  }
0x1c2: {  	v58 =	vadd.f32 v52, v51;
	v27 =	vsub.f32 v17, v19;
	v17 =	vtrunc.f32 v29  }
0x1c3: {  	v19 =	vsub.f32 v50, v26;
	v26 =	vsub.f32 v52, v51;
	v29 =	vcvt.f32.s32 v16  }
0x1c4: {  	v16 =	vcvt.f32.s32 v61;
	vm3 =	vgt.f32 v25, $2.500000000e+01;
	v50 =	vadd.f32 $5.000000000e+01, v32  }
0x1c5: {  	v53 =	vadd.f32 $-5.000000000e+01, v25;
	v17 =	vcvt.f32.s32 v17;
	v42 =	vmul.f32 $4.000000060e-01, v59  }
0x1c6: {  	v57 =	vld.idx.msk [tilespmem:v20+s13+$0x0], $0xffff;
	vm10 =	vlt.f32 v25, $-2.500000000e+01;
	v49 =	vmul.f32 $3.400000040e-01, v24;
	v24 =	vmul.f32 $4.000000060e-01, v24  }
0x1c7: {  	v20 =	vld.idx.msk [tilespmem:v20+s14+$0x0], $0xffff;
	v55 =	vadd.f32 $5.000000000e+01, v25;
	v39 =	vmul.f32 $4.000000060e-01, v58;
	v61 =	vmul.f32 $3.400000040e-01, v19  }
0x1c8: {  	vm14 =	vgt.f32 v27, $2.500000000e+01;
	v48 =	vmul.f32 $3.400000040e-01, v26;
	v51 =	vmul.f32 $4.000000060e-01, v19  }
0x1c9: {  	v52 =	vadd.f32 $-5.000000000e+01, v27;
	vm9 =	vlt.f32 v27, $-2.500000000e+01;
	v54 =	vadd.f32 $5.000000000e+01, v27  }
0x1ca: {  	v26 =	vmul.f32 $4.000000060e-01, v26;
	v19 =	vsel vm12, v37, v21;
	v37 =	vadd.s32 v29, v16  }
0x1cb: {  	v21 =	vsel vm13, v62, v22;
	v22 =	vsel vm0, v34, v19;
	v19 =	vshll.u32 v29, $0x2  }
0x1cc: {  	v21 =	vsel vm1, v38, v21;
	v20 =	vsub.f32 v20, v57;
	v29 =	vsub.f32 v22, v23  }
0x1cd: {  	v32 =	vsel vm8, v50, v32;
	v34 =	vadd.f32 v36, v22;
	v38 =	vsub.f32 v21, v26  }
0x1ce: {  	v25 =	vsel vm10, v55, v25;
	v36 =	vsub.f32 v22, v36;
	v62 =	vadd.f32 v39, v21  }
0x1cf: {  	v18 =	vadd.s32 v31, v17;
	v39 =	vsub.f32 v21, v39;
	v48 =	vadd.f32 v48, v21  }
0x1d0: {  	v25 =	vsel vm3, v53, v25;
	v46 =	vadd.f32 v60, v22;
	v21 =	vadd.f32 v26, v21  }
0x1d1: {  	v26 =	vsel vm2, v63, v32;
	v23 =	vadd.f32 v23, v22;
	v53 =	vsub.f32 v25, v51  }
0x1d2: {  	v22 =	vshll.u32 v31, $0x2;
	v31 =	vsub.f32 v25, v40;
	v60 =	vadd.f32 v61, v25  }
0x1d3: {  	v27 =	vsel vm9, v54, v27;
	v32 =	vsub.f32 v26, v35;
	v45 =	vadd.f32 v33, v26  }
0x1d4: {  	v27 =	vsel vm14, v52, v27;
	v33 =	vsub.f32 v26, v33;
	v43 =	vadd.f32 v43, v26  }
0x1d5: {  	v35 =	vadd.f32 v35, v26;
	vm15 =	vgt.f32 v20, $2.500000000e+01;
	v56 =	vadd.f32 $-5.000000000e+01, v20  }
0x1d6: {  	vm11 =	vlt.f32 v20, $-2.500000000e+01;
	v29 =	vmul.f32 v29, v29;
	v34 =	vmul.f32 v34, v34  }
0x1d7: {  	v57 =	vadd.f32 $5.000000000e+01, v20;
	v38 =	vmul.f32 v38, v38;
	v36 =	vmul.f32 v36, v36  }
0x1d8: {  	v63 =	vsub.f32 v27, v30;
	v41 =	vmul.f32 v62, v62;
	v39 =	vmul.f32 v39, v39  }
0x1d9: {  	v52 =	vadd.f32 v28, v27;
	v48 =	vmul.f32 v48, v48;
	v46 =	vmul.f32 v46, v46  }
0x1da: {  	v28 =	vsub.f32 v27, v28;
	v21 =	vmul.f32 v21, v21;
	v23 =	vmul.f32 v23, v23  }
0x1db: {  	v44 =	vadd.f32 v44, v27;
	v61 =	vmul.f32 v53, v53;
	v31 =	vmul.f32 v31, v31  }
0x1dc: {  	v27 =	vadd.f32 v30, v27;
	v55 =	vmul.f32 v60, v60;
	v26 =	vmul.f32 v32, v32  }
0x1dd: {  	v32 =	vmul.f32 v45, v45;
	v30 =	vmul.f32 v33, v33;
	v20 =	vsel vm11, v57, v20  }
0x1de: {  	v57 =	vadd.f32 v40, v25;
	v47 =	vmul.f32 v63, v63;
	v25 =	vadd.f32 v51, v25  }
0x1df: {  	v29 =	vadd.f32 v61, v29;
	v31 =	vadd.f32 v31, v36;
	v20 =	vsel vm15, v56, v20  }
0x1e0: {  	v33 =	vmul.f32 v52, v52;
	v58 =	vsub.f32 v20, v24;
	v59 =	vadd.f32 v42, v20  }
0x1e1: {  	v60 =	vmul.f32 v28, v28;
	v42 =	vsub.f32 v20, v42;
	v49 =	vadd.f32 v49, v20  }
0x1e2: {  	v62 =	vmul.f32 v57, v57;
	v20 =	vadd.f32 v24, v20;
	v63 =	vmul.f32 v58, v58  }
0x1e3: {  	v30 =	vadd.f32 v30, v31;
	v24 =	vmul.f32 v59, v59;
	v54 =	vmul.f32 v42, v42  }
0x1e4: {  	v56 =	vmul.f32 v49, v49;
	v34 =	vadd.f32 v62, v34;
	v59 =	vadd.f32 v55, v46  }
0x1e5: {  	v20 =	vmul.f32 v20, v20;
	v57 =	vadd.f32 v63, v38;
	v58 =	vadd.f32 v24, v41  }
0x1e6: {  	v24 =	vmul.f32 v25, v25;
	v39 =	vadd.f32 v54, v39;
	v61 =	vadd.f32 v56, v48  }
0x1e7: {  	v21 =	vadd.f32 v20, v21;
	v20 =	vadd.f32 v26, v29;
	v29 =	vmul.f32 v44, v44  }
0x1e8: {  	v28 =	vadd.f32 v32, v34;
	v63 =	vmul.f32 v35, v35;
	v62 =	vadd.f32 v24, v23  }
0x1e9: {  	v23 =	vmul.f32 v43, v43;
	v24 =	vadd.f32 v47, v57;
	v26 =	vadd.f32 v33, v58  }
0x1ea: {  	v25 =	vmul.f32 v27, v27;
	v31 =	vadd.f32 v60, v39;
	v29 =	vadd.f32 v29, v61  }
0x1eb: {  	s28 =	simm.s32 $0x2A0;
	vm1 =	veq.s32 v37, $0x3;
	v23 =	vadd.f32 v23, v59;
	v32 =	vadd.f32 v63, v62  }
.LBB2_5:
0x1ec: {  	p0 =	sne.s32 s28, $0x4E0;
	v25 =	vadd.f32 v25, v21;
	vm0 =	veq.s32 v18, $0x3;
	v27 =	vadd.f32 $9.999999960e-13, v20  }
0x1ed: {  	v21 =	vadd.f32 $9.999999960e-13, v28;
	v20 =	vadd.f32 $9.999999960e-13, v30;
	v16 =	vadd.s32 v16, v19  }
0x1ee: {  	v19 =	vadd.f32 $9.999999960e-13, v24;
	v18 =	vadd.f32 $9.999999960e-13, v26;
	v24 =	vadd.s32 v17, v22  }
0x1ef: {  	v17 =	vadd.f32 $9.999999960e-13, v31;
	v34 =	vsel vm1, $0x3F800000, v2;
	v28 =	vadd.f32 $9.999999960e-13, v32  }
0x1f0: {  	v26 =	vadd.f32 $9.999999960e-13, v29;
	v29 =	vadd.f32 $9.999999960e-13, v23;
	v23 =	vmax.f32 v27, $4.900000060e-03  }
0x1f1: {  	v22 =	vadd.f32 $9.999999960e-13, v25;
	v25 =	vmax.f32 v28, $1.089000030e-03;
	(erf) = vrcp.f32 v23  }
0x1f2: {  	v30 =	vmax.f32 v20, $2.652250000e-03;
	v23 =	vmax.f32 v21, $2.652250000e-03;
	(erf) = vrcp.f32 v25  }
0x1f3: {  	v32 =	vmax.f32 v22, $1.089000030e-03;
	v25 =	vmax.f32 v19, $4.900000060e-03;
	(erf) = vrcp.f32 v23  }
0x1f4: {  	v35 =	vmax.f32 v17, $2.652250000e-03;
	v23 =	vmax.f32 v18, $2.652250000e-03;
	(erf) = vrcp.f32 v30  }
0x1f5: {  	v36 =	vshra.s32 v29, $0x1;
	v30 =	vmul.f32 $5.000000000e-01, v29;
	(erf) = vrcp.f32 v25  }
0x1f6: {  	v31 =	vmul.f32 $5.000000000e-01, v26;
	v25 =	vshra.s32 v26, $0x1;
	v16 =	vld.idx.msk [tilespmem:v16+s9+$0x0], $0xffff;
	(erf) = vrcp.f32 v32  }
0x1f7: {  	v37 =	vshra.s32 v28, $0x1;
	v32 =	vmul.f32 $5.000000000e-01, v28;
	v24 =	vld.idx.msk [tilespmem:v24+s9+$0x0], $0xffff;
	(erf) = vrcp.f32 v23  }
0x1f8: {  	v33 =	vmul.f32 $5.000000000e-01, v22;
	v23 =	vshra.s32 v22, $0x1;
	(erf) = vrcp.f32 v35  }
0x1f9: {  	v37 =	vsub.s32 $0x5F3759DF, v37;
	v36 =	vsub.s32 $0x5F3759DF, v36;
	v35 =	vsub.s32 $0x5F3759DF, v25  }
0x1fa: {  	v38 =	vsub.s32 $0x5F3759DF, v23;
	v25 =	vmul.f32 v36, v30;
	v23 =	vmul.f32 v35, v31;
	v39 =	vpop (erf)  }
0x1fb: {  	v41 =	vsel vm0, $0x3F800000, v2;
	v42 =	vmul.f32 v37, v32;
	v40 =	vmul.f32 v38, v33;
	v43 =	vpop (erf)  }
0x1fc: {  	v25 =	vmul.f32 v36, v25;
	v23 =	vmul.f32 v35, v23;
	v16 =	vsub.f32 $0.0e+00, v16;
	v44 =	vpop (erf)  }
0x1fd: {  	v47 =	vmul.f32 v37, v42;
	v40 =	vmul.f32 v38, v40;
	v24 =	vsub.f32 $0.0e+00, v24;
	v45 =	vpop (erf)  }
0x1fe: {  	v48 =	vsub.f32 $1.500000000e+00, v23;
	v23 =	vmul.f32 v34, v16;
	v16 =	vsub.f32 $1.500000000e+00, v25;
	v34 =	vpop (erf)  }
0x1ff: {  	v49 =	vsub.f32 $1.500000000e+00, v40;
	v25 =	vmul.f32 v41, v24;
	v41 =	vsub.f32 $1.500000000e+00, v47;
	v42 =	vpop (erf)  }
0x200: {  	v24 =	vmov s28;
	v35 =	vmul.f32 v35, v48;
	v36 =	vmul.f32 v36, v16;
	v46 =	vpop (erf)  }
0x201: {  	v24 =	vshll.u32 v24, $0x4;
	v38 =	vmul.f32 v38, v49;
	v37 =	vmul.f32 v37, v41;
	v40 =	vpop (erf)  }
0x202: {  	v39 =	vmul.f32 $4.900000100e-01, v39;
	v16 =	vor.u32 v1, v24;
	v41 =	vmul.f32 $1.089000030e-01, v43  }
0x203: {  	v8 =	vadd.f32 v11, v8;
	v43 =	vmul.f32 $2.652249930e-01, v44;
	v44 =	vmul.f32 $2.652249930e-01, v45  }
0x204: {  	v9 =	vadd.f32 v10, v9;
	v11 =	vmul.f32 $4.900000100e-01, v34;
	v34 =	vmul.f32 $1.089000030e-01, v42  }
0x205: {  	v12 =	vadd.f32 v13, v12;
	v10 =	vmul.f32 $2.652249930e-01, v46;
	v40 =	vmul.f32 $2.652249930e-01, v40  }
0x206: {  	v13 =	vadd.f32 v15, v14;
	v14 =	vmul.f32 v35, v31;
	v15 =	vmul.f32 v36, v30  }
0x207: {  	v4 =	vadd.f32 v4, v8;
	v42 =	vmul.f32 v38, v33;
	v45 =	vmul.f32 v37, v32  }
0x208: {  	v6 =	vadd.f32 v6, v9;
	v8 =	vmul.f32 v39, v39;
	v9 =	vmul.f32 v41, v41  }
0x209: {  	v5 =	vadd.f32 v5, v12;
	v46 =	vmul.f32 v43, v43;
	v47 =	vmul.f32 v44, v44  }
0x20a: {  	v7 =	vadd.f32 v7, v13;
	v12 =	vmul.f32 v11, v11;
	v48 =	vmul.f32 v34, v34  }
0x20b: {  	v4 =	vmax.f32 v4, $0.0e+00;
	v13 =	vmul.f32 v10, v10;
	v49 =	vmul.f32 v40, v40  }
0x20c: {  	v6 =	vmax.f32 v6, $0.0e+00;
	v14 =	vmul.f32 v14, v35;
	v15 =	vmul.f32 v15, v36  }
0x20d: {  	v50 =	vxor.u32 $0x80000000, v5;
	v42 =	vmul.f32 v42, v38;
	v45 =	vmul.f32 v45, v37  }
0x20e: {  	v7 =	vxor.u32 $0x80000000, v7;
	v8 =	vmul.f32 v8, v39;
	v9 =	vmul.f32 v9, v41  }
0x20f: {  	v4 =	vmin.f32 v4, $1.000000000e+00;
	v39 =	vmul.f32 v46, v43;
	v41 =	vmul.f32 v47, v44  }
0x210: {  	v5 =	vmin.f32 v6, $1.000000000e+00;
	v11 =	vmul.f32 v12, v11;
	v12 =	vmul.f32 v48, v34  }
0x211: {  	v6 =	vmax.f32 v50, $0.0e+00;
	v10 =	vmul.f32 v13, v10;
	v13 =	vmul.f32 v49, v40  }
0x212: {  	v34 =	vmul.f32 v8, v8;
	v15 =	vsub.f32 $1.500000000e+00, v15;
	v40 =	vmul.f32 v9, v9  }
0x213: {  	v14 =	vsub.f32 $1.500000000e+00, v14;
	v43 =	vmul.f32 v39, v39;
	v44 =	vmul.f32 v41, v41  }
0x214: {  	v46 =	vmul.f32 v11, v11;
	v47 =	vmul.f32 v12, v12;
	v45 =	vsub.f32 $1.500000000e+00, v45  }
0x215: {  	v42 =	vsub.f32 $1.500000000e+00, v42;
	v48 =	vmul.f32 v10, v10;
	v49 =	vmul.f32 v13, v13  }
0x216: {  	v7 =	vmax.f32 v7, $0.0e+00;
	v14 =	vmul.f32 v14, v35;
	v15 =	vmul.f32 v15, v36  }
0x217: {  	v8 =	vsub.f32 v34, v8;
	v35 =	vmul.f32 v42, v38;
	v34 =	vmul.f32 v45, v37  }
0x218: {  	v9 =	vsub.f32 v40, v9;
	v31 =	vmul.f32 v14, v31;
	v30 =	vmul.f32 v15, v30  }
0x219: {  	v6 =	vmin.f32 v6, $1.000000000e+00;
	v33 =	vmul.f32 v35, v33;
	v32 =	vmul.f32 v34, v32  }
0x21a: {  	v7 =	vmin.f32 v7, $1.000000000e+00;
	v8 =	vmul.f32 $8.000000000e+00, v8;
	v9 =	vmul.f32 $8.000000000e+00, v9  }
0x21b: {  	v36 =	vsub.f32 v43, v39;
	v30 =	vmul.f32 v30, v15;
	v32 =	vmul.f32 v32, v34  }
0x21c: {  	v37 =	vsub.f32 v44, v41;
	v33 =	vmul.f32 v33, v35;
	v31 =	vmul.f32 v31, v14  }
0x21d: {  	v36 =	vmul.f32 $8.000000000e+00, v36;
	v30 =	vsub.f32 $1.500000000e+00, v30;
	v32 =	vsub.f32 $1.500000000e+00, v32  }
0x21e: {  	v37 =	vmul.f32 $8.000000000e+00, v37;
	v33 =	vsub.f32 $1.500000000e+00, v33;
	v31 =	vsub.f32 $1.500000000e+00, v31  }
0x21f: {  	vm0 =	vlt.f32 v27, $6.173613070e-01;
	v15 =	vmul.f32 v30, v15;
	v27 =	vmul.f32 v32, v34  }
0x220: {  	vm1 =	vlt.f32 v28, $1.372054070e-01;
	v30 =	vmul.f32 v33, v35;
	v14 =	vmul.f32 v31, v14  }
0x221: {  	v11 =	vsub.f32 v46, v11;
	v15 =	vmul.f32 v15, v29;
	v27 =	vmul.f32 v27, v28  }
0x222: {  	v12 =	vsub.f32 v47, v12;
	v14 =	vmul.f32 v14, v26;
	v28 =	vmul.f32 v30, v22  }
0x223: {  	v11 =	vmul.f32 $8.000000000e+00, v11;
	v15 =	vadd.f32 $-4.000000060e-01, v15;
	v26 =	vadd.f32 $-5.749999880e-01, v27  }
0x224: {  	v12 =	vmul.f32 $8.000000000e+00, v12;
	v14 =	vadd.f32 $-4.000000060e-01, v14;
	v29 =	vadd.f32 $-5.749999880e-01, v28  }
0x225: {  	v28 =	vadd.f32 $-4.000000060e-01, v28;
	v15 =	vmul.f32 $4.000000000e+00, v15;
	v26 =	vmul.f32 $4.000000000e+00, v26  }
0x226: {  	v27 =	vadd.f32 $-4.000000060e-01, v27;
	v14 =	vmul.f32 $4.000000000e+00, v14;
	v29 =	vmul.f32 $4.000000000e+00, v29  }
0x227: {  	v28 =	vmul.f32 $4.000000000e+00, v28;
	v31 =	vsub.f32 $0.0e+00, v15;
	v30 =	vsub.f32 $0.0e+00, v26  }
0x228: {  	v27 =	vmul.f32 $4.000000000e+00, v27;
	v33 =	vsub.f32 $0.0e+00, v14;
	v32 =	vsub.f32 $0.0e+00, v29  }
0x229: {  	v34 =	vsub.f32 $0.0e+00, v28;
	v15 =	vmul.f32 v31, v15;
	v26 =	vmul.f32 v30, v26  }
0x22a: {  	v14 =	vmul.f32 v33, v14;
	v29 =	vmul.f32 v32, v29;
	v30 =	vsub.f32 $0.0e+00, v27  }
0x22b: {  	vm2 =	vlt.f32 v21, $3.341625630e-01;
	v28 =	vmul.f32 v34, v28;
	v21 =	vmul.f32 $1.442695020e+00, v26  }
0x22c: {  	vm4 =	vlt.f32 v20, $3.341625630e-01;
	v26 =	vmul.f32 $1.442695020e+00, v29;
	v20 =	vmul.f32 v30, v27  }
0x22d: {  	vm3 =	vlt.f32 v19, $6.173613070e-01;
	v19 =	vmul.f32 $1.442695020e+00, v28;
	(erf) = vpow2.f32 v21  }
0x22e: {  	vm5 =	vlt.f32 v22, $1.372054070e-01;
	v14 =	vmul.f32 $1.442695020e+00, v14;
	(erf) = vpow2.f32 v26  }
0x22f: {  	v10 =	vsub.f32 v48, v10;
	v20 =	vmul.f32 $1.442695020e+00, v20;
	(erf) = vpow2.f32 v19  }
0x230: {  	vm6 =	vlt.f32 v18, $3.341625630e-01;
	v15 =	vmul.f32 $1.442695020e+00, v15;
	(erf) = vpow2.f32 v14  }
0x231: {  	v13 =	vsub.f32 v49, v13;
	v10 =	vmul.f32 $8.000000000e+00, v10;
	(erf) = vpow2.f32 v20  }
0x232: {  	v8 =	vadd.f32 $2.000000000e+00, v8;
	v9 =	vadd.f32 $2.000000000e+00, v9;
	(erf) = vpow2.f32 v15  }
0x233: {  	v13 =	vmul.f32 $8.000000000e+00, v13;
	v14 =	vadd.f32 $2.000000000e+00, v36;
	v15 =	vadd.f32 $2.000000000e+00, v37  }
0x234: {  	vm7 =	vlt.f32 v17, $3.341625630e-01;
	v11 =	vadd.f32 $2.000000000e+00, v11;
	v12 =	vadd.f32 $2.000000000e+00, v12  }
0x235: {  	v8 =	vnsel vm0, $0x0, v8;
	v10 =	vadd.f32 $2.000000000e+00, v10;
	v13 =	vadd.f32 $2.000000000e+00, v13  }
0x236: {  	v9 =	vnsel vm1, $0x0, v9;
	v19 =	vnsel vm2, $0x0, v14;
	v15 =	vnsel vm4, $0x0, v15;
	v17 =	vpop (erf)  }
0x237: {  	v11 =	vnsel vm3, $0x0, v11;
	v12 =	vnsel vm5, $0x0, v12;
	v10 =	vnsel vm6, $0x0, v10;
	v18 =	vpop (erf)  }
0x238: {  	v8 =	vadd.f32 v9, v8;
	v20 =	vnsel vm7, $0x0, v13;
	v15 =	vadd.f32 v15, v19;
	v14 =	vpop (erf)  }
0x239: {  	v10 =	vadd.f32 v20, v10;
	v19 =	vadd.f32 v12, v11;
	v12 =	vmul.f32 v14, v25;
	v13 =	vpop (erf)  }
0x23a: {  	v8 =	vadd.f32 v15, v8;
	v14 =	vsub.f32 $0.0e+00, v18;
	v13 =	vmul.f32 $1.299999950e+00, v13;
	v9 =	vpop (erf)  }
0x23b: {  	v10 =	vadd.f32 v10, v19;
	v7 =	vmul.f32 v12, v7;
	v9 =	vmul.f32 v9, v23;
	v11 =	vpop (erf)  }
0x23c: {  	v12 =	vmul.f32 v14, v5;
	v14 =	vsub.f32 $0.0e+00, v17;
	v11 =	vmul.f32 $1.299999950e+00, v11  }
0x23d: {  	v7 =	vadd.f32 v7, v10;
	v10 =	vmul.f32 v13, v5;
	v6 =	vmul.f32 v9, v6  }
0x23e: {  	v9 =	vor.u32 v0, v24;
	v13 =	vmul.f32 v14, v4;
	v11 =	vmul.f32 v11, v4  }
0x23f: {  	v7 =	vadd.f32 v7, v12;
	v5 =	vmul.f32 v10, v5;
	v6 =	vadd.f32 v6, v8  }
0x240: {  	v8 =	vor.u32 $0x8, v16  }
0x241: {  	v4 =	vmul.f32 v11, v4;
	v12 =	vld.idx.msk [tilespmem:v16+s13+$0x0], $0xffff;
	v5 =	vsub.f32 v7, v5;
	v6 =	vadd.f32 v6, v13  }
0x242: {  	v7 =	vor.u32 $0x8, v9;
	v13 =	vld.idx.msk [tilespmem:v16+s14+$0x0], $0xffff  }
0x243: {  	v14 =	vld.idx.msk [tilespmem:v9+s13+$0x0], $0xffff;
	v3 =	vadd.f32 v5, v3;
	v4 =	vsub.f32 v6, v4  }
0x244: {  	v5 =	vor.u32 $0x6, v16;
	v15 =	vld.idx.msk [tilespmem:v9+s14+$0x0], $0xffff  }
0x245: {  	v6 =	vor.u32 $0x7, v16;
	v10 =	vld.idx.msk [tilespmem:v8+s13+$0x0], $0xffff;
	v3 =	vadd.f32 v4, v3  }
0x246: {  	v4 =	vld.idx.msk [tilespmem:v8+s14+$0x0], $0xffff  }
0x247: {  	v8 =	vld.idx.msk [tilespmem:v7+s13+$0x0], $0xffff  }
0x248: {  	v11 =	vor.u32 $0x6, v9;
	v7 =	vld.idx.msk [tilespmem:v7+s14+$0x0], $0xffff  }
0x249: {  	v17 =	vor.u32 $0x7, v9;
	v18 =	vld.idx.msk [tilespmem:v5+s13+$0x0], $0xffff  }
0x24a: {  	v19 =	vld.idx.msk [tilespmem:v6+s13+$0x0], $0xffff  }
0x24b: {  	v5 =	vld.idx.msk [tilespmem:v5+s14+$0x0], $0xffff  }
0x24c: {  	v20 =	vor.u32 $0x9, v16;
	v21 =	vld.idx.msk [tilespmem:v6+s14+$0x0], $0xffff  }
0x24d: {  	v22 =	vld.idx.msk [tilespmem:v11+s13+$0x0], $0xffff  }
0x24e: {  	v6 =	vor.u32 $0x9, v9;
	v23 =	vld.idx.msk [tilespmem:v17+s13+$0x0], $0xffff  }
0x24f: {  	v24 =	vld.idx.msk [tilespmem:v11+s14+$0x0], $0xffff  }
0x250: {  	v11 =	vor.u32 $0x5, v16;
	v17 =	vld.idx.msk [tilespmem:v17+s14+$0x0], $0xffff  }
0x251: {  	v25 =	vld.idx.msk [tilespmem:v20+s14+$0x0], $0xffff  }
0x252: {  	v26 =	vor.u32 $0x5, v9;
	v20 =	vld.idx.msk [tilespmem:v20+s13+$0x0], $0xffff  }
0x253: {  	v27 =	vld.idx.msk [tilespmem:v6+s14+$0x0], $0xffff  }
0x254: {  	v28 =	vld.idx.msk [tilespmem:v6+s13+$0x0], $0xffff;
	v6 =	vor.u32 $0x2, v16  }
0x255: {  	v29 =	vor.u32 $0x3, v16;
	v30 =	vld.idx.msk [tilespmem:v11+s13+$0x0], $0xffff  }
0x256: {  	v31 =	vor.u32 $0x4, v16;
	v32 =	vld.idx.msk [tilespmem:v11+s14+$0x0], $0xffff  }
0x257: {  	v33 =	vld.idx.msk [tilespmem:v26+s13+$0x0], $0xffff  }
0x258: {  	v26 =	vld.idx.msk [tilespmem:v26+s14+$0x0], $0xffff  }
0x259: {  	v34 =	vld.idx.msk [tilespmem:v6+s13+$0x0], $0xffff  }
0x25a: {  	v11 =	vor.u32 $0x3, v9;
	v35 =	vld.idx.msk [tilespmem:v29+s13+$0x0], $0xffff  }
0x25b: {  	v36 =	vor.u32 $0x4, v9;
	v37 =	vld.idx.msk [tilespmem:v31+s13+$0x0], $0xffff  }
0x25c: {  	v38 =	vld.idx.msk [tilespmem:v6+s14+$0x0], $0xffff  }
0x25d: {  	v29 =	vld.idx.msk [tilespmem:v29+s14+$0x0], $0xffff  }
0x25e: {  	v39 =	vor.u32 $0x2, v9;
	v31 =	vld.idx.msk [tilespmem:v31+s14+$0x0], $0xffff  }
0x25f: {  	v40 =	vld.idx.msk [tilespmem:v11+s13+$0x0], $0xffff  }
0x260: {  	v16 =	vor.u32 $0x1, v16;
	v41 =	vld.idx.msk [tilespmem:v36+s13+$0x0], $0xffff  }
0x261: {  	v4 =	vmul.f32 v4, v10;
	v42 =	vld.idx.msk [tilespmem:v11+s14+$0x0], $0xffff  }
0x262: {  	v43 =	vor.u32 $0x1, v9;
	v6 =	vmul.f32 v7, v8;
	v8 =	vmul.f32 v5, v18;
	v36 =	vld.idx.msk [tilespmem:v36+s14+$0x0], $0xffff  }
0x263: {  	v5 =	vmul.f32 v32, v30;
	v11 =	vmul.f32 v21, v19;
	v18 =	vld.idx.msk [tilespmem:v39+s13+$0x0], $0xffff  }
0x264: {  	v10 =	vmul.f32 v17, v23;
	v9 =	vmul.f32 v24, v22;
	v21 =	vsub.f32 v13, v12;
	v19 =	vld.idx.msk [tilespmem:v39+s14+$0x0], $0xffff  }
0x265: {  	v22 =	vsub.f32 v15, v14;
	v7 =	vmul.f32 v26, v33;
	v12 =	vmul.f32 v29, v35;
	v17 =	vld.idx.msk [tilespmem:v16+s13+$0x0], $0xffff  }
0x266: {  	v24 =	vadd.f32 v32, v30;
	v23 =	vadd.f32 v26, v33;
	v13 =	vmul.f32 v31, v37;
	v16 =	vld.idx.msk [tilespmem:v16+s14+$0x0], $0xffff  }
0x267: {  	v44 =	vadd.f32 v29, v35;
	v45 =	vadd.f32 v31, v37;
	v14 =	vmul.f32 v42, v40;
	v39 =	vld.idx.msk [tilespmem:v43+s13+$0x0], $0xffff  }
0x268: {  	v46 =	vadd.f32 v42, v40;
	v47 =	vadd.f32 v36, v41;
	v15 =	vmul.f32 v36, v41;
	v43 =	vld.idx.msk [tilespmem:v43+s14+$0x0], $0xffff  }
0x269: {  	v25 =	vtrunc.f32 v25;
	v30 =	vsub.f32 v32, v30;
	v26 =	vsub.f32 v26, v33  }
0x26a: {  	v20 =	vtrunc.f32 v20;
	v32 =	vsub.f32 v38, v34;
	v29 =	vsub.f32 v29, v35  }
0x26b: {  	v33 =	vsub.f32 v19, v18;
	v18 =	vtrunc.f32 v27;
	v19 =	vsub.f32 v31, v37  }
0x26c: {  	v28 =	vtrunc.f32 v28;
	v27 =	vsub.f32 v42, v40;
	v31 =	vsub.f32 v36, v41  }
0x26d: {  	v20 =	vcvt.f32.s32 v20;
	v34 =	vsub.f32 v16, v17;
	v16 =	vcvt.f32.s32 v25  }
0x26e: {  	v28 =	vcvt.f32.s32 v28;
	v17 =	vcvt.f32.s32 v18;
	v25 =	vsub.f32 v43, v39  }
0x26f: {  	vm0 =	vgt.f32 v21, $2.500000000e+01;
	v35 =	vadd.f32 $-5.000000000e+01, v21;
	vm5 =	vlt.f32 v21, $-2.500000000e+01  }
0x270: {  	vm1 =	vgt.f32 v22, $2.500000000e+01;
	v24 =	vmul.f32 $4.000000060e-01, v24;
	v36 =	vadd.f32 $5.000000000e+01, v21  }
0x271: {  	v23 =	vmul.f32 $4.000000060e-01, v23;
	v38 =	vmul.f32 $4.000000060e-01, v44;
	v37 =	vadd.f32 $-5.000000000e+01, v22  }
0x272: {  	vm7 =	vlt.f32 v22, $-2.500000000e+01;
	v40 =	vmul.f32 $4.000000060e-01, v45;
	v39 =	vmul.f32 $4.000000060e-01, v46  }
0x273: {  	v41 =	vadd.f32 $5.000000000e+01, v22;
	v42 =	vmul.f32 $4.000000060e-01, v47;
	v43 =	vmul.f32 $3.400000040e-01, v30  }
0x274: {  	vm3 =	vgt.f32 v32, $2.500000000e+01;
	v44 =	vmul.f32 $3.400000040e-01, v26;
	v30 =	vmul.f32 $4.000000060e-01, v30  }
0x275: {  	v45 =	vadd.f32 $-5.000000000e+01, v32;
	v47 =	vmul.f32 $3.400000040e-01, v19;
	v46 =	vmul.f32 $3.400000040e-01, v29  }
0x276: {  	vm8 =	vlt.f32 v32, $-2.500000000e+01;
	v26 =	vmul.f32 $4.000000060e-01, v26;
	vm4 =	vgt.f32 v33, $2.500000000e+01  }
0x277: {  	v48 =	vmul.f32 $3.400000040e-01, v27;
	v49 =	vmul.f32 $3.400000040e-01, v31;
	vm2 =	vgt.f32 v34, $2.500000000e+01  }
0x278: {  	v50 =	vadd.f32 $5.000000000e+01, v32;
	v51 =	vmul.f32 $4.000000060e-01, v19;
	v29 =	vmul.f32 $4.000000060e-01, v29  }
0x279: {  	v52 =	vadd.f32 $-5.000000000e+01, v33;
	vm10 =	vlt.f32 v33, $-2.500000000e+01;
	v53 =	vadd.f32 $-5.000000000e+01, v34  }
0x27a: {  	v54 =	vadd.f32 $5.000000000e+01, v33;
	vm11 =	vlt.f32 v34, $-2.500000000e+01;
	vm6 =	vgt.f32 v25, $2.500000000e+01  }
0x27b: {  	v27 =	vmul.f32 $4.000000060e-01, v27;
	v31 =	vmul.f32 $4.000000060e-01, v31;
	v55 =	vadd.f32 $5.000000000e+01, v34  }
0x27c: {  	v56 =	vadd.f32 $-5.000000000e+01, v25;
	vm9 =	vlt.f32 v25, $-2.500000000e+01;
	v57 =	vadd.f32 $5.000000000e+01, v25  }
0x27d: {  	v19 =	vsel vm5, v36, v21;
	v18 =	vadd.s32 v28, v17;
	v36 =	vadd.s32 v20, v16  }
0x27e: {  	v21 =	vsel vm7, v41, v22;
	v22 =	vsel vm0, v35, v19;
	v19 =	vshll.u32 v20, $0x2  }
0x27f: {  	v20 =	vsel vm1, v37, v21;
	v35 =	vadd.f32 v38, v22;
	v21 =	vsub.f32 v22, v29  }
0x280: {  	v32 =	vsel vm8, v50, v32;
	v38 =	vsub.f32 v22, v38;
	v37 =	vsub.f32 v20, v27  }
0x281: {  	v33 =	vsel vm10, v54, v33;
	v41 =	vadd.f32 v39, v20;
	v39 =	vsub.f32 v20, v39  }
0x282: {  	v48 =	vadd.f32 v48, v20;
	v34 =	vsel vm11, v55, v34;
	v46 =	vadd.f32 v46, v22  }
0x283: {  	v20 =	vadd.f32 v27, v20;
	v27 =	vsel vm3, v45, v32;
	v29 =	vadd.f32 v29, v22  }
0x284: {  	v32 =	vsel vm4, v52, v33;
	v33 =	vsub.f32 v27, v30;
	v45 =	vadd.f32 v24, v27  }
0x285: {  	v24 =	vsub.f32 v27, v24;
	v22 =	vsel vm9, v57, v25;
	v25 =	vsub.f32 v32, v26  }
0x286: {  	v50 =	vadd.f32 v23, v32;
	v23 =	vsub.f32 v32, v23;
	v34 =	vsel vm2, v53, v34  }
0x287: {  	v53 =	vsub.f32 v34, v51;
	v54 =	vadd.f32 v40, v34;
	v52 =	vsel vm6, v56, v22  }
0x288: {  	v22 =	vshll.u32 v28, $0x2;
	v28 =	vsub.f32 v34, v40;
	v55 =	vsub.f32 v52, v31  }
0x289: {  	v35 =	vmul.f32 v35, v35;
	v21 =	vmul.f32 v21, v21;
	v40 =	vadd.f32 v42, v52  }
0x28a: {  	v38 =	vmul.f32 v38, v38;
	v37 =	vmul.f32 v37, v37;
	v42 =	vsub.f32 v52, v42  }
0x28b: {  	v43 =	vadd.f32 v43, v27;
	v41 =	vmul.f32 v41, v41;
	v39 =	vmul.f32 v39, v39  }
0x28c: {  	v44 =	vadd.f32 v44, v32;
	v48 =	vmul.f32 v48, v48;
	v46 =	vmul.f32 v46, v46  }
0x28d: {  	v27 =	vadd.f32 v30, v27;
	v20 =	vmul.f32 v20, v20;
	v29 =	vmul.f32 v29, v29  }
0x28e: {  	v30 =	vmul.f32 v33, v33;
	v33 =	vmul.f32 v45, v45;
	v45 =	vadd.f32 v47, v34  }
0x28f: {  	v32 =	vadd.f32 v26, v32;
	v24 =	vmul.f32 v24, v24;
	v25 =	vmul.f32 v25, v25  }
0x290: {  	v26 =	vmul.f32 v50, v50;
	v47 =	vadd.f32 v49, v52;
	v49 =	vmul.f32 v53, v53  }
0x291: {  	v34 =	vadd.f32 v51, v34;
	v50 =	vmul.f32 v54, v54;
	v28 =	vmul.f32 v28, v28  }
0x292: {  	v31 =	vadd.f32 v31, v52;
	v51 =	vmul.f32 v55, v55;
	v40 =	vmul.f32 v40, v40  }
0x293: {  	v42 =	vmul.f32 v42, v42;
	v49 =	vadd.f32 v49, v21;
	v21 =	vmul.f32 v45, v45  }
0x294: {  	v45 =	vmul.f32 v47, v47;
	v35 =	vadd.f32 v50, v35;
	v38 =	vadd.f32 v28, v38  }
0x295: {  	v28 =	vmul.f32 v34, v34;
	v37 =	vadd.f32 v51, v37;
	v40 =	vadd.f32 v40, v41  }
0x296: {  	v31 =	vmul.f32 v31, v31;
	v34 =	vadd.f32 v42, v39;
	v39 =	vadd.f32 v21, v46  }
0x297: {  	v23 =	vmul.f32 v23, v23;
	v41 =	vadd.f32 v45, v48;
	v42 =	vadd.f32 v28, v29  }
.Ltmp1:
0x298: {  	v21 =	vadd.f32 v31, v20;
	v20 =	vadd.f32 v30, v49;
	v29 =	vmul.f32 v43, v43;
	(pc) =	sbr.rel @p0 .LBB2_5-.Ltmp1, $4  }
0x299: {  	v43 =	vmul.f32 v44, v44;
	v28 =	vadd.f32 v33, v35;
	v30 =	vadd.f32 v24, v38  }
0x29a: {  	v27 =	vmul.f32 v27, v27;
	v24 =	vadd.f32 v25, v37;
	v26 =	vadd.f32 v26, v40  }
0x29b: {  	v25 =	vmul.f32 v32, v32;
	v31 =	vadd.f32 v23, v34;
	v23 =	vadd.f32 v29, v39  }
0x29c: {  	s28 =	sadd.s32 $0x20, s28;
	vm1 =	veq.s32 v36, $0x3;
	v29 =	vadd.f32 v43, v41;
	v32 =	vadd.f32 v27, v42  }
0x29d: {  	v33 =	vadd.f32 v25, v21  }
0x29e: {  	vm0 =	veq.s32 v18, $0x3;
	v25 =	vadd.f32 $9.999999960e-13, v20;
	v21 =	vadd.f32 $9.999999960e-13, v28  }
0x29f: {  	v20 =	vadd.f32 $9.999999960e-13, v30;
	v62 =	vadd.s32 v16, v19;
	v19 =	vadd.f32 $9.999999960e-13, v24  }
0x2a0: {  	v18 =	vadd.f32 $9.999999960e-13, v26;
	v17 =	vadd.s32 v17, v22;
	v16 =	vadd.f32 $9.999999960e-13, v31  }
0x2a1: {  	v63 =	vsel vm1, $0x3F800000, v2;
	v27 =	vadd.f32 $9.999999960e-13, v23;
	v26 =	vadd.f32 $9.999999960e-13, v32  }
0x2a2: {  	v24 =	vadd.f32 $9.999999960e-13, v29;
	v40 =	vsel vm0, $0x3F800000, v2;
	v42 =	vmax.f32 v25, $4.900000060e-03  }
0x2a3: {  	v22 =	vadd.f32 $9.999999960e-13, v33;
	v44 =	vmax.f32 v21, $2.652250000e-03;
	v45 =	vmax.f32 v20, $2.652250000e-03  }
0x2a4: {  	v46 =	vmax.f32 v19, $4.900000060e-03;
	v50 =	vshra.s32 v27, $0x1;
	v34 =	vmul.f32 $5.000000000e-01, v27  }
0x2a5: {  	v43 =	vmax.f32 v26, $1.089000030e-03;
	(erf) = vrcp.f32 v42;
	v51 =	vshra.s32 v24, $0x1  }
0x2a6: {  	v35 =	vmul.f32 $5.000000000e-01, v24;
	v52 =	vshra.s32 v26, $0x1;
	v36 =	vmul.f32 $5.000000000e-01, v26  }
0x2a7: {  	v31 =	vsub.s32 $0x5F3759DF, v50;
	(erf) = vrcp.f32 v43;
	v53 =	vshra.s32 v22, $0x1  }
0x2a8: {  	v37 =	vmul.f32 $5.000000000e-01, v22;
	v29 =	vsub.s32 $0x5F3759DF, v51;
	v38 =	vmul.f32 v31, v34  }
0x2a9: {  	v32 =	vsub.s32 $0x5F3759DF, v52;
	(erf) = vrcp.f32 v44;
	v55 =	vmul.f32 v29, v35  }
0x2aa: {  	v28 =	vld.idx.msk [tilespmem:v62+s9+$0x0], $0xffff;
	v54 =	vsub.s32 $0x5F3759DF, v53;
	v41 =	vmul.f32 v32, v36;
	(erf) = vrcp.f32 v45  }
0x2ab: {  	v48 =	vmax.f32 v18, $2.652250000e-03;
	v17 =	vld.idx.msk [tilespmem:v17+s9+$0x0], $0xffff;
	v39 =	vmul.f32 v54, v37;
	v38 =	vmul.f32 v31, v38  }
0x2ac: {  	v47 =	vmax.f32 v22, $1.089000030e-03;
	(erf) = vrcp.f32 v46;
	v23 =	vmul.f32 v29, v55  }
0x2ad: {  	v49 =	vmax.f32 v16, $2.652250000e-03;
	v41 =	vmul.f32 v32, v41;
	(erf) = vrcp.f32 v47  }
0x2ae: {  	v39 =	vmul.f32 v54, v39;
	v56 =	vsub.f32 $1.500000000e+00, v38;
	v45 =	vsub.f32 $1.500000000e+00, v23  }
0x2af: {  	(erf) = vrcp.f32 v48;
	v59 =	vsub.f32 $1.500000000e+00, v41;
	v28 =	vsub.f32 $0.0e+00, v28  }
0x2b0: {  	(erf) = vrcp.f32 v49;
	v43 =	vsub.f32 $0.0e+00, v17;
	v29 =	vmul.f32 v29, v45  }
0x2b1: {  	v58 =	vsub.f32 $1.500000000e+00, v39;
	v32 =	vmul.f32 v32, v59;
	v17 =	vmul.f32 v63, v28  }
0x2b2: {  	v42 =	vpop (erf);
	v23 =	vmul.f32 v40, v43;
	v28 =	vmul.f32 v31, v56  }
0x2b3: {  	v8 =	vadd.f32 v11, v8;
	v33 =	vmul.f32 v54, v58;
	v39 =	vmul.f32 $4.900000100e-01, v42  }
0x2b4: {  	v9 =	vadd.f32 v10, v9;
	v44 =	vpop (erf);
	v53 =	vmul.f32 v29, v35;
	v56 =	vmul.f32 v32, v36  }
0x2b5: {  	v12 =	vadd.f32 v13, v12;
	v57 =	vpop (erf);
	v63 =	vmul.f32 $1.089000030e-01, v44;
	v54 =	vmul.f32 v28, v34  }
0x2b6: {  	v4 =	vadd.f32 v4, v8;
	v55 =	vmul.f32 v33, v37;
	v30 =	vmul.f32 $2.652249930e-01, v57  }
0x2b7: {  	v52 =	vadd.f32 v15, v14;
	v60 =	vpop (erf);
	v57 =	vmul.f32 v39, v39;
	v14 =	vmul.f32 v53, v29  }
0x2b8: {  	v6 =	vadd.f32 v6, v9;
	v43 =	vmul.f32 v56, v32;
	v40 =	vmul.f32 $2.652249930e-01, v60  }
0x2b9: {  	v5 =	vadd.f32 v5, v12;
	v61 =	vpop (erf);
	v58 =	vmul.f32 v63, v63;
	v15 =	vmul.f32 v54, v28  }
0x2ba: {  	vm14 =	vlt.f32 v25, $6.173613070e-01;
	v42 =	vmul.f32 v55, v33;
	v31 =	vmul.f32 $4.900000100e-01, v61  }
0x2bb: {  	vm2 =	vlt.f32 v21, $3.341625630e-01;
	v62 =	vpop (erf);
	v59 =	vmul.f32 v30, v30;
	v8 =	vmul.f32 v57, v39  }
0x2bc: {  	vm3 =	vlt.f32 v20, $3.341625630e-01;
	v50 =	vpop (erf);
	v38 =	vmul.f32 $1.089000030e-01, v62;
	v60 =	vmul.f32 v40, v40  }
0x2bd: {  	v14 =	vsub.f32 $1.500000000e+00, v14;
	v9 =	vmul.f32 v58, v63;
	v10 =	vmul.f32 $2.652249930e-01, v50  }
0x2be: {  	v7 =	vadd.f32 v7, v52;
	v61 =	vmul.f32 v31, v31;
	v30 =	vmul.f32 v59, v30  }
0x2bf: {  	v15 =	vsub.f32 $1.500000000e+00, v15;
	v51 =	vpop (erf);
	v52 =	vmul.f32 v8, v8;
	v14 =	vmul.f32 v14, v29  }
0x2c0: {  	v42 =	vsub.f32 $1.500000000e+00, v42;
	v11 =	vmul.f32 $2.652249930e-01, v51;
	v46 =	vmul.f32 v38, v38  }
0x2c1: {  	v43 =	vsub.f32 $1.500000000e+00, v43;
	v63 =	vmul.f32 v60, v40;
	v53 =	vmul.f32 v9, v9  }
0x2c2: {  	vm4 =	vlt.f32 v19, $6.173613070e-01;
	v15 =	vmul.f32 v15, v28;
	v59 =	vmul.f32 v42, v33  }
0x2c3: {  	vm6 =	vlt.f32 v18, $3.341625630e-01;
	v60 =	vmul.f32 v43, v32;
	v62 =	vmul.f32 v10, v10  }
0x2c4: {  	vm7 =	vlt.f32 v16, $3.341625630e-01;
	v12 =	vmul.f32 v61, v31;
	v54 =	vmul.f32 v30, v30  }
0x2c5: {  	vm15 =	vlt.f32 v26, $1.372054070e-01;
	v29 =	vmul.f32 v14, v35;
	v47 =	vmul.f32 v11, v11  }
0x2c6: {  	v4 =	vmax.f32 v4, $0.0e+00;
	v31 =	vmul.f32 v46, v38;
	v55 =	vmul.f32 v63, v63  }
0x2c7: {  	v8 =	vsub.f32 v52, v8;
	v61 =	vmul.f32 v15, v34;
	v33 =	vmul.f32 v59, v37  }
0x2c8: {  	v6 =	vmax.f32 v6, $0.0e+00;
	v49 =	vmul.f32 v62, v10;
	v56 =	vmul.f32 v12, v12  }
0x2c9: {  	v9 =	vsub.f32 v53, v9;
	v62 =	vmul.f32 v60, v36;
	v8 =	vmul.f32 $8.000000000e+00, v8  }
0x2ca: {  	vm5 =	vlt.f32 v22, $1.372054070e-01;
	v29 =	vmul.f32 v29, v14;
	v50 =	vmul.f32 v47, v11  }
0x2cb: {  	v4 =	vmin.f32 v4, $1.000000000e+00;
	v57 =	vmul.f32 v31, v31;
	v9 =	vmul.f32 $8.000000000e+00, v9  }
0x2cc: {  	v30 =	vsub.f32 v54, v30;
	v32 =	vmul.f32 v61, v15;
	v34 =	vmul.f32 v62, v60  }
0x2cd: {  	v7 =	vxor.u32 $0x80000000, v7;
	v33 =	vmul.f32 v33, v59;
	v58 =	vmul.f32 v49, v49  }
0x2ce: {  	v30 =	vmul.f32 $8.000000000e+00, v30;
	v29 =	vsub.f32 $1.500000000e+00, v29;
	v34 =	vsub.f32 $1.500000000e+00, v34  }
0x2cf: {  	v47 =	vmul.f32 v50, v50;
	v32 =	vsub.f32 $1.500000000e+00, v32;
	v33 =	vsub.f32 $1.500000000e+00, v33  }
0x2d0: {  	v48 =	vxor.u32 $0x80000000, v5;
	v14 =	vmul.f32 v29, v14;
	v13 =	vmul.f32 v34, v60  }
0x2d1: {  	v5 =	vmin.f32 v6, $1.000000000e+00;
	v15 =	vmul.f32 v32, v15;
	v32 =	vmul.f32 v33, v59  }
0x2d2: {  	v63 =	vsub.f32 v55, v63;
	v14 =	vmul.f32 v14, v24;
	v13 =	vmul.f32 v13, v26  }
0x2d3: {  	v12 =	vsub.f32 v56, v12;
	v15 =	vmul.f32 v15, v27;
	v25 =	vmul.f32 v32, v22  }
0x2d4: {  	v35 =	vmul.f32 $8.000000000e+00, v63;
	v14 =	vadd.f32 $-4.000000060e-01, v14;
	v34 =	vadd.f32 $-5.749999880e-01, v13  }
0x2d5: {  	v12 =	vmul.f32 $8.000000000e+00, v12;
	v15 =	vadd.f32 $-4.000000060e-01, v15;
	v36 =	vadd.f32 $-5.749999880e-01, v25  }
0x2d6: {  	v25 =	vadd.f32 $-4.000000060e-01, v25;
	v14 =	vmul.f32 $4.000000000e+00, v14;
	v24 =	vmul.f32 $4.000000000e+00, v34  }
0x2d7: {  	v13 =	vadd.f32 $-4.000000060e-01, v13;
	v15 =	vmul.f32 $4.000000000e+00, v15;
	v27 =	vmul.f32 $4.000000000e+00, v36  }
0x2d8: {  	v25 =	vmul.f32 $4.000000000e+00, v25;
	v40 =	vsub.f32 $0.0e+00, v14;
	v37 =	vsub.f32 $0.0e+00, v24  }
0x2d9: {  	v13 =	vmul.f32 $4.000000000e+00, v13;
	v38 =	vsub.f32 $0.0e+00, v15;
	v39 =	vsub.f32 $0.0e+00, v27  }
0x2da: {  	v41 =	vsub.f32 $0.0e+00, v25;
	v14 =	vmul.f32 v40, v14;
	v24 =	vmul.f32 v37, v24  }
0x2db: {  	v42 =	vsub.f32 $0.0e+00, v13;
	v15 =	vmul.f32 v38, v15;
	v27 =	vmul.f32 v39, v27  }
0x2dc: {  	v7 =	vmax.f32 v7, $0.0e+00;
	v25 =	vmul.f32 v41, v25;
	v43 =	vmul.f32 $1.442695020e+00, v24  }
0x2dd: {  	v7 =	vmin.f32 v7, $1.000000000e+00;
	v13 =	vmul.f32 v42, v13;
	v44 =	vmul.f32 $1.442695020e+00, v27  }
0x2de: {  	v51 =	vmax.f32 v48, $0.0e+00;
	v45 =	vmul.f32 $1.442695020e+00, v25;
	(erf) = vpow2.f32 v43  }
0x2df: {  	v8 =	vadd.f32 $2.000000000e+00, v8;
	v14 =	vmul.f32 $1.442695020e+00, v14;
	(erf) = vpow2.f32 v44  }
0x2e0: {  	v9 =	vadd.f32 $2.000000000e+00, v9;
	v13 =	vmul.f32 $1.442695020e+00, v13;
	(erf) = vpow2.f32 v45  }
0x2e1: {  	v6 =	vsub.f32 v58, v49;
	v15 =	vmul.f32 $1.442695020e+00, v15;
	(erf) = vpow2.f32 v14  }
0x2e2: {  	v46 =	vadd.f32 $2.000000000e+00, v30;
	v8 =	vnsel vm14, $0x0, v8;
	(erf) = vpow2.f32 v13  }
0x2e3: {  	v33 =	vsub.f32 v57, v31;
	v10 =	vsub.f32 v47, v50;
	(erf) = vpow2.f32 v15  }
0x2e4: {  	v47 =	vadd.f32 $2.000000000e+00, v35;
	v9 =	vnsel vm15, $0x0, v9;
	v6 =	vmul.f32 $8.000000000e+00, v6  }
0x2e5: {  	v12 =	vadd.f32 $2.000000000e+00, v12;
	v10 =	vmul.f32 $8.000000000e+00, v10;
	v26 =	vmul.f32 $8.000000000e+00, v33  }
0x2e6: {  	v11 =	vmin.f32 v51, $1.000000000e+00;
	v8 =	vadd.f32 v9, v8;
	v6 =	vadd.f32 $2.000000000e+00, v6  }
0x2e7: {  	v12 =	vnsel vm4, $0x0, v12;
	v10 =	vadd.f32 $2.000000000e+00, v10;
	v48 =	vadd.f32 $2.000000000e+00, v26;
	v49 =	vpop (erf)  }
0x2e8: {  	v6 =	vnsel vm6, $0x0, v6;
	v14 =	vnsel vm3, $0x0, v47;
	v13 =	vnsel vm2, $0x0, v46;
	v50 =	vpop (erf)  }
0x2e9: {  	v10 =	vnsel vm7, $0x0, v10;
	v15 =	vnsel vm5, $0x0, v48;
	v51 =	vadd.f32 v14, v13;
	v52 =	vpop (erf)  }
0x2ea: {  	v6 =	vadd.f32 v10, v6;
	v12 =	vadd.f32 v15, v12;
	v53 =	vmul.f32 v52, v23;
	v54 =	vpop (erf)  }
0x2eb: {  	v8 =	vadd.f32 v51, v8;
	v55 =	vsub.f32 $0.0e+00, v50;
	v13 =	vmul.f32 $1.299999950e+00, v54;
	v56 =	vpop (erf)  }
0x2ec: {  	v6 =	vadd.f32 v6, v12;
	v7 =	vmul.f32 v53, v7;
	v9 =	vmul.f32 v56, v17;
	v57 =	vpop (erf)  }
0x2ed: {  	v59 =	vsub.f32 $0.0e+00, v49;
	v58 =	vmul.f32 v55, v5;
	v10 =	vmul.f32 $1.299999950e+00, v57  }
0x2ee: {  	v60 =	vmul.f32 v13, v5;
	v6 =	vadd.f32 v7, v6;
	v9 =	vmul.f32 v9, v11  }
0x2ef: {  	v61 =	vmul.f32 v59, v4;
	v10 =	vmul.f32 v10, v4  }
0x2f0: {  	s26 =	sadd.s32 $0x1, s26;
	v5 =	vmul.f32 v60, v5;
	v6 =	vadd.f32 v6, v58;
	v62 =	vadd.f32 v9, v8  }
0x2f1: {  	p0 =	sne.s32 s26, $0x14  }
.Ltmp2:
0x2f2: {  	v4 =	vmul.f32 v10, v4;
	v5 =	vsub.f32 v6, v5;
	v63 =	vadd.f32 v62, v61;
	(pc) =	sbr.rel @p0 .LBB2_2-.Ltmp2, $3  }
0x2f3: {  	_ = 	snop  }
0x2f4: {  	v3 =	vadd.f32 v5, v3;
	v4 =	vsub.f32 v63, v4;
	_ =	sdelay $0x1  }
0x2f5: {  	v3 =	vadd.f32 v4, v3  }
0x2f6: {  	s25 =	sadd.s32 $0x1, s25  }
0x2f7: {  	p0 =	sne.s32 s25, s8  }
.Ltmp3:
0x2f8: {  	s24 =	simm.s32 $0x16810;
	[tilespmem:$0x16810] =	vst v3;
	(pc) =	sbr.rel @p0 .LBB2_1-.Ltmp3, $4  }
0x2f9: {  	[hbm4b:s7+s3] =	stream.linear.scatter [tilespmem:s24], [sflag:$0x3], $0x10, $0x38;
	[tilespmem:$0x16820] =	vst v63  }
0x2fa: {  	_ =	swait.ge [sflag:s10], $0x10  }
0x2fb: {  	[sflag:s10] =	ssyncset.done $0x0  }
0x2fc: {  	[sflag:s10] =	ssyncadd.s32 $0xFFFFFFF0  }
0x2fd: {  	_ =	sfence.sel $0x180000  }
0x2fe: {  	[bflag:$0x0] =	sbarrier.arrive $0xFFFF  }
0x2ff: {  	_ =	strace $0x90000047  }
0x300: {  	s0 =	stileid.u32;
	[bflag:$0x2] =	sbarrier.arrive $0xFFFF  }
0x301: {  	p0 =	sne.s32 s0, $0x0;
	s0 =	rddreg [dreg:$0x1]  }
0x302: {  	s0 =	sadd.s32 @!p0 $0x100000, s0  }
0x303: {  	[sflag:s0] =	ssyncadd.tile.s32 @!p0 $0x1;
	_ =	shalt  }
.Lfunc_end2:
_tile_overlayer_lowered:
.L_overlay_start_2:
0x304: {  	(tag) =	ssettag $0x2  }
0x305: {  	s0 =	rddreg [dreg:$0x0];
	s2 =	stileid.u32  }
0x306: {  	s1 =	rddreg [dreg:$0x1];
	p0 =	sne.s32 s2, $0x0  }
0x307: {  	s3 =	rddreg [dreg:$0x2];
	[bflag:$0x3] =	sbarrier.arrive $0xFFFF;
	s2 =	simm.s32 @!p0 $0x1C03  }
0x308: {  	[timem:s3], [sflag:s2] =	dma.local @!p0 [hbm:s0], s1  }
0x309: {  	s0 =	simm.s32 @!p0 $0x3  }
0x30a: {  	_ =	swait.ge @!p0 [sflag:s0], s1  }
0x30b: {  	s1 =	ssub.s32 @!p0 $0x0, s1;
	[sflag:s0] =	ssyncset.done @!p0 $0x0  }
0x30c: {  	[sflag:s0] =	ssyncadd.s32 @!p0 s1  }
0x30d: {  	[bflag:$0x3] =	sbarrier.arrive $0xFFFF  }
0x30e: {  	_ =	shalt  }

</sc_bundles>
